<compile_context>
chip_gen: v7x
topology: tpu7x:2x2x1
jax: 0.10.2.dev20260603
libtpu: 0.0.44.dev20260713+nightly
codegen_flags: <defaults>
</compile_context>

<pallas_src>
import functools

import jax
import jax.numpy as jnp
from jax import lax
from jax.experimental import pallas as pl
from jax.experimental.pallas import tpu as pltpu
from jax.experimental.pallas import tpu_sc as plsc

N_NODES = 10000
N_PAD = 10240
N_EDGES = 320000
D = 128
NC = 2
NS = 16
NW = NC * NS
EPW = N_EDGES // NW
CHUNK = 80
NJ = EPW // CHUNK
RPT = N_PAD // NS
ZR = 16

SCH = 64
EPW_P = 10240
E_PAD = NW * EPW_P
NSJ = EPW_P // SCH
SNG = 4
SGC = NSJ // SNG
NSLOT = 4

DCH = 128
DNG = 4
DGC = EPW_P // (DCH * DNG)

_mesh = plsc.VectorSubcoreMesh(core_axis_name="c", subcore_axis_name="s")


def _fill_vec(ref, n16, val):
    def body(i, _):
        ref[pl.ds(i * 16, 16)] = jnp.full((16,), val, jnp.float32)
        return 0
    lax.fori_loop(0, n16, body, 0)


@functools.partial(
    pl.kernel,
    out_type=jax.ShapeDtypeStruct((NC, N_PAD), jnp.float32),
    mesh=_mesh,
    scratch_types=[
        pltpu.VMEM_SHARED((N_PAD,), jnp.float32),
        pltpu.VMEM((DGC, DCH), jnp.int32),
        pltpu.VMEM((DCH,), jnp.float32),
        pltpu.VMEM((RPT,), jnp.float32),
    ],
)
def _sc_degree(dst_hbm, out_hbm, acc, dstv, onesv, zerov):
    c = lax.axis_index("c")
    s = lax.axis_index("s")
    wid = c * NS + s
    _fill_vec(onesv, DCH // 16, 1.0)
    _fill_vec(zerov, RPT // 16, 0.0)
    pltpu.sync_copy(zerov, acc.at[pl.ds(s * RPT, RPT)])
    plsc.subcore_barrier()

    def group(g, _):
        pltpu.sync_copy(dst_hbm.at[wid, g], dstv)

        def step(j, _):
            pltpu.sync_copy(onesv, acc.at[dstv.at[j]], add=True)
            return 0
        lax.fori_loop(0, DGC, step, 0)
        return 0
    lax.fori_loop(0, DNG, group, 0)
    plsc.subcore_barrier()
    pltpu.sync_copy(acc.at[pl.ds(s * RPT, RPT)],
                    out_hbm.at[c, pl.ds(s * RPT, RPT)])


@functools.partial(
    pl.kernel,
    out_type=jax.ShapeDtypeStruct((NC, N_PAD, D), jnp.float32),
    mesh=_mesh,
    scratch_types=[
        pltpu.VMEM_SHARED((N_PAD, D), jnp.float32),
        pltpu.VMEM((SGC, SCH), jnp.int32),
        pltpu.VMEM((SGC, SCH), jnp.int32),
        [pltpu.VMEM((SCH, D), jnp.float32) for _ in range(NSLOT)],
        pltpu.VMEM((ZR, D), jnp.float32),
        [pltpu.SemaphoreType.DMA for _ in range(NSLOT)],
        [pltpu.SemaphoreType.DMA for _ in range(NSLOT)],
    ],
)
def _sc_scatter(xw_hbm, src_hbm, dst_hbm, out_hbm,
                acc, srcv, dstv, rows, zerov, sg, ss):
    c = lax.axis_index("c")
    s = lax.axis_index("s")
    wid = c * NS + s

    def start_g(u, k):
        pltpu.async_copy(xw_hbm.at[srcv.at[k]], rows[u], sg[u])

    def wait_g(u):
        pltpu.make_async_copy(xw_hbm.at[srcv.at[0]], rows[u], sg[u]).wait()

    def start_s(u, k):
        pltpu.async_copy(rows[u], acc.at[dstv.at[k]], ss[u], add=True)

    def wait_s(u):
        pltpu.make_async_copy(rows[u], acc.at[dstv.at[0]], ss[u]).wait()

    def quads(b, _):
        for u in range(NSLOT):
            wait_g(u)
            start_s(u, b * NSLOT + u)
        for u in range(NSLOT):
            wait_s(u)
            start_g(u, b * NSLOT + NSLOT + u)
        return 0

    def run_group(g, first):
        pltpu.sync_copy(src_hbm.at[wid, g], srcv)
        pltpu.sync_copy(dst_hbm.at[wid, g], dstv)
        for u in range(NSLOT):
            if not first:
                wait_s(u)
            start_g(u, u)
        if first:
            def zbody(k, _):
                zerov[k // 8, pl.ds((k % 8) * 16, 16)] = \
                    jnp.zeros((16,), jnp.float32)
                return 0
            lax.fori_loop(0, ZR * 8, zbody, 0)

            def zcopy(t, _):
                pltpu.sync_copy(zerov, acc.at[pl.ds(s * RPT + t * ZR, ZR)])
                return 0
            lax.fori_loop(0, RPT // ZR, zcopy, 0)
            plsc.subcore_barrier()
        lax.fori_loop(0, SGC // NSLOT - 1, quads, 0)
        for u in range(NSLOT):
            wait_g(u)
            start_s(u, SGC - NSLOT + u)

    run_group(0, True)

    def group(g, _):
        run_group(g, False)
        return 0
    lax.fori_loop(1, SNG, group, 0)
    for u in range(NSLOT):
        wait_s(u)

    plsc.subcore_barrier()
    pltpu.sync_copy(acc.at[pl.ds(s * RPT, RPT)],
                    out_hbm.at[c, pl.ds(s * RPT, RPT)])


_RB = 2000
_GRID = N_NODES // _RB

_rb = pl.BlockSpec((_RB, D), lambda i: (i, 0))
_rb1 = pl.BlockSpec((_RB, 1), lambda i: (i, 0))
_p0 = pl.BlockSpec((1, _RB, D), lambda i: (0, i, 0))
_p1 = pl.BlockSpec((1, _RB, D), lambda i: (1, i, 0))
_d0 = pl.BlockSpec((1, _RB, 1), lambda i: (0, i, 0))
_d1 = pl.BlockSpec((1, _RB, 1), lambda i: (1, i, 0))
_wfull = pl.BlockSpec((D, D), lambda i: (0, 0))
_bfull = pl.BlockSpec((1, D), lambda i: (0, 0))


def _tc_prep1_body(x_ref, w_ref, d0_ref, d1_ref, xwp_ref, dis_ref):
    dis = lax.rsqrt(d0_ref[0] + d1_ref[0] + 1.0)
    xwp_ref[...] = jnp.dot(x_ref[...], w_ref[...],
                           preferred_element_type=jnp.float32) * dis
    dis_ref[...] = dis


def _tc_prep1(x, W1, degP):
    return pl.pallas_call(
        _tc_prep1_body,
        grid=(_GRID,),
        in_specs=[_rb, _wfull, _d0, _d1],
        out_specs=[_rb, _rb1],
        out_shape=[
            jax.ShapeDtypeStruct((N_NODES, D), jnp.float32),
            jax.ShapeDtypeStruct((N_NODES, 1), jnp.float32),
        ],
    )(x, W1, degP, degP)


def _tc_mid_body(p_ref, q_ref, xwp_ref, dis_ref, b_ref, w_ref, out_ref):
    dis = dis_ref[...]
    h = jax.nn.relu(dis * (p_ref[0] + q_ref[0] + xwp_ref[...]) + b_ref[...])
    out_ref[...] = jnp.dot(h, w_ref[...],
                           preferred_element_type=jnp.float32) * dis


def _tc_mid(P, xwp, dis, b1, W2):
    return pl.pallas_call(
        _tc_mid_body,
        grid=(_GRID,),
        in_specs=[_p0, _p1, _rb, _rb1, _bfull, _wfull],
        out_specs=_rb,
        out_shape=jax.ShapeDtypeStruct((N_NODES, D), jnp.float32),
    )(P, P, xwp, dis, b1, W2)


def _tc_final_body(p_ref, q_ref, xwp_ref, dis_ref, b_ref, out_ref):
    out_ref[...] = dis_ref[...] * (p_ref[0] + q_ref[0] + xwp_ref[...]) \
        + b_ref[...]


def _tc_final(P, xwp, dis, b2):
    return pl.pallas_call(
        _tc_final_body,
        grid=(_GRID,),
        in_specs=[_p0, _p1, _rb, _rb1, _bfull],
        out_specs=_rb,
        out_shape=jax.ShapeDtypeStruct((N_NODES, D), jnp.float32),
    )(P, P, xwp, dis, b2)


def kernel(x, edge_index, W1, b1, W2, b2):
    pad_n = E_PAD - N_EDGES
    ar = jnp.arange(pad_n, dtype=jnp.int32)
    pad_src = ((ar * 13) % N_NODES).reshape(pad_n // DCH, DCH)
    pad_dst = (N_NODES + ar % (N_PAD - N_NODES)).reshape(pad_n // DCH, DCH)
    er = edge_index.astype(jnp.int32).reshape(2, N_EDGES // DCH, DCH)
    srcR = jnp.concatenate([er[0], pad_src]).reshape(NW, SNG, SGC, SCH)
    dstP = jnp.concatenate([er[1], pad_dst])
    dstR = dstP.reshape(NW, SNG, SGC, SCH)
    dstF = dstP.reshape(NW, DNG, DGC, DCH)
    b1r = b1.reshape(1, D)
    b2r = b2.reshape(1, D)

    degP = _sc_degree(dstF).reshape(NC, N_PAD, 1)
    xw1p, dis = _tc_prep1(x, W1, degP)
    P1 = _sc_scatter(xw1p, srcR, dstR)
    xw2p = _tc_mid(P1, xw1p, dis, b1r, W2)
    P2 = _sc_scatter(xw2p, srcR, dstR)
    return _tc_final(P2, xw2p, dis, b2r)

# --- scband reference (transcript-rebuilt; emitter-appended) ---
"""Pipeline reference for scband-sparse-gnn-11450382811734 (READ-ONLY COPY).

The authoritative reference and input builder live on the scoring server;
editing this copy changes nothing except your own understanding.
"""

import jax, jax.numpy as jnp
import numpy as np

N_NODES = 10000
N_EDGES = 320000
D_IN = 128
D_HID = 128
D_OUT = 128


def setup_inputs(seed: int = 0) -> dict:
    key = jax.random.key(seed)
    k_x, k_e, k_w1, k_b1, k_w2, k_b2 = jax.random.split(key, 6)
    x = jax.random.normal(k_x, (N_NODES, D_IN), dtype=jnp.float32)
    edge_index = jax.random.randint(k_e, (2, N_EDGES), 0, N_NODES, dtype=jnp.int64)
    # Glorot-style init for GCN layer weights (PyG GCNConv: lin.weight [out, in], used as x @ W^T; we store W as [in, out])
    s1 = float(np.sqrt(6.0 / (D_IN + D_HID)))
    W1 = jax.random.uniform(k_w1, (D_IN, D_HID), dtype=jnp.float32, minval=-s1, maxval=s1)
    b1 = jnp.zeros((D_HID,), dtype=jnp.float32)
    s2 = float(np.sqrt(6.0 / (D_HID + D_OUT)))
    W2 = jax.random.uniform(k_w2, (D_HID, D_OUT), dtype=jnp.float32, minval=-s2, maxval=s2)
    b2 = jnp.zeros((D_OUT,), dtype=jnp.float32)
    return {"x": x, "edge_index": edge_index, "W1": W1, "b1": b1, "W2": W2, "b2": b2}


def _gcn_conv(x, edge_index, W, b, num_nodes):
    # GCNConv: out = D^{-1/2} (A + I) D^{-1/2} X W + b
    src = edge_index[0]
    dst = edge_index[1]
    loop = jnp.arange(num_nodes, dtype=src.dtype)
    src = jnp.concatenate([src, loop], axis=0)
    dst = jnp.concatenate([dst, loop], axis=0)
    deg = jnp.zeros((num_nodes,), dtype=x.dtype).at[dst].add(1.0)
    deg_inv_sqrt = jnp.where(deg > 0, 1.0 / jnp.sqrt(deg), 0.0)
    norm = deg_inv_sqrt[src] * deg_inv_sqrt[dst]
    xw = x @ W
    msg = jnp.take(xw, src, axis=0) * norm[:, None]
    out = jnp.zeros((num_nodes, xw.shape[1]), dtype=x.dtype).at[dst].add(msg)
    return out + b


def reference(x, edge_index, W1, b1, W2, b2):
    # SparseGNN forward (eval mode: dropout is identity)
    h = _gcn_conv(x, edge_index, W1, b1, N_NODES)
    h = jax.nn.relu(h)
    out = _gcn_conv(h, edge_index, W2, b2, N_NODES)
    return out

if __name__ == "__main__":
    import jax
    _d = setup_inputs()
    print(jax.jit(kernel)(*tuple(_d.values())))

</pallas_src>

<mosaic_0001>
#map = affine_map<(d0, d1) -> (0, 0, 0, 0)>
#map1 = affine_map<(d0, d1) -> (0, 0)>
module attributes {stable_mosaic.version = 14 : i64} {
  func.func @_sc_degree(%arg0: i32, %arg1: i32, %arg2: memref<32x4x20x128xi32, #tpu.memory_space<hbm>>, %arg3: memref<2x10240xf32, #tpu.memory_space<hbm>>, %arg4: memref<10240xf32, #tpu.memory_space<vmem_shared>>, %arg5: memref<20x128xi32, #tpu.memory_space<vmem>>, %arg6: memref<128xf32, #tpu.memory_space<vmem>>, %arg7: memref<640xf32, #tpu.memory_space<vmem>>) attributes {dimension_semantics = [#tpu.dimension_semantics<core_parallel>, #tpu.dimension_semantics<subcore_parallel>], iteration_bounds = array<i64: 2, 16>, scalar_prefetch = 0 : i64, scratch_operands = 4 : i64, tpu.core_type = #tpu.core_type<sc_vector_subcore>, window_params = [{transform_indices = #map}, {transform_indices = #map1}]} {
    %mul3A = arith.constant 16 : i32
    %mul3A_0 = arith.muli %arg0, %mul3A : i32
    %add3A = arith.addi %mul3A_0, %arg1 : i32
    %scan3A = arith.constant 0 : i32
    %scan3A_1 = arith.constant 0 : i32
    %scan3A_2 = arith.constant 8 : i32
    %scan3A_3 = arith.addi %scan3A_1, %scan3A_2 : i32
    %scan3A_4 = arith.constant 1 : i32
    %scan3A_5 = scf.for %scan3A_28 = %scan3A_1 to %scan3A_3 step %scan3A_4 iter_args(%scan3A_29 = %scan3A) -> (i32)  : i32 {
      %broadcast_in_dim3A = arith.constant 1.000000e+00 : f32
      %broadcast_in_dim3A_30 = vector.broadcast %broadcast_in_dim3A : f32 to vector<16xf32>
      %mul3A_31 = arith.constant 16 : i32
      %mul3A_32 = arith.muli %scan3A_28, %mul3A_31 : i32
      %swap3A = arith.index_cast %mul3A_32 : i32 to index
      %swap3A_33 = tpu.vector_load %arg6[%swap3A] {strides = array<i32>} : memref<128xf32, #tpu.memory_space<vmem>>, vector<16xf32>,
      %swap3A_34 = vector.shape_cast %swap3A_33 : vector<16xf32> to vector<16xf32>
      %swap3A_35 = vector.shape_cast %broadcast_in_dim3A_30 : vector<16xf32> to vector<16xf32>
      tpu.vector_store %arg6[%swap3A], %swap3A_35 {strides = array<i32>} : memref<128xf32, #tpu.memory_space<vmem>>, vector<16xf32>,
      %scan3A_36 = arith.constant 0 : i32
      scf.yield %scan3A_36 : i32
    }
    %scan3A_6 = arith.constant 8 : i32
    %scan3A_7 = arith.constant 0 : i32
    %scan3A_8 = arith.constant 0 : i32
    %scan3A_9 = arith.constant 40 : i32
    %scan3A_10 = arith.addi %scan3A_8, %scan3A_9 : i32
    %scan3A_11 = arith.constant 1 : i32
    %scan3A_12 = scf.for %scan3A_28 = %scan3A_8 to %scan3A_10 step %scan3A_11 iter_args(%scan3A_29 = %scan3A_7) -> (i32)  : i32 {
      %broadcast_in_dim3A = arith.constant 0.000000e+00 : f32
      %broadcast_in_dim3A_30 = vector.broadcast %broadcast_in_dim3A : f32 to vector<16xf32>
      %mul3A_31 = arith.constant 16 : i32
      %mul3A_32 = arith.muli %scan3A_28, %mul3A_31 : i32
      %swap3A = arith.index_cast %mul3A_32 : i32 to index
      %swap3A_33 = tpu.vector_load %arg7[%swap3A] {strides = array<i32>} : memref<640xf32, #tpu.memory_space<vmem>>, vector<16xf32>,
      %swap3A_34 = vector.shape_cast %swap3A_33 : vector<16xf32> to vector<16xf32>
      %swap3A_35 = vector.shape_cast %broadcast_in_dim3A_30 : vector<16xf32> to vector<16xf32>
      tpu.vector_store %arg7[%swap3A], %swap3A_35 {strides = array<i32>} : memref<640xf32, #tpu.memory_space<vmem>>, vector<16xf32>,
      %scan3A_36 = arith.constant 0 : i32
      scf.yield %scan3A_36 : i32
    }
    %scan3A_13 = arith.constant 40 : i32
    %mul3A_14 = arith.constant 640 : i32
    %mul3A_15 = arith.muli %arg1, %mul3A_14 : i32
    "tpu.region"() ({
      %run_scoped3A = tpu.sem_alloc : memref<!tpu.dma_semaphore, #tpu.memory_space<semaphore_mem>>
      %dma_start3A = tpu.memref_slice %arg4[%mul3A_15] : memref<10240xf32, #tpu.memory_space<vmem_shared>> -> memref<640xf32, #tpu.memory_space<vmem_shared>>
      %dma_start3A_28 = tpu.memref_slice %arg4[%mul3A_15] : memref<10240xf32, #tpu.memory_space<vmem_shared>> -> memref<640xf32, #tpu.memory_space<vmem_shared>>
      tpu.enqueue_dma source(%arg7 : memref<640xf32, #tpu.memory_space<vmem>>) target(%dma_start3A_28 : memref<640xf32, #tpu.memory_space<vmem_shared>>) target_semaphore(%run_scoped3A : memref<!tpu.dma_semaphore, #tpu.memory_space<semaphore_mem>>)
      %dma_wait3A = tpu.memref_slice %arg4[%mul3A_15] : memref<10240xf32, #tpu.memory_space<vmem_shared>> -> memref<640xf32, #tpu.memory_space<vmem_shared>>
      %dma_wait3A_29 = tpu.memref_slice %arg4[%mul3A_15] : memref<10240xf32, #tpu.memory_space<vmem_shared>> -> memref<640xf32, #tpu.memory_space<vmem_shared>>
      tpu.wait_dma2 semaphore(%run_scoped3A : memref<!tpu.dma_semaphore, #tpu.memory_space<semaphore_mem>>) src(%arg7 : memref<640xf32, #tpu.memory_space<vmem>>) dst(%dma_wait3A_29 : memref<640xf32, #tpu.memory_space<vmem_shared>>)
      tpu.yield
    }) : () -> ()
    %barrier3A = arith.constant 0 : index
    tpu.barrier barrier_id(%barrier3A)
    %scan3A_16 = arith.constant 0 : i32
    %scan3A_17 = arith.constant 0 : i32
    %scan3A_18 = arith.constant 4 : i32
    %scan3A_19 = arith.addi %scan3A_17, %scan3A_18 : i32
    %scan3A_20 = arith.constant 1 : i32
    %scan3A_21 = scf.for %scan3A_28 = %scan3A_17 to %scan3A_19 step %scan3A_20 iter_args(%scan3A_29 = %scan3A_16) -> (i32)  : i32 {
      "tpu.region"() ({
        %run_scoped3A = tpu.sem_alloc : memref<!tpu.dma_semaphore, #tpu.memory_space<semaphore_mem>>
        %dma_start3A = arith.constant 0 : i32
        %dma_start3A_38 = arith.constant 0 : i32
        %dma_start3A_39 = tpu.memref_slice %arg2[%add3A, %scan3A_28, %dma_start3A, %dma_start3A_38] : memref<32x4x20x128xi32, #tpu.memory_space<hbm>> -> memref<1x1x20x128xi32, #tpu.memory_space<hbm>>
        %dma_start3A_40 = tpu.memref_squeeze %dma_start3A_39 : memref<1x1x20x128xi32, #tpu.memory_space<hbm>> -> memref<20x128xi32, #tpu.memory_space<hbm>>
        %dma_start3A_41 = arith.constant 0 : i32
        %dma_start3A_42 = arith.constant 0 : i32
        %dma_start3A_43 = tpu.memref_slice %arg2[%add3A, %scan3A_28, %dma_start3A_41, %dma_start3A_42] : memref<32x4x20x128xi32, #tpu.memory_space<hbm>> -> memref<1x1x20x128xi32, #tpu.memory_space<hbm>>
        %dma_start3A_44 = tpu.memref_squeeze %dma_start3A_43 : memref<1x1x20x128xi32, #tpu.memory_space<hbm>> -> memref<20x128xi32, #tpu.memory_space<hbm>>
        tpu.enqueue_dma source(%dma_start3A_44 : memref<20x128xi32, #tpu.memory_space<hbm>>) target(%arg5 : memref<20x128xi32, #tpu.memory_space<vmem>>) target_semaphore(%run_scoped3A : memref<!tpu.dma_semaphore, #tpu.memory_space<semaphore_mem>>)
        %dma_wait3A = arith.constant 0 : i32
        %dma_wait3A_45 = arith.constant 0 : i32
        %dma_wait3A_46 = tpu.memref_slice %arg2[%add3A, %scan3A_28, %dma_wait3A, %dma_wait3A_45] : memref<32x4x20x128xi32, #tpu.memory_space<hbm>> -> memref<1x1x20x128xi32, #tpu.memory_space<hbm>>
        %dma_wait3A_47 = tpu.memref_squeeze %dma_wait3A_46 : memref<1x1x20x128xi32, #tpu.memory_space<hbm>> -> memref<20x128xi32, #tpu.memory_space<hbm>>
        %dma_wait3A_48 = arith.constant 0 : i32
        %dma_wait3A_49 = arith.constant 0 : i32
        %dma_wait3A_50 = tpu.memref_slice %arg2[%add3A, %scan3A_28, %dma_wait3A_48, %dma_wait3A_49] : memref<32x4x20x128xi32, #tpu.memory_space<hbm>> -> memref<1x1x20x128xi32, #tpu.memory_space<hbm>>
        %dma_wait3A_51 = tpu.memref_squeeze %dma_wait3A_50 : memref<1x1x20x128xi32, #tpu.memory_space<hbm>> -> memref<20x128xi32, #tpu.memory_space<hbm>>
        tpu.wait_dma2 semaphore(%run_scoped3A : memref<!tpu.dma_semaphore, #tpu.memory_space<semaphore_mem>>) src(%dma_wait3A_51 : memref<20x128xi32, #tpu.memory_space<hbm>>) dst(%arg5 : memref<20x128xi32, #tpu.memory_space<vmem>>)
        tpu.yield
      }) : () -> ()
      %scan3A_30 = arith.constant 0 : i32
      %scan3A_31 = arith.constant 0 : i32
      %scan3A_32 = arith.constant 20 : i32
      %scan3A_33 = arith.addi %scan3A_31, %scan3A_32 : i32
      %scan3A_34 = arith.constant 1 : i32
      %scan3A_35 = scf.for %scan3A_38 = %scan3A_31 to %scan3A_33 step %scan3A_34 iter_args(%scan3A_39 = %scan3A_30) -> (i32)  : i32 {
        "tpu.region"() ({
          %run_scoped3A = tpu.sem_alloc : memref<!tpu.dma_semaphore, #tpu.memory_space<semaphore_mem>>
          %dma_start3A = arith.constant 0 : i32
          %dma_start3A_41 = tpu.memref_slice %arg5[%scan3A_38, %dma_start3A] : memref<20x128xi32, #tpu.memory_space<vmem>> -> memref<1x128xi32, #tpu.memory_space<vmem>>
          %dma_start3A_42 = tpu.memref_squeeze %dma_start3A_41 : memref<1x128xi32, #tpu.memory_space<vmem>> -> memref<128xi32, #tpu.memory_space<vmem>>
          %dma_start3A_43 = arith.constant 0 : i32
          %dma_start3A_44 = tpu.memref_slice %arg4[%dma_start3A_43] : memref<10240xf32, #tpu.memory_space<vmem_shared>> -> memref<10240xf32, #tpu.memory_space<vmem_shared>>
          tpu.enqueue_indirect_dma source(%arg6 : memref<128xf32, #tpu.memory_space<vmem>>) target(%dma_start3A_44 : memref<10240xf32, #tpu.memory_space<vmem_shared>>) offsets(%dma_start3A_42 : memref<128xi32, #tpu.memory_space<vmem>>) semaphore(%run_scoped3A : memref<!tpu.dma_semaphore, #tpu.memory_space<semaphore_mem>>) {add = true}
          %dma_wait3A = arith.constant 0 : i32
          %dma_wait3A_45 = tpu.memref_slice %arg5[%scan3A_38, %dma_wait3A] : memref<20x128xi32, #tpu.memory_space<vmem>> -> memref<1x128xi32, #tpu.memory_space<vmem>>
          %dma_wait3A_46 = tpu.memref_squeeze %dma_wait3A_45 : memref<1x128xi32, #tpu.memory_space<vmem>> -> memref<128xi32, #tpu.memory_space<vmem>>
          %dma_wait3A_47 = arith.constant 0 : i32
          %dma_wait3A_48 = tpu.memref_slice %arg4[%dma_wait3A_47] : memref<10240xf32, #tpu.memory_space<vmem_shared>> -> memref<10240xf32, #tpu.memory_space<vmem_shared>>
          tpu.wait_indirect_dma semaphore(%run_scoped3A : memref<!tpu.dma_semaphore, #tpu.memory_space<semaphore_mem>>) src(%arg6 : memref<128xf32, #tpu.memory_space<vmem>>) dst(%dma_wait3A_48 : memref<10240xf32, #tpu.memory_space<vmem_shared>>)
          tpu.yield
        }) : () -> ()
        %scan3A_40 = arith.constant 0 : i32
        scf.yield %scan3A_40 : i32
      }
      %scan3A_36 = arith.constant 20 : i32
      %scan3A_37 = arith.constant 0 : i32
      scf.yield %scan3A_37 : i32
    }
    %scan3A_22 = arith.constant 4 : i32
    %barrier3A_23 = arith.constant 0 : index
    tpu.barrier barrier_id(%barrier3A_23)
    %mul3A_24 = arith.constant 640 : i32
    %mul3A_25 = arith.muli %arg1, %mul3A_24 : i32
    %mul3A_26 = arith.constant 640 : i32
    %mul3A_27 = arith.muli %arg1, %mul3A_26 : i32
    "tpu.region"() ({
      %run_scoped3A = tpu.sem_alloc : memref<!tpu.dma_semaphore, #tpu.memory_space<semaphore_mem>>
      %dma_start3A = tpu.memref_slice %arg3[%arg0, %mul3A_27] : memref<2x10240xf32, #tpu.memory_space<hbm>> -> memref<1x640xf32, #tpu.memory_space<hbm>>
      %dma_start3A_28 = tpu.memref_squeeze %dma_start3A : memref<1x640xf32, #tpu.memory_space<hbm>> -> memref<640xf32, #tpu.memory_space<hbm>>
      %dma_start3A_29 = tpu.memref_slice %arg4[%mul3A_25] : memref<10240xf32, #tpu.memory_space<vmem_shared>> -> memref<640xf32, #tpu.memory_space<vmem_shared>>
      tpu.enqueue_dma source(%dma_start3A_29 : memref<640xf32, #tpu.memory_space<vmem_shared>>) target(%dma_start3A_28 : memref<640xf32, #tpu.memory_space<hbm>>) target_semaphore(%run_scoped3A : memref<!tpu.dma_semaphore, #tpu.memory_space<semaphore_mem>>)
      %dma_wait3A = tpu.memref_slice %arg3[%arg0, %mul3A_27] : memref<2x10240xf32, #tpu.memory_space<hbm>> -> memref<1x640xf32, #tpu.memory_space<hbm>>
      %dma_wait3A_30 = tpu.memref_squeeze %dma_wait3A : memref<1x640xf32, #tpu.memory_space<hbm>> -> memref<640xf32, #tpu.memory_space<hbm>>
      %dma_wait3A_31 = tpu.memref_slice %arg4[%mul3A_25] : memref<10240xf32, #tpu.memory_space<vmem_shared>> -> memref<640xf32, #tpu.memory_space<vmem_shared>>
      tpu.wait_dma2 semaphore(%run_scoped3A : memref<!tpu.dma_semaphore, #tpu.memory_space<semaphore_mem>>) src(%dma_wait3A_31 : memref<640xf32, #tpu.memory_space<vmem_shared>>) dst(%dma_wait3A_30 : memref<640xf32, #tpu.memory_space<hbm>>)
      tpu.yield
    }) : () -> ()
    return
  }
}

#map = affine_map<(d0, d1) -> (0, 0)>
#map1 = affine_map<(d0, d1) -> (0, 0, 0, 0)>
#map2 = affine_map<(d0, d1) -> (0, 0, 0)>
module attributes {stable_mosaic.version = 14 : i64} {
  func.func @_sc_scatter(%arg0: i32, %arg1: i32, %arg2: memref<10000x128xf32, #tpu.memory_space<hbm>>, %arg3: memref<32x4x40x64xi32, #tpu.memory_space<hbm>>, %arg4: memref<32x4x40x64xi32, #tpu.memory_space<hbm>>, %arg5: memref<2x10240x128xf32, #tpu.memory_space<hbm>>, %arg6: memref<10240x128xf32, #tpu.memory_space<vmem_shared>>, %arg7: memref<40x64xi32, #tpu.memory_space<vmem>>, %arg8: memref<40x64xi32, #tpu.memory_space<vmem>>, %arg9: memref<64x128xf32, #tpu.memory_space<vmem>>, %arg10: memref<64x128xf32, #tpu.memory_space<vmem>>, %arg11: memref<64x128xf32, #tpu.memory_space<vmem>>, %arg12: memref<64x128xf32, #tpu.memory_space<vmem>>, %arg13: memref<16x128xf32, #tpu.memory_space<vmem>>, %arg14: memref<!tpu.dma_semaphore, #tpu.memory_space<semaphore_mem>>, %arg15: memref<!tpu.dma_semaphore, #tpu.memory_space<semaphore_mem>>, %arg16: memref<!tpu.dma_semaphore, #tpu.memory_space<semaphore_mem>>, %arg17: memref<!tpu.dma_semaphore, #tpu.memory_space<semaphore_mem>>, %arg18: memref<!tpu.dma_semaphore, #tpu.memory_space<semaphore_mem>>, %arg19: memref<!tpu.dma_semaphore, #tpu.memory_space<semaphore_mem>>, %arg20: memref<!tpu.dma_semaphore, #tpu.memory_space<semaphore_mem>>, %arg21: memref<!tpu.dma_semaphore, #tpu.memory_space<semaphore_mem>>) attributes {dimension_semantics = [#tpu.dimension_semantics<core_parallel>, #tpu.dimension_semantics<subcore_parallel>], iteration_bounds = array<i64: 2, 16>, scalar_prefetch = 0 : i64, scratch_operands = 16 : i64, tpu.core_type = #tpu.core_type<sc_vector_subcore>, window_params = [{transform_indices = #map}, {transform_indices = #map1}, {transform_indices = #map1}, {transform_indices = #map2}]} {
    %mul3A = arith.constant 16 : i32
    %mul3A_0 = arith.muli %arg0, %mul3A : i32
    %add3A = arith.addi %mul3A_0, %arg1 : i32
    %run_scoped3A = arith.constant 0 : i32
    "tpu.region"() ({
      %run_scoped3A_144 = tpu.sem_alloc : memref<!tpu.dma_semaphore, #tpu.memory_space<semaphore_mem>>
      %dma_start3A_145 = arith.constant 0 : i32
      %dma_start3A_146 = arith.constant 0 : i32
      %dma_start3A_147 = tpu.memref_slice %arg3[%add3A, %run_scoped3A, %dma_start3A_145, %dma_start3A_146] : memref<32x4x40x64xi32, #tpu.memory_space<hbm>> -> memref<1x1x40x64xi32, #tpu.memory_space<hbm>>
      %dma_start3A_148 = tpu.memref_squeeze %dma_start3A_147 : memref<1x1x40x64xi32, #tpu.memory_space<hbm>> -> memref<40x64xi32, #tpu.memory_space<hbm>>
      %dma_start3A_149 = arith.constant 0 : i32
      %dma_start3A_150 = arith.constant 0 : i32
      %dma_start3A_151 = tpu.memref_slice %arg3[%add3A, %run_scoped3A, %dma_start3A_149, %dma_start3A_150] : memref<32x4x40x64xi32, #tpu.memory_space<hbm>> -> memref<1x1x40x64xi32, #tpu.memory_space<hbm>>
      %dma_start3A_152 = tpu.memref_squeeze %dma_start3A_151 : memref<1x1x40x64xi32, #tpu.memory_space<hbm>> -> memref<40x64xi32, #tpu.memory_space<hbm>>
      tpu.enqueue_dma source(%dma_start3A_152 : memref<40x64xi32, #tpu.memory_space<hbm>>) target(%arg7 : memref<40x64xi32, #tpu.memory_space<vmem>>) target_semaphore(%run_scoped3A_144 : memref<!tpu.dma_semaphore, #tpu.memory_space<semaphore_mem>>)
      %dma_wait3A_153 = arith.constant 0 : i32
      %dma_wait3A_154 = arith.constant 0 : i32
      %dma_wait3A_155 = tpu.memref_slice %arg3[%add3A, %run_scoped3A, %dma_wait3A_153, %dma_wait3A_154] : memref<32x4x40x64xi32, #tpu.memory_space<hbm>> -> memref<1x1x40x64xi32, #tpu.memory_space<hbm>>
      %dma_wait3A_156 = tpu.memref_squeeze %dma_wait3A_155 : memref<1x1x40x64xi32, #tpu.memory_space<hbm>> -> memref<40x64xi32, #tpu.memory_space<hbm>>
      %dma_wait3A_157 = arith.constant 0 : i32
      %dma_wait3A_158 = arith.constant 0 : i32
      %dma_wait3A_159 = tpu.memref_slice %arg3[%add3A, %run_scoped3A, %dma_wait3A_157, %dma_wait3A_158] : memref<32x4x40x64xi32, #tpu.memory_space<hbm>> -> memref<1x1x40x64xi32, #tpu.memory_space<hbm>>
      %dma_wait3A_160 = tpu.memref_squeeze %dma_wait3A_159 : memref<1x1x40x64xi32, #tpu.memory_space<hbm>> -> memref<40x64xi32, #tpu.memory_space<hbm>>
      tpu.wait_dma2 semaphore(%run_scoped3A_144 : memref<!tpu.dma_semaphore, #tpu.memory_space<semaphore_mem>>) src(%dma_wait3A_160 : memref<40x64xi32, #tpu.memory_space<hbm>>) dst(%arg7 : memref<40x64xi32, #tpu.memory_space<vmem>>)
      tpu.yield
    }) : () -> ()
    %run_scoped3A_1 = arith.constant 0 : i32
    "tpu.region"() ({
      %run_scoped3A_144 = tpu.sem_alloc : memref<!tpu.dma_semaphore, #tpu.memory_space<semaphore_mem>>
      %dma_start3A_145 = arith.constant 0 : i32
      %dma_start3A_146 = arith.constant 0 : i32
      %dma_start3A_147 = tpu.memref_slice %arg4[%add3A, %run_scoped3A_1, %dma_start3A_145, %dma_start3A_146] : memref<32x4x40x64xi32, #tpu.memory_space<hbm>> -> memref<1x1x40x64xi32, #tpu.memory_space<hbm>>
      %dma_start3A_148 = tpu.memref_squeeze %dma_start3A_147 : memref<1x1x40x64xi32, #tpu.memory_space<hbm>> -> memref<40x64xi32, #tpu.memory_space<hbm>>
      %dma_start3A_149 = arith.constant 0 : i32
      %dma_start3A_150 = arith.constant 0 : i32
      %dma_start3A_151 = tpu.memref_slice %arg4[%add3A, %run_scoped3A_1, %dma_start3A_149, %dma_start3A_150] : memref<32x4x40x64xi32, #tpu.memory_space<hbm>> -> memref<1x1x40x64xi32, #tpu.memory_space<hbm>>
      %dma_start3A_152 = tpu.memref_squeeze %dma_start3A_151 : memref<1x1x40x64xi32, #tpu.memory_space<hbm>> -> memref<40x64xi32, #tpu.memory_space<hbm>>
      tpu.enqueue_dma source(%dma_start3A_152 : memref<40x64xi32, #tpu.memory_space<hbm>>) target(%arg8 : memref<40x64xi32, #tpu.memory_space<vmem>>) target_semaphore(%run_scoped3A_144 : memref<!tpu.dma_semaphore, #tpu.memory_space<semaphore_mem>>)
      %dma_wait3A_153 = arith.constant 0 : i32
      %dma_wait3A_154 = arith.constant 0 : i32
      %dma_wait3A_155 = tpu.memref_slice %arg4[%add3A, %run_scoped3A_1, %dma_wait3A_153, %dma_wait3A_154] : memref<32x4x40x64xi32, #tpu.memory_space<hbm>> -> memref<1x1x40x64xi32, #tpu.memory_space<hbm>>
      %dma_wait3A_156 = tpu.memref_squeeze %dma_wait3A_155 : memref<1x1x40x64xi32, #tpu.memory_space<hbm>> -> memref<40x64xi32, #tpu.memory_space<hbm>>
      %dma_wait3A_157 = arith.constant 0 : i32
      %dma_wait3A_158 = arith.constant 0 : i32
      %dma_wait3A_159 = tpu.memref_slice %arg4[%add3A, %run_scoped3A_1, %dma_wait3A_157, %dma_wait3A_158] : memref<32x4x40x64xi32, #tpu.memory_space<hbm>> -> memref<1x1x40x64xi32, #tpu.memory_space<hbm>>
      %dma_wait3A_160 = tpu.memref_squeeze %dma_wait3A_159 : memref<1x1x40x64xi32, #tpu.memory_space<hbm>> -> memref<40x64xi32, #tpu.memory_space<hbm>>
      tpu.wait_dma2 semaphore(%run_scoped3A_144 : memref<!tpu.dma_semaphore, #tpu.memory_space<semaphore_mem>>) src(%dma_wait3A_160 : memref<40x64xi32, #tpu.memory_space<hbm>>) dst(%arg8 : memref<40x64xi32, #tpu.memory_space<vmem>>)
      tpu.yield
    }) : () -> ()
    %dma_start3A = arith.constant 0 : i32
    %dma_start3A_2 = arith.constant 0 : i32
    %dma_start3A_3 = tpu.memref_slice %arg7[%dma_start3A, %dma_start3A_2] : memref<40x64xi32, #tpu.memory_space<vmem>> -> memref<1x64xi32, #tpu.memory_space<vmem>>
    %dma_start3A_4 = tpu.memref_squeeze %dma_start3A_3 : memref<1x64xi32, #tpu.memory_space<vmem>> -> memref<64xi32, #tpu.memory_space<vmem>>
    %dma_start3A_5 = arith.constant 0 : i32
    %dma_start3A_6 = arith.constant 0 : i32
    %dma_start3A_7 = tpu.memref_slice %arg2[%dma_start3A_5, %dma_start3A_6] : memref<10000x128xf32, #tpu.memory_space<hbm>> -> memref<10000x128xf32, #tpu.memory_space<hbm>>
    tpu.enqueue_indirect_dma source(%dma_start3A_7 : memref<10000x128xf32, #tpu.memory_space<hbm>>) target(%arg9 : memref<64x128xf32, #tpu.memory_space<vmem>>) offsets(%dma_start3A_4 : memref<64xi32, #tpu.memory_space<vmem>>) semaphore(%arg14 : memref<!tpu.dma_semaphore, #tpu.memory_space<semaphore_mem>>)
    %dma_start3A_8 = arith.constant 1 : i32
    %dma_start3A_9 = arith.constant 0 : i32
    %dma_start3A_10 = tpu.memref_slice %arg7[%dma_start3A_8, %dma_start3A_9] : memref<40x64xi32, #tpu.memory_space<vmem>> -> memref<1x64xi32, #tpu.memory_space<vmem>>
    %dma_start3A_11 = tpu.memref_squeeze %dma_start3A_10 : memref<1x64xi32, #tpu.memory_space<vmem>> -> memref<64xi32, #tpu.memory_space<vmem>>
    %dma_start3A_12 = arith.constant 0 : i32
    %dma_start3A_13 = arith.constant 0 : i32
    %dma_start3A_14 = tpu.memref_slice %arg2[%dma_start3A_12, %dma_start3A_13] : memref<10000x128xf32, #tpu.memory_space<hbm>> -> memref<10000x128xf32, #tpu.memory_space<hbm>>
    tpu.enqueue_indirect_dma source(%dma_start3A_14 : memref<10000x128xf32, #tpu.memory_space<hbm>>) target(%arg10 : memref<64x128xf32, #tpu.memory_space<vmem>>) offsets(%dma_start3A_11 : memref<64xi32, #tpu.memory_space<vmem>>) semaphore(%arg15 : memref<!tpu.dma_semaphore, #tpu.memory_space<semaphore_mem>>)
    %dma_start3A_15 = arith.constant 2 : i32
    %dma_start3A_16 = arith.constant 0 : i32
    %dma_start3A_17 = tpu.memref_slice %arg7[%dma_start3A_15, %dma_start3A_16] : memref<40x64xi32, #tpu.memory_space<vmem>> -> memref<1x64xi32, #tpu.memory_space<vmem>>
    %dma_start3A_18 = tpu.memref_squeeze %dma_start3A_17 : memref<1x64xi32, #tpu.memory_space<vmem>> -> memref<64xi32, #tpu.memory_space<vmem>>
    %dma_start3A_19 = arith.constant 0 : i32
    %dma_start3A_20 = arith.constant 0 : i32
    %dma_start3A_21 = tpu.memref_slice %arg2[%dma_start3A_19, %dma_start3A_20] : memref<10000x128xf32, #tpu.memory_space<hbm>> -> memref<10000x128xf32, #tpu.memory_space<hbm>>
    tpu.enqueue_indirect_dma source(%dma_start3A_21 : memref<10000x128xf32, #tpu.memory_space<hbm>>) target(%arg11 : memref<64x128xf32, #tpu.memory_space<vmem>>) offsets(%dma_start3A_18 : memref<64xi32, #tpu.memory_space<vmem>>) semaphore(%arg16 : memref<!tpu.dma_semaphore, #tpu.memory_space<semaphore_mem>>)
    %dma_start3A_22 = arith.constant 3 : i32
    %dma_start3A_23 = arith.constant 0 : i32
    %dma_start3A_24 = tpu.memref_slice %arg7[%dma_start3A_22, %dma_start3A_23] : memref<40x64xi32, #tpu.memory_space<vmem>> -> memref<1x64xi32, #tpu.memory_space<vmem>>
    %dma_start3A_25 = tpu.memref_squeeze %dma_start3A_24 : memref<1x64xi32, #tpu.memory_space<vmem>> -> memref<64xi32, #tpu.memory_space<vmem>>
    %dma_start3A_26 = arith.constant 0 : i32
    %dma_start3A_27 = arith.constant 0 : i32
    %dma_start3A_28 = tpu.memref_slice %arg2[%dma_start3A_26, %dma_start3A_27] : memref<10000x128xf32, #tpu.memory_space<hbm>> -> memref<10000x128xf32, #tpu.memory_space<hbm>>
    tpu.enqueue_indirect_dma source(%dma_start3A_28 : memref<10000x128xf32, #tpu.memory_space<hbm>>) target(%arg12 : memref<64x128xf32, #tpu.memory_space<vmem>>) offsets(%dma_start3A_25 : memref<64xi32, #tpu.memory_space<vmem>>) semaphore(%arg17 : memref<!tpu.dma_semaphore, #tpu.memory_space<semaphore_mem>>)
    %scan3A = arith.constant 0 : i32
    %scan3A_29 = arith.constant 0 : i32
    %scan3A_30 = arith.constant 128 : i32
    %scan3A_31 = arith.addi %scan3A_29, %scan3A_30 : i32
    %scan3A_32 = arith.constant 1 : i32
    %scan3A_33 = scf.for %scan3A_144 = %scan3A_29 to %scan3A_31 step %scan3A_32 iter_args(%scan3A_145 = %scan3A) -> (i32)  : i32 {
      %broadcast_in_dim3A = arith.constant 0.000000e+00 : f32
      %broadcast_in_dim3A_146 = vector.broadcast %broadcast_in_dim3A : f32 to vector<16xf32>
      %jit3A = arith.constant 8 : i32
      %div3A = arith.divsi %scan3A_144, %jit3A : i32
      %sign3A = arith.constant 0 : i32
      %sign3A_147 = arith.cmpi sgt, %scan3A_144, %sign3A : i32
      %sign3A_148 = arith.extui %sign3A_147 : i1 to i32
      %sign3A_149 = arith.constant 0 : i32
      %sign3A_150 = arith.cmpi slt, %scan3A_144, %sign3A_149 : i32
      %sign3A_151 = arith.extui %sign3A_150 : i1 to i32
      %sign3A_152 = arith.subi %sign3A_148, %sign3A_151 : i32
      %sign3A_153 = arith.constant 0 : i32
      %sign3A_154 = arith.cmpi sgt, %jit3A, %sign3A_153 : i32
      %sign3A_155 = arith.extui %sign3A_154 : i1 to i32
      %sign3A_156 = arith.constant 0 : i32
      %sign3A_157 = arith.cmpi slt, %jit3A, %sign3A_156 : i32
      %sign3A_158 = arith.extui %sign3A_157 : i1 to i32
      %sign3A_159 = arith.subi %sign3A_155, %sign3A_158 : i32
      %ne3A = arith.cmpi ne, %sign3A_152, %sign3A_159 : i32
      %rem3A = arith.remsi %scan3A_144, %jit3A : i32
      %ne3A_160 = arith.constant 0 : i32
      %ne3A_161 = arith.cmpi ne, %rem3A, %ne3A_160 : i32
      %and3A = arith.andi %ne3A, %ne3A_161 : i1
      %sub3A = arith.constant 1 : i32
      %sub3A_162 = arith.subi %div3A, %sub3A : i32
      %select_n3A = arith.select %and3A, %sub3A_162, %div3A : i32
      %jit3A_163 = arith.constant 8 : i32
      %eq3A = arith.constant 0 : i32
      %eq3A_164 = arith.cmpi eq, %jit3A_163, %eq3A : i32
      %jit3A_165 = arith.constant 1 : i32
      %select_n3A_166 = arith.select %eq3A_164, %jit3A_165, %jit3A_163 : i32
      %rem3A_167 = arith.remsi %scan3A_144, %select_n3A_166 : i32
      %ne3A_168 = arith.constant 0 : i32
      %ne3A_169 = arith.cmpi ne, %rem3A_167, %ne3A_168 : i32
      %lt3A = arith.constant 0 : i32
      %lt3A_170 = arith.cmpi slt, %rem3A_167, %lt3A : i32
      %lt3A_171 = arith.constant 0 : i32
      %lt3A_172 = arith.cmpi slt, %select_n3A_166, %lt3A_171 : i32
      %ne3A_173 = arith.xori %lt3A_170, %lt3A_172 : i1
      %and3A_174 = arith.andi %ne3A_173, %ne3A_169 : i1
      %add3A_175 = arith.addi %rem3A_167, %select_n3A_166 : i32
      %select_n3A_176 = arith.select %and3A_174, %add3A_175, %rem3A_167 : i32
      %mul3A_177 = arith.constant 16 : i32
      %mul3A_178 = arith.muli %select_n3A_176, %mul3A_177 : i32
      %swap3A = arith.index_cast %select_n3A : i32 to index
      %swap3A_179 = arith.index_cast %mul3A_178 : i32 to index
      %swap3A_180 = tpu.vector_load %arg13[%swap3A, %swap3A_179] {strides = array<i32>} : memref<16x128xf32, #tpu.memory_space<vmem>>, vector<1x16xf32>,
      %swap3A_181 = vector.shape_cast %swap3A_180 : vector<1x16xf32> to vector<16xf32>
      %swap3A_182 = vector.shape_cast %broadcast_in_dim3A_146 : vector<16xf32> to vector<1x16xf32>
      tpu.vector_store %arg13[%swap3A, %swap3A_179], %swap3A_182 {strides = array<i32>} : memref<16x128xf32, #tpu.memory_space<vmem>>, vector<1x16xf32>,
      %scan3A_183 = arith.constant 0 : i32
      scf.yield %scan3A_183 : i32
    }
    %scan3A_34 = arith.constant 128 : i32
    %scan3A_35 = arith.constant 0 : i32
    %scan3A_36 = arith.constant 0 : i32
    %scan3A_37 = arith.constant 40 : i32
    %scan3A_38 = arith.addi %scan3A_36, %scan3A_37 : i32
    %scan3A_39 = arith.constant 1 : i32
    %scan3A_40 = scf.for %scan3A_144 = %scan3A_36 to %scan3A_38 step %scan3A_39 iter_args(%scan3A_145 = %scan3A_35) -> (i32)  : i32 {
      %mul3A_146 = arith.constant 640 : i32
      %mul3A_147 = arith.muli %arg1, %mul3A_146 : i32
      %mul3A_148 = arith.constant 16 : i32
      %mul3A_149 = arith.muli %scan3A_144, %mul3A_148 : i32
      %add3A_150 = arith.addi %mul3A_147, %mul3A_149 : i32
      "tpu.region"() ({
        %run_scoped3A_152 = tpu.sem_alloc : memref<!tpu.dma_semaphore, #tpu.memory_space<semaphore_mem>>
        %dma_start3A_153 = arith.constant 0 : i32
        %dma_start3A_154 = tpu.memref_slice %arg6[%add3A_150, %dma_start3A_153] : memref<10240x128xf32, #tpu.memory_space<vmem_shared>> -> memref<16x128xf32, #tpu.memory_space<vmem_shared>>
        %dma_start3A_155 = arith.constant 0 : i32
        %dma_start3A_156 = tpu.memref_slice %arg6[%add3A_150, %dma_start3A_155] : memref<10240x128xf32, #tpu.memory_space<vmem_shared>> -> memref<16x128xf32, #tpu.memory_space<vmem_shared>>
        tpu.enqueue_dma source(%arg13 : memref<16x128xf32, #tpu.memory_space<vmem>>) target(%dma_start3A_156 : memref<16x128xf32, #tpu.memory_space<vmem_shared>>) target_semaphore(%run_scoped3A_152 : memref<!tpu.dma_semaphore, #tpu.memory_space<semaphore_mem>>)
        %dma_wait3A_157 = arith.constant 0 : i32
        %dma_wait3A_158 = tpu.memref_slice %arg6[%add3A_150, %dma_wait3A_157] : memref<10240x128xf32, #tpu.memory_space<vmem_shared>> -> memref<16x128xf32, #tpu.memory_space<vmem_shared>>
        %dma_wait3A_159 = arith.constant 0 : i32
        %dma_wait3A_160 = tpu.memref_slice %arg6[%add3A_150, %dma_wait3A_159] : memref<10240x128xf32, #tpu.memory_space<vmem_shared>> -> memref<16x128xf32, #tpu.memory_space<vmem_shared>>
        tpu.wait_dma2 semaphore(%run_scoped3A_152 : memref<!tpu.dma_semaphore, #tpu.memory_space<semaphore_mem>>) src(%arg13 : memref<16x128xf32, #tpu.memory_space<vmem>>) dst(%dma_wait3A_160 : memref<16x128xf32, #tpu.memory_space<vmem_shared>>)
        tpu.yield
      }) : () -> ()
      %scan3A_151 = arith.constant 0 : i32
      scf.yield %scan3A_151 : i32
    }
    %scan3A_41 = arith.constant 40 : i32
    %barrier3A = arith.constant 0 : index
    tpu.barrier barrier_id(%barrier3A)
    %scan3A_42 = arith.constant 0 : i32
    %scan3A_43 = arith.constant 0 : i32
    %scan3A_44 = arith.constant 9 : i32
    %scan3A_45 = arith.addi %scan3A_43, %scan3A_44 : i32
    %scan3A_46 = arith.constant 1 : i32
    %scan3A_47 = scf.for %scan3A_144 = %scan3A_43 to %scan3A_45 step %scan3A_46 iter_args(%scan3A_145 = %scan3A_42) -> (i32)  : i32 {
      %dma_wait3A_146 = arith.constant 0 : i32
      %dma_wait3A_147 = arith.constant 0 : i32
      %dma_wait3A_148 = tpu.memref_slice %arg7[%dma_wait3A_146, %dma_wait3A_147] : memref<40x64xi32, #tpu.memory_space<vmem>> -> memref<1x64xi32, #tpu.memory_space<vmem>>
      %dma_wait3A_149 = tpu.memref_squeeze %dma_wait3A_148 : memref<1x64xi32, #tpu.memory_space<vmem>> -> memref<64xi32, #tpu.memory_space<vmem>>
      %dma_wait3A_150 = arith.constant 0 : i32
      %dma_wait3A_151 = arith.constant 0 : i32
      %dma_wait3A_152 = tpu.memref_slice %arg2[%dma_wait3A_150, %dma_wait3A_151] : memref<10000x128xf32, #tpu.memory_space<hbm>> -> memref<10000x128xf32, #tpu.memory_space<hbm>>
      tpu.wait_indirect_dma semaphore(%arg14 : memref<!tpu.dma_semaphore, #tpu.memory_space<semaphore_mem>>) src(%dma_wait3A_152 : memref<10000x128xf32, #tpu.memory_space<hbm>>) dst(%arg9 : memref<64x128xf32, #tpu.memory_space<vmem>>)
      %mul3A_153 = arith.constant 4 : i32
      %mul3A_154 = arith.muli %scan3A_144, %mul3A_153 : i32
      %add3A_155 = arith.constant 0 : i32
      %add3A_156 = arith.addi %mul3A_154, %add3A_155 : i32
      %dma_start3A_157 = arith.constant 0 : i32
      %dma_start3A_158 = tpu.memref_slice %arg8[%add3A_156, %dma_start3A_157] : memref<40x64xi32, #tpu.memory_space<vmem>> -> memref<1x64xi32, #tpu.memory_space<vmem>>
      %dma_start3A_159 = tpu.memref_squeeze %dma_start3A_158 : memref<1x64xi32, #tpu.memory_space<vmem>> -> memref<64xi32, #tpu.memory_space<vmem>>
      %dma_start3A_160 = arith.constant 0 : i32
      %dma_start3A_161 = arith.constant 0 : i32
      %dma_start3A_162 = tpu.memref_slice %arg6[%dma_start3A_160, %dma_start3A_161] : memref<10240x128xf32, #tpu.memory_space<vmem_shared>> -> memref<10240x128xf32, #tpu.memory_space<vmem_shared>>
      tpu.enqueue_indirect_dma source(%arg9 : memref<64x128xf32, #tpu.memory_space<vmem>>) target(%dma_start3A_162 : memref<10240x128xf32, #tpu.memory_space<vmem_shared>>) offsets(%dma_start3A_159 : memref<64xi32, #tpu.memory_space<vmem>>) semaphore(%arg18 : memref<!tpu.dma_semaphore, #tpu.memory_space<semaphore_mem>>) {add = true}
      %dma_wait3A_163 = arith.constant 0 : i32
      %dma_wait3A_164 = arith.constant 0 : i32
      %dma_wait3A_165 = tpu.memref_slice %arg7[%dma_wait3A_163, %dma_wait3A_164] : memref<40x64xi32, #tpu.memory_space<vmem>> -> memref<1x64xi32, #tpu.memory_space<vmem>>
      %dma_wait3A_166 = tpu.memref_squeeze %dma_wait3A_165 : memref<1x64xi32, #tpu.memory_space<vmem>> -> memref<64xi32, #tpu.memory_space<vmem>>
      %dma_wait3A_167 = arith.constant 0 : i32
      %dma_wait3A_168 = arith.constant 0 : i32
      %dma_wait3A_169 = tpu.memref_slice %arg2[%dma_wait3A_167, %dma_wait3A_168] : memref<10000x128xf32, #tpu.memory_space<hbm>> -> memref<10000x128xf32, #tpu.memory_space<hbm>>
      tpu.wait_indirect_dma semaphore(%arg15 : memref<!tpu.dma_semaphore, #tpu.memory_space<semaphore_mem>>) src(%dma_wait3A_169 : memref<10000x128xf32, #tpu.memory_space<hbm>>) dst(%arg10 : memref<64x128xf32, #tpu.memory_space<vmem>>)
      %mul3A_170 = arith.constant 4 : i32
      %mul3A_171 = arith.muli %scan3A_144, %mul3A_170 : i32
      %add3A_172 = arith.constant 1 : i32
      %add3A_173 = arith.addi %mul3A_171, %add3A_172 : i32
      %dma_start3A_174 = arith.constant 0 : i32
      %dma_start3A_175 = tpu.memref_slice %arg8[%add3A_173, %dma_start3A_174] : memref<40x64xi32, #tpu.memory_space<vmem>> -> memref<1x64xi32, #tpu.memory_space<vmem>>
      %dma_start3A_176 = tpu.memref_squeeze %dma_start3A_175 : memref<1x64xi32, #tpu.memory_space<vmem>> -> memref<64xi32, #tpu.memory_space<vmem>>
      %dma_start3A_177 = arith.constant 0 : i32
      %dma_start3A_178 = arith.constant 0 : i32
      %dma_start3A_179 = tpu.memref_slice %arg6[%dma_start3A_177, %dma_start3A_178] : memref<10240x128xf32, #tpu.memory_space<vmem_shared>> -> memref<10240x128xf32, #tpu.memory_space<vmem_shared>>
      tpu.enqueue_indirect_dma source(%arg10 : memref<64x128xf32, #tpu.memory_space<vmem>>) target(%dma_start3A_179 : memref<10240x128xf32, #tpu.memory_space<vmem_shared>>) offsets(%dma_start3A_176 : memref<64xi32, #tpu.memory_space<vmem>>) semaphore(%arg19 : memref<!tpu.dma_semaphore, #tpu.memory_space<semaphore_mem>>) {add = true}
      %dma_wait3A_180 = arith.constant 0 : i32
      %dma_wait3A_181 = arith.constant 0 : i32
      %dma_wait3A_182 = tpu.memref_slice %arg7[%dma_wait3A_180, %dma_wait3A_181] : memref<40x64xi32, #tpu.memory_space<vmem>> -> memref<1x64xi32, #tpu.memory_space<vmem>>
      %dma_wait3A_183 = tpu.memref_squeeze %dma_wait3A_182 : memref<1x64xi32, #tpu.memory_space<vmem>> -> memref<64xi32, #tpu.memory_space<vmem>>
      %dma_wait3A_184 = arith.constant 0 : i32
      %dma_wait3A_185 = arith.constant 0 : i32
      %dma_wait3A_186 = tpu.memref_slice %arg2[%dma_wait3A_184, %dma_wait3A_185] : memref<10000x128xf32, #tpu.memory_space<hbm>> -> memref<10000x128xf32, #tpu.memory_space<hbm>>
      tpu.wait_indirect_dma semaphore(%arg16 : memref<!tpu.dma_semaphore, #tpu.memory_space<semaphore_mem>>) src(%dma_wait3A_186 : memref<10000x128xf32, #tpu.memory_space<hbm>>) dst(%arg11 : memref<64x128xf32, #tpu.memory_space<vmem>>)
      %mul3A_187 = arith.constant 4 : i32
      %mul3A_188 = arith.muli %scan3A_144, %mul3A_187 : i32
      %add3A_189 = arith.constant 2 : i32
      %add3A_190 = arith.addi %mul3A_188, %add3A_189 : i32
      %dma_start3A_191 = arith.constant 0 : i32
      %dma_start3A_192 = tpu.memref_slice %arg8[%add3A_190, %dma_start3A_191] : memref<40x64xi32, #tpu.memory_space<vmem>> -> memref<1x64xi32, #tpu.memory_space<vmem>>
      %dma_start3A_193 = tpu.memref_squeeze %dma_start3A_192 : memref<1x64xi32, #tpu.memory_space<vmem>> -> memref<64xi32, #tpu.memory_space<vmem>>
      %dma_start3A_194 = arith.constant 0 : i32
      %dma_start3A_195 = arith.constant 0 : i32
      %dma_start3A_196 = tpu.memref_slice %arg6[%dma_start3A_194, %dma_start3A_195] : memref<10240x128xf32, #tpu.memory_space<vmem_shared>> -> memref<10240x128xf32, #tpu.memory_space<vmem_shared>>
      tpu.enqueue_indirect_dma source(%arg11 : memref<64x128xf32, #tpu.memory_space<vmem>>) target(%dma_start3A_196 : memref<10240x128xf32, #tpu.memory_space<vmem_shared>>) offsets(%dma_start3A_193 : memref<64xi32, #tpu.memory_space<vmem>>) semaphore(%arg20 : memref<!tpu.dma_semaphore, #tpu.memory_space<semaphore_mem>>) {add = true}
      %dma_wait3A_197 = arith.constant 0 : i32
      %dma_wait3A_198 = arith.constant 0 : i32
      %dma_wait3A_199 = tpu.memref_slice %arg7[%dma_wait3A_197, %dma_wait3A_198] : memref<40x64xi32, #tpu.memory_space<vmem>> -> memref<1x64xi32, #tpu.memory_space<vmem>>
      %dma_wait3A_200 = tpu.memref_squeeze %dma_wait3A_199 : memref<1x64xi32, #tpu.memory_space<vmem>> -> memref<64xi32, #tpu.memory_space<vmem>>
      %dma_wait3A_201 = arith.constant 0 : i32
      %dma_wait3A_202 = arith.constant 0 : i32
      %dma_wait3A_203 = tpu.memref_slice %arg2[%dma_wait3A_201, %dma_wait3A_202] : memref<10000x128xf32, #tpu.memory_space<hbm>> -> memref<10000x128xf32, #tpu.memory_space<hbm>>
      tpu.wait_indirect_dma semaphore(%arg17 : memref<!tpu.dma_semaphore, #tpu.memory_space<semaphore_mem>>) src(%dma_wait3A_203 : memref<10000x128xf32, #tpu.memory_space<hbm>>) dst(%arg12 : memref<64x128xf32, #tpu.memory_space<vmem>>)
      %mul3A_204 = arith.constant 4 : i32
      %mul3A_205 = arith.muli %scan3A_144, %mul3A_204 : i32
      %add3A_206 = arith.constant 3 : i32
      %add3A_207 = arith.addi %mul3A_205, %add3A_206 : i32
      %dma_start3A_208 = arith.constant 0 : i32
      %dma_start3A_209 = tpu.memref_slice %arg8[%add3A_207, %dma_start3A_208] : memref<40x64xi32, #tpu.memory_space<vmem>> -> memref<1x64xi32, #tpu.memory_space<vmem>>
      %dma_start3A_210 = tpu.memref_squeeze %dma_start3A_209 : memref<1x64xi32, #tpu.memory_space<vmem>> -> memref<64xi32, #tpu.memory_space<vmem>>
      %dma_start3A_211 = arith.constant 0 : i32
      %dma_start3A_212 = arith.constant 0 : i32
      %dma_start3A_213 = tpu.memref_slice %arg6[%dma_start3A_211, %dma_start3A_212] : memref<10240x128xf32, #tpu.memory_space<vmem_shared>> -> memref<10240x128xf32, #tpu.memory_space<vmem_shared>>
      tpu.enqueue_indirect_dma source(%arg12 : memref<64x128xf32, #tpu.memory_space<vmem>>) target(%dma_start3A_213 : memref<10240x128xf32, #tpu.memory_space<vmem_shared>>) offsets(%dma_start3A_210 : memref<64xi32, #tpu.memory_space<vmem>>) semaphore(%arg21 : memref<!tpu.dma_semaphore, #tpu.memory_space<semaphore_mem>>) {add = true}
      %dma_wait3A_214 = arith.constant 0 : i32
      %dma_wait3A_215 = arith.constant 0 : i32
      %dma_wait3A_216 = tpu.memref_slice %arg8[%dma_wait3A_214, %dma_wait3A_215] : memref<40x64xi32, #tpu.memory_space<vmem>> -> memref<1x64xi32, #tpu.memory_space<vmem>>
      %dma_wait3A_217 = tpu.memref_squeeze %dma_wait3A_216 : memref<1x64xi32, #tpu.memory_space<vmem>> -> memref<64xi32, #tpu.memory_space<vmem>>
      %dma_wait3A_218 = arith.constant 0 : i32
      %dma_wait3A_219 = arith.constant 0 : i32
      %dma_wait3A_220 = tpu.memref_slice %arg6[%dma_wait3A_218, %dma_wait3A_219] : memref<10240x128xf32, #tpu.memory_space<vmem_shared>> -> memref<10240x128xf32, #tpu.memory_space<vmem_shared>>
      tpu.wait_indirect_dma semaphore(%arg18 : memref<!tpu.dma_semaphore, #tpu.memory_space<semaphore_mem>>) src(%arg9 : memref<64x128xf32, #tpu.memory_space<vmem>>) dst(%dma_wait3A_220 : memref<10240x128xf32, #tpu.memory_space<vmem_shared>>)
      %mul3A_221 = arith.constant 4 : i32
      %mul3A_222 = arith.muli %scan3A_144, %mul3A_221 : i32
      %add3A_223 = arith.constant 4 : i32
      %add3A_224 = arith.addi %mul3A_222, %add3A_223 : i32
      %add3A_225 = arith.constant 0 : i32
      %add3A_226 = arith.addi %add3A_224, %add3A_225 : i32
      %dma_start3A_227 = arith.constant 0 : i32
      %dma_start3A_228 = tpu.memref_slice %arg7[%add3A_226, %dma_start3A_227] : memref<40x64xi32, #tpu.memory_space<vmem>> -> memref<1x64xi32, #tpu.memory_space<vmem>>
      %dma_start3A_229 = tpu.memref_squeeze %dma_start3A_228 : memref<1x64xi32, #tpu.memory_space<vmem>> -> memref<64xi32, #tpu.memory_space<vmem>>
      %dma_start3A_230 = arith.constant 0 : i32
      %dma_start3A_231 = arith.constant 0 : i32
      %dma_start3A_232 = tpu.memref_slice %arg2[%dma_start3A_230, %dma_start3A_231] : memref<10000x128xf32, #tpu.memory_space<hbm>> -> memref<10000x128xf32, #tpu.memory_space<hbm>>
      tpu.enqueue_indirect_dma source(%dma_start3A_232 : memref<10000x128xf32, #tpu.memory_space<hbm>>) target(%arg9 : memref<64x128xf32, #tpu.memory_space<vmem>>) offsets(%dma_start3A_229 : memref<64xi32, #tpu.memory_space<vmem>>) semaphore(%arg14 : memref<!tpu.dma_semaphore, #tpu.memory_space<semaphore_mem>>)
      %dma_wait3A_233 = arith.constant 0 : i32
      %dma_wait3A_234 = arith.constant 0 : i32
      %dma_wait3A_235 = tpu.memref_slice %arg8[%dma_wait3A_233, %dma_wait3A_234] : memref<40x64xi32, #tpu.memory_space<vmem>> -> memref<1x64xi32, #tpu.memory_space<vmem>>
      %dma_wait3A_236 = tpu.memref_squeeze %dma_wait3A_235 : memref<1x64xi32, #tpu.memory_space<vmem>> -> memref<64xi32, #tpu.memory_space<vmem>>
      %dma_wait3A_237 = arith.constant 0 : i32
      %dma_wait3A_238 = arith.constant 0 : i32
      %dma_wait3A_239 = tpu.memref_slice %arg6[%dma_wait3A_237, %dma_wait3A_238] : memref<10240x128xf32, #tpu.memory_space<vmem_shared>> -> memref<10240x128xf32, #tpu.memory_space<vmem_shared>>
      tpu.wait_indirect_dma semaphore(%arg19 : memref<!tpu.dma_semaphore, #tpu.memory_space<semaphore_mem>>) src(%arg10 : memref<64x128xf32, #tpu.memory_space<vmem>>) dst(%dma_wait3A_239 : memref<10240x128xf32, #tpu.memory_space<vmem_shared>>)
      %mul3A_240 = arith.constant 4 : i32
      %mul3A_241 = arith.muli %scan3A_144, %mul3A_240 : i32
      %add3A_242 = arith.constant 4 : i32
      %add3A_243 = arith.addi %mul3A_241, %add3A_242 : i32
      %add3A_244 = arith.constant 1 : i32
      %add3A_245 = arith.addi %add3A_243, %add3A_244 : i32
      %dma_start3A_246 = arith.constant 0 : i32
      %dma_start3A_247 = tpu.memref_slice %arg7[%add3A_245, %dma_start3A_246] : memref<40x64xi32, #tpu.memory_space<vmem>> -> memref<1x64xi32, #tpu.memory_space<vmem>>
      %dma_start3A_248 = tpu.memref_squeeze %dma_start3A_247 : memref<1x64xi32, #tpu.memory_space<vmem>> -> memref<64xi32, #tpu.memory_space<vmem>>
      %dma_start3A_249 = arith.constant 0 : i32
      %dma_start3A_250 = arith.constant 0 : i32
      %dma_start3A_251 = tpu.memref_slice %arg2[%dma_start3A_249, %dma_start3A_250] : memref<10000x128xf32, #tpu.memory_space<hbm>> -> memref<10000x128xf32, #tpu.memory_space<hbm>>
      tpu.enqueue_indirect_dma source(%dma_start3A_251 : memref<10000x128xf32, #tpu.memory_space<hbm>>) target(%arg10 : memref<64x128xf32, #tpu.memory_space<vmem>>) offsets(%dma_start3A_248 : memref<64xi32, #tpu.memory_space<vmem>>) semaphore(%arg15 : memref<!tpu.dma_semaphore, #tpu.memory_space<semaphore_mem>>)
      %dma_wait3A_252 = arith.constant 0 : i32
      %dma_wait3A_253 = arith.constant 0 : i32
      %dma_wait3A_254 = tpu.memref_slice %arg8[%dma_wait3A_252, %dma_wait3A_253] : memref<40x64xi32, #tpu.memory_space<vmem>> -> memref<1x64xi32, #tpu.memory_space<vmem>>
      %dma_wait3A_255 = tpu.memref_squeeze %dma_wait3A_254 : memref<1x64xi32, #tpu.memory_space<vmem>> -> memref<64xi32, #tpu.memory_space<vmem>>
      %dma_wait3A_256 = arith.constant 0 : i32
      %dma_wait3A_257 = arith.constant 0 : i32
      %dma_wait3A_258 = tpu.memref_slice %arg6[%dma_wait3A_256, %dma_wait3A_257] : memref<10240x128xf32, #tpu.memory_space<vmem_shared>> -> memref<10240x128xf32, #tpu.memory_space<vmem_shared>>
      tpu.wait_indirect_dma semaphore(%arg20 : memref<!tpu.dma_semaphore, #tpu.memory_space<semaphore_mem>>) src(%arg11 : memref<64x128xf32, #tpu.memory_space<vmem>>) dst(%dma_wait3A_258 : memref<10240x128xf32, #tpu.memory_space<vmem_shared>>)
      %mul3A_259 = arith.constant 4 : i32
      %mul3A_260 = arith.muli %scan3A_144, %mul3A_259 : i32
      %add3A_261 = arith.constant 4 : i32
      %add3A_262 = arith.addi %mul3A_260, %add3A_261 : i32
      %add3A_263 = arith.constant 2 : i32
      %add3A_264 = arith.addi %add3A_262, %add3A_263 : i32
      %dma_start3A_265 = arith.constant 0 : i32
      %dma_start3A_266 = tpu.memref_slice %arg7[%add3A_264, %dma_start3A_265] : memref<40x64xi32, #tpu.memory_space<vmem>> -> memref<1x64xi32, #tpu.memory_space<vmem>>
      %dma_start3A_267 = tpu.memref_squeeze %dma_start3A_266 : memref<1x64xi32, #tpu.memory_space<vmem>> -> memref<64xi32, #tpu.memory_space<vmem>>
      %dma_start3A_268 = arith.constant 0 : i32
      %dma_start3A_269 = arith.constant 0 : i32
      %dma_start3A_270 = tpu.memref_slice %arg2[%dma_start3A_268, %dma_start3A_269] : memref<10000x128xf32, #tpu.memory_space<hbm>> -> memref<10000x128xf32, #tpu.memory_space<hbm>>
      tpu.enqueue_indirect_dma source(%dma_start3A_270 : memref<10000x128xf32, #tpu.memory_space<hbm>>) target(%arg11 : memref<64x128xf32, #tpu.memory_space<vmem>>) offsets(%dma_start3A_267 : memref<64xi32, #tpu.memory_space<vmem>>) semaphore(%arg16 : memref<!tpu.dma_semaphore, #tpu.memory_space<semaphore_mem>>)
      %dma_wait3A_271 = arith.constant 0 : i32
      %dma_wait3A_272 = arith.constant 0 : i32
      %dma_wait3A_273 = tpu.memref_slice %arg8[%dma_wait3A_271, %dma_wait3A_272] : memref<40x64xi32, #tpu.memory_space<vmem>> -> memref<1x64xi32, #tpu.memory_space<vmem>>
      %dma_wait3A_274 = tpu.memref_squeeze %dma_wait3A_273 : memref<1x64xi32, #tpu.memory_space<vmem>> -> memref<64xi32, #tpu.memory_space<vmem>>
      %dma_wait3A_275 = arith.constant 0 : i32
      %dma_wait3A_276 = arith.constant 0 : i32
      %dma_wait3A_277 = tpu.memref_slice %arg6[%dma_wait3A_275, %dma_wait3A_276] : memref<10240x128xf32, #tpu.memory_space<vmem_shared>> -> memref<10240x128xf32, #tpu.memory_space<vmem_shared>>
      tpu.wait_indirect_dma semaphore(%arg21 : memref<!tpu.dma_semaphore, #tpu.memory_space<semaphore_mem>>) src(%arg12 : memref<64x128xf32, #tpu.memory_space<vmem>>) dst(%dma_wait3A_277 : memref<10240x128xf32, #tpu.memory_space<vmem_shared>>)
      %mul3A_278 = arith.constant 4 : i32
      %mul3A_279 = arith.muli %scan3A_144, %mul3A_278 : i32
      %add3A_280 = arith.constant 4 : i32
      %add3A_281 = arith.addi %mul3A_279, %add3A_280 : i32
      %add3A_282 = arith.constant 3 : i32
      %add3A_283 = arith.addi %add3A_281, %add3A_282 : i32
      %dma_start3A_284 = arith.constant 0 : i32
      %dma_start3A_285 = tpu.memref_slice %arg7[%add3A_283, %dma_start3A_284] : memref<40x64xi32, #tpu.memory_space<vmem>> -> memref<1x64xi32, #tpu.memory_space<vmem>>
      %dma_start3A_286 = tpu.memref_squeeze %dma_start3A_285 : memref<1x64xi32, #tpu.memory_space<vmem>> -> memref<64xi32, #tpu.memory_space<vmem>>
      %dma_start3A_287 = arith.constant 0 : i32
      %dma_start3A_288 = arith.constant 0 : i32
      %dma_start3A_289 = tpu.memref_slice %arg2[%dma_start3A_287, %dma_start3A_288] : memref<10000x128xf32, #tpu.memory_space<hbm>> -> memref<10000x128xf32, #tpu.memory_space<hbm>>
      tpu.enqueue_indirect_dma source(%dma_start3A_289 : memref<10000x128xf32, #tpu.memory_space<hbm>>) target(%arg12 : memref<64x128xf32, #tpu.memory_space<vmem>>) offsets(%dma_start3A_286 : memref<64xi32, #tpu.memory_space<vmem>>) semaphore(%arg17 : memref<!tpu.dma_semaphore, #tpu.memory_space<semaphore_mem>>)
      %scan3A_290 = arith.constant 0 : i32
      scf.yield %scan3A_290 : i32
    }
    %scan3A_48 = arith.constant 9 : i32
    %dma_wait3A = arith.constant 0 : i32
    %dma_wait3A_49 = arith.constant 0 : i32
    %dma_wait3A_50 = tpu.memref_slice %arg7[%dma_wait3A, %dma_wait3A_49] : memref<40x64xi32, #tpu.memory_space<vmem>> -> memref<1x64xi32, #tpu.memory_space<vmem>>
    %dma_wait3A_51 = tpu.memref_squeeze %dma_wait3A_50 : memref<1x64xi32, #tpu.memory_space<vmem>> -> memref<64xi32, #tpu.memory_space<vmem>>
    %dma_wait3A_52 = arith.constant 0 : i32
    %dma_wait3A_53 = arith.constant 0 : i32
    %dma_wait3A_54 = tpu.memref_slice %arg2[%dma_wait3A_52, %dma_wait3A_53] : memref<10000x128xf32, #tpu.memory_space<hbm>> -> memref<10000x128xf32, #tpu.memory_space<hbm>>
    tpu.wait_indirect_dma semaphore(%arg14 : memref<!tpu.dma_semaphore, #tpu.memory_space<semaphore_mem>>) src(%dma_wait3A_54 : memref<10000x128xf32, #tpu.memory_space<hbm>>) dst(%arg9 : memref<64x128xf32, #tpu.memory_space<vmem>>)
    %dma_start3A_55 = arith.constant 36 : i32
    %dma_start3A_56 = arith.constant 0 : i32
    %dma_start3A_57 = tpu.memref_slice %arg8[%dma_start3A_55, %dma_start3A_56] : memref<40x64xi32, #tpu.memory_space<vmem>> -> memref<1x64xi32, #tpu.memory_space<vmem>>
    %dma_start3A_58 = tpu.memref_squeeze %dma_start3A_57 : memref<1x64xi32, #tpu.memory_space<vmem>> -> memref<64xi32, #tpu.memory_space<vmem>>
    %dma_start3A_59 = arith.constant 0 : i32
    %dma_start3A_60 = arith.constant 0 : i32
    %dma_start3A_61 = tpu.memref_slice %arg6[%dma_start3A_59, %dma_start3A_60] : memref<10240x128xf32, #tpu.memory_space<vmem_shared>> -> memref<10240x128xf32, #tpu.memory_space<vmem_shared>>
    tpu.enqueue_indirect_dma source(%arg9 : memref<64x128xf32, #tpu.memory_space<vmem>>) target(%dma_start3A_61 : memref<10240x128xf32, #tpu.memory_space<vmem_shared>>) offsets(%dma_start3A_58 : memref<64xi32, #tpu.memory_space<vmem>>) semaphore(%arg18 : memref<!tpu.dma_semaphore, #tpu.memory_space<semaphore_mem>>) {add = true}
    %dma_wait3A_62 = arith.constant 0 : i32
    %dma_wait3A_63 = arith.constant 0 : i32
    %dma_wait3A_64 = tpu.memref_slice %arg7[%dma_wait3A_62, %dma_wait3A_63] : memref<40x64xi32, #tpu.memory_space<vmem>> -> memref<1x64xi32, #tpu.memory_space<vmem>>
    %dma_wait3A_65 = tpu.memref_squeeze %dma_wait3A_64 : memref<1x64xi32, #tpu.memory_space<vmem>> -> memref<64xi32, #tpu.memory_space<vmem>>
    %dma_wait3A_66 = arith.constant 0 : i32
    %dma_wait3A_67 = arith.constant 0 : i32
    %dma_wait3A_68 = tpu.memref_slice %arg2[%dma_wait3A_66, %dma_wait3A_67] : memref<10000x128xf32, #tpu.memory_space<hbm>> -> memref<10000x128xf32, #tpu.memory_space<hbm>>
    tpu.wait_indirect_dma semaphore(%arg15 : memref<!tpu.dma_semaphore, #tpu.memory_space<semaphore_mem>>) src(%dma_wait3A_68 : memref<10000x128xf32, #tpu.memory_space<hbm>>) dst(%arg10 : memref<64x128xf32, #tpu.memory_space<vmem>>)
    %dma_start3A_69 = arith.constant 37 : i32
    %dma_start3A_70 = arith.constant 0 : i32
    %dma_start3A_71 = tpu.memref_slice %arg8[%dma_start3A_69, %dma_start3A_70] : memref<40x64xi32, #tpu.memory_space<vmem>> -> memref<1x64xi32, #tpu.memory_space<vmem>>
    %dma_start3A_72 = tpu.memref_squeeze %dma_start3A_71 : memref<1x64xi32, #tpu.memory_space<vmem>> -> memref<64xi32, #tpu.memory_space<vmem>>
    %dma_start3A_73 = arith.constant 0 : i32
    %dma_start3A_74 = arith.constant 0 : i32
    %dma_start3A_75 = tpu.memref_slice %arg6[%dma_start3A_73, %dma_start3A_74] : memref<10240x128xf32, #tpu.memory_space<vmem_shared>> -> memref<10240x128xf32, #tpu.memory_space<vmem_shared>>
    tpu.enqueue_indirect_dma source(%arg10 : memref<64x128xf32, #tpu.memory_space<vmem>>) target(%dma_start3A_75 : memref<10240x128xf32, #tpu.memory_space<vmem_shared>>) offsets(%dma_start3A_72 : memref<64xi32, #tpu.memory_space<vmem>>) semaphore(%arg19 : memref<!tpu.dma_semaphore, #tpu.memory_space<semaphore_mem>>) {add = true}
    %dma_wait3A_76 = arith.constant 0 : i32
    %dma_wait3A_77 = arith.constant 0 : i32
    %dma_wait3A_78 = tpu.memref_slice %arg7[%dma_wait3A_76, %dma_wait3A_77] : memref<40x64xi32, #tpu.memory_space<vmem>> -> memref<1x64xi32, #tpu.memory_space<vmem>>
    %dma_wait3A_79 = tpu.memref_squeeze %dma_wait3A_78 : memref<1x64xi32, #tpu.memory_space<vmem>> -> memref<64xi32, #tpu.memory_space<vmem>>
    %dma_wait3A_80 = arith.constant 0 : i32
    %dma_wait3A_81 = arith.constant 0 : i32
    %dma_wait3A_82 = tpu.memref_slice %arg2[%dma_wait3A_80, %dma_wait3A_81] : memref<10000x128xf32, #tpu.memory_space<hbm>> -> memref<10000x128xf32, #tpu.memory_space<hbm>>
    tpu.wait_indirect_dma semaphore(%arg16 : memref<!tpu.dma_semaphore, #tpu.memory_space<semaphore_mem>>) src(%dma_wait3A_82 : memref<10000x128xf32, #tpu.memory_space<hbm>>) dst(%arg11 : memref<64x128xf32, #tpu.memory_space<vmem>>)
    %dma_start3A_83 = arith.constant 38 : i32
    %dma_start3A_84 = arith.constant 0 : i32
    %dma_start3A_85 = tpu.memref_slice %arg8[%dma_start3A_83, %dma_start3A_84] : memref<40x64xi32, #tpu.memory_space<vmem>> -> memref<1x64xi32, #tpu.memory_space<vmem>>
    %dma_start3A_86 = tpu.memref_squeeze %dma_start3A_85 : memref<1x64xi32, #tpu.memory_space<vmem>> -> memref<64xi32, #tpu.memory_space<vmem>>
    %dma_start3A_87 = arith.constant 0 : i32
    %dma_start3A_88 = arith.constant 0 : i32
    %dma_start3A_89 = tpu.memref_slice %arg6[%dma_start3A_87, %dma_start3A_88] : memref<10240x128xf32, #tpu.memory_space<vmem_shared>> -> memref<10240x128xf32, #tpu.memory_space<vmem_shared>>
    tpu.enqueue_indirect_dma source(%arg11 : memref<64x128xf32, #tpu.memory_space<vmem>>) target(%dma_start3A_89 : memref<10240x128xf32, #tpu.memory_space<vmem_shared>>) offsets(%dma_start3A_86 : memref<64xi32, #tpu.memory_space<vmem>>) semaphore(%arg20 : memref<!tpu.dma_semaphore, #tpu.memory_space<semaphore_mem>>) {add = true}
    %dma_wait3A_90 = arith.constant 0 : i32
    %dma_wait3A_91 = arith.constant 0 : i32
    %dma_wait3A_92 = tpu.memref_slice %arg7[%dma_wait3A_90, %dma_wait3A_91] : memref<40x64xi32, #tpu.memory_space<vmem>> -> memref<1x64xi32, #tpu.memory_space<vmem>>
    %dma_wait3A_93 = tpu.memref_squeeze %dma_wait3A_92 : memref<1x64xi32, #tpu.memory_space<vmem>> -> memref<64xi32, #tpu.memory_space<vmem>>
    %dma_wait3A_94 = arith.constant 0 : i32
    %dma_wait3A_95 = arith.constant 0 : i32
    %dma_wait3A_96 = tpu.memref_slice %arg2[%dma_wait3A_94, %dma_wait3A_95] : memref<10000x128xf32, #tpu.memory_space<hbm>> -> memref<10000x128xf32, #tpu.memory_space<hbm>>
    tpu.wait_indirect_dma semaphore(%arg17 : memref<!tpu.dma_semaphore, #tpu.memory_space<semaphore_mem>>) src(%dma_wait3A_96 : memref<10000x128xf32, #tpu.memory_space<hbm>>) dst(%arg12 : memref<64x128xf32, #tpu.memory_space<vmem>>)
    %dma_start3A_97 = arith.constant 39 : i32
    %dma_start3A_98 = arith.constant 0 : i32
    %dma_start3A_99 = tpu.memref_slice %arg8[%dma_start3A_97, %dma_start3A_98] : memref<40x64xi32, #tpu.memory_space<vmem>> -> memref<1x64xi32, #tpu.memory_space<vmem>>
    %dma_start3A_100 = tpu.memref_squeeze %dma_start3A_99 : memref<1x64xi32, #tpu.memory_space<vmem>> -> memref<64xi32, #tpu.memory_space<vmem>>
    %dma_start3A_101 = arith.constant 0 : i32
    %dma_start3A_102 = arith.constant 0 : i32
    %dma_start3A_103 = tpu.memref_slice %arg6[%dma_start3A_101, %dma_start3A_102] : memref<10240x128xf32, #tpu.memory_space<vmem_shared>> -> memref<10240x128xf32, #tpu.memory_space<vmem_shared>>
    tpu.enqueue_indirect_dma source(%arg12 : memref<64x128xf32, #tpu.memory_space<vmem>>) target(%dma_start3A_103 : memref<10240x128xf32, #tpu.memory_space<vmem_shared>>) offsets(%dma_start3A_100 : memref<64xi32, #tpu.memory_space<vmem>>) semaphore(%arg21 : memref<!tpu.dma_semaphore, #tpu.memory_space<semaphore_mem>>) {add = true}
    %scan3A_104 = arith.constant 0 : i32
    %scan3A_105 = arith.constant 1 : i32
    %scan3A_106 = arith.constant 3 : i32
    %scan3A_107 = arith.addi %scan3A_105, %scan3A_106 : i32
    %scan3A_108 = arith.constant 1 : i32
    %scan3A_109 = scf.for %scan3A_144 = %scan3A_105 to %scan3A_107 step %scan3A_108 iter_args(%scan3A_145 = %scan3A_104) -> (i32)  : i32 {
      "tpu.region"() ({
        %run_scoped3A_266 = tpu.sem_alloc : memref<!tpu.dma_semaphore, #tpu.memory_space<semaphore_mem>>
        %dma_start3A_267 = arith.constant 0 : i32
        %dma_start3A_268 = arith.constant 0 : i32
        %dma_start3A_269 = tpu.memref_slice %arg3[%add3A, %scan3A_144, %dma_start3A_267, %dma_start3A_268] : memref<32x4x40x64xi32, #tpu.memory_space<hbm>> -> memref<1x1x40x64xi32, #tpu.memory_space<hbm>>
        %dma_start3A_270 = tpu.memref_squeeze %dma_start3A_269 : memref<1x1x40x64xi32, #tpu.memory_space<hbm>> -> memref<40x64xi32, #tpu.memory_space<hbm>>
        %dma_start3A_271 = arith.constant 0 : i32
        %dma_start3A_272 = arith.constant 0 : i32
        %dma_start3A_273 = tpu.memref_slice %arg3[%add3A, %scan3A_144, %dma_start3A_271, %dma_start3A_272] : memref<32x4x40x64xi32, #tpu.memory_space<hbm>> -> memref<1x1x40x64xi32, #tpu.memory_space<hbm>>
        %dma_start3A_274 = tpu.memref_squeeze %dma_start3A_273 : memref<1x1x40x64xi32, #tpu.memory_space<hbm>> -> memref<40x64xi32, #tpu.memory_space<hbm>>
        tpu.enqueue_dma source(%dma_start3A_274 : memref<40x64xi32, #tpu.memory_space<hbm>>) target(%arg7 : memref<40x64xi32, #tpu.memory_space<vmem>>) target_semaphore(%run_scoped3A_266 : memref<!tpu.dma_semaphore, #tpu.memory_space<semaphore_mem>>)
        %dma_wait3A_275 = arith.constant 0 : i32
        %dma_wait3A_276 = arith.constant 0 : i32
        %dma_wait3A_277 = tpu.memref_slice %arg3[%add3A, %scan3A_144, %dma_wait3A_275, %dma_wait3A_276] : memref<32x4x40x64xi32, #tpu.memory_space<hbm>> -> memref<1x1x40x64xi32, #tpu.memory_space<hbm>>
        %dma_wait3A_278 = tpu.memref_squeeze %dma_wait3A_277 : memref<1x1x40x64xi32, #tpu.memory_space<hbm>> -> memref<40x64xi32, #tpu.memory_space<hbm>>
        %dma_wait3A_279 = arith.constant 0 : i32
        %dma_wait3A_280 = arith.constant 0 : i32
        %dma_wait3A_281 = tpu.memref_slice %arg3[%add3A, %scan3A_144, %dma_wait3A_279, %dma_wait3A_280] : memref<32x4x40x64xi32, #tpu.memory_space<hbm>> -> memref<1x1x40x64xi32, #tpu.memory_space<hbm>>
        %dma_wait3A_282 = tpu.memref_squeeze %dma_wait3A_281 : memref<1x1x40x64xi32, #tpu.memory_space<hbm>> -> memref<40x64xi32, #tpu.memory_space<hbm>>
        tpu.wait_dma2 semaphore(%run_scoped3A_266 : memref<!tpu.dma_semaphore, #tpu.memory_space<semaphore_mem>>) src(%dma_wait3A_282 : memref<40x64xi32, #tpu.memory_space<hbm>>) dst(%arg7 : memref<40x64xi32, #tpu.memory_space<vmem>>)
        tpu.yield
      }) : () -> ()
      "tpu.region"() ({
        %run_scoped3A_266 = tpu.sem_alloc : memref<!tpu.dma_semaphore, #tpu.memory_space<semaphore_mem>>
        %dma_start3A_267 = arith.constant 0 : i32
        %dma_start3A_268 = arith.constant 0 : i32
        %dma_start3A_269 = tpu.memref_slice %arg4[%add3A, %scan3A_144, %dma_start3A_267, %dma_start3A_268] : memref<32x4x40x64xi32, #tpu.memory_space<hbm>> -> memref<1x1x40x64xi32, #tpu.memory_space<hbm>>
        %dma_start3A_270 = tpu.memref_squeeze %dma_start3A_269 : memref<1x1x40x64xi32, #tpu.memory_space<hbm>> -> memref<40x64xi32, #tpu.memory_space<hbm>>
        %dma_start3A_271 = arith.constant 0 : i32
        %dma_start3A_272 = arith.constant 0 : i32
        %dma_start3A_273 = tpu.memref_slice %arg4[%add3A, %scan3A_144, %dma_start3A_271, %dma_start3A_272] : memref<32x4x40x64xi32, #tpu.memory_space<hbm>> -> memref<1x1x40x64xi32, #tpu.memory_space<hbm>>
        %dma_start3A_274 = tpu.memref_squeeze %dma_start3A_273 : memref<1x1x40x64xi32, #tpu.memory_space<hbm>> -> memref<40x64xi32, #tpu.memory_space<hbm>>
        tpu.enqueue_dma source(%dma_start3A_274 : memref<40x64xi32, #tpu.memory_space<hbm>>) target(%arg8 : memref<40x64xi32, #tpu.memory_space<vmem>>) target_semaphore(%run_scoped3A_266 : memref<!tpu.dma_semaphore, #tpu.memory_space<semaphore_mem>>)
        %dma_wait3A_275 = arith.constant 0 : i32
        %dma_wait3A_276 = arith.constant 0 : i32
        %dma_wait3A_277 = tpu.memref_slice %arg4[%add3A, %scan3A_144, %dma_wait3A_275, %dma_wait3A_276] : memref<32x4x40x64xi32, #tpu.memory_space<hbm>> -> memref<1x1x40x64xi32, #tpu.memory_space<hbm>>
        %dma_wait3A_278 = tpu.memref_squeeze %dma_wait3A_277 : memref<1x1x40x64xi32, #tpu.memory_space<hbm>> -> memref<40x64xi32, #tpu.memory_space<hbm>>
        %dma_wait3A_279 = arith.constant 0 : i32
        %dma_wait3A_280 = arith.constant 0 : i32
        %dma_wait3A_281 = tpu.memref_slice %arg4[%add3A, %scan3A_144, %dma_wait3A_279, %dma_wait3A_280] : memref<32x4x40x64xi32, #tpu.memory_space<hbm>> -> memref<1x1x40x64xi32, #tpu.memory_space<hbm>>
        %dma_wait3A_282 = tpu.memref_squeeze %dma_wait3A_281 : memref<1x1x40x64xi32, #tpu.memory_space<hbm>> -> memref<40x64xi32, #tpu.memory_space<hbm>>
        tpu.wait_dma2 semaphore(%run_scoped3A_266 : memref<!tpu.dma_semaphore, #tpu.memory_space<semaphore_mem>>) src(%dma_wait3A_282 : memref<40x64xi32, #tpu.memory_space<hbm>>) dst(%arg8 : memref<40x64xi32, #tpu.memory_space<vmem>>)
        tpu.yield
      }) : () -> ()
      %dma_wait3A_146 = arith.constant 0 : i32
      %dma_wait3A_147 = arith.constant 0 : i32
      %dma_wait3A_148 = tpu.memref_slice %arg8[%dma_wait3A_146, %dma_wait3A_147] : memref<40x64xi32, #tpu.memory_space<vmem>> -> memref<1x64xi32, #tpu.memory_space<vmem>>
      %dma_wait3A_149 = tpu.memref_squeeze %dma_wait3A_148 : memref<1x64xi32, #tpu.memory_space<vmem>> -> memref<64xi32, #tpu.memory_space<vmem>>
      %dma_wait3A_150 = arith.constant 0 : i32
      %dma_wait3A_151 = arith.constant 0 : i32
      %dma_wait3A_152 = tpu.memref_slice %arg6[%dma_wait3A_150, %dma_wait3A_151] : memref<10240x128xf32, #tpu.memory_space<vmem_shared>> -> memref<10240x128xf32, #tpu.memory_space<vmem_shared>>
      tpu.wait_indirect_dma semaphore(%arg18 : memref<!tpu.dma_semaphore, #tpu.memory_space<semaphore_mem>>) src(%arg9 : memref<64x128xf32, #tpu.memory_space<vmem>>) dst(%dma_wait3A_152 : memref<10240x128xf32, #tpu.memory_space<vmem_shared>>)
      %dma_start3A_153 = arith.constant 0 : i32
      %dma_start3A_154 = arith.constant 0 : i32
      %dma_start3A_155 = tpu.memref_slice %arg7[%dma_start3A_153, %dma_start3A_154] : memref<40x64xi32, #tpu.memory_space<vmem>> -> memref<1x64xi32, #tpu.memory_space<vmem>>
      %dma_start3A_156 = tpu.memref_squeeze %dma_start3A_155 : memref<1x64xi32, #tpu.memory_space<vmem>> -> memref<64xi32, #tpu.memory_space<vmem>>
      %dma_start3A_157 = arith.constant 0 : i32
      %dma_start3A_158 = arith.constant 0 : i32
      %dma_start3A_159 = tpu.memref_slice %arg2[%dma_start3A_157, %dma_start3A_158] : memref<10000x128xf32, #tpu.memory_space<hbm>> -> memref<10000x128xf32, #tpu.memory_space<hbm>>
      tpu.enqueue_indirect_dma source(%dma_start3A_159 : memref<10000x128xf32, #tpu.memory_space<hbm>>) target(%arg9 : memref<64x128xf32, #tpu.memory_space<vmem>>) offsets(%dma_start3A_156 : memref<64xi32, #tpu.memory_space<vmem>>) semaphore(%arg14 : memref<!tpu.dma_semaphore, #tpu.memory_space<semaphore_mem>>)
      %dma_wait3A_160 = arith.constant 0 : i32
      %dma_wait3A_161 = arith.constant 0 : i32
      %dma_wait3A_162 = tpu.memref_slice %arg8[%dma_wait3A_160, %dma_wait3A_161] : memref<40x64xi32, #tpu.memory_space<vmem>> -> memref<1x64xi32, #tpu.memory_space<vmem>>
      %dma_wait3A_163 = tpu.memref_squeeze %dma_wait3A_162 : memref<1x64xi32, #tpu.memory_space<vmem>> -> memref<64xi32, #tpu.memory_space<vmem>>
      %dma_wait3A_164 = arith.constant 0 : i32
      %dma_wait3A_165 = arith.constant 0 : i32
      %dma_wait3A_166 = tpu.memref_slice %arg6[%dma_wait3A_164, %dma_wait3A_165] : memref<10240x128xf32, #tpu.memory_space<vmem_shared>> -> memref<10240x128xf32, #tpu.memory_space<vmem_shared>>
      tpu.wait_indirect_dma semaphore(%arg19 : memref<!tpu.dma_semaphore, #tpu.memory_space<semaphore_mem>>) src(%arg10 : memref<64x128xf32, #tpu.memory_space<vmem>>) dst(%dma_wait3A_166 : memref<10240x128xf32, #tpu.memory_space<vmem_shared>>)
      %dma_start3A_167 = arith.constant 1 : i32
      %dma_start3A_168 = arith.constant 0 : i32
      %dma_start3A_169 = tpu.memref_slice %arg7[%dma_start3A_167, %dma_start3A_168] : memref<40x64xi32, #tpu.memory_space<vmem>> -> memref<1x64xi32, #tpu.memory_space<vmem>>
      %dma_start3A_170 = tpu.memref_squeeze %dma_start3A_169 : memref<1x64xi32, #tpu.memory_space<vmem>> -> memref<64xi32, #tpu.memory_space<vmem>>
      %dma_start3A_171 = arith.constant 0 : i32
      %dma_start3A_172 = arith.constant 0 : i32
      %dma_start3A_173 = tpu.memref_slice %arg2[%dma_start3A_171, %dma_start3A_172] : memref<10000x128xf32, #tpu.memory_space<hbm>> -> memref<10000x128xf32, #tpu.memory_space<hbm>>
      tpu.enqueue_indirect_dma source(%dma_start3A_173 : memref<10000x128xf32, #tpu.memory_space<hbm>>) target(%arg10 : memref<64x128xf32, #tpu.memory_space<vmem>>) offsets(%dma_start3A_170 : memref<64xi32, #tpu.memory_space<vmem>>) semaphore(%arg15 : memref<!tpu.dma_semaphore, #tpu.memory_space<semaphore_mem>>)
      %dma_wait3A_174 = arith.constant 0 : i32
      %dma_wait3A_175 = arith.constant 0 : i32
      %dma_wait3A_176 = tpu.memref_slice %arg8[%dma_wait3A_174, %dma_wait3A_175] : memref<40x64xi32, #tpu.memory_space<vmem>> -> memref<1x64xi32, #tpu.memory_space<vmem>>
      %dma_wait3A_177 = tpu.memref_squeeze %dma_wait3A_176 : memref<1x64xi32, #tpu.memory_space<vmem>> -> memref<64xi32, #tpu.memory_space<vmem>>
      %dma_wait3A_178 = arith.constant 0 : i32
      %dma_wait3A_179 = arith.constant 0 : i32
      %dma_wait3A_180 = tpu.memref_slice %arg6[%dma_wait3A_178, %dma_wait3A_179] : memref<10240x128xf32, #tpu.memory_space<vmem_shared>> -> memref<10240x128xf32, #tpu.memory_space<vmem_shared>>
      tpu.wait_indirect_dma semaphore(%arg20 : memref<!tpu.dma_semaphore, #tpu.memory_space<semaphore_mem>>) src(%arg11 : memref<64x128xf32, #tpu.memory_space<vmem>>) dst(%dma_wait3A_180 : memref<10240x128xf32, #tpu.memory_space<vmem_shared>>)
      %dma_start3A_181 = arith.constant 2 : i32
      %dma_start3A_182 = arith.constant 0 : i32
      %dma_start3A_183 = tpu.memref_slice %arg7[%dma_start3A_181, %dma_start3A_182] : memref<40x64xi32, #tpu.memory_space<vmem>> -> memref<1x64xi32, #tpu.memory_space<vmem>>
      %dma_start3A_184 = tpu.memref_squeeze %dma_start3A_183 : memref<1x64xi32, #tpu.memory_space<vmem>> -> memref<64xi32, #tpu.memory_space<vmem>>
      %dma_start3A_185 = arith.constant 0 : i32
      %dma_start3A_186 = arith.constant 0 : i32
      %dma_start3A_187 = tpu.memref_slice %arg2[%dma_start3A_185, %dma_start3A_186] : memref<10000x128xf32, #tpu.memory_space<hbm>> -> memref<10000x128xf32, #tpu.memory_space<hbm>>
      tpu.enqueue_indirect_dma source(%dma_start3A_187 : memref<10000x128xf32, #tpu.memory_space<hbm>>) target(%arg11 : memref<64x128xf32, #tpu.memory_space<vmem>>) offsets(%dma_start3A_184 : memref<64xi32, #tpu.memory_space<vmem>>) semaphore(%arg16 : memref<!tpu.dma_semaphore, #tpu.memory_space<semaphore_mem>>)
      %dma_wait3A_188 = arith.constant 0 : i32
      %dma_wait3A_189 = arith.constant 0 : i32
      %dma_wait3A_190 = tpu.memref_slice %arg8[%dma_wait3A_188, %dma_wait3A_189] : memref<40x64xi32, #tpu.memory_space<vmem>> -> memref<1x64xi32, #tpu.memory_space<vmem>>
      %dma_wait3A_191 = tpu.memref_squeeze %dma_wait3A_190 : memref<1x64xi32, #tpu.memory_space<vmem>> -> memref<64xi32, #tpu.memory_space<vmem>>
      %dma_wait3A_192 = arith.constant 0 : i32
      %dma_wait3A_193 = arith.constant 0 : i32
      %dma_wait3A_194 = tpu.memref_slice %arg6[%dma_wait3A_192, %dma_wait3A_193] : memref<10240x128xf32, #tpu.memory_space<vmem_shared>> -> memref<10240x128xf32, #tpu.memory_space<vmem_shared>>
      tpu.wait_indirect_dma semaphore(%arg21 : memref<!tpu.dma_semaphore, #tpu.memory_space<semaphore_mem>>) src(%arg12 : memref<64x128xf32, #tpu.memory_space<vmem>>) dst(%dma_wait3A_194 : memref<10240x128xf32, #tpu.memory_space<vmem_shared>>)
      %dma_start3A_195 = arith.constant 3 : i32
      %dma_start3A_196 = arith.constant 0 : i32
      %dma_start3A_197 = tpu.memref_slice %arg7[%dma_start3A_195, %dma_start3A_196] : memref<40x64xi32, #tpu.memory_space<vmem>> -> memref<1x64xi32, #tpu.memory_space<vmem>>
      %dma_start3A_198 = tpu.memref_squeeze %dma_start3A_197 : memref<1x64xi32, #tpu.memory_space<vmem>> -> memref<64xi32, #tpu.memory_space<vmem>>
      %dma_start3A_199 = arith.constant 0 : i32
      %dma_start3A_200 = arith.constant 0 : i32
      %dma_start3A_201 = tpu.memref_slice %arg2[%dma_start3A_199, %dma_start3A_200] : memref<10000x128xf32, #tpu.memory_space<hbm>> -> memref<10000x128xf32, #tpu.memory_space<hbm>>
      tpu.enqueue_indirect_dma source(%dma_start3A_201 : memref<10000x128xf32, #tpu.memory_space<hbm>>) target(%arg12 : memref<64x128xf32, #tpu.memory_space<vmem>>) offsets(%dma_start3A_198 : memref<64xi32, #tpu.memory_space<vmem>>) semaphore(%arg17 : memref<!tpu.dma_semaphore, #tpu.memory_space<semaphore_mem>>)
      %scan3A_202 = arith.constant 0 : i32
      %scan3A_203 = arith.constant 0 : i32
      %scan3A_204 = arith.constant 9 : i32
      %scan3A_205 = arith.addi %scan3A_203, %scan3A_204 : i32
      %scan3A_206 = arith.constant 1 : i32
      %scan3A_207 = scf.for %scan3A_266 = %scan3A_203 to %scan3A_205 step %scan3A_206 iter_args(%scan3A_267 = %scan3A_202) -> (i32)  : i32 {
        %dma_wait3A_268 = arith.constant 0 : i32
        %dma_wait3A_269 = arith.constant 0 : i32
        %dma_wait3A_270 = tpu.memref_slice %arg7[%dma_wait3A_268, %dma_wait3A_269] : memref<40x64xi32, #tpu.memory_space<vmem>> -> memref<1x64xi32, #tpu.memory_space<vmem>>
        %dma_wait3A_271 = tpu.memref_squeeze %dma_wait3A_270 : memref<1x64xi32, #tpu.memory_space<vmem>> -> memref<64xi32, #tpu.memory_space<vmem>>
        %dma_wait3A_272 = arith.constant 0 : i32
        %dma_wait3A_273 = arith.constant 0 : i32
        %dma_wait3A_274 = tpu.memref_slice %arg2[%dma_wait3A_272, %dma_wait3A_273] : memref<10000x128xf32, #tpu.memory_space<hbm>> -> memref<10000x128xf32, #tpu.memory_space<hbm>>
        tpu.wait_indirect_dma semaphore(%arg14 : memref<!tpu.dma_semaphore, #tpu.memory_space<semaphore_mem>>) src(%dma_wait3A_274 : memref<10000x128xf32, #tpu.memory_space<hbm>>) dst(%arg9 : memref<64x128xf32, #tpu.memory_space<vmem>>)
        %mul3A_275 = arith.constant 4 : i32
        %mul3A_276 = arith.muli %scan3A_266, %mul3A_275 : i32
        %add3A_277 = arith.constant 0 : i32
        %add3A_278 = arith.addi %mul3A_276, %add3A_277 : i32
        %dma_start3A_279 = arith.constant 0 : i32
        %dma_start3A_280 = tpu.memref_slice %arg8[%add3A_278, %dma_start3A_279] : memref<40x64xi32, #tpu.memory_space<vmem>> -> memref<1x64xi32, #tpu.memory_space<vmem>>
        %dma_start3A_281 = tpu.memref_squeeze %dma_start3A_280 : memref<1x64xi32, #tpu.memory_space<vmem>> -> memref<64xi32, #tpu.memory_space<vmem>>
        %dma_start3A_282 = arith.constant 0 : i32
        %dma_start3A_283 = arith.constant 0 : i32
        %dma_start3A_284 = tpu.memref_slice %arg6[%dma_start3A_282, %dma_start3A_283] : memref<10240x128xf32, #tpu.memory_space<vmem_shared>> -> memref<10240x128xf32, #tpu.memory_space<vmem_shared>>
        tpu.enqueue_indirect_dma source(%arg9 : memref<64x128xf32, #tpu.memory_space<vmem>>) target(%dma_start3A_284 : memref<10240x128xf32, #tpu.memory_space<vmem_shared>>) offsets(%dma_start3A_281 : memref<64xi32, #tpu.memory_space<vmem>>) semaphore(%arg18 : memref<!tpu.dma_semaphore, #tpu.memory_space<semaphore_mem>>) {add = true}
        %dma_wait3A_285 = arith.constant 0 : i32
        %dma_wait3A_286 = arith.constant 0 : i32
        %dma_wait3A_287 = tpu.memref_slice %arg7[%dma_wait3A_285, %dma_wait3A_286] : memref<40x64xi32, #tpu.memory_space<vmem>> -> memref<1x64xi32, #tpu.memory_space<vmem>>
        %dma_wait3A_288 = tpu.memref_squeeze %dma_wait3A_287 : memref<1x64xi32, #tpu.memory_space<vmem>> -> memref<64xi32, #tpu.memory_space<vmem>>
        %dma_wait3A_289 = arith.constant 0 : i32
        %dma_wait3A_290 = arith.constant 0 : i32
        %dma_wait3A_291 = tpu.memref_slice %arg2[%dma_wait3A_289, %dma_wait3A_290] : memref<10000x128xf32, #tpu.memory_space<hbm>> -> memref<10000x128xf32, #tpu.memory_space<hbm>>
        tpu.wait_indirect_dma semaphore(%arg15 : memref<!tpu.dma_semaphore, #tpu.memory_space<semaphore_mem>>) src(%dma_wait3A_291 : memref<10000x128xf32, #tpu.memory_space<hbm>>) dst(%arg10 : memref<64x128xf32, #tpu.memory_space<vmem>>)
        %mul3A_292 = arith.constant 4 : i32
        %mul3A_293 = arith.muli %scan3A_266, %mul3A_292 : i32
        %add3A_294 = arith.constant 1 : i32
        %add3A_295 = arith.addi %mul3A_293, %add3A_294 : i32
        %dma_start3A_296 = arith.constant 0 : i32
        %dma_start3A_297 = tpu.memref_slice %arg8[%add3A_295, %dma_start3A_296] : memref<40x64xi32, #tpu.memory_space<vmem>> -> memref<1x64xi32, #tpu.memory_space<vmem>>
        %dma_start3A_298 = tpu.memref_squeeze %dma_start3A_297 : memref<1x64xi32, #tpu.memory_space<vmem>> -> memref<64xi32, #tpu.memory_space<vmem>>
        %dma_start3A_299 = arith.constant 0 : i32
        %dma_start3A_300 = arith.constant 0 : i32
        %dma_start3A_301 = tpu.memref_slice %arg6[%dma_start3A_299, %dma_start3A_300] : memref<10240x128xf32, #tpu.memory_space<vmem_shared>> -> memref<10240x128xf32, #tpu.memory_space<vmem_shared>>
        tpu.enqueue_indirect_dma source(%arg10 : memref<64x128xf32, #tpu.memory_space<vmem>>) target(%dma_start3A_301 : memref<10240x128xf32, #tpu.memory_space<vmem_shared>>) offsets(%dma_start3A_298 : memref<64xi32, #tpu.memory_space<vmem>>) semaphore(%arg19 : memref<!tpu.dma_semaphore, #tpu.memory_space<semaphore_mem>>) {add = true}
        %dma_wait3A_302 = arith.constant 0 : i32
        %dma_wait3A_303 = arith.constant 0 : i32
        %dma_wait3A_304 = tpu.memref_slice %arg7[%dma_wait3A_302, %dma_wait3A_303] : memref<40x64xi32, #tpu.memory_space<vmem>> -> memref<1x64xi32, #tpu.memory_space<vmem>>
        %dma_wait3A_305 = tpu.memref_squeeze %dma_wait3A_304 : memref<1x64xi32, #tpu.memory_space<vmem>> -> memref<64xi32, #tpu.memory_space<vmem>>
        %dma_wait3A_306 = arith.constant 0 : i32
        %dma_wait3A_307 = arith.constant 0 : i32
        %dma_wait3A_308 = tpu.memref_slice %arg2[%dma_wait3A_306, %dma_wait3A_307] : memref<10000x128xf32, #tpu.memory_space<hbm>> -> memref<10000x128xf32, #tpu.memory_space<hbm>>
        tpu.wait_indirect_dma semaphore(%arg16 : memref<!tpu.dma_semaphore, #tpu.memory_space<semaphore_mem>>) src(%dma_wait3A_308 : memref<10000x128xf32, #tpu.memory_space<hbm>>) dst(%arg11 : memref<64x128xf32, #tpu.memory_space<vmem>>)
        %mul3A_309 = arith.constant 4 : i32
        %mul3A_310 = arith.muli %scan3A_266, %mul3A_309 : i32
        %add3A_311 = arith.constant 2 : i32
        %add3A_312 = arith.addi %mul3A_310, %add3A_311 : i32
        %dma_start3A_313 = arith.constant 0 : i32
        %dma_start3A_314 = tpu.memref_slice %arg8[%add3A_312, %dma_start3A_313] : memref<40x64xi32, #tpu.memory_space<vmem>> -> memref<1x64xi32, #tpu.memory_space<vmem>>
        %dma_start3A_315 = tpu.memref_squeeze %dma_start3A_314 : memref<1x64xi32, #tpu.memory_space<vmem>> -> memref<64xi32, #tpu.memory_space<vmem>>
        %dma_start3A_316 = arith.constant 0 : i32
        %dma_start3A_317 = arith.constant 0 : i32
        %dma_start3A_318 = tpu.memref_slice %arg6[%dma_start3A_316, %dma_start3A_317] : memref<10240x128xf32, #tpu.memory_space<vmem_shared>> -> memref<10240x128xf32, #tpu.memory_space<vmem_shared>>
        tpu.enqueue_indirect_dma source(%arg11 : memref<64x128xf32, #tpu.memory_space<vmem>>) target(%dma_start3A_318 : memref<10240x128xf32, #tpu.memory_space<vmem_shared>>) offsets(%dma_start3A_315 : memref<64xi32, #tpu.memory_space<vmem>>) semaphore(%arg20 : memref<!tpu.dma_semaphore, #tpu.memory_space<semaphore_mem>>) {add = true}
        %dma_wait3A_319 = arith.constant 0 : i32
        %dma_wait3A_320 = arith.constant 0 : i32
        %dma_wait3A_321 = tpu.memref_slice %arg7[%dma_wait3A_319, %dma_wait3A_320] : memref<40x64xi32, #tpu.memory_space<vmem>> -> memref<1x64xi32, #tpu.memory_space<vmem>>
        %dma_wait3A_322 = tpu.memref_squeeze %dma_wait3A_321 : memref<1x64xi32, #tpu.memory_space<vmem>> -> memref<64xi32, #tpu.memory_space<vmem>>
        %dma_wait3A_323 = arith.constant 0 : i32
        %dma_wait3A_324 = arith.constant 0 : i32
        %dma_wait3A_325 = tpu.memref_slice %arg2[%dma_wait3A_323, %dma_wait3A_324] : memref<10000x128xf32, #tpu.memory_space<hbm>> -> memref<10000x128xf32, #tpu.memory_space<hbm>>
        tpu.wait_indirect_dma semaphore(%arg17 : memref<!tpu.dma_semaphore, #tpu.memory_space<semaphore_mem>>) src(%dma_wait3A_325 : memref<10000x128xf32, #tpu.memory_space<hbm>>) dst(%arg12 : memref<64x128xf32, #tpu.memory_space<vmem>>)
        %mul3A_326 = arith.constant 4 : i32
        %mul3A_327 = arith.muli %scan3A_266, %mul3A_326 : i32
        %add3A_328 = arith.constant 3 : i32
        %add3A_329 = arith.addi %mul3A_327, %add3A_328 : i32
        %dma_start3A_330 = arith.constant 0 : i32
        %dma_start3A_331 = tpu.memref_slice %arg8[%add3A_329, %dma_start3A_330] : memref<40x64xi32, #tpu.memory_space<vmem>> -> memref<1x64xi32, #tpu.memory_space<vmem>>
        %dma_start3A_332 = tpu.memref_squeeze %dma_start3A_331 : memref<1x64xi32, #tpu.memory_space<vmem>> -> memref<64xi32, #tpu.memory_space<vmem>>
        %dma_start3A_333 = arith.constant 0 : i32
        %dma_start3A_334 = arith.constant 0 : i32
        %dma_start3A_335 = tpu.memref_slice %arg6[%dma_start3A_333, %dma_start3A_334] : memref<10240x128xf32, #tpu.memory_space<vmem_shared>> -> memref<10240x128xf32, #tpu.memory_space<vmem_shared>>
        tpu.enqueue_indirect_dma source(%arg12 : memref<64x128xf32, #tpu.memory_space<vmem>>) target(%dma_start3A_335 : memref<10240x128xf32, #tpu.memory_space<vmem_shared>>) offsets(%dma_start3A_332 : memref<64xi32, #tpu.memory_space<vmem>>) semaphore(%arg21 : memref<!tpu.dma_semaphore, #tpu.memory_space<semaphore_mem>>) {add = true}
        %dma_wait3A_336 = arith.constant 0 : i32
        %dma_wait3A_337 = arith.constant 0 : i32
        %dma_wait3A_338 = tpu.memref_slice %arg8[%dma_wait3A_336, %dma_wait3A_337] : memref<40x64xi32, #tpu.memory_space<vmem>> -> memref<1x64xi32, #tpu.memory_space<vmem>>
        %dma_wait3A_339 = tpu.memref_squeeze %dma_wait3A_338 : memref<1x64xi32, #tpu.memory_space<vmem>> -> memref<64xi32, #tpu.memory_space<vmem>>
        %dma_wait3A_340 = arith.constant 0 : i32
        %dma_wait3A_341 = arith.constant 0 : i32
        %dma_wait3A_342 = tpu.memref_slice %arg6[%dma_wait3A_340, %dma_wait3A_341] : memref<10240x128xf32, #tpu.memory_space<vmem_shared>> -> memref<10240x128xf32, #tpu.memory_space<vmem_shared>>
        tpu.wait_indirect_dma semaphore(%arg18 : memref<!tpu.dma_semaphore, #tpu.memory_space<semaphore_mem>>) src(%arg9 : memref<64x128xf32, #tpu.memory_space<vmem>>) dst(%dma_wait3A_342 : memref<10240x128xf32, #tpu.memory_space<vmem_shared>>)
        %mul3A_343 = arith.constant 4 : i32
        %mul3A_344 = arith.muli %scan3A_266, %mul3A_343 : i32
        %add3A_345 = arith.constant 4 : i32
        %add3A_346 = arith.addi %mul3A_344, %add3A_345 : i32
        %add3A_347 = arith.constant 0 : i32
        %add3A_348 = arith.addi %add3A_346, %add3A_347 : i32
        %dma_start3A_349 = arith.constant 0 : i32
        %dma_start3A_350 = tpu.memref_slice %arg7[%add3A_348, %dma_start3A_349] : memref<40x64xi32, #tpu.memory_space<vmem>> -> memref<1x64xi32, #tpu.memory_space<vmem>>
        %dma_start3A_351 = tpu.memref_squeeze %dma_start3A_350 : memref<1x64xi32, #tpu.memory_space<vmem>> -> memref<64xi32, #tpu.memory_space<vmem>>
        %dma_start3A_352 = arith.constant 0 : i32
        %dma_start3A_353 = arith.constant 0 : i32
        %dma_start3A_354 = tpu.memref_slice %arg2[%dma_start3A_352, %dma_start3A_353] : memref<10000x128xf32, #tpu.memory_space<hbm>> -> memref<10000x128xf32, #tpu.memory_space<hbm>>
        tpu.enqueue_indirect_dma source(%dma_start3A_354 : memref<10000x128xf32, #tpu.memory_space<hbm>>) target(%arg9 : memref<64x128xf32, #tpu.memory_space<vmem>>) offsets(%dma_start3A_351 : memref<64xi32, #tpu.memory_space<vmem>>) semaphore(%arg14 : memref<!tpu.dma_semaphore, #tpu.memory_space<semaphore_mem>>)
        %dma_wait3A_355 = arith.constant 0 : i32
        %dma_wait3A_356 = arith.constant 0 : i32
        %dma_wait3A_357 = tpu.memref_slice %arg8[%dma_wait3A_355, %dma_wait3A_356] : memref<40x64xi32, #tpu.memory_space<vmem>> -> memref<1x64xi32, #tpu.memory_space<vmem>>
        %dma_wait3A_358 = tpu.memref_squeeze %dma_wait3A_357 : memref<1x64xi32, #tpu.memory_space<vmem>> -> memref<64xi32, #tpu.memory_space<vmem>>
        %dma_wait3A_359 = arith.constant 0 : i32
        %dma_wait3A_360 = arith.constant 0 : i32
        %dma_wait3A_361 = tpu.memref_slice %arg6[%dma_wait3A_359, %dma_wait3A_360] : memref<10240x128xf32, #tpu.memory_space<vmem_shared>> -> memref<10240x128xf32, #tpu.memory_space<vmem_shared>>
        tpu.wait_indirect_dma semaphore(%arg19 : memref<!tpu.dma_semaphore, #tpu.memory_space<semaphore_mem>>) src(%arg10 : memref<64x128xf32, #tpu.memory_space<vmem>>) dst(%dma_wait3A_361 : memref<10240x128xf32, #tpu.memory_space<vmem_shared>>)
        %mul3A_362 = arith.constant 4 : i32
        %mul3A_363 = arith.muli %scan3A_266, %mul3A_362 : i32
        %add3A_364 = arith.constant 4 : i32
        %add3A_365 = arith.addi %mul3A_363, %add3A_364 : i32
        %add3A_366 = arith.constant 1 : i32
        %add3A_367 = arith.addi %add3A_365, %add3A_366 : i32
        %dma_start3A_368 = arith.constant 0 : i32
        %dma_start3A_369 = tpu.memref_slice %arg7[%add3A_367, %dma_start3A_368] : memref<40x64xi32, #tpu.memory_space<vmem>> -> memref<1x64xi32, #tpu.memory_space<vmem>>
        %dma_start3A_370 = tpu.memref_squeeze %dma_start3A_369 : memref<1x64xi32, #tpu.memory_space<vmem>> -> memref<64xi32, #tpu.memory_space<vmem>>
        %dma_start3A_371 = arith.constant 0 : i32
        %dma_start3A_372 = arith.constant 0 : i32
        %dma_start3A_373 = tpu.memref_slice %arg2[%dma_start3A_371, %dma_start3A_372] : memref<10000x128xf32, #tpu.memory_space<hbm>> -> memref<10000x128xf32, #tpu.memory_space<hbm>>
        tpu.enqueue_indirect_dma source(%dma_start3A_373 : memref<10000x128xf32, #tpu.memory_space<hbm>>) target(%arg10 : memref<64x128xf32, #tpu.memory_space<vmem>>) offsets(%dma_start3A_370 : memref<64xi32, #tpu.memory_space<vmem>>) semaphore(%arg15 : memref<!tpu.dma_semaphore, #tpu.memory_space<semaphore_mem>>)
        %dma_wait3A_374 = arith.constant 0 : i32
        %dma_wait3A_375 = arith.constant 0 : i32
        %dma_wait3A_376 = tpu.memref_slice %arg8[%dma_wait3A_374, %dma_wait3A_375] : memref<40x64xi32, #tpu.memory_space<vmem>> -> memref<1x64xi32, #tpu.memory_space<vmem>>
        %dma_wait3A_377 = tpu.memref_squeeze %dma_wait3A_376 : memref<1x64xi32, #tpu.memory_space<vmem>> -> memref<64xi32, #tpu.memory_space<vmem>>
        %dma_wait3A_378 = arith.constant 0 : i32
        %dma_wait3A_379 = arith.constant 0 : i32
        %dma_wait3A_380 = tpu.memref_slice %arg6[%dma_wait3A_378, %dma_wait3A_379] : memref<10240x128xf32, #tpu.memory_space<vmem_shared>> -> memref<10240x128xf32, #tpu.memory_space<vmem_shared>>
        tpu.wait_indirect_dma semaphore(%arg20 : memref<!tpu.dma_semaphore, #tpu.memory_space<semaphore_mem>>) src(%arg11 : memref<64x128xf32, #tpu.memory_space<vmem>>) dst(%dma_wait3A_380 : memref<10240x128xf32, #tpu.memory_space<vmem_shared>>)
        %mul3A_381 = arith.constant 4 : i32
        %mul3A_382 = arith.muli %scan3A_266, %mul3A_381 : i32
        %add3A_383 = arith.constant 4 : i32
        %add3A_384 = arith.addi %mul3A_382, %add3A_383 : i32
        %add3A_385 = arith.constant 2 : i32
        %add3A_386 = arith.addi %add3A_384, %add3A_385 : i32
        %dma_start3A_387 = arith.constant 0 : i32
        %dma_start3A_388 = tpu.memref_slice %arg7[%add3A_386, %dma_start3A_387] : memref<40x64xi32, #tpu.memory_space<vmem>> -> memref<1x64xi32, #tpu.memory_space<vmem>>
        %dma_start3A_389 = tpu.memref_squeeze %dma_start3A_388 : memref<1x64xi32, #tpu.memory_space<vmem>> -> memref<64xi32, #tpu.memory_space<vmem>>
        %dma_start3A_390 = arith.constant 0 : i32
        %dma_start3A_391 = arith.constant 0 : i32
        %dma_start3A_392 = tpu.memref_slice %arg2[%dma_start3A_390, %dma_start3A_391] : memref<10000x128xf32, #tpu.memory_space<hbm>> -> memref<10000x128xf32, #tpu.memory_space<hbm>>
        tpu.enqueue_indirect_dma source(%dma_start3A_392 : memref<10000x128xf32, #tpu.memory_space<hbm>>) target(%arg11 : memref<64x128xf32, #tpu.memory_space<vmem>>) offsets(%dma_start3A_389 : memref<64xi32, #tpu.memory_space<vmem>>) semaphore(%arg16 : memref<!tpu.dma_semaphore, #tpu.memory_space<semaphore_mem>>)
        %dma_wait3A_393 = arith.constant 0 : i32
        %dma_wait3A_394 = arith.constant 0 : i32
        %dma_wait3A_395 = tpu.memref_slice %arg8[%dma_wait3A_393, %dma_wait3A_394] : memref<40x64xi32, #tpu.memory_space<vmem>> -> memref<1x64xi32, #tpu.memory_space<vmem>>
        %dma_wait3A_396 = tpu.memref_squeeze %dma_wait3A_395 : memref<1x64xi32, #tpu.memory_space<vmem>> -> memref<64xi32, #tpu.memory_space<vmem>>
        %dma_wait3A_397 = arith.constant 0 : i32
        %dma_wait3A_398 = arith.constant 0 : i32
        %dma_wait3A_399 = tpu.memref_slice %arg6[%dma_wait3A_397, %dma_wait3A_398] : memref<10240x128xf32, #tpu.memory_space<vmem_shared>> -> memref<10240x128xf32, #tpu.memory_space<vmem_shared>>
        tpu.wait_indirect_dma semaphore(%arg21 : memref<!tpu.dma_semaphore, #tpu.memory_space<semaphore_mem>>) src(%arg12 : memref<64x128xf32, #tpu.memory_space<vmem>>) dst(%dma_wait3A_399 : memref<10240x128xf32, #tpu.memory_space<vmem_shared>>)
        %mul3A_400 = arith.constant 4 : i32
        %mul3A_401 = arith.muli %scan3A_266, %mul3A_400 : i32
        %add3A_402 = arith.constant 4 : i32
        %add3A_403 = arith.addi %mul3A_401, %add3A_402 : i32
        %add3A_404 = arith.constant 3 : i32
        %add3A_405 = arith.addi %add3A_403, %add3A_404 : i32
        %dma_start3A_406 = arith.constant 0 : i32
        %dma_start3A_407 = tpu.memref_slice %arg7[%add3A_405, %dma_start3A_406] : memref<40x64xi32, #tpu.memory_space<vmem>> -> memref<1x64xi32, #tpu.memory_space<vmem>>
        %dma_start3A_408 = tpu.memref_squeeze %dma_start3A_407 : memref<1x64xi32, #tpu.memory_space<vmem>> -> memref<64xi32, #tpu.memory_space<vmem>>
        %dma_start3A_409 = arith.constant 0 : i32
        %dma_start3A_410 = arith.constant 0 : i32
        %dma_start3A_411 = tpu.memref_slice %arg2[%dma_start3A_409, %dma_start3A_410] : memref<10000x128xf32, #tpu.memory_space<hbm>> -> memref<10000x128xf32, #tpu.memory_space<hbm>>
        tpu.enqueue_indirect_dma source(%dma_start3A_411 : memref<10000x128xf32, #tpu.memory_space<hbm>>) target(%arg12 : memref<64x128xf32, #tpu.memory_space<vmem>>) offsets(%dma_start3A_408 : memref<64xi32, #tpu.memory_space<vmem>>) semaphore(%arg17 : memref<!tpu.dma_semaphore, #tpu.memory_space<semaphore_mem>>)
        %scan3A_412 = arith.constant 0 : i32
        scf.yield %scan3A_412 : i32
      }
      %scan3A_208 = arith.constant 9 : i32
      %dma_wait3A_209 = arith.constant 0 : i32
      %dma_wait3A_210 = arith.constant 0 : i32
      %dma_wait3A_211 = tpu.memref_slice %arg7[%dma_wait3A_209, %dma_wait3A_210] : memref<40x64xi32, #tpu.memory_space<vmem>> -> memref<1x64xi32, #tpu.memory_space<vmem>>
      %dma_wait3A_212 = tpu.memref_squeeze %dma_wait3A_211 : memref<1x64xi32, #tpu.memory_space<vmem>> -> memref<64xi32, #tpu.memory_space<vmem>>
      %dma_wait3A_213 = arith.constant 0 : i32
      %dma_wait3A_214 = arith.constant 0 : i32
      %dma_wait3A_215 = tpu.memref_slice %arg2[%dma_wait3A_213, %dma_wait3A_214] : memref<10000x128xf32, #tpu.memory_space<hbm>> -> memref<10000x128xf32, #tpu.memory_space<hbm>>
      tpu.wait_indirect_dma semaphore(%arg14 : memref<!tpu.dma_semaphore, #tpu.memory_space<semaphore_mem>>) src(%dma_wait3A_215 : memref<10000x128xf32, #tpu.memory_space<hbm>>) dst(%arg9 : memref<64x128xf32, #tpu.memory_space<vmem>>)
      %dma_start3A_216 = arith.constant 36 : i32
      %dma_start3A_217 = arith.constant 0 : i32
      %dma_start3A_218 = tpu.memref_slice %arg8[%dma_start3A_216, %dma_start3A_217] : memref<40x64xi32, #tpu.memory_space<vmem>> -> memref<1x64xi32, #tpu.memory_space<vmem>>
      %dma_start3A_219 = tpu.memref_squeeze %dma_start3A_218 : memref<1x64xi32, #tpu.memory_space<vmem>> -> memref<64xi32, #tpu.memory_space<vmem>>
      %dma_start3A_220 = arith.constant 0 : i32
      %dma_start3A_221 = arith.constant 0 : i32
      %dma_start3A_222 = tpu.memref_slice %arg6[%dma_start3A_220, %dma_start3A_221] : memref<10240x128xf32, #tpu.memory_space<vmem_shared>> -> memref<10240x128xf32, #tpu.memory_space<vmem_shared>>
      tpu.enqueue_indirect_dma source(%arg9 : memref<64x128xf32, #tpu.memory_space<vmem>>) target(%dma_start3A_222 : memref<10240x128xf32, #tpu.memory_space<vmem_shared>>) offsets(%dma_start3A_219 : memref<64xi32, #tpu.memory_space<vmem>>) semaphore(%arg18 : memref<!tpu.dma_semaphore, #tpu.memory_space<semaphore_mem>>) {add = true}
      %dma_wait3A_223 = arith.constant 0 : i32
      %dma_wait3A_224 = arith.constant 0 : i32
      %dma_wait3A_225 = tpu.memref_slice %arg7[%dma_wait3A_223, %dma_wait3A_224] : memref<40x64xi32, #tpu.memory_space<vmem>> -> memref<1x64xi32, #tpu.memory_space<vmem>>
      %dma_wait3A_226 = tpu.memref_squeeze %dma_wait3A_225 : memref<1x64xi32, #tpu.memory_space<vmem>> -> memref<64xi32, #tpu.memory_space<vmem>>
      %dma_wait3A_227 = arith.constant 0 : i32
      %dma_wait3A_228 = arith.constant 0 : i32
      %dma_wait3A_229 = tpu.memref_slice %arg2[%dma_wait3A_227, %dma_wait3A_228] : memref<10000x128xf32, #tpu.memory_space<hbm>> -> memref<10000x128xf32, #tpu.memory_space<hbm>>
      tpu.wait_indirect_dma semaphore(%arg15 : memref<!tpu.dma_semaphore, #tpu.memory_space<semaphore_mem>>) src(%dma_wait3A_229 : memref<10000x128xf32, #tpu.memory_space<hbm>>) dst(%arg10 : memref<64x128xf32, #tpu.memory_space<vmem>>)
      %dma_start3A_230 = arith.constant 37 : i32
      %dma_start3A_231 = arith.constant 0 : i32
      %dma_start3A_232 = tpu.memref_slice %arg8[%dma_start3A_230, %dma_start3A_231] : memref<40x64xi32, #tpu.memory_space<vmem>> -> memref<1x64xi32, #tpu.memory_space<vmem>>
      %dma_start3A_233 = tpu.memref_squeeze %dma_start3A_232 : memref<1x64xi32, #tpu.memory_space<vmem>> -> memref<64xi32, #tpu.memory_space<vmem>>
      %dma_start3A_234 = arith.constant 0 : i32
      %dma_start3A_235 = arith.constant 0 : i32
      %dma_start3A_236 = tpu.memref_slice %arg6[%dma_start3A_234, %dma_start3A_235] : memref<10240x128xf32, #tpu.memory_space<vmem_shared>> -> memref<10240x128xf32, #tpu.memory_space<vmem_shared>>
      tpu.enqueue_indirect_dma source(%arg10 : memref<64x128xf32, #tpu.memory_space<vmem>>) target(%dma_start3A_236 : memref<10240x128xf32, #tpu.memory_space<vmem_shared>>) offsets(%dma_start3A_233 : memref<64xi32, #tpu.memory_space<vmem>>) semaphore(%arg19 : memref<!tpu.dma_semaphore, #tpu.memory_space<semaphore_mem>>) {add = true}
      %dma_wait3A_237 = arith.constant 0 : i32
      %dma_wait3A_238 = arith.constant 0 : i32
      %dma_wait3A_239 = tpu.memref_slice %arg7[%dma_wait3A_237, %dma_wait3A_238] : memref<40x64xi32, #tpu.memory_space<vmem>> -> memref<1x64xi32, #tpu.memory_space<vmem>>
      %dma_wait3A_240 = tpu.memref_squeeze %dma_wait3A_239 : memref<1x64xi32, #tpu.memory_space<vmem>> -> memref<64xi32, #tpu.memory_space<vmem>>
      %dma_wait3A_241 = arith.constant 0 : i32
      %dma_wait3A_242 = arith.constant 0 : i32
      %dma_wait3A_243 = tpu.memref_slice %arg2[%dma_wait3A_241, %dma_wait3A_242] : memref<10000x128xf32, #tpu.memory_space<hbm>> -> memref<10000x128xf32, #tpu.memory_space<hbm>>
      tpu.wait_indirect_dma semaphore(%arg16 : memref<!tpu.dma_semaphore, #tpu.memory_space<semaphore_mem>>) src(%dma_wait3A_243 : memref<10000x128xf32, #tpu.memory_space<hbm>>) dst(%arg11 : memref<64x128xf32, #tpu.memory_space<vmem>>)
      %dma_start3A_244 = arith.constant 38 : i32
      %dma_start3A_245 = arith.constant 0 : i32
      %dma_start3A_246 = tpu.memref_slice %arg8[%dma_start3A_244, %dma_start3A_245] : memref<40x64xi32, #tpu.memory_space<vmem>> -> memref<1x64xi32, #tpu.memory_space<vmem>>
      %dma_start3A_247 = tpu.memref_squeeze %dma_start3A_246 : memref<1x64xi32, #tpu.memory_space<vmem>> -> memref<64xi32, #tpu.memory_space<vmem>>
      %dma_start3A_248 = arith.constant 0 : i32
      %dma_start3A_249 = arith.constant 0 : i32
      %dma_start3A_250 = tpu.memref_slice %arg6[%dma_start3A_248, %dma_start3A_249] : memref<10240x128xf32, #tpu.memory_space<vmem_shared>> -> memref<10240x128xf32, #tpu.memory_space<vmem_shared>>
      tpu.enqueue_indirect_dma source(%arg11 : memref<64x128xf32, #tpu.memory_space<vmem>>) target(%dma_start3A_250 : memref<10240x128xf32, #tpu.memory_space<vmem_shared>>) offsets(%dma_start3A_247 : memref<64xi32, #tpu.memory_space<vmem>>) semaphore(%arg20 : memref<!tpu.dma_semaphore, #tpu.memory_space<semaphore_mem>>) {add = true}
      %dma_wait3A_251 = arith.constant 0 : i32
      %dma_wait3A_252 = arith.constant 0 : i32
      %dma_wait3A_253 = tpu.memref_slice %arg7[%dma_wait3A_251, %dma_wait3A_252] : memref<40x64xi32, #tpu.memory_space<vmem>> -> memref<1x64xi32, #tpu.memory_space<vmem>>
      %dma_wait3A_254 = tpu.memref_squeeze %dma_wait3A_253 : memref<1x64xi32, #tpu.memory_space<vmem>> -> memref<64xi32, #tpu.memory_space<vmem>>
      %dma_wait3A_255 = arith.constant 0 : i32
      %dma_wait3A_256 = arith.constant 0 : i32
      %dma_wait3A_257 = tpu.memref_slice %arg2[%dma_wait3A_255, %dma_wait3A_256] : memref<10000x128xf32, #tpu.memory_space<hbm>> -> memref<10000x128xf32, #tpu.memory_space<hbm>>
      tpu.wait_indirect_dma semaphore(%arg17 : memref<!tpu.dma_semaphore, #tpu.memory_space<semaphore_mem>>) src(%dma_wait3A_257 : memref<10000x128xf32, #tpu.memory_space<hbm>>) dst(%arg12 : memref<64x128xf32, #tpu.memory_space<vmem>>)
      %dma_start3A_258 = arith.constant 39 : i32
      %dma_start3A_259 = arith.constant 0 : i32
      %dma_start3A_260 = tpu.memref_slice %arg8[%dma_start3A_258, %dma_start3A_259] : memref<40x64xi32, #tpu.memory_space<vmem>> -> memref<1x64xi32, #tpu.memory_space<vmem>>
      %dma_start3A_261 = tpu.memref_squeeze %dma_start3A_260 : memref<1x64xi32, #tpu.memory_space<vmem>> -> memref<64xi32, #tpu.memory_space<vmem>>
      %dma_start3A_262 = arith.constant 0 : i32
      %dma_start3A_263 = arith.constant 0 : i32
      %dma_start3A_264 = tpu.memref_slice %arg6[%dma_start3A_262, %dma_start3A_263] : memref<10240x128xf32, #tpu.memory_space<vmem_shared>> -> memref<10240x128xf32, #tpu.memory_space<vmem_shared>>
      tpu.enqueue_indirect_dma source(%arg12 : memref<64x128xf32, #tpu.memory_space<vmem>>) target(%dma_start3A_264 : memref<10240x128xf32, #tpu.memory_space<vmem_shared>>) offsets(%dma_start3A_261 : memref<64xi32, #tpu.memory_space<vmem>>) semaphore(%arg21 : memref<!tpu.dma_semaphore, #tpu.memory_space<semaphore_mem>>) {add = true}
      %scan3A_265 = arith.constant 0 : i32
      scf.yield %scan3A_265 : i32
    }
    %scan3A_110 = arith.constant 3 : i32
    %dma_wait3A_111 = arith.constant 0 : i32
    %dma_wait3A_112 = arith.constant 0 : i32
    %dma_wait3A_113 = tpu.memref_slice %arg8[%dma_wait3A_111, %dma_wait3A_112] : memref<40x64xi32, #tpu.memory_space<vmem>> -> memref<1x64xi32, #tpu.memory_space<vmem>>
    %dma_wait3A_114 = tpu.memref_squeeze %dma_wait3A_113 : memref<1x64xi32, #tpu.memory_space<vmem>> -> memref<64xi32, #tpu.memory_space<vmem>>
    %dma_wait3A_115 = arith.constant 0 : i32
    %dma_wait3A_116 = arith.constant 0 : i32
    %dma_wait3A_117 = tpu.memref_slice %arg6[%dma_wait3A_115, %dma_wait3A_116] : memref<10240x128xf32, #tpu.memory_space<vmem_shared>> -> memref<10240x128xf32, #tpu.memory_space<vmem_shared>>
    tpu.wait_indirect_dma semaphore(%arg18 : memref<!tpu.dma_semaphore, #tpu.memory_space<semaphore_mem>>) src(%arg9 : memref<64x128xf32, #tpu.memory_space<vmem>>) dst(%dma_wait3A_117 : memref<10240x128xf32, #tpu.memory_space<vmem_shared>>)
    %dma_wait3A_118 = arith.constant 0 : i32
    %dma_wait3A_119 = arith.constant 0 : i32
    %dma_wait3A_120 = tpu.memref_slice %arg8[%dma_wait3A_118, %dma_wait3A_119] : memref<40x64xi32, #tpu.memory_space<vmem>> -> memref<1x64xi32, #tpu.memory_space<vmem>>
    %dma_wait3A_121 = tpu.memref_squeeze %dma_wait3A_120 : memref<1x64xi32, #tpu.memory_space<vmem>> -> memref<64xi32, #tpu.memory_space<vmem>>
    %dma_wait3A_122 = arith.constant 0 : i32
    %dma_wait3A_123 = arith.constant 0 : i32
    %dma_wait3A_124 = tpu.memref_slice %arg6[%dma_wait3A_122, %dma_wait3A_123] : memref<10240x128xf32, #tpu.memory_space<vmem_shared>> -> memref<10240x128xf32, #tpu.memory_space<vmem_shared>>
    tpu.wait_indirect_dma semaphore(%arg19 : memref<!tpu.dma_semaphore, #tpu.memory_space<semaphore_mem>>) src(%arg10 : memref<64x128xf32, #tpu.memory_space<vmem>>) dst(%dma_wait3A_124 : memref<10240x128xf32, #tpu.memory_space<vmem_shared>>)
    %dma_wait3A_125 = arith.constant 0 : i32
    %dma_wait3A_126 = arith.constant 0 : i32
    %dma_wait3A_127 = tpu.memref_slice %arg8[%dma_wait3A_125, %dma_wait3A_126] : memref<40x64xi32, #tpu.memory_space<vmem>> -> memref<1x64xi32, #tpu.memory_space<vmem>>
    %dma_wait3A_128 = tpu.memref_squeeze %dma_wait3A_127 : memref<1x64xi32, #tpu.memory_space<vmem>> -> memref<64xi32, #tpu.memory_space<vmem>>
    %dma_wait3A_129 = arith.constant 0 : i32
    %dma_wait3A_130 = arith.constant 0 : i32
    %dma_wait3A_131 = tpu.memref_slice %arg6[%dma_wait3A_129, %dma_wait3A_130] : memref<10240x128xf32, #tpu.memory_space<vmem_shared>> -> memref<10240x128xf32, #tpu.memory_space<vmem_shared>>
    tpu.wait_indirect_dma semaphore(%arg20 : memref<!tpu.dma_semaphore, #tpu.memory_space<semaphore_mem>>) src(%arg11 : memref<64x128xf32, #tpu.memory_space<vmem>>) dst(%dma_wait3A_131 : memref<10240x128xf32, #tpu.memory_space<vmem_shared>>)
    %dma_wait3A_132 = arith.constant 0 : i32
    %dma_wait3A_133 = arith.constant 0 : i32
    %dma_wait3A_134 = tpu.memref_slice %arg8[%dma_wait3A_132, %dma_wait3A_133] : memref<40x64xi32, #tpu.memory_space<vmem>> -> memref<1x64xi32, #tpu.memory_space<vmem>>
    %dma_wait3A_135 = tpu.memref_squeeze %dma_wait3A_134 : memref<1x64xi32, #tpu.memory_space<vmem>> -> memref<64xi32, #tpu.memory_space<vmem>>
    %dma_wait3A_136 = arith.constant 0 : i32
    %dma_wait3A_137 = arith.constant 0 : i32
    %dma_wait3A_138 = tpu.memref_slice %arg6[%dma_wait3A_136, %dma_wait3A_137] : memref<10240x128xf32, #tpu.memory_space<vmem_shared>> -> memref<10240x128xf32, #tpu.memory_space<vmem_shared>>
    tpu.wait_indirect_dma semaphore(%arg21 : memref<!tpu.dma_semaphore, #tpu.memory_space<semaphore_mem>>) src(%arg12 : memref<64x128xf32, #tpu.memory_space<vmem>>) dst(%dma_wait3A_138 : memref<10240x128xf32, #tpu.memory_space<vmem_shared>>)
    %barrier3A_139 = arith.constant 0 : index
    tpu.barrier barrier_id(%barrier3A_139)
    %mul3A_140 = arith.constant 640 : i32
    %mul3A_141 = arith.muli %arg1, %mul3A_140 : i32
    %mul3A_142 = arith.constant 640 : i32
    %mul3A_143 = arith.muli %arg1, %mul3A_142 : i32
    "tpu.region"() ({
      %run_scoped3A_144 = tpu.sem_alloc : memref<!tpu.dma_semaphore, #tpu.memory_space<semaphore_mem>>
      %dma_start3A_145 = arith.constant 0 : i32
      %dma_start3A_146 = tpu.memref_slice %arg5[%arg0, %mul3A_143, %dma_start3A_145] : memref<2x10240x128xf32, #tpu.memory_space<hbm>> -> memref<1x640x128xf32, #tpu.memory_space<hbm>>
      %dma_start3A_147 = tpu.memref_squeeze %dma_start3A_146 : memref<1x640x128xf32, #tpu.memory_space<hbm>> -> memref<640x128xf32, #tpu.memory_space<hbm>>
      %dma_start3A_148 = arith.constant 0 : i32
      %dma_start3A_149 = tpu.memref_slice %arg6[%mul3A_141, %dma_start3A_148] : memref<10240x128xf32, #tpu.memory_space<vmem_shared>> -> memref<640x128xf32, #tpu.memory_space<vmem_shared>>
      tpu.enqueue_dma source(%dma_start3A_149 : memref<640x128xf32, #tpu.memory_space<vmem_shared>>) target(%dma_start3A_147 : memref<640x128xf32, #tpu.memory_space<hbm>>) target_semaphore(%run_scoped3A_144 : memref<!tpu.dma_semaphore, #tpu.memory_space<semaphore_mem>>)
      %dma_wait3A_150 = arith.constant 0 : i32
      %dma_wait3A_151 = tpu.memref_slice %arg5[%arg0, %mul3A_143, %dma_wait3A_150] : memref<2x10240x128xf32, #tpu.memory_space<hbm>> -> memref<1x640x128xf32, #tpu.memory_space<hbm>>
      %dma_wait3A_152 = tpu.memref_squeeze %dma_wait3A_151 : memref<1x640x128xf32, #tpu.memory_space<hbm>> -> memref<640x128xf32, #tpu.memory_space<hbm>>
      %dma_wait3A_153 = arith.constant 0 : i32
      %dma_wait3A_154 = tpu.memref_slice %arg6[%mul3A_141, %dma_wait3A_153] : memref<10240x128xf32, #tpu.memory_space<vmem_shared>> -> memref<640x128xf32, #tpu.memory_space<vmem_shared>>
      tpu.wait_dma2 semaphore(%run_scoped3A_144 : memref<!tpu.dma_semaphore, #tpu.memory_space<semaphore_mem>>) src(%dma_wait3A_154 : memref<640x128xf32, #tpu.memory_space<vmem_shared>>) dst(%dma_wait3A_152 : memref<640x128xf32, #tpu.memory_space<hbm>>)
      tpu.yield
    }) : () -> ()
    return
  }
}

#map = affine_map<(d0, d1) -> (0, 0)>
#map1 = affine_map<(d0, d1) -> (0, 0, 0, 0)>
#map2 = affine_map<(d0, d1) -> (0, 0, 0)>
module attributes {stable_mosaic.version = 14 : i64} {
  func.func @_sc_scatter(%arg0: i32, %arg1: i32, %arg2: memref<10000x128xf32, #tpu.memory_space<hbm>>, %arg3: memref<32x4x40x64xi32, #tpu.memory_space<hbm>>, %arg4: memref<32x4x40x64xi32, #tpu.memory_space<hbm>>, %arg5: memref<2x10240x128xf32, #tpu.memory_space<hbm>>, %arg6: memref<10240x128xf32, #tpu.memory_space<vmem_shared>>, %arg7: memref<40x64xi32, #tpu.memory_space<vmem>>, %arg8: memref<40x64xi32, #tpu.memory_space<vmem>>, %arg9: memref<64x128xf32, #tpu.memory_space<vmem>>, %arg10: memref<64x128xf32, #tpu.memory_space<vmem>>, %arg11: memref<64x128xf32, #tpu.memory_space<vmem>>, %arg12: memref<64x128xf32, #tpu.memory_space<vmem>>, %arg13: memref<16x128xf32, #tpu.memory_space<vmem>>, %arg14: memref<!tpu.dma_semaphore, #tpu.memory_space<semaphore_mem>>, %arg15: memref<!tpu.dma_semaphore, #tpu.memory_space<semaphore_mem>>, %arg16: memref<!tpu.dma_semaphore, #tpu.memory_space<semaphore_mem>>, %arg17: memref<!tpu.dma_semaphore, #tpu.memory_space<semaphore_mem>>, %arg18: memref<!tpu.dma_semaphore, #tpu.memory_space<semaphore_mem>>, %arg19: memref<!tpu.dma_semaphore, #tpu.memory_space<semaphore_mem>>, %arg20: memref<!tpu.dma_semaphore, #tpu.memory_space<semaphore_mem>>, %arg21: memref<!tpu.dma_semaphore, #tpu.memory_space<semaphore_mem>>) attributes {dimension_semantics = [#tpu.dimension_semantics<core_parallel>, #tpu.dimension_semantics<subcore_parallel>], iteration_bounds = array<i64: 2, 16>, scalar_prefetch = 0 : i64, scratch_operands = 16 : i64, tpu.core_type = #tpu.core_type<sc_vector_subcore>, window_params = [{transform_indices = #map}, {transform_indices = #map1}, {transform_indices = #map1}, {transform_indices = #map2}]} {
    %mul3A = arith.constant 16 : i32
    %mul3A_0 = arith.muli %arg0, %mul3A : i32
    %add3A = arith.addi %mul3A_0, %arg1 : i32
    %run_scoped3A = arith.constant 0 : i32
    "tpu.region"() ({
      %run_scoped3A_144 = tpu.sem_alloc : memref<!tpu.dma_semaphore, #tpu.memory_space<semaphore_mem>>
      %dma_start3A_145 = arith.constant 0 : i32
      %dma_start3A_146 = arith.constant 0 : i32
      %dma_start3A_147 = tpu.memref_slice %arg3[%add3A, %run_scoped3A, %dma_start3A_145, %dma_start3A_146] : memref<32x4x40x64xi32, #tpu.memory_space<hbm>> -> memref<1x1x40x64xi32, #tpu.memory_space<hbm>>
      %dma_start3A_148 = tpu.memref_squeeze %dma_start3A_147 : memref<1x1x40x64xi32, #tpu.memory_space<hbm>> -> memref<40x64xi32, #tpu.memory_space<hbm>>
      %dma_start3A_149 = arith.constant 0 : i32
      %dma_start3A_150 = arith.constant 0 : i32
      %dma_start3A_151 = tpu.memref_slice %arg3[%add3A, %run_scoped3A, %dma_start3A_149, %dma_start3A_150] : memref<32x4x40x64xi32, #tpu.memory_space<hbm>> -> memref<1x1x40x64xi32, #tpu.memory_space<hbm>>
      %dma_start3A_152 = tpu.memref_squeeze %dma_start3A_151 : memref<1x1x40x64xi32, #tpu.memory_space<hbm>> -> memref<40x64xi32, #tpu.memory_space<hbm>>
      tpu.enqueue_dma source(%dma_start3A_152 : memref<40x64xi32, #tpu.memory_space<hbm>>) target(%arg7 : memref<40x64xi32, #tpu.memory_space<vmem>>) target_semaphore(%run_scoped3A_144 : memref<!tpu.dma_semaphore, #tpu.memory_space<semaphore_mem>>)
      %dma_wait3A_153 = arith.constant 0 : i32
      %dma_wait3A_154 = arith.constant 0 : i32
      %dma_wait3A_155 = tpu.memref_slice %arg3[%add3A, %run_scoped3A, %dma_wait3A_153, %dma_wait3A_154] : memref<32x4x40x64xi32, #tpu.memory_space<hbm>> -> memref<1x1x40x64xi32, #tpu.memory_space<hbm>>
      %dma_wait3A_156 = tpu.memref_squeeze %dma_wait3A_155 : memref<1x1x40x64xi32, #tpu.memory_space<hbm>> -> memref<40x64xi32, #tpu.memory_space<hbm>>
      %dma_wait3A_157 = arith.constant 0 : i32
      %dma_wait3A_158 = arith.constant 0 : i32
      %dma_wait3A_159 = tpu.memref_slice %arg3[%add3A, %run_scoped3A, %dma_wait3A_157, %dma_wait3A_158] : memref<32x4x40x64xi32, #tpu.memory_space<hbm>> -> memref<1x1x40x64xi32, #tpu.memory_space<hbm>>
      %dma_wait3A_160 = tpu.memref_squeeze %dma_wait3A_159 : memref<1x1x40x64xi32, #tpu.memory_space<hbm>> -> memref<40x64xi32, #tpu.memory_space<hbm>>
      tpu.wait_dma2 semaphore(%run_scoped3A_144 : memref<!tpu.dma_semaphore, #tpu.memory_space<semaphore_mem>>) src(%dma_wait3A_160 : memref<40x64xi32, #tpu.memory_space<hbm>>) dst(%arg7 : memref<40x64xi32, #tpu.memory_space<vmem>>)
      tpu.yield
    }) : () -> ()
    %run_scoped3A_1 = arith.constant 0 : i32
    "tpu.region"() ({
      %run_scoped3A_144 = tpu.sem_alloc : memref<!tpu.dma_semaphore, #tpu.memory_space<semaphore_mem>>
      %dma_start3A_145 = arith.constant 0 : i32
      %dma_start3A_146 = arith.constant 0 : i32
      %dma_start3A_147 = tpu.memref_slice %arg4[%add3A, %run_scoped3A_1, %dma_start3A_145, %dma_start3A_146] : memref<32x4x40x64xi32, #tpu.memory_space<hbm>> -> memref<1x1x40x64xi32, #tpu.memory_space<hbm>>
      %dma_start3A_148 = tpu.memref_squeeze %dma_start3A_147 : memref<1x1x40x64xi32, #tpu.memory_space<hbm>> -> memref<40x64xi32, #tpu.memory_space<hbm>>
      %dma_start3A_149 = arith.constant 0 : i32
      %dma_start3A_150 = arith.constant 0 : i32
      %dma_start3A_151 = tpu.memref_slice %arg4[%add3A, %run_scoped3A_1, %dma_start3A_149, %dma_start3A_150] : memref<32x4x40x64xi32, #tpu.memory_space<hbm>> -> memref<1x1x40x64xi32, #tpu.memory_space<hbm>>
      %dma_start3A_152 = tpu.memref_squeeze %dma_start3A_151 : memref<1x1x40x64xi32, #tpu.memory_space<hbm>> -> memref<40x64xi32, #tpu.memory_space<hbm>>
      tpu.enqueue_dma source(%dma_start3A_152 : memref<40x64xi32, #tpu.memory_space<hbm>>) target(%arg8 : memref<40x64xi32, #tpu.memory_space<vmem>>) target_semaphore(%run_scoped3A_144 : memref<!tpu.dma_semaphore, #tpu.memory_space<semaphore_mem>>)
      %dma_wait3A_153 = arith.constant 0 : i32
      %dma_wait3A_154 = arith.constant 0 : i32
      %dma_wait3A_155 = tpu.memref_slice %arg4[%add3A, %run_scoped3A_1, %dma_wait3A_153, %dma_wait3A_154] : memref<32x4x40x64xi32, #tpu.memory_space<hbm>> -> memref<1x1x40x64xi32, #tpu.memory_space<hbm>>
      %dma_wait3A_156 = tpu.memref_squeeze %dma_wait3A_155 : memref<1x1x40x64xi32, #tpu.memory_space<hbm>> -> memref<40x64xi32, #tpu.memory_space<hbm>>
      %dma_wait3A_157 = arith.constant 0 : i32
      %dma_wait3A_158 = arith.constant 0 : i32
      %dma_wait3A_159 = tpu.memref_slice %arg4[%add3A, %run_scoped3A_1, %dma_wait3A_157, %dma_wait3A_158] : memref<32x4x40x64xi32, #tpu.memory_space<hbm>> -> memref<1x1x40x64xi32, #tpu.memory_space<hbm>>
      %dma_wait3A_160 = tpu.memref_squeeze %dma_wait3A_159 : memref<1x1x40x64xi32, #tpu.memory_space<hbm>> -> memref<40x64xi32, #tpu.memory_space<hbm>>
      tpu.wait_dma2 semaphore(%run_scoped3A_144 : memref<!tpu.dma_semaphore, #tpu.memory_space<semaphore_mem>>) src(%dma_wait3A_160 : memref<40x64xi32, #tpu.memory_space<hbm>>) dst(%arg8 : memref<40x64xi32, #tpu.memory_space<vmem>>)
      tpu.yield
    }) : () -> ()
    %dma_start3A = arith.constant 0 : i32
    %dma_start3A_2 = arith.constant 0 : i32
    %dma_start3A_3 = tpu.memref_slice %arg7[%dma_start3A, %dma_start3A_2] : memref<40x64xi32, #tpu.memory_space<vmem>> -> memref<1x64xi32, #tpu.memory_space<vmem>>
    %dma_start3A_4 = tpu.memref_squeeze %dma_start3A_3 : memref<1x64xi32, #tpu.memory_space<vmem>> -> memref<64xi32, #tpu.memory_space<vmem>>
    %dma_start3A_5 = arith.constant 0 : i32
    %dma_start3A_6 = arith.constant 0 : i32
    %dma_start3A_7 = tpu.memref_slice %arg2[%dma_start3A_5, %dma_start3A_6] : memref<10000x128xf32, #tpu.memory_space<hbm>> -> memref<10000x128xf32, #tpu.memory_space<hbm>>
    tpu.enqueue_indirect_dma source(%dma_start3A_7 : memref<10000x128xf32, #tpu.memory_space<hbm>>) target(%arg9 : memref<64x128xf32, #tpu.memory_space<vmem>>) offsets(%dma_start3A_4 : memref<64xi32, #tpu.memory_space<vmem>>) semaphore(%arg14 : memref<!tpu.dma_semaphore, #tpu.memory_space<semaphore_mem>>)
    %dma_start3A_8 = arith.constant 1 : i32
    %dma_start3A_9 = arith.constant 0 : i32
    %dma_start3A_10 = tpu.memref_slice %arg7[%dma_start3A_8, %dma_start3A_9] : memref<40x64xi32, #tpu.memory_space<vmem>> -> memref<1x64xi32, #tpu.memory_space<vmem>>
    %dma_start3A_11 = tpu.memref_squeeze %dma_start3A_10 : memref<1x64xi32, #tpu.memory_space<vmem>> -> memref<64xi32, #tpu.memory_space<vmem>>
    %dma_start3A_12 = arith.constant 0 : i32
    %dma_start3A_13 = arith.constant 0 : i32
    %dma_start3A_14 = tpu.memref_slice %arg2[%dma_start3A_12, %dma_start3A_13] : memref<10000x128xf32, #tpu.memory_space<hbm>> -> memref<10000x128xf32, #tpu.memory_space<hbm>>
    tpu.enqueue_indirect_dma source(%dma_start3A_14 : memref<10000x128xf32, #tpu.memory_space<hbm>>) target(%arg10 : memref<64x128xf32, #tpu.memory_space<vmem>>) offsets(%dma_start3A_11 : memref<64xi32, #tpu.memory_space<vmem>>) semaphore(%arg15 : memref<!tpu.dma_semaphore, #tpu.memory_space<semaphore_mem>>)
    %dma_start3A_15 = arith.constant 2 : i32
    %dma_start3A_16 = arith.constant 0 : i32
    %dma_start3A_17 = tpu.memref_slice %arg7[%dma_start3A_15, %dma_start3A_16] : memref<40x64xi32, #tpu.memory_space<vmem>> -> memref<1x64xi32, #tpu.memory_space<vmem>>
    %dma_start3A_18 = tpu.memref_squeeze %dma_start3A_17 : memref<1x64xi32, #tpu.memory_space<vmem>> -> memref<64xi32, #tpu.memory_space<vmem>>
    %dma_start3A_19 = arith.constant 0 : i32
    %dma_start3A_20 = arith.constant 0 : i32
    %dma_start3A_21 = tpu.memref_slice %arg2[%dma_start3A_19, %dma_start3A_20] : memref<10000x128xf32, #tpu.memory_space<hbm>> -> memref<10000x128xf32, #tpu.memory_space<hbm>>
    tpu.enqueue_indirect_dma source(%dma_start3A_21 : memref<10000x128xf32, #tpu.memory_space<hbm>>) target(%arg11 : memref<64x128xf32, #tpu.memory_space<vmem>>) offsets(%dma_start3A_18 : memref<64xi32, #tpu.memory_space<vmem>>) semaphore(%arg16 : memref<!tpu.dma_semaphore, #tpu.memory_space<semaphore_mem>>)
    %dma_start3A_22 = arith.constant 3 : i32
    %dma_start3A_23 = arith.constant 0 : i32
    %dma_start3A_24 = tpu.memref_slice %arg7[%dma_start3A_22, %dma_start3A_23] : memref<40x64xi32, #tpu.memory_space<vmem>> -> memref<1x64xi32, #tpu.memory_space<vmem>>
    %dma_start3A_25 = tpu.memref_squeeze %dma_start3A_24 : memref<1x64xi32, #tpu.memory_space<vmem>> -> memref<64xi32, #tpu.memory_space<vmem>>
    %dma_start3A_26 = arith.constant 0 : i32
    %dma_start3A_27 = arith.constant 0 : i32
    %dma_start3A_28 = tpu.memref_slice %arg2[%dma_start3A_26, %dma_start3A_27] : memref<10000x128xf32, #tpu.memory_space<hbm>> -> memref<10000x128xf32, #tpu.memory_space<hbm>>
    tpu.enqueue_indirect_dma source(%dma_start3A_28 : memref<10000x128xf32, #tpu.memory_space<hbm>>) target(%arg12 : memref<64x128xf32, #tpu.memory_space<vmem>>) offsets(%dma_start3A_25 : memref<64xi32, #tpu.memory_space<vmem>>) semaphore(%arg17 : memref<!tpu.dma_semaphore, #tpu.memory_space<semaphore_mem>>)
    %scan3A = arith.constant 0 : i32
    %scan3A_29 = arith.constant 0 : i32
    %scan3A_30 = arith.constant 128 : i32
    %scan3A_31 = arith.addi %scan3A_29, %scan3A_30 : i32
    %scan3A_32 = arith.constant 1 : i32
    %scan3A_33 = scf.for %scan3A_144 = %scan3A_29 to %scan3A_31 step %scan3A_32 iter_args(%scan3A_145 = %scan3A) -> (i32)  : i32 {
      %broadcast_in_dim3A = arith.constant 0.000000e+00 : f32
      %broadcast_in_dim3A_146 = vector.broadcast %broadcast_in_dim3A : f32 to vector<16xf32>
      %jit3A = arith.constant 8 : i32
      %div3A = arith.divsi %scan3A_144, %jit3A : i32
      %sign3A = arith.constant 0 : i32
      %sign3A_147 = arith.cmpi sgt, %scan3A_144, %sign3A : i32
      %sign3A_148 = arith.extui %sign3A_147 : i1 to i32
      %sign3A_149 = arith.constant 0 : i32
      %sign3A_150 = arith.cmpi slt, %scan3A_144, %sign3A_149 : i32
      %sign3A_151 = arith.extui %sign3A_150 : i1 to i32
      %sign3A_152 = arith.subi %sign3A_148, %sign3A_151 : i32
      %sign3A_153 = arith.constant 0 : i32
      %sign3A_154 = arith.cmpi sgt, %jit3A, %sign3A_153 : i32
      %sign3A_155 = arith.extui %sign3A_154 : i1 to i32
      %sign3A_156 = arith.constant 0 : i32
      %sign3A_157 = arith.cmpi slt, %jit3A, %sign3A_156 : i32
      %sign3A_158 = arith.extui %sign3A_157 : i1 to i32
      %sign3A_159 = arith.subi %sign3A_155, %sign3A_158 : i32
      %ne3A = arith.cmpi ne, %sign3A_152, %sign3A_159 : i32
      %rem3A = arith.remsi %scan3A_144, %jit3A : i32
      %ne3A_160 = arith.constant 0 : i32
      %ne3A_161 = arith.cmpi ne, %rem3A, %ne3A_160 : i32
      %and3A = arith.andi %ne3A, %ne3A_161 : i1
      %sub3A = arith.constant 1 : i32
      %sub3A_162 = arith.subi %div3A, %sub3A : i32
      %select_n3A = arith.select %and3A, %sub3A_162, %div3A : i32
      %jit3A_163 = arith.constant 8 : i32
      %eq3A = arith.constant 0 : i32
      %eq3A_164 = arith.cmpi eq, %jit3A_163, %eq3A : i32
      %jit3A_165 = arith.constant 1 : i32
      %select_n3A_166 = arith.select %eq3A_164, %jit3A_165, %jit3A_163 : i32
      %rem3A_167 = arith.remsi %scan3A_144, %select_n3A_166 : i32
      %ne3A_168 = arith.constant 0 : i32
      %ne3A_169 = arith.cmpi ne, %rem3A_167, %ne3A_168 : i32
      %lt3A = arith.constant 0 : i32
      %lt3A_170 = arith.cmpi slt, %rem3A_167, %lt3A : i32
      %lt3A_171 = arith.constant 0 : i32
      %lt3A_172 = arith.cmpi slt, %select_n3A_166, %lt3A_171 : i32
      %ne3A_173 = arith.xori %lt3A_170, %lt3A_172 : i1
      %and3A_174 = arith.andi %ne3A_173, %ne3A_169 : i1
      %add3A_175 = arith.addi %rem3A_167, %select_n3A_166 : i32
      %select_n3A_176 = arith.select %and3A_174, %add3A_175, %rem3A_167 : i32
      %mul3A_177 = arith.constant 16 : i32
      %mul3A_178 = arith.muli %select_n3A_176, %mul3A_177 : i32
      %swap3A = arith.index_cast %select_n3A : i32 to index
      %swap3A_179 = arith.index_cast %mul3A_178 : i32 to index
      %swap3A_180 = tpu.vector_load %arg13[%swap3A, %swap3A_179] {strides = array<i32>} : memref<16x128xf32, #tpu.memory_space<vmem>>, vector<1x16xf32>,
      %swap3A_181 = vector.shape_cast %swap3A_180 : vector<1x16xf32> to vector<16xf32>
      %swap3A_182 = vector.shape_cast %broadcast_in_dim3A_146 : vector<16xf32> to vector<1x16xf32>
      tpu.vector_store %arg13[%swap3A, %swap3A_179], %swap3A_182 {strides = array<i32>} : memref<16x128xf32, #tpu.memory_space<vmem>>, vector<1x16xf32>,
      %scan3A_183 = arith.constant 0 : i32
      scf.yield %scan3A_183 : i32
    }
    %scan3A_34 = arith.constant 128 : i32
    %scan3A_35 = arith.constant 0 : i32
    %scan3A_36 = arith.constant 0 : i32
    %scan3A_37 = arith.constant 40 : i32
    %scan3A_38 = arith.addi %scan3A_36, %scan3A_37 : i32
    %scan3A_39 = arith.constant 1 : i32
    %scan3A_40 = scf.for %scan3A_144 = %scan3A_36 to %scan3A_38 step %scan3A_39 iter_args(%scan3A_145 = %scan3A_35) -> (i32)  : i32 {
      %mul3A_146 = arith.constant 640 : i32
      %mul3A_147 = arith.muli %arg1, %mul3A_146 : i32
      %mul3A_148 = arith.constant 16 : i32
      %mul3A_149 = arith.muli %scan3A_144, %mul3A_148 : i32
      %add3A_150 = arith.addi %mul3A_147, %mul3A_149 : i32
      "tpu.region"() ({
        %run_scoped3A_152 = tpu.sem_alloc : memref<!tpu.dma_semaphore, #tpu.memory_space<semaphore_mem>>
        %dma_start3A_153 = arith.constant 0 : i32
        %dma_start3A_154 = tpu.memref_slice %arg6[%add3A_150, %dma_start3A_153] : memref<10240x128xf32, #tpu.memory_space<vmem_shared>> -> memref<16x128xf32, #tpu.memory_space<vmem_shared>>
        %dma_start3A_155 = arith.constant 0 : i32
        %dma_start3A_156 = tpu.memref_slice %arg6[%add3A_150, %dma_start3A_155] : memref<10240x128xf32, #tpu.memory_space<vmem_shared>> -> memref<16x128xf32, #tpu.memory_space<vmem_shared>>
        tpu.enqueue_dma source(%arg13 : memref<16x128xf32, #tpu.memory_space<vmem>>) target(%dma_start3A_156 : memref<16x128xf32, #tpu.memory_space<vmem_shared>>) target_semaphore(%run_scoped3A_152 : memref<!tpu.dma_semaphore, #tpu.memory_space<semaphore_mem>>)
        %dma_wait3A_157 = arith.constant 0 : i32
        %dma_wait3A_158 = tpu.memref_slice %arg6[%add3A_150, %dma_wait3A_157] : memref<10240x128xf32, #tpu.memory_space<vmem_shared>> -> memref<16x128xf32, #tpu.memory_space<vmem_shared>>
        %dma_wait3A_159 = arith.constant 0 : i32
        %dma_wait3A_160 = tpu.memref_slice %arg6[%add3A_150, %dma_wait3A_159] : memref<10240x128xf32, #tpu.memory_space<vmem_shared>> -> memref<16x128xf32, #tpu.memory_space<vmem_shared>>
        tpu.wait_dma2 semaphore(%run_scoped3A_152 : memref<!tpu.dma_semaphore, #tpu.memory_space<semaphore_mem>>) src(%arg13 : memref<16x128xf32, #tpu.memory_space<vmem>>) dst(%dma_wait3A_160 : memref<16x128xf32, #tpu.memory_space<vmem_shared>>)
        tpu.yield
      }) : () -> ()
      %scan3A_151 = arith.constant 0 : i32
      scf.yield %scan3A_151 : i32
    }
    %scan3A_41 = arith.constant 40 : i32
    %barrier3A = arith.constant 0 : index
    tpu.barrier barrier_id(%barrier3A)
    %scan3A_42 = arith.constant 0 : i32
    %scan3A_43 = arith.constant 0 : i32
    %scan3A_44 = arith.constant 9 : i32
    %scan3A_45 = arith.addi %scan3A_43, %scan3A_44 : i32
    %scan3A_46 = arith.constant 1 : i32
    %scan3A_47 = scf.for %scan3A_144 = %scan3A_43 to %scan3A_45 step %scan3A_46 iter_args(%scan3A_145 = %scan3A_42) -> (i32)  : i32 {
      %dma_wait3A_146 = arith.constant 0 : i32
      %dma_wait3A_147 = arith.constant 0 : i32
      %dma_wait3A_148 = tpu.memref_slice %arg7[%dma_wait3A_146, %dma_wait3A_147] : memref<40x64xi32, #tpu.memory_space<vmem>> -> memref<1x64xi32, #tpu.memory_space<vmem>>
      %dma_wait3A_149 = tpu.memref_squeeze %dma_wait3A_148 : memref<1x64xi32, #tpu.memory_space<vmem>> -> memref<64xi32, #tpu.memory_space<vmem>>
      %dma_wait3A_150 = arith.constant 0 : i32
      %dma_wait3A_151 = arith.constant 0 : i32
      %dma_wait3A_152 = tpu.memref_slice %arg2[%dma_wait3A_150, %dma_wait3A_151] : memref<10000x128xf32, #tpu.memory_space<hbm>> -> memref<10000x128xf32, #tpu.memory_space<hbm>>
      tpu.wait_indirect_dma semaphore(%arg14 : memref<!tpu.dma_semaphore, #tpu.memory_space<semaphore_mem>>) src(%dma_wait3A_152 : memref<10000x128xf32, #tpu.memory_space<hbm>>) dst(%arg9 : memref<64x128xf32, #tpu.memory_space<vmem>>)
      %mul3A_153 = arith.constant 4 : i32
      %mul3A_154 = arith.muli %scan3A_144, %mul3A_153 : i32
      %add3A_155 = arith.constant 0 : i32
      %add3A_156 = arith.addi %mul3A_154, %add3A_155 : i32
      %dma_start3A_157 = arith.constant 0 : i32
      %dma_start3A_158 = tpu.memref_slice %arg8[%add3A_156, %dma_start3A_157] : memref<40x64xi32, #tpu.memory_space<vmem>> -> memref<1x64xi32, #tpu.memory_space<vmem>>
      %dma_start3A_159 = tpu.memref_squeeze %dma_start3A_158 : memref<1x64xi32, #tpu.memory_space<vmem>> -> memref<64xi32, #tpu.memory_space<vmem>>
      %dma_start3A_160 = arith.constant 0 : i32
      %dma_start3A_161 = arith.constant 0 : i32
      %dma_start3A_162 = tpu.memref_slice %arg6[%dma_start3A_160, %dma_start3A_161] : memref<10240x128xf32, #tpu.memory_space<vmem_shared>> -> memref<10240x128xf32, #tpu.memory_space<vmem_shared>>
      tpu.enqueue_indirect_dma source(%arg9 : memref<64x128xf32, #tpu.memory_space<vmem>>) target(%dma_start3A_162 : memref<10240x128xf32, #tpu.memory_space<vmem_shared>>) offsets(%dma_start3A_159 : memref<64xi32, #tpu.memory_space<vmem>>) semaphore(%arg18 : memref<!tpu.dma_semaphore, #tpu.memory_space<semaphore_mem>>) {add = true}
      %dma_wait3A_163 = arith.constant 0 : i32
      %dma_wait3A_164 = arith.constant 0 : i32
      %dma_wait3A_165 = tpu.memref_slice %arg7[%dma_wait3A_163, %dma_wait3A_164] : memref<40x64xi32, #tpu.memory_space<vmem>> -> memref<1x64xi32, #tpu.memory_space<vmem>>
      %dma_wait3A_166 = tpu.memref_squeeze %dma_wait3A_165 : memref<1x64xi32, #tpu.memory_space<vmem>> -> memref<64xi32, #tpu.memory_space<vmem>>
      %dma_wait3A_167 = arith.constant 0 : i32
      %dma_wait3A_168 = arith.constant 0 : i32
      %dma_wait3A_169 = tpu.memref_slice %arg2[%dma_wait3A_167, %dma_wait3A_168] : memref<10000x128xf32, #tpu.memory_space<hbm>> -> memref<10000x128xf32, #tpu.memory_space<hbm>>
      tpu.wait_indirect_dma semaphore(%arg15 : memref<!tpu.dma_semaphore, #tpu.memory_space<semaphore_mem>>) src(%dma_wait3A_169 : memref<10000x128xf32, #tpu.memory_space<hbm>>) dst(%arg10 : memref<64x128xf32, #tpu.memory_space<vmem>>)
      %mul3A_170 = arith.constant 4 : i32
      %mul3A_171 = arith.muli %scan3A_144, %mul3A_170 : i32
      %add3A_172 = arith.constant 1 : i32
      %add3A_173 = arith.addi %mul3A_171, %add3A_172 : i32
      %dma_start3A_174 = arith.constant 0 : i32
      %dma_start3A_175 = tpu.memref_slice %arg8[%add3A_173, %dma_start3A_174] : memref<40x64xi32, #tpu.memory_space<vmem>> -> memref<1x64xi32, #tpu.memory_space<vmem>>
      %dma_start3A_176 = tpu.memref_squeeze %dma_start3A_175 : memref<1x64xi32, #tpu.memory_space<vmem>> -> memref<64xi32, #tpu.memory_space<vmem>>
      %dma_start3A_177 = arith.constant 0 : i32
      %dma_start3A_178 = arith.constant 0 : i32
      %dma_start3A_179 = tpu.memref_slice %arg6[%dma_start3A_177, %dma_start3A_178] : memref<10240x128xf32, #tpu.memory_space<vmem_shared>> -> memref<10240x128xf32, #tpu.memory_space<vmem_shared>>
      tpu.enqueue_indirect_dma source(%arg10 : memref<64x128xf32, #tpu.memory_space<vmem>>) target(%dma_start3A_179 : memref<10240x128xf32, #tpu.memory_space<vmem_shared>>) offsets(%dma_start3A_176 : memref<64xi32, #tpu.memory_space<vmem>>) semaphore(%arg19 : memref<!tpu.dma_semaphore, #tpu.memory_space<semaphore_mem>>) {add = true}
      %dma_wait3A_180 = arith.constant 0 : i32
      %dma_wait3A_181 = arith.constant 0 : i32
      %dma_wait3A_182 = tpu.memref_slice %arg7[%dma_wait3A_180, %dma_wait3A_181] : memref<40x64xi32, #tpu.memory_space<vmem>> -> memref<1x64xi32, #tpu.memory_space<vmem>>
      %dma_wait3A_183 = tpu.memref_squeeze %dma_wait3A_182 : memref<1x64xi32, #tpu.memory_space<vmem>> -> memref<64xi32, #tpu.memory_space<vmem>>
      %dma_wait3A_184 = arith.constant 0 : i32
      %dma_wait3A_185 = arith.constant 0 : i32
      %dma_wait3A_186 = tpu.memref_slice %arg2[%dma_wait3A_184, %dma_wait3A_185] : memref<10000x128xf32, #tpu.memory_space<hbm>> -> memref<10000x128xf32, #tpu.memory_space<hbm>>
      tpu.wait_indirect_dma semaphore(%arg16 : memref<!tpu.dma_semaphore, #tpu.memory_space<semaphore_mem>>) src(%dma_wait3A_186 : memref<10000x128xf32, #tpu.memory_space<hbm>>) dst(%arg11 : memref<64x128xf32, #tpu.memory_space<vmem>>)
      %mul3A_187 = arith.constant 4 : i32
      %mul3A_188 = arith.muli %scan3A_144, %mul3A_187 : i32
      %add3A_189 = arith.constant 2 : i32
      %add3A_190 = arith.addi %mul3A_188, %add3A_189 : i32
      %dma_start3A_191 = arith.constant 0 : i32
      %dma_start3A_192 = tpu.memref_slice %arg8[%add3A_190, %dma_start3A_191] : memref<40x64xi32, #tpu.memory_space<vmem>> -> memref<1x64xi32, #tpu.memory_space<vmem>>
      %dma_start3A_193 = tpu.memref_squeeze %dma_start3A_192 : memref<1x64xi32, #tpu.memory_space<vmem>> -> memref<64xi32, #tpu.memory_space<vmem>>
      %dma_start3A_194 = arith.constant 0 : i32
      %dma_start3A_195 = arith.constant 0 : i32
      %dma_start3A_196 = tpu.memref_slice %arg6[%dma_start3A_194, %dma_start3A_195] : memref<10240x128xf32, #tpu.memory_space<vmem_shared>> -> memref<10240x128xf32, #tpu.memory_space<vmem_shared>>
      tpu.enqueue_indirect_dma source(%arg11 : memref<64x128xf32, #tpu.memory_space<vmem>>) target(%dma_start3A_196 : memref<10240x128xf32, #tpu.memory_space<vmem_shared>>) offsets(%dma_start3A_193 : memref<64xi32, #tpu.memory_space<vmem>>) semaphore(%arg20 : memref<!tpu.dma_semaphore, #tpu.memory_space<semaphore_mem>>) {add = true}
      %dma_wait3A_197 = arith.constant 0 : i32
      %dma_wait3A_198 = arith.constant 0 : i32
      %dma_wait3A_199 = tpu.memref_slice %arg7[%dma_wait3A_197, %dma_wait3A_198] : memref<40x64xi32, #tpu.memory_space<vmem>> -> memref<1x64xi32, #tpu.memory_space<vmem>>
      %dma_wait3A_200 = tpu.memref_squeeze %dma_wait3A_199 : memref<1x64xi32, #tpu.memory_space<vmem>> -> memref<64xi32, #tpu.memory_space<vmem>>
      %dma_wait3A_201 = arith.constant 0 : i32
      %dma_wait3A_202 = arith.constant 0 : i32
      %dma_wait3A_203 = tpu.memref_slice %arg2[%dma_wait3A_201, %dma_wait3A_202] : memref<10000x128xf32, #tpu.memory_space<hbm>> -> memref<10000x128xf32, #tpu.memory_space<hbm>>
      tpu.wait_indirect_dma semaphore(%arg17 : memref<!tpu.dma_semaphore, #tpu.memory_space<semaphore_mem>>) src(%dma_wait3A_203 : memref<10000x128xf32, #tpu.memory_space<hbm>>) dst(%arg12 : memref<64x128xf32, #tpu.memory_space<vmem>>)
      %mul3A_204 = arith.constant 4 : i32
      %mul3A_205 = arith.muli %scan3A_144, %mul3A_204 : i32
      %add3A_206 = arith.constant 3 : i32
      %add3A_207 = arith.addi %mul3A_205, %add3A_206 : i32
      %dma_start3A_208 = arith.constant 0 : i32
      %dma_start3A_209 = tpu.memref_slice %arg8[%add3A_207, %dma_start3A_208] : memref<40x64xi32, #tpu.memory_space<vmem>> -> memref<1x64xi32, #tpu.memory_space<vmem>>
      %dma_start3A_210 = tpu.memref_squeeze %dma_start3A_209 : memref<1x64xi32, #tpu.memory_space<vmem>> -> memref<64xi32, #tpu.memory_space<vmem>>
      %dma_start3A_211 = arith.constant 0 : i32
      %dma_start3A_212 = arith.constant 0 : i32
      %dma_start3A_213 = tpu.memref_slice %arg6[%dma_start3A_211, %dma_start3A_212] : memref<10240x128xf32, #tpu.memory_space<vmem_shared>> -> memref<10240x128xf32, #tpu.memory_space<vmem_shared>>
      tpu.enqueue_indirect_dma source(%arg12 : memref<64x128xf32, #tpu.memory_space<vmem>>) target(%dma_start3A_213 : memref<10240x128xf32, #tpu.memory_space<vmem_shared>>) offsets(%dma_start3A_210 : memref<64xi32, #tpu.memory_space<vmem>>) semaphore(%arg21 : memref<!tpu.dma_semaphore, #tpu.memory_space<semaphore_mem>>) {add = true}
      %dma_wait3A_214 = arith.constant 0 : i32
      %dma_wait3A_215 = arith.constant 0 : i32
      %dma_wait3A_216 = tpu.memref_slice %arg8[%dma_wait3A_214, %dma_wait3A_215] : memref<40x64xi32, #tpu.memory_space<vmem>> -> memref<1x64xi32, #tpu.memory_space<vmem>>
      %dma_wait3A_217 = tpu.memref_squeeze %dma_wait3A_216 : memref<1x64xi32, #tpu.memory_space<vmem>> -> memref<64xi32, #tpu.memory_space<vmem>>
      %dma_wait3A_218 = arith.constant 0 : i32
      %dma_wait3A_219 = arith.constant 0 : i32
      %dma_wait3A_220 = tpu.memref_slice %arg6[%dma_wait3A_218, %dma_wait3A_219] : memref<10240x128xf32, #tpu.memory_space<vmem_shared>> -> memref<10240x128xf32, #tpu.memory_space<vmem_shared>>
      tpu.wait_indirect_dma semaphore(%arg18 : memref<!tpu.dma_semaphore, #tpu.memory_space<semaphore_mem>>) src(%arg9 : memref<64x128xf32, #tpu.memory_space<vmem>>) dst(%dma_wait3A_220 : memref<10240x128xf32, #tpu.memory_space<vmem_shared>>)
      %mul3A_221 = arith.constant 4 : i32
      %mul3A_222 = arith.muli %scan3A_144, %mul3A_221 : i32
      %add3A_223 = arith.constant 4 : i32
      %add3A_224 = arith.addi %mul3A_222, %add3A_223 : i32
      %add3A_225 = arith.constant 0 : i32
      %add3A_226 = arith.addi %add3A_224, %add3A_225 : i32
      %dma_start3A_227 = arith.constant 0 : i32
      %dma_start3A_228 = tpu.memref_slice %arg7[%add3A_226, %dma_start3A_227] : memref<40x64xi32, #tpu.memory_space<vmem>> -> memref<1x64xi32, #tpu.memory_space<vmem>>
      %dma_start3A_229 = tpu.memref_squeeze %dma_start3A_228 : memref<1x64xi32, #tpu.memory_space<vmem>> -> memref<64xi32, #tpu.memory_space<vmem>>
      %dma_start3A_230 = arith.constant 0 : i32
      %dma_start3A_231 = arith.constant 0 : i32
      %dma_start3A_232 = tpu.memref_slice %arg2[%dma_start3A_230, %dma_start3A_231] : memref<10000x128xf32, #tpu.memory_space<hbm>> -> memref<10000x128xf32, #tpu.memory_space<hbm>>
      tpu.enqueue_indirect_dma source(%dma_start3A_232 : memref<10000x128xf32, #tpu.memory_space<hbm>>) target(%arg9 : memref<64x128xf32, #tpu.memory_space<vmem>>) offsets(%dma_start3A_229 : memref<64xi32, #tpu.memory_space<vmem>>) semaphore(%arg14 : memref<!tpu.dma_semaphore, #tpu.memory_space<semaphore_mem>>)
      %dma_wait3A_233 = arith.constant 0 : i32
      %dma_wait3A_234 = arith.constant 0 : i32
      %dma_wait3A_235 = tpu.memref_slice %arg8[%dma_wait3A_233, %dma_wait3A_234] : memref<40x64xi32, #tpu.memory_space<vmem>> -> memref<1x64xi32, #tpu.memory_space<vmem>>
      %dma_wait3A_236 = tpu.memref_squeeze %dma_wait3A_235 : memref<1x64xi32, #tpu.memory_space<vmem>> -> memref<64xi32, #tpu.memory_space<vmem>>
      %dma_wait3A_237 = arith.constant 0 : i32
      %dma_wait3A_238 = arith.constant 0 : i32
      %dma_wait3A_239 = tpu.memref_slice %arg6[%dma_wait3A_237, %dma_wait3A_238] : memref<10240x128xf32, #tpu.memory_space<vmem_shared>> -> memref<10240x128xf32, #tpu.memory_space<vmem_shared>>
      tpu.wait_indirect_dma semaphore(%arg19 : memref<!tpu.dma_semaphore, #tpu.memory_space<semaphore_mem>>) src(%arg10 : memref<64x128xf32, #tpu.memory_space<vmem>>) dst(%dma_wait3A_239 : memref<10240x128xf32, #tpu.memory_space<vmem_shared>>)
      %mul3A_240 = arith.constant 4 : i32
      %mul3A_241 = arith.muli %scan3A_144, %mul3A_240 : i32
      %add3A_242 = arith.constant 4 : i32
      %add3A_243 = arith.addi %mul3A_241, %add3A_242 : i32
      %add3A_244 = arith.constant 1 : i32
      %add3A_245 = arith.addi %add3A_243, %add3A_244 : i32
      %dma_start3A_246 = arith.constant 0 : i32
      %dma_start3A_247 = tpu.memref_slice %arg7[%add3A_245, %dma_start3A_246] : memref<40x64xi32, #tpu.memory_space<vmem>> -> memref<1x64xi32, #tpu.memory_space<vmem>>
      %dma_start3A_248 = tpu.memref_squeeze %dma_start3A_247 : memref<1x64xi32, #tpu.memory_space<vmem>> -> memref<64xi32, #tpu.memory_space<vmem>>
      %dma_start3A_249 = arith.constant 0 : i32
      %dma_start3A_250 = arith.constant 0 : i32
      %dma_start3A_251 = tpu.memref_slice %arg2[%dma_start3A_249, %dma_start3A_250] : memref<10000x128xf32, #tpu.memory_space<hbm>> -> memref<10000x128xf32, #tpu.memory_space<hbm>>
      tpu.enqueue_indirect_dma source(%dma_start3A_251 : memref<10000x128xf32, #tpu.memory_space<hbm>>) target(%arg10 : memref<64x128xf32, #tpu.memory_space<vmem>>) offsets(%dma_start3A_248 : memref<64xi32, #tpu.memory_space<vmem>>) semaphore(%arg15 : memref<!tpu.dma_semaphore, #tpu.memory_space<semaphore_mem>>)
      %dma_wait3A_252 = arith.constant 0 : i32
      %dma_wait3A_253 = arith.constant 0 : i32
      %dma_wait3A_254 = tpu.memref_slice %arg8[%dma_wait3A_252, %dma_wait3A_253] : memref<40x64xi32, #tpu.memory_space<vmem>> -> memref<1x64xi32, #tpu.memory_space<vmem>>
      %dma_wait3A_255 = tpu.memref_squeeze %dma_wait3A_254 : memref<1x64xi32, #tpu.memory_space<vmem>> -> memref<64xi32, #tpu.memory_space<vmem>>
      %dma_wait3A_256 = arith.constant 0 : i32
      %dma_wait3A_257 = arith.constant 0 : i32
      %dma_wait3A_258 = tpu.memref_slice %arg6[%dma_wait3A_256, %dma_wait3A_257] : memref<10240x128xf32, #tpu.memory_space<vmem_shared>> -> memref<10240x128xf32, #tpu.memory_space<vmem_shared>>
      tpu.wait_indirect_dma semaphore(%arg20 : memref<!tpu.dma_semaphore, #tpu.memory_space<semaphore_mem>>) src(%arg11 : memref<64x128xf32, #tpu.memory_space<vmem>>) dst(%dma_wait3A_258 : memref<10240x128xf32, #tpu.memory_space<vmem_shared>>)
      %mul3A_259 = arith.constant 4 : i32
      %mul3A_260 = arith.muli %scan3A_144, %mul3A_259 : i32
      %add3A_261 = arith.constant 4 : i32
      %add3A_262 = arith.addi %mul3A_260, %add3A_261 : i32
      %add3A_263 = arith.constant 2 : i32
      %add3A_264 = arith.addi %add3A_262, %add3A_263 : i32
      %dma_start3A_265 = arith.constant 0 : i32
      %dma_start3A_266 = tpu.memref_slice %arg7[%add3A_264, %dma_start3A_265] : memref<40x64xi32, #tpu.memory_space<vmem>> -> memref<1x64xi32, #tpu.memory_space<vmem>>
      %dma_start3A_267 = tpu.memref_squeeze %dma_start3A_266 : memref<1x64xi32, #tpu.memory_space<vmem>> -> memref<64xi32, #tpu.memory_space<vmem>>
      %dma_start3A_268 = arith.constant 0 : i32
      %dma_start3A_269 = arith.constant 0 : i32
      %dma_start3A_270 = tpu.memref_slice %arg2[%dma_start3A_268, %dma_start3A_269] : memref<10000x128xf32, #tpu.memory_space<hbm>> -> memref<10000x128xf32, #tpu.memory_space<hbm>>
      tpu.enqueue_indirect_dma source(%dma_start3A_270 : memref<10000x128xf32, #tpu.memory_space<hbm>>) target(%arg11 : memref<64x128xf32, #tpu.memory_space<vmem>>) offsets(%dma_start3A_267 : memref<64xi32, #tpu.memory_space<vmem>>) semaphore(%arg16 : memref<!tpu.dma_semaphore, #tpu.memory_space<semaphore_mem>>)
      %dma_wait3A_271 = arith.constant 0 : i32
      %dma_wait3A_272 = arith.constant 0 : i32
      %dma_wait3A_273 = tpu.memref_slice %arg8[%dma_wait3A_271, %dma_wait3A_272] : memref<40x64xi32, #tpu.memory_space<vmem>> -> memref<1x64xi32, #tpu.memory_space<vmem>>
      %dma_wait3A_274 = tpu.memref_squeeze %dma_wait3A_273 : memref<1x64xi32, #tpu.memory_space<vmem>> -> memref<64xi32, #tpu.memory_space<vmem>>
      %dma_wait3A_275 = arith.constant 0 : i32
      %dma_wait3A_276 = arith.constant 0 : i32
      %dma_wait3A_277 = tpu.memref_slice %arg6[%dma_wait3A_275, %dma_wait3A_276] : memref<10240x128xf32, #tpu.memory_space<vmem_shared>> -> memref<10240x128xf32, #tpu.memory_space<vmem_shared>>
      tpu.wait_indirect_dma semaphore(%arg21 : memref<!tpu.dma_semaphore, #tpu.memory_space<semaphore_mem>>) src(%arg12 : memref<64x128xf32, #tpu.memory_space<vmem>>) dst(%dma_wait3A_277 : memref<10240x128xf32, #tpu.memory_space<vmem_shared>>)
      %mul3A_278 = arith.constant 4 : i32
      %mul3A_279 = arith.muli %scan3A_144, %mul3A_278 : i32
      %add3A_280 = arith.constant 4 : i32
      %add3A_281 = arith.addi %mul3A_279, %add3A_280 : i32
      %add3A_282 = arith.constant 3 : i32
      %add3A_283 = arith.addi %add3A_281, %add3A_282 : i32
      %dma_start3A_284 = arith.constant 0 : i32
      %dma_start3A_285 = tpu.memref_slice %arg7[%add3A_283, %dma_start3A_284] : memref<40x64xi32, #tpu.memory_space<vmem>> -> memref<1x64xi32, #tpu.memory_space<vmem>>
      %dma_start3A_286 = tpu.memref_squeeze %dma_start3A_285 : memref<1x64xi32, #tpu.memory_space<vmem>> -> memref<64xi32, #tpu.memory_space<vmem>>
      %dma_start3A_287 = arith.constant 0 : i32
      %dma_start3A_288 = arith.constant 0 : i32
      %dma_start3A_289 = tpu.memref_slice %arg2[%dma_start3A_287, %dma_start3A_288] : memref<10000x128xf32, #tpu.memory_space<hbm>> -> memref<10000x128xf32, #tpu.memory_space<hbm>>
      tpu.enqueue_indirect_dma source(%dma_start3A_289 : memref<10000x128xf32, #tpu.memory_space<hbm>>) target(%arg12 : memref<64x128xf32, #tpu.memory_space<vmem>>) offsets(%dma_start3A_286 : memref<64xi32, #tpu.memory_space<vmem>>) semaphore(%arg17 : memref<!tpu.dma_semaphore, #tpu.memory_space<semaphore_mem>>)
      %scan3A_290 = arith.constant 0 : i32
      scf.yield %scan3A_290 : i32
    }
    %scan3A_48 = arith.constant 9 : i32
    %dma_wait3A = arith.constant 0 : i32
    %dma_wait3A_49 = arith.constant 0 : i32
    %dma_wait3A_50 = tpu.memref_slice %arg7[%dma_wait3A, %dma_wait3A_49] : memref<40x64xi32, #tpu.memory_space<vmem>> -> memref<1x64xi32, #tpu.memory_space<vmem>>
    %dma_wait3A_51 = tpu.memref_squeeze %dma_wait3A_50 : memref<1x64xi32, #tpu.memory_space<vmem>> -> memref<64xi32, #tpu.memory_space<vmem>>
    %dma_wait3A_52 = arith.constant 0 : i32
    %dma_wait3A_53 = arith.constant 0 : i32
    %dma_wait3A_54 = tpu.memref_slice %arg2[%dma_wait3A_52, %dma_wait3A_53] : memref<10000x128xf32, #tpu.memory_space<hbm>> -> memref<10000x128xf32, #tpu.memory_space<hbm>>
    tpu.wait_indirect_dma semaphore(%arg14 : memref<!tpu.dma_semaphore, #tpu.memory_space<semaphore_mem>>) src(%dma_wait3A_54 : memref<10000x128xf32, #tpu.memory_space<hbm>>) dst(%arg9 : memref<64x128xf32, #tpu.memory_space<vmem>>)
    %dma_start3A_55 = arith.constant 36 : i32
    %dma_start3A_56 = arith.constant 0 : i32
    %dma_start3A_57 = tpu.memref_slice %arg8[%dma_start3A_55, %dma_start3A_56] : memref<40x64xi32, #tpu.memory_space<vmem>> -> memref<1x64xi32, #tpu.memory_space<vmem>>
    %dma_start3A_58 = tpu.memref_squeeze %dma_start3A_57 : memref<1x64xi32, #tpu.memory_space<vmem>> -> memref<64xi32, #tpu.memory_space<vmem>>
    %dma_start3A_59 = arith.constant 0 : i32
    %dma_start3A_60 = arith.constant 0 : i32
    %dma_start3A_61 = tpu.memref_slice %arg6[%dma_start3A_59, %dma_start3A_60] : memref<10240x128xf32, #tpu.memory_space<vmem_shared>> -> memref<10240x128xf32, #tpu.memory_space<vmem_shared>>
    tpu.enqueue_indirect_dma source(%arg9 : memref<64x128xf32, #tpu.memory_space<vmem>>) target(%dma_start3A_61 : memref<10240x128xf32, #tpu.memory_space<vmem_shared>>) offsets(%dma_start3A_58 : memref<64xi32, #tpu.memory_space<vmem>>) semaphore(%arg18 : memref<!tpu.dma_semaphore, #tpu.memory_space<semaphore_mem>>) {add = true}
    %dma_wait3A_62 = arith.constant 0 : i32
    %dma_wait3A_63 = arith.constant 0 : i32
    %dma_wait3A_64 = tpu.memref_slice %arg7[%dma_wait3A_62, %dma_wait3A_63] : memref<40x64xi32, #tpu.memory_space<vmem>> -> memref<1x64xi32, #tpu.memory_space<vmem>>
    %dma_wait3A_65 = tpu.memref_squeeze %dma_wait3A_64 : memref<1x64xi32, #tpu.memory_space<vmem>> -> memref<64xi32, #tpu.memory_space<vmem>>
    %dma_wait3A_66 = arith.constant 0 : i32
    %dma_wait3A_67 = arith.constant 0 : i32
    %dma_wait3A_68 = tpu.memref_slice %arg2[%dma_wait3A_66, %dma_wait3A_67] : memref<10000x128xf32, #tpu.memory_space<hbm>> -> memref<10000x128xf32, #tpu.memory_space<hbm>>
    tpu.wait_indirect_dma semaphore(%arg15 : memref<!tpu.dma_semaphore, #tpu.memory_space<semaphore_mem>>) src(%dma_wait3A_68 : memref<10000x128xf32, #tpu.memory_space<hbm>>) dst(%arg10 : memref<64x128xf32, #tpu.memory_space<vmem>>)
    %dma_start3A_69 = arith.constant 37 : i32
    %dma_start3A_70 = arith.constant 0 : i32
    %dma_start3A_71 = tpu.memref_slice %arg8[%dma_start3A_69, %dma_start3A_70] : memref<40x64xi32, #tpu.memory_space<vmem>> -> memref<1x64xi32, #tpu.memory_space<vmem>>
    %dma_start3A_72 = tpu.memref_squeeze %dma_start3A_71 : memref<1x64xi32, #tpu.memory_space<vmem>> -> memref<64xi32, #tpu.memory_space<vmem>>
    %dma_start3A_73 = arith.constant 0 : i32
    %dma_start3A_74 = arith.constant 0 : i32
    %dma_start3A_75 = tpu.memref_slice %arg6[%dma_start3A_73, %dma_start3A_74] : memref<10240x128xf32, #tpu.memory_space<vmem_shared>> -> memref<10240x128xf32, #tpu.memory_space<vmem_shared>>
    tpu.enqueue_indirect_dma source(%arg10 : memref<64x128xf32, #tpu.memory_space<vmem>>) target(%dma_start3A_75 : memref<10240x128xf32, #tpu.memory_space<vmem_shared>>) offsets(%dma_start3A_72 : memref<64xi32, #tpu.memory_space<vmem>>) semaphore(%arg19 : memref<!tpu.dma_semaphore, #tpu.memory_space<semaphore_mem>>) {add = true}
    %dma_wait3A_76 = arith.constant 0 : i32
    %dma_wait3A_77 = arith.constant 0 : i32
    %dma_wait3A_78 = tpu.memref_slice %arg7[%dma_wait3A_76, %dma_wait3A_77] : memref<40x64xi32, #tpu.memory_space<vmem>> -> memref<1x64xi32, #tpu.memory_space<vmem>>
    %dma_wait3A_79 = tpu.memref_squeeze %dma_wait3A_78 : memref<1x64xi32, #tpu.memory_space<vmem>> -> memref<64xi32, #tpu.memory_space<vmem>>
    %dma_wait3A_80 = arith.constant 0 : i32
    %dma_wait3A_81 = arith.constant 0 : i32
    %dma_wait3A_82 = tpu.memref_slice %arg2[%dma_wait3A_80, %dma_wait3A_81] : memref<10000x128xf32, #tpu.memory_space<hbm>> -> memref<10000x128xf32, #tpu.memory_space<hbm>>
    tpu.wait_indirect_dma semaphore(%arg16 : memref<!tpu.dma_semaphore, #tpu.memory_space<semaphore_mem>>) src(%dma_wait3A_82 : memref<10000x128xf32, #tpu.memory_space<hbm>>) dst(%arg11 : memref<64x128xf32, #tpu.memory_space<vmem>>)
    %dma_start3A_83 = arith.constant 38 : i32
    %dma_start3A_84 = arith.constant 0 : i32
    %dma_start3A_85 = tpu.memref_slice %arg8[%dma_start3A_83, %dma_start3A_84] : memref<40x64xi32, #tpu.memory_space<vmem>> -> memref<1x64xi32, #tpu.memory_space<vmem>>
    %dma_start3A_86 = tpu.memref_squeeze %dma_start3A_85 : memref<1x64xi32, #tpu.memory_space<vmem>> -> memref<64xi32, #tpu.memory_space<vmem>>
    %dma_start3A_87 = arith.constant 0 : i32
    %dma_start3A_88 = arith.constant 0 : i32
    %dma_start3A_89 = tpu.memref_slice %arg6[%dma_start3A_87, %dma_start3A_88] : memref<10240x128xf32, #tpu.memory_space<vmem_shared>> -> memref<10240x128xf32, #tpu.memory_space<vmem_shared>>
    tpu.enqueue_indirect_dma source(%arg11 : memref<64x128xf32, #tpu.memory_space<vmem>>) target(%dma_start3A_89 : memref<10240x128xf32, #tpu.memory_space<vmem_shared>>) offsets(%dma_start3A_86 : memref<64xi32, #tpu.memory_space<vmem>>) semaphore(%arg20 : memref<!tpu.dma_semaphore, #tpu.memory_space<semaphore_mem>>) {add = true}
    %dma_wait3A_90 = arith.constant 0 : i32
    %dma_wait3A_91 = arith.constant 0 : i32
    %dma_wait3A_92 = tpu.memref_slice %arg7[%dma_wait3A_90, %dma_wait3A_91] : memref<40x64xi32, #tpu.memory_space<vmem>> -> memref<1x64xi32, #tpu.memory_space<vmem>>
    %dma_wait3A_93 = tpu.memref_squeeze %dma_wait3A_92 : memref<1x64xi32, #tpu.memory_space<vmem>> -> memref<64xi32, #tpu.memory_space<vmem>>
    %dma_wait3A_94 = arith.constant 0 : i32
    %dma_wait3A_95 = arith.constant 0 : i32
    %dma_wait3A_96 = tpu.memref_slice %arg2[%dma_wait3A_94, %dma_wait3A_95] : memref<10000x128xf32, #tpu.memory_space<hbm>> -> memref<10000x128xf32, #tpu.memory_space<hbm>>
    tpu.wait_indirect_dma semaphore(%arg17 : memref<!tpu.dma_semaphore, #tpu.memory_space<semaphore_mem>>) src(%dma_wait3A_96 : memref<10000x128xf32, #tpu.memory_space<hbm>>) dst(%arg12 : memref<64x128xf32, #tpu.memory_space<vmem>>)
    %dma_start3A_97 = arith.constant 39 : i32
    %dma_start3A_98 = arith.constant 0 : i32
    %dma_start3A_99 = tpu.memref_slice %arg8[%dma_start3A_97, %dma_start3A_98] : memref<40x64xi32, #tpu.memory_space<vmem>> -> memref<1x64xi32, #tpu.memory_space<vmem>>
    %dma_start3A_100 = tpu.memref_squeeze %dma_start3A_99 : memref<1x64xi32, #tpu.memory_space<vmem>> -> memref<64xi32, #tpu.memory_space<vmem>>
    %dma_start3A_101 = arith.constant 0 : i32
    %dma_start3A_102 = arith.constant 0 : i32
    %dma_start3A_103 = tpu.memref_slice %arg6[%dma_start3A_101, %dma_start3A_102] : memref<10240x128xf32, #tpu.memory_space<vmem_shared>> -> memref<10240x128xf32, #tpu.memory_space<vmem_shared>>
    tpu.enqueue_indirect_dma source(%arg12 : memref<64x128xf32, #tpu.memory_space<vmem>>) target(%dma_start3A_103 : memref<10240x128xf32, #tpu.memory_space<vmem_shared>>) offsets(%dma_start3A_100 : memref<64xi32, #tpu.memory_space<vmem>>) semaphore(%arg21 : memref<!tpu.dma_semaphore, #tpu.memory_space<semaphore_mem>>) {add = true}
    %scan3A_104 = arith.constant 0 : i32
    %scan3A_105 = arith.constant 1 : i32
    %scan3A_106 = arith.constant 3 : i32
    %scan3A_107 = arith.addi %scan3A_105, %scan3A_106 : i32
    %scan3A_108 = arith.constant 1 : i32
    %scan3A_109 = scf.for %scan3A_144 = %scan3A_105 to %scan3A_107 step %scan3A_108 iter_args(%scan3A_145 = %scan3A_104) -> (i32)  : i32 {
      "tpu.region"() ({
        %run_scoped3A_266 = tpu.sem_alloc : memref<!tpu.dma_semaphore, #tpu.memory_space<semaphore_mem>>
        %dma_start3A_267 = arith.constant 0 : i32
        %dma_start3A_268 = arith.constant 0 : i32
        %dma_start3A_269 = tpu.memref_slice %arg3[%add3A, %scan3A_144, %dma_start3A_267, %dma_start3A_268] : memref<32x4x40x64xi32, #tpu.memory_space<hbm>> -> memref<1x1x40x64xi32, #tpu.memory_space<hbm>>
        %dma_start3A_270 = tpu.memref_squeeze %dma_start3A_269 : memref<1x1x40x64xi32, #tpu.memory_space<hbm>> -> memref<40x64xi32, #tpu.memory_space<hbm>>
        %dma_start3A_271 = arith.constant 0 : i32
        %dma_start3A_272 = arith.constant 0 : i32
        %dma_start3A_273 = tpu.memref_slice %arg3[%add3A, %scan3A_144, %dma_start3A_271, %dma_start3A_272] : memref<32x4x40x64xi32, #tpu.memory_space<hbm>> -> memref<1x1x40x64xi32, #tpu.memory_space<hbm>>
        %dma_start3A_274 = tpu.memref_squeeze %dma_start3A_273 : memref<1x1x40x64xi32, #tpu.memory_space<hbm>> -> memref<40x64xi32, #tpu.memory_space<hbm>>
        tpu.enqueue_dma source(%dma_start3A_274 : memref<40x64xi32, #tpu.memory_space<hbm>>) target(%arg7 : memref<40x64xi32, #tpu.memory_space<vmem>>) target_semaphore(%run_scoped3A_266 : memref<!tpu.dma_semaphore, #tpu.memory_space<semaphore_mem>>)
        %dma_wait3A_275 = arith.constant 0 : i32
        %dma_wait3A_276 = arith.constant 0 : i32
        %dma_wait3A_277 = tpu.memref_slice %arg3[%add3A, %scan3A_144, %dma_wait3A_275, %dma_wait3A_276] : memref<32x4x40x64xi32, #tpu.memory_space<hbm>> -> memref<1x1x40x64xi32, #tpu.memory_space<hbm>>
        %dma_wait3A_278 = tpu.memref_squeeze %dma_wait3A_277 : memref<1x1x40x64xi32, #tpu.memory_space<hbm>> -> memref<40x64xi32, #tpu.memory_space<hbm>>
        %dma_wait3A_279 = arith.constant 0 : i32
        %dma_wait3A_280 = arith.constant 0 : i32
        %dma_wait3A_281 = tpu.memref_slice %arg3[%add3A, %scan3A_144, %dma_wait3A_279, %dma_wait3A_280] : memref<32x4x40x64xi32, #tpu.memory_space<hbm>> -> memref<1x1x40x64xi32, #tpu.memory_space<hbm>>
        %dma_wait3A_282 = tpu.memref_squeeze %dma_wait3A_281 : memref<1x1x40x64xi32, #tpu.memory_space<hbm>> -> memref<40x64xi32, #tpu.memory_space<hbm>>
        tpu.wait_dma2 semaphore(%run_scoped3A_266 : memref<!tpu.dma_semaphore, #tpu.memory_space<semaphore_mem>>) src(%dma_wait3A_282 : memref<40x64xi32, #tpu.memory_space<hbm>>) dst(%arg7 : memref<40x64xi32, #tpu.memory_space<vmem>>)
        tpu.yield
      }) : () -> ()
      "tpu.region"() ({
        %run_scoped3A_266 = tpu.sem_alloc : memref<!tpu.dma_semaphore, #tpu.memory_space<semaphore_mem>>
        %dma_start3A_267 = arith.constant 0 : i32
        %dma_start3A_268 = arith.constant 0 : i32
        %dma_start3A_269 = tpu.memref_slice %arg4[%add3A, %scan3A_144, %dma_start3A_267, %dma_start3A_268] : memref<32x4x40x64xi32, #tpu.memory_space<hbm>> -> memref<1x1x40x64xi32, #tpu.memory_space<hbm>>
        %dma_start3A_270 = tpu.memref_squeeze %dma_start3A_269 : memref<1x1x40x64xi32, #tpu.memory_space<hbm>> -> memref<40x64xi32, #tpu.memory_space<hbm>>
        %dma_start3A_271 = arith.constant 0 : i32
        %dma_start3A_272 = arith.constant 0 : i32
        %dma_start3A_273 = tpu.memref_slice %arg4[%add3A, %scan3A_144, %dma_start3A_271, %dma_start3A_272] : memref<32x4x40x64xi32, #tpu.memory_space<hbm>> -> memref<1x1x40x64xi32, #tpu.memory_space<hbm>>
        %dma_start3A_274 = tpu.memref_squeeze %dma_start3A_273 : memref<1x1x40x64xi32, #tpu.memory_space<hbm>> -> memref<40x64xi32, #tpu.memory_space<hbm>>
        tpu.enqueue_dma source(%dma_start3A_274 : memref<40x64xi32, #tpu.memory_space<hbm>>) target(%arg8 : memref<40x64xi32, #tpu.memory_space<vmem>>) target_semaphore(%run_scoped3A_266 : memref<!tpu.dma_semaphore, #tpu.memory_space<semaphore_mem>>)
        %dma_wait3A_275 = arith.constant 0 : i32
        %dma_wait3A_276 = arith.constant 0 : i32
        %dma_wait3A_277 = tpu.memref_slice %arg4[%add3A, %scan3A_144, %dma_wait3A_275, %dma_wait3A_276] : memref<32x4x40x64xi32, #tpu.memory_space<hbm>> -> memref<1x1x40x64xi32, #tpu.memory_space<hbm>>
        %dma_wait3A_278 = tpu.memref_squeeze %dma_wait3A_277 : memref<1x1x40x64xi32, #tpu.memory_space<hbm>> -> memref<40x64xi32, #tpu.memory_space<hbm>>
        %dma_wait3A_279 = arith.constant 0 : i32
        %dma_wait3A_280 = arith.constant 0 : i32
        %dma_wait3A_281 = tpu.memref_slice %arg4[%add3A, %scan3A_144, %dma_wait3A_279, %dma_wait3A_280] : memref<32x4x40x64xi32, #tpu.memory_space<hbm>> -> memref<1x1x40x64xi32, #tpu.memory_space<hbm>>
        %dma_wait3A_282 = tpu.memref_squeeze %dma_wait3A_281 : memref<1x1x40x64xi32, #tpu.memory_space<hbm>> -> memref<40x64xi32, #tpu.memory_space<hbm>>
        tpu.wait_dma2 semaphore(%run_scoped3A_266 : memref<!tpu.dma_semaphore, #tpu.memory_space<semaphore_mem>>) src(%dma_wait3A_282 : memref<40x64xi32, #tpu.memory_space<hbm>>) dst(%arg8 : memref<40x64xi32, #tpu.memory_space<vmem>>)
        tpu.yield
      }) : () -> ()
      %dma_wait3A_146 = arith.constant 0 : i32
      %dma_wait3A_147 = arith.constant 0 : i32
      %dma_wait3A_148 = tpu.memref_slice %arg8[%dma_wait3A_146, %dma_wait3A_147] : memref<40x64xi32, #tpu.memory_space<vmem>> -> memref<1x64xi32, #tpu.memory_space<vmem>>
      %dma_wait3A_149 = tpu.memref_squeeze %dma_wait3A_148 : memref<1x64xi32, #tpu.memory_space<vmem>> -> memref<64xi32, #tpu.memory_space<vmem>>
      %dma_wait3A_150 = arith.constant 0 : i32
      %dma_wait3A_151 = arith.constant 0 : i32
      %dma_wait3A_152 = tpu.memref_slice %arg6[%dma_wait3A_150, %dma_wait3A_151] : memref<10240x128xf32, #tpu.memory_space<vmem_shared>> -> memref<10240x128xf32, #tpu.memory_space<vmem_shared>>
      tpu.wait_indirect_dma semaphore(%arg18 : memref<!tpu.dma_semaphore, #tpu.memory_space<semaphore_mem>>) src(%arg9 : memref<64x128xf32, #tpu.memory_space<vmem>>) dst(%dma_wait3A_152 : memref<10240x128xf32, #tpu.memory_space<vmem_shared>>)
      %dma_start3A_153 = arith.constant 0 : i32
      %dma_start3A_154 = arith.constant 0 : i32
      %dma_start3A_155 = tpu.memref_slice %arg7[%dma_start3A_153, %dma_start3A_154] : memref<40x64xi32, #tpu.memory_space<vmem>> -> memref<1x64xi32, #tpu.memory_space<vmem>>
      %dma_start3A_156 = tpu.memref_squeeze %dma_start3A_155 : memref<1x64xi32, #tpu.memory_space<vmem>> -> memref<64xi32, #tpu.memory_space<vmem>>
      %dma_start3A_157 = arith.constant 0 : i32
      %dma_start3A_158 = arith.constant 0 : i32
      %dma_start3A_159 = tpu.memref_slice %arg2[%dma_start3A_157, %dma_start3A_158] : memref<10000x128xf32, #tpu.memory_space<hbm>> -> memref<10000x128xf32, #tpu.memory_space<hbm>>
      tpu.enqueue_indirect_dma source(%dma_start3A_159 : memref<10000x128xf32, #tpu.memory_space<hbm>>) target(%arg9 : memref<64x128xf32, #tpu.memory_space<vmem>>) offsets(%dma_start3A_156 : memref<64xi32, #tpu.memory_space<vmem>>) semaphore(%arg14 : memref<!tpu.dma_semaphore, #tpu.memory_space<semaphore_mem>>)
      %dma_wait3A_160 = arith.constant 0 : i32
      %dma_wait3A_161 = arith.constant 0 : i32
      %dma_wait3A_162 = tpu.memref_slice %arg8[%dma_wait3A_160, %dma_wait3A_161] : memref<40x64xi32, #tpu.memory_space<vmem>> -> memref<1x64xi32, #tpu.memory_space<vmem>>
      %dma_wait3A_163 = tpu.memref_squeeze %dma_wait3A_162 : memref<1x64xi32, #tpu.memory_space<vmem>> -> memref<64xi32, #tpu.memory_space<vmem>>
      %dma_wait3A_164 = arith.constant 0 : i32
      %dma_wait3A_165 = arith.constant 0 : i32
      %dma_wait3A_166 = tpu.memref_slice %arg6[%dma_wait3A_164, %dma_wait3A_165] : memref<10240x128xf32, #tpu.memory_space<vmem_shared>> -> memref<10240x128xf32, #tpu.memory_space<vmem_shared>>
      tpu.wait_indirect_dma semaphore(%arg19 : memref<!tpu.dma_semaphore, #tpu.memory_space<semaphore_mem>>) src(%arg10 : memref<64x128xf32, #tpu.memory_space<vmem>>) dst(%dma_wait3A_166 : memref<10240x128xf32, #tpu.memory_space<vmem_shared>>)
      %dma_start3A_167 = arith.constant 1 : i32
      %dma_start3A_168 = arith.constant 0 : i32
      %dma_start3A_169 = tpu.memref_slice %arg7[%dma_start3A_167, %dma_start3A_168] : memref<40x64xi32, #tpu.memory_space<vmem>> -> memref<1x64xi32, #tpu.memory_space<vmem>>
      %dma_start3A_170 = tpu.memref_squeeze %dma_start3A_169 : memref<1x64xi32, #tpu.memory_space<vmem>> -> memref<64xi32, #tpu.memory_space<vmem>>
      %dma_start3A_171 = arith.constant 0 : i32
      %dma_start3A_172 = arith.constant 0 : i32
      %dma_start3A_173 = tpu.memref_slice %arg2[%dma_start3A_171, %dma_start3A_172] : memref<10000x128xf32, #tpu.memory_space<hbm>> -> memref<10000x128xf32, #tpu.memory_space<hbm>>
      tpu.enqueue_indirect_dma source(%dma_start3A_173 : memref<10000x128xf32, #tpu.memory_space<hbm>>) target(%arg10 : memref<64x128xf32, #tpu.memory_space<vmem>>) offsets(%dma_start3A_170 : memref<64xi32, #tpu.memory_space<vmem>>) semaphore(%arg15 : memref<!tpu.dma_semaphore, #tpu.memory_space<semaphore_mem>>)
      %dma_wait3A_174 = arith.constant 0 : i32
      %dma_wait3A_175 = arith.constant 0 : i32
      %dma_wait3A_176 = tpu.memref_slice %arg8[%dma_wait3A_174, %dma_wait3A_175] : memref<40x64xi32, #tpu.memory_space<vmem>> -> memref<1x64xi32, #tpu.memory_space<vmem>>
      %dma_wait3A_177 = tpu.memref_squeeze %dma_wait3A_176 : memref<1x64xi32, #tpu.memory_space<vmem>> -> memref<64xi32, #tpu.memory_space<vmem>>
      %dma_wait3A_178 = arith.constant 0 : i32
      %dma_wait3A_179 = arith.constant 0 : i32
      %dma_wait3A_180 = tpu.memref_slice %arg6[%dma_wait3A_178, %dma_wait3A_179] : memref<10240x128xf32, #tpu.memory_space<vmem_shared>> -> memref<10240x128xf32, #tpu.memory_space<vmem_shared>>
      tpu.wait_indirect_dma semaphore(%arg20 : memref<!tpu.dma_semaphore, #tpu.memory_space<semaphore_mem>>) src(%arg11 : memref<64x128xf32, #tpu.memory_space<vmem>>) dst(%dma_wait3A_180 : memref<10240x128xf32, #tpu.memory_space<vmem_shared>>)
      %dma_start3A_181 = arith.constant 2 : i32
      %dma_start3A_182 = arith.constant 0 : i32
      %dma_start3A_183 = tpu.memref_slice %arg7[%dma_start3A_181, %dma_start3A_182] : memref<40x64xi32, #tpu.memory_space<vmem>> -> memref<1x64xi32, #tpu.memory_space<vmem>>
      %dma_start3A_184 = tpu.memref_squeeze %dma_start3A_183 : memref<1x64xi32, #tpu.memory_space<vmem>> -> memref<64xi32, #tpu.memory_space<vmem>>
      %dma_start3A_185 = arith.constant 0 : i32
      %dma_start3A_186 = arith.constant 0 : i32
      %dma_start3A_187 = tpu.memref_slice %arg2[%dma_start3A_185, %dma_start3A_186] : memref<10000x128xf32, #tpu.memory_space<hbm>> -> memref<10000x128xf32, #tpu.memory_space<hbm>>
      tpu.enqueue_indirect_dma source(%dma_start3A_187 : memref<10000x128xf32, #tpu.memory_space<hbm>>) target(%arg11 : memref<64x128xf32, #tpu.memory_space<vmem>>) offsets(%dma_start3A_184 : memref<64xi32, #tpu.memory_space<vmem>>) semaphore(%arg16 : memref<!tpu.dma_semaphore, #tpu.memory_space<semaphore_mem>>)
      %dma_wait3A_188 = arith.constant 0 : i32
      %dma_wait3A_189 = arith.constant 0 : i32
      %dma_wait3A_190 = tpu.memref_slice %arg8[%dma_wait3A_188, %dma_wait3A_189] : memref<40x64xi32, #tpu.memory_space<vmem>> -> memref<1x64xi32, #tpu.memory_space<vmem>>
      %dma_wait3A_191 = tpu.memref_squeeze %dma_wait3A_190 : memref<1x64xi32, #tpu.memory_space<vmem>> -> memref<64xi32, #tpu.memory_space<vmem>>
      %dma_wait3A_192 = arith.constant 0 : i32
      %dma_wait3A_193 = arith.constant 0 : i32
      %dma_wait3A_194 = tpu.memref_slice %arg6[%dma_wait3A_192, %dma_wait3A_193] : memref<10240x128xf32, #tpu.memory_space<vmem_shared>> -> memref<10240x128xf32, #tpu.memory_space<vmem_shared>>
      tpu.wait_indirect_dma semaphore(%arg21 : memref<!tpu.dma_semaphore, #tpu.memory_space<semaphore_mem>>) src(%arg12 : memref<64x128xf32, #tpu.memory_space<vmem>>) dst(%dma_wait3A_194 : memref<10240x128xf32, #tpu.memory_space<vmem_shared>>)
      %dma_start3A_195 = arith.constant 3 : i32
      %dma_start3A_196 = arith.constant 0 : i32
      %dma_start3A_197 = tpu.memref_slice %arg7[%dma_start3A_195, %dma_start3A_196] : memref<40x64xi32, #tpu.memory_space<vmem>> -> memref<1x64xi32, #tpu.memory_space<vmem>>
      %dma_start3A_198 = tpu.memref_squeeze %dma_start3A_197 : memref<1x64xi32, #tpu.memory_space<vmem>> -> memref<64xi32, #tpu.memory_space<vmem>>
      %dma_start3A_199 = arith.constant 0 : i32
      %dma_start3A_200 = arith.constant 0 : i32
      %dma_start3A_201 = tpu.memref_slice %arg2[%dma_start3A_199, %dma_start3A_200] : memref<10000x128xf32, #tpu.memory_space<hbm>> -> memref<10000x128xf32, #tpu.memory_space<hbm>>
      tpu.enqueue_indirect_dma source(%dma_start3A_201 : memref<10000x128xf32, #tpu.memory_space<hbm>>) target(%arg12 : memref<64x128xf32, #tpu.memory_space<vmem>>) offsets(%dma_start3A_198 : memref<64xi32, #tpu.memory_space<vmem>>) semaphore(%arg17 : memref<!tpu.dma_semaphore, #tpu.memory_space<semaphore_mem>>)
      %scan3A_202 = arith.constant 0 : i32
      %scan3A_203 = arith.constant 0 : i32
      %scan3A_204 = arith.constant 9 : i32
      %scan3A_205 = arith.addi %scan3A_203, %scan3A_204 : i32
      %scan3A_206 = arith.constant 1 : i32
      %scan3A_207 = scf.for %scan3A_266 = %scan3A_203 to %scan3A_205 step %scan3A_206 iter_args(%scan3A_267 = %scan3A_202) -> (i32)  : i32 {
        %dma_wait3A_268 = arith.constant 0 : i32
        %dma_wait3A_269 = arith.constant 0 : i32
        %dma_wait3A_270 = tpu.memref_slice %arg7[%dma_wait3A_268, %dma_wait3A_269] : memref<40x64xi32, #tpu.memory_space<vmem>> -> memref<1x64xi32, #tpu.memory_space<vmem>>
        %dma_wait3A_271 = tpu.memref_squeeze %dma_wait3A_270 : memref<1x64xi32, #tpu.memory_space<vmem>> -> memref<64xi32, #tpu.memory_space<vmem>>
        %dma_wait3A_272 = arith.constant 0 : i32
        %dma_wait3A_273 = arith.constant 0 : i32
        %dma_wait3A_274 = tpu.memref_slice %arg2[%dma_wait3A_272, %dma_wait3A_273] : memref<10000x128xf32, #tpu.memory_space<hbm>> -> memref<10000x128xf32, #tpu.memory_space<hbm>>
        tpu.wait_indirect_dma semaphore(%arg14 : memref<!tpu.dma_semaphore, #tpu.memory_space<semaphore_mem>>) src(%dma_wait3A_274 : memref<10000x128xf32, #tpu.memory_space<hbm>>) dst(%arg9 : memref<64x128xf32, #tpu.memory_space<vmem>>)
        %mul3A_275 = arith.constant 4 : i32
        %mul3A_276 = arith.muli %scan3A_266, %mul3A_275 : i32
        %add3A_277 = arith.constant 0 : i32
        %add3A_278 = arith.addi %mul3A_276, %add3A_277 : i32
        %dma_start3A_279 = arith.constant 0 : i32
        %dma_start3A_280 = tpu.memref_slice %arg8[%add3A_278, %dma_start3A_279] : memref<40x64xi32, #tpu.memory_space<vmem>> -> memref<1x64xi32, #tpu.memory_space<vmem>>
        %dma_start3A_281 = tpu.memref_squeeze %dma_start3A_280 : memref<1x64xi32, #tpu.memory_space<vmem>> -> memref<64xi32, #tpu.memory_space<vmem>>
        %dma_start3A_282 = arith.constant 0 : i32
        %dma_start3A_283 = arith.constant 0 : i32
        %dma_start3A_284 = tpu.memref_slice %arg6[%dma_start3A_282, %dma_start3A_283] : memref<10240x128xf32, #tpu.memory_space<vmem_shared>> -> memref<10240x128xf32, #tpu.memory_space<vmem_shared>>
        tpu.enqueue_indirect_dma source(%arg9 : memref<64x128xf32, #tpu.memory_space<vmem>>) target(%dma_start3A_284 : memref<10240x128xf32, #tpu.memory_space<vmem_shared>>) offsets(%dma_start3A_281 : memref<64xi32, #tpu.memory_space<vmem>>) semaphore(%arg18 : memref<!tpu.dma_semaphore, #tpu.memory_space<semaphore_mem>>) {add = true}
        %dma_wait3A_285 = arith.constant 0 : i32
        %dma_wait3A_286 = arith.constant 0 : i32
        %dma_wait3A_287 = tpu.memref_slice %arg7[%dma_wait3A_285, %dma_wait3A_286] : memref<40x64xi32, #tpu.memory_space<vmem>> -> memref<1x64xi32, #tpu.memory_space<vmem>>
        %dma_wait3A_288 = tpu.memref_squeeze %dma_wait3A_287 : memref<1x64xi32, #tpu.memory_space<vmem>> -> memref<64xi32, #tpu.memory_space<vmem>>
        %dma_wait3A_289 = arith.constant 0 : i32
        %dma_wait3A_290 = arith.constant 0 : i32
        %dma_wait3A_291 = tpu.memref_slice %arg2[%dma_wait3A_289, %dma_wait3A_290] : memref<10000x128xf32, #tpu.memory_space<hbm>> -> memref<10000x128xf32, #tpu.memory_space<hbm>>
        tpu.wait_indirect_dma semaphore(%arg15 : memref<!tpu.dma_semaphore, #tpu.memory_space<semaphore_mem>>) src(%dma_wait3A_291 : memref<10000x128xf32, #tpu.memory_space<hbm>>) dst(%arg10 : memref<64x128xf32, #tpu.memory_space<vmem>>)
        %mul3A_292 = arith.constant 4 : i32
        %mul3A_293 = arith.muli %scan3A_266, %mul3A_292 : i32
        %add3A_294 = arith.constant 1 : i32
        %add3A_295 = arith.addi %mul3A_293, %add3A_294 : i32
        %dma_start3A_296 = arith.constant 0 : i32
        %dma_start3A_297 = tpu.memref_slice %arg8[%add3A_295, %dma_start3A_296] : memref<40x64xi32, #tpu.memory_space<vmem>> -> memref<1x64xi32, #tpu.memory_space<vmem>>
        %dma_start3A_298 = tpu.memref_squeeze %dma_start3A_297 : memref<1x64xi32, #tpu.memory_space<vmem>> -> memref<64xi32, #tpu.memory_space<vmem>>
        %dma_start3A_299 = arith.constant 0 : i32
        %dma_start3A_300 = arith.constant 0 : i32
        %dma_start3A_301 = tpu.memref_slice %arg6[%dma_start3A_299, %dma_start3A_300] : memref<10240x128xf32, #tpu.memory_space<vmem_shared>> -> memref<10240x128xf32, #tpu.memory_space<vmem_shared>>
        tpu.enqueue_indirect_dma source(%arg10 : memref<64x128xf32, #tpu.memory_space<vmem>>) target(%dma_start3A_301 : memref<10240x128xf32, #tpu.memory_space<vmem_shared>>) offsets(%dma_start3A_298 : memref<64xi32, #tpu.memory_space<vmem>>) semaphore(%arg19 : memref<!tpu.dma_semaphore, #tpu.memory_space<semaphore_mem>>) {add = true}
        %dma_wait3A_302 = arith.constant 0 : i32
        %dma_wait3A_303 = arith.constant 0 : i32
        %dma_wait3A_304 = tpu.memref_slice %arg7[%dma_wait3A_302, %dma_wait3A_303] : memref<40x64xi32, #tpu.memory_space<vmem>> -> memref<1x64xi32, #tpu.memory_space<vmem>>
        %dma_wait3A_305 = tpu.memref_squeeze %dma_wait3A_304 : memref<1x64xi32, #tpu.memory_space<vmem>> -> memref<64xi32, #tpu.memory_space<vmem>>
        %dma_wait3A_306 = arith.constant 0 : i32
        %dma_wait3A_307 = arith.constant 0 : i32
        %dma_wait3A_308 = tpu.memref_slice %arg2[%dma_wait3A_306, %dma_wait3A_307] : memref<10000x128xf32, #tpu.memory_space<hbm>> -> memref<10000x128xf32, #tpu.memory_space<hbm>>
        tpu.wait_indirect_dma semaphore(%arg16 : memref<!tpu.dma_semaphore, #tpu.memory_space<semaphore_mem>>) src(%dma_wait3A_308 : memref<10000x128xf32, #tpu.memory_space<hbm>>) dst(%arg11 : memref<64x128xf32, #tpu.memory_space<vmem>>)
        %mul3A_309 = arith.constant 4 : i32
        %mul3A_310 = arith.muli %scan3A_266, %mul3A_309 : i32
        %add3A_311 = arith.constant 2 : i32
        %add3A_312 = arith.addi %mul3A_310, %add3A_311 : i32
        %dma_start3A_313 = arith.constant 0 : i32
        %dma_start3A_314 = tpu.memref_slice %arg8[%add3A_312, %dma_start3A_313] : memref<40x64xi32, #tpu.memory_space<vmem>> -> memref<1x64xi32, #tpu.memory_space<vmem>>
        %dma_start3A_315 = tpu.memref_squeeze %dma_start3A_314 : memref<1x64xi32, #tpu.memory_space<vmem>> -> memref<64xi32, #tpu.memory_space<vmem>>
        %dma_start3A_316 = arith.constant 0 : i32
        %dma_start3A_317 = arith.constant 0 : i32
        %dma_start3A_318 = tpu.memref_slice %arg6[%dma_start3A_316, %dma_start3A_317] : memref<10240x128xf32, #tpu.memory_space<vmem_shared>> -> memref<10240x128xf32, #tpu.memory_space<vmem_shared>>
        tpu.enqueue_indirect_dma source(%arg11 : memref<64x128xf32, #tpu.memory_space<vmem>>) target(%dma_start3A_318 : memref<10240x128xf32, #tpu.memory_space<vmem_shared>>) offsets(%dma_start3A_315 : memref<64xi32, #tpu.memory_space<vmem>>) semaphore(%arg20 : memref<!tpu.dma_semaphore, #tpu.memory_space<semaphore_mem>>) {add = true}
        %dma_wait3A_319 = arith.constant 0 : i32
        %dma_wait3A_320 = arith.constant 0 : i32
        %dma_wait3A_321 = tpu.memref_slice %arg7[%dma_wait3A_319, %dma_wait3A_320] : memref<40x64xi32, #tpu.memory_space<vmem>> -> memref<1x64xi32, #tpu.memory_space<vmem>>
        %dma_wait3A_322 = tpu.memref_squeeze %dma_wait3A_321 : memref<1x64xi32, #tpu.memory_space<vmem>> -> memref<64xi32, #tpu.memory_space<vmem>>
        %dma_wait3A_323 = arith.constant 0 : i32
        %dma_wait3A_324 = arith.constant 0 : i32
        %dma_wait3A_325 = tpu.memref_slice %arg2[%dma_wait3A_323, %dma_wait3A_324] : memref<10000x128xf32, #tpu.memory_space<hbm>> -> memref<10000x128xf32, #tpu.memory_space<hbm>>
        tpu.wait_indirect_dma semaphore(%arg17 : memref<!tpu.dma_semaphore, #tpu.memory_space<semaphore_mem>>) src(%dma_wait3A_325 : memref<10000x128xf32, #tpu.memory_space<hbm>>) dst(%arg12 : memref<64x128xf32, #tpu.memory_space<vmem>>)
        %mul3A_326 = arith.constant 4 : i32
        %mul3A_327 = arith.muli %scan3A_266, %mul3A_326 : i32
        %add3A_328 = arith.constant 3 : i32
        %add3A_329 = arith.addi %mul3A_327, %add3A_328 : i32
        %dma_start3A_330 = arith.constant 0 : i32
        %dma_start3A_331 = tpu.memref_slice %arg8[%add3A_329, %dma_start3A_330] : memref<40x64xi32, #tpu.memory_space<vmem>> -> memref<1x64xi32, #tpu.memory_space<vmem>>
        %dma_start3A_332 = tpu.memref_squeeze %dma_start3A_331 : memref<1x64xi32, #tpu.memory_space<vmem>> -> memref<64xi32, #tpu.memory_space<vmem>>
        %dma_start3A_333 = arith.constant 0 : i32
        %dma_start3A_334 = arith.constant 0 : i32
        %dma_start3A_335 = tpu.memref_slice %arg6[%dma_start3A_333, %dma_start3A_334] : memref<10240x128xf32, #tpu.memory_space<vmem_shared>> -> memref<10240x128xf32, #tpu.memory_space<vmem_shared>>
        tpu.enqueue_indirect_dma source(%arg12 : memref<64x128xf32, #tpu.memory_space<vmem>>) target(%dma_start3A_335 : memref<10240x128xf32, #tpu.memory_space<vmem_shared>>) offsets(%dma_start3A_332 : memref<64xi32, #tpu.memory_space<vmem>>) semaphore(%arg21 : memref<!tpu.dma_semaphore, #tpu.memory_space<semaphore_mem>>) {add = true}
        %dma_wait3A_336 = arith.constant 0 : i32
        %dma_wait3A_337 = arith.constant 0 : i32
        %dma_wait3A_338 = tpu.memref_slice %arg8[%dma_wait3A_336, %dma_wait3A_337] : memref<40x64xi32, #tpu.memory_space<vmem>> -> memref<1x64xi32, #tpu.memory_space<vmem>>
        %dma_wait3A_339 = tpu.memref_squeeze %dma_wait3A_338 : memref<1x64xi32, #tpu.memory_space<vmem>> -> memref<64xi32, #tpu.memory_space<vmem>>
        %dma_wait3A_340 = arith.constant 0 : i32
        %dma_wait3A_341 = arith.constant 0 : i32
        %dma_wait3A_342 = tpu.memref_slice %arg6[%dma_wait3A_340, %dma_wait3A_341] : memref<10240x128xf32, #tpu.memory_space<vmem_shared>> -> memref<10240x128xf32, #tpu.memory_space<vmem_shared>>
        tpu.wait_indirect_dma semaphore(%arg18 : memref<!tpu.dma_semaphore, #tpu.memory_space<semaphore_mem>>) src(%arg9 : memref<64x128xf32, #tpu.memory_space<vmem>>) dst(%dma_wait3A_342 : memref<10240x128xf32, #tpu.memory_space<vmem_shared>>)
        %mul3A_343 = arith.constant 4 : i32
        %mul3A_344 = arith.muli %scan3A_266, %mul3A_343 : i32
        %add3A_345 = arith.constant 4 : i32
        %add3A_346 = arith.addi %mul3A_344, %add3A_345 : i32
        %add3A_347 = arith.constant 0 : i32
        %add3A_348 = arith.addi %add3A_346, %add3A_347 : i32
        %dma_start3A_349 = arith.constant 0 : i32
        %dma_start3A_350 = tpu.memref_slice %arg7[%add3A_348, %dma_start3A_349] : memref<40x64xi32, #tpu.memory_space<vmem>> -> memref<1x64xi32, #tpu.memory_space<vmem>>
        %dma_start3A_351 = tpu.memref_squeeze %dma_start3A_350 : memref<1x64xi32, #tpu.memory_space<vmem>> -> memref<64xi32, #tpu.memory_space<vmem>>
        %dma_start3A_352 = arith.constant 0 : i32
        %dma_start3A_353 = arith.constant 0 : i32
        %dma_start3A_354 = tpu.memref_slice %arg2[%dma_start3A_352, %dma_start3A_353] : memref<10000x128xf32, #tpu.memory_space<hbm>> -> memref<10000x128xf32, #tpu.memory_space<hbm>>
        tpu.enqueue_indirect_dma source(%dma_start3A_354 : memref<10000x128xf32, #tpu.memory_space<hbm>>) target(%arg9 : memref<64x128xf32, #tpu.memory_space<vmem>>) offsets(%dma_start3A_351 : memref<64xi32, #tpu.memory_space<vmem>>) semaphore(%arg14 : memref<!tpu.dma_semaphore, #tpu.memory_space<semaphore_mem>>)
        %dma_wait3A_355 = arith.constant 0 : i32
        %dma_wait3A_356 = arith.constant 0 : i32
        %dma_wait3A_357 = tpu.memref_slice %arg8[%dma_wait3A_355, %dma_wait3A_356] : memref<40x64xi32, #tpu.memory_space<vmem>> -> memref<1x64xi32, #tpu.memory_space<vmem>>
        %dma_wait3A_358 = tpu.memref_squeeze %dma_wait3A_357 : memref<1x64xi32, #tpu.memory_space<vmem>> -> memref<64xi32, #tpu.memory_space<vmem>>
        %dma_wait3A_359 = arith.constant 0 : i32
        %dma_wait3A_360 = arith.constant 0 : i32
        %dma_wait3A_361 = tpu.memref_slice %arg6[%dma_wait3A_359, %dma_wait3A_360] : memref<10240x128xf32, #tpu.memory_space<vmem_shared>> -> memref<10240x128xf32, #tpu.memory_space<vmem_shared>>
        tpu.wait_indirect_dma semaphore(%arg19 : memref<!tpu.dma_semaphore, #tpu.memory_space<semaphore_mem>>) src(%arg10 : memref<64x128xf32, #tpu.memory_space<vmem>>) dst(%dma_wait3A_361 : memref<10240x128xf32, #tpu.memory_space<vmem_shared>>)
        %mul3A_362 = arith.constant 4 : i32
        %mul3A_363 = arith.muli %scan3A_266, %mul3A_362 : i32
        %add3A_364 = arith.constant 4 : i32
        %add3A_365 = arith.addi %mul3A_363, %add3A_364 : i32
        %add3A_366 = arith.constant 1 : i32
        %add3A_367 = arith.addi %add3A_365, %add3A_366 : i32
        %dma_start3A_368 = arith.constant 0 : i32
        %dma_start3A_369 = tpu.memref_slice %arg7[%add3A_367, %dma_start3A_368] : memref<40x64xi32, #tpu.memory_space<vmem>> -> memref<1x64xi32, #tpu.memory_space<vmem>>
        %dma_start3A_370 = tpu.memref_squeeze %dma_start3A_369 : memref<1x64xi32, #tpu.memory_space<vmem>> -> memref<64xi32, #tpu.memory_space<vmem>>
        %dma_start3A_371 = arith.constant 0 : i32
        %dma_start3A_372 = arith.constant 0 : i32
        %dma_start3A_373 = tpu.memref_slice %arg2[%dma_start3A_371, %dma_start3A_372] : memref<10000x128xf32, #tpu.memory_space<hbm>> -> memref<10000x128xf32, #tpu.memory_space<hbm>>
        tpu.enqueue_indirect_dma source(%dma_start3A_373 : memref<10000x128xf32, #tpu.memory_space<hbm>>) target(%arg10 : memref<64x128xf32, #tpu.memory_space<vmem>>) offsets(%dma_start3A_370 : memref<64xi32, #tpu.memory_space<vmem>>) semaphore(%arg15 : memref<!tpu.dma_semaphore, #tpu.memory_space<semaphore_mem>>)
        %dma_wait3A_374 = arith.constant 0 : i32
        %dma_wait3A_375 = arith.constant 0 : i32
        %dma_wait3A_376 = tpu.memref_slice %arg8[%dma_wait3A_374, %dma_wait3A_375] : memref<40x64xi32, #tpu.memory_space<vmem>> -> memref<1x64xi32, #tpu.memory_space<vmem>>
        %dma_wait3A_377 = tpu.memref_squeeze %dma_wait3A_376 : memref<1x64xi32, #tpu.memory_space<vmem>> -> memref<64xi32, #tpu.memory_space<vmem>>
        %dma_wait3A_378 = arith.constant 0 : i32
        %dma_wait3A_379 = arith.constant 0 : i32
        %dma_wait3A_380 = tpu.memref_slice %arg6[%dma_wait3A_378, %dma_wait3A_379] : memref<10240x128xf32, #tpu.memory_space<vmem_shared>> -> memref<10240x128xf32, #tpu.memory_space<vmem_shared>>
        tpu.wait_indirect_dma semaphore(%arg20 : memref<!tpu.dma_semaphore, #tpu.memory_space<semaphore_mem>>) src(%arg11 : memref<64x128xf32, #tpu.memory_space<vmem>>) dst(%dma_wait3A_380 : memref<10240x128xf32, #tpu.memory_space<vmem_shared>>)
        %mul3A_381 = arith.constant 4 : i32
        %mul3A_382 = arith.muli %scan3A_266, %mul3A_381 : i32
        %add3A_383 = arith.constant 4 : i32
        %add3A_384 = arith.addi %mul3A_382, %add3A_383 : i32
        %add3A_385 = arith.constant 2 : i32
        %add3A_386 = arith.addi %add3A_384, %add3A_385 : i32
        %dma_start3A_387 = arith.constant 0 : i32
        %dma_start3A_388 = tpu.memref_slice %arg7[%add3A_386, %dma_start3A_387] : memref<40x64xi32, #tpu.memory_space<vmem>> -> memref<1x64xi32, #tpu.memory_space<vmem>>
        %dma_start3A_389 = tpu.memref_squeeze %dma_start3A_388 : memref<1x64xi32, #tpu.memory_space<vmem>> -> memref<64xi32, #tpu.memory_space<vmem>>
        %dma_start3A_390 = arith.constant 0 : i32
        %dma_start3A_391 = arith.constant 0 : i32
        %dma_start3A_392 = tpu.memref_slice %arg2[%dma_start3A_390, %dma_start3A_391] : memref<10000x128xf32, #tpu.memory_space<hbm>> -> memref<10000x128xf32, #tpu.memory_space<hbm>>
        tpu.enqueue_indirect_dma source(%dma_start3A_392 : memref<10000x128xf32, #tpu.memory_space<hbm>>) target(%arg11 : memref<64x128xf32, #tpu.memory_space<vmem>>) offsets(%dma_start3A_389 : memref<64xi32, #tpu.memory_space<vmem>>) semaphore(%arg16 : memref<!tpu.dma_semaphore, #tpu.memory_space<semaphore_mem>>)
        %dma_wait3A_393 = arith.constant 0 : i32
        %dma_wait3A_394 = arith.constant 0 : i32
        %dma_wait3A_395 = tpu.memref_slice %arg8[%dma_wait3A_393, %dma_wait3A_394] : memref<40x64xi32, #tpu.memory_space<vmem>> -> memref<1x64xi32, #tpu.memory_space<vmem>>
        %dma_wait3A_396 = tpu.memref_squeeze %dma_wait3A_395 : memref<1x64xi32, #tpu.memory_space<vmem>> -> memref<64xi32, #tpu.memory_space<vmem>>
        %dma_wait3A_397 = arith.constant 0 : i32
        %dma_wait3A_398 = arith.constant 0 : i32
        %dma_wait3A_399 = tpu.memref_slice %arg6[%dma_wait3A_397, %dma_wait3A_398] : memref<10240x128xf32, #tpu.memory_space<vmem_shared>> -> memref<10240x128xf32, #tpu.memory_space<vmem_shared>>
        tpu.wait_indirect_dma semaphore(%arg21 : memref<!tpu.dma_semaphore, #tpu.memory_space<semaphore_mem>>) src(%arg12 : memref<64x128xf32, #tpu.memory_space<vmem>>) dst(%dma_wait3A_399 : memref<10240x128xf32, #tpu.memory_space<vmem_shared>>)
        %mul3A_400 = arith.constant 4 : i32
        %mul3A_401 = arith.muli %scan3A_266, %mul3A_400 : i32
        %add3A_402 = arith.constant 4 : i32
        %add3A_403 = arith.addi %mul3A_401, %add3A_402 : i32
        %add3A_404 = arith.constant 3 : i32
        %add3A_405 = arith.addi %add3A_403, %add3A_404 : i32
        %dma_start3A_406 = arith.constant 0 : i32
        %dma_start3A_407 = tpu.memref_slice %arg7[%add3A_405, %dma_start3A_406] : memref<40x64xi32, #tpu.memory_space<vmem>> -> memref<1x64xi32, #tpu.memory_space<vmem>>
        %dma_start3A_408 = tpu.memref_squeeze %dma_start3A_407 : memref<1x64xi32, #tpu.memory_space<vmem>> -> memref<64xi32, #tpu.memory_space<vmem>>
        %dma_start3A_409 = arith.constant 0 : i32
        %dma_start3A_410 = arith.constant 0 : i32
        %dma_start3A_411 = tpu.memref_slice %arg2[%dma_start3A_409, %dma_start3A_410] : memref<10000x128xf32, #tpu.memory_space<hbm>> -> memref<10000x128xf32, #tpu.memory_space<hbm>>
        tpu.enqueue_indirect_dma source(%dma_start3A_411 : memref<10000x128xf32, #tpu.memory_space<hbm>>) target(%arg12 : memref<64x128xf32, #tpu.memory_space<vmem>>) offsets(%dma_start3A_408 : memref<64xi32, #tpu.memory_space<vmem>>) semaphore(%arg17 : memref<!tpu.dma_semaphore, #tpu.memory_space<semaphore_mem>>)
        %scan3A_412 = arith.constant 0 : i32
        scf.yield %scan3A_412 : i32
      }
      %scan3A_208 = arith.constant 9 : i32
      %dma_wait3A_209 = arith.constant 0 : i32
      %dma_wait3A_210 = arith.constant 0 : i32
      %dma_wait3A_211 = tpu.memref_slice %arg7[%dma_wait3A_209, %dma_wait3A_210] : memref<40x64xi32, #tpu.memory_space<vmem>> -> memref<1x64xi32, #tpu.memory_space<vmem>>
      %dma_wait3A_212 = tpu.memref_squeeze %dma_wait3A_211 : memref<1x64xi32, #tpu.memory_space<vmem>> -> memref<64xi32, #tpu.memory_space<vmem>>
      %dma_wait3A_213 = arith.constant 0 : i32
      %dma_wait3A_214 = arith.constant 0 : i32
      %dma_wait3A_215 = tpu.memref_slice %arg2[%dma_wait3A_213, %dma_wait3A_214] : memref<10000x128xf32, #tpu.memory_space<hbm>> -> memref<10000x128xf32, #tpu.memory_space<hbm>>
      tpu.wait_indirect_dma semaphore(%arg14 : memref<!tpu.dma_semaphore, #tpu.memory_space<semaphore_mem>>) src(%dma_wait3A_215 : memref<10000x128xf32, #tpu.memory_space<hbm>>) dst(%arg9 : memref<64x128xf32, #tpu.memory_space<vmem>>)
      %dma_start3A_216 = arith.constant 36 : i32
      %dma_start3A_217 = arith.constant 0 : i32
      %dma_start3A_218 = tpu.memref_slice %arg8[%dma_start3A_216, %dma_start3A_217] : memref<40x64xi32, #tpu.memory_space<vmem>> -> memref<1x64xi32, #tpu.memory_space<vmem>>
      %dma_start3A_219 = tpu.memref_squeeze %dma_start3A_218 : memref<1x64xi32, #tpu.memory_space<vmem>> -> memref<64xi32, #tpu.memory_space<vmem>>
      %dma_start3A_220 = arith.constant 0 : i32
      %dma_start3A_221 = arith.constant 0 : i32
      %dma_start3A_222 = tpu.memref_slice %arg6[%dma_start3A_220, %dma_start3A_221] : memref<10240x128xf32, #tpu.memory_space<vmem_shared>> -> memref<10240x128xf32, #tpu.memory_space<vmem_shared>>
      tpu.enqueue_indirect_dma source(%arg9 : memref<64x128xf32, #tpu.memory_space<vmem>>) target(%dma_start3A_222 : memref<10240x128xf32, #tpu.memory_space<vmem_shared>>) offsets(%dma_start3A_219 : memref<64xi32, #tpu.memory_space<vmem>>) semaphore(%arg18 : memref<!tpu.dma_semaphore, #tpu.memory_space<semaphore_mem>>) {add = true}
      %dma_wait3A_223 = arith.constant 0 : i32
      %dma_wait3A_224 = arith.constant 0 : i32
      %dma_wait3A_225 = tpu.memref_slice %arg7[%dma_wait3A_223, %dma_wait3A_224] : memref<40x64xi32, #tpu.memory_space<vmem>> -> memref<1x64xi32, #tpu.memory_space<vmem>>
      %dma_wait3A_226 = tpu.memref_squeeze %dma_wait3A_225 : memref<1x64xi32, #tpu.memory_space<vmem>> -> memref<64xi32, #tpu.memory_space<vmem>>
      %dma_wait3A_227 = arith.constant 0 : i32
      %dma_wait3A_228 = arith.constant 0 : i32
      %dma_wait3A_229 = tpu.memref_slice %arg2[%dma_wait3A_227, %dma_wait3A_228] : memref<10000x128xf32, #tpu.memory_space<hbm>> -> memref<10000x128xf32, #tpu.memory_space<hbm>>
      tpu.wait_indirect_dma semaphore(%arg15 : memref<!tpu.dma_semaphore, #tpu.memory_space<semaphore_mem>>) src(%dma_wait3A_229 : memref<10000x128xf32, #tpu.memory_space<hbm>>) dst(%arg10 : memref<64x128xf32, #tpu.memory_space<vmem>>)
      %dma_start3A_230 = arith.constant 37 : i32
      %dma_start3A_231 = arith.constant 0 : i32
      %dma_start3A_232 = tpu.memref_slice %arg8[%dma_start3A_230, %dma_start3A_231] : memref<40x64xi32, #tpu.memory_space<vmem>> -> memref<1x64xi32, #tpu.memory_space<vmem>>
      %dma_start3A_233 = tpu.memref_squeeze %dma_start3A_232 : memref<1x64xi32, #tpu.memory_space<vmem>> -> memref<64xi32, #tpu.memory_space<vmem>>
      %dma_start3A_234 = arith.constant 0 : i32
      %dma_start3A_235 = arith.constant 0 : i32
      %dma_start3A_236 = tpu.memref_slice %arg6[%dma_start3A_234, %dma_start3A_235] : memref<10240x128xf32, #tpu.memory_space<vmem_shared>> -> memref<10240x128xf32, #tpu.memory_space<vmem_shared>>
      tpu.enqueue_indirect_dma source(%arg10 : memref<64x128xf32, #tpu.memory_space<vmem>>) target(%dma_start3A_236 : memref<10240x128xf32, #tpu.memory_space<vmem_shared>>) offsets(%dma_start3A_233 : memref<64xi32, #tpu.memory_space<vmem>>) semaphore(%arg19 : memref<!tpu.dma_semaphore, #tpu.memory_space<semaphore_mem>>) {add = true}
      %dma_wait3A_237 = arith.constant 0 : i32
      %dma_wait3A_238 = arith.constant 0 : i32
      %dma_wait3A_239 = tpu.memref_slice %arg7[%dma_wait3A_237, %dma_wait3A_238] : memref<40x64xi32, #tpu.memory_space<vmem>> -> memref<1x64xi32, #tpu.memory_space<vmem>>
      %dma_wait3A_240 = tpu.memref_squeeze %dma_wait3A_239 : memref<1x64xi32, #tpu.memory_space<vmem>> -> memref<64xi32, #tpu.memory_space<vmem>>
      %dma_wait3A_241 = arith.constant 0 : i32
      %dma_wait3A_242 = arith.constant 0 : i32
      %dma_wait3A_243 = tpu.memref_slice %arg2[%dma_wait3A_241, %dma_wait3A_242] : memref<10000x128xf32, #tpu.memory_space<hbm>> -> memref<10000x128xf32, #tpu.memory_space<hbm>>
      tpu.wait_indirect_dma semaphore(%arg16 : memref<!tpu.dma_semaphore, #tpu.memory_space<semaphore_mem>>) src(%dma_wait3A_243 : memref<10000x128xf32, #tpu.memory_space<hbm>>) dst(%arg11 : memref<64x128xf32, #tpu.memory_space<vmem>>)
      %dma_start3A_244 = arith.constant 38 : i32
      %dma_start3A_245 = arith.constant 0 : i32
      %dma_start3A_246 = tpu.memref_slice %arg8[%dma_start3A_244, %dma_start3A_245] : memref<40x64xi32, #tpu.memory_space<vmem>> -> memref<1x64xi32, #tpu.memory_space<vmem>>
      %dma_start3A_247 = tpu.memref_squeeze %dma_start3A_246 : memref<1x64xi32, #tpu.memory_space<vmem>> -> memref<64xi32, #tpu.memory_space<vmem>>
      %dma_start3A_248 = arith.constant 0 : i32
      %dma_start3A_249 = arith.constant 0 : i32
      %dma_start3A_250 = tpu.memref_slice %arg6[%dma_start3A_248, %dma_start3A_249] : memref<10240x128xf32, #tpu.memory_space<vmem_shared>> -> memref<10240x128xf32, #tpu.memory_space<vmem_shared>>
      tpu.enqueue_indirect_dma source(%arg11 : memref<64x128xf32, #tpu.memory_space<vmem>>) target(%dma_start3A_250 : memref<10240x128xf32, #tpu.memory_space<vmem_shared>>) offsets(%dma_start3A_247 : memref<64xi32, #tpu.memory_space<vmem>>) semaphore(%arg20 : memref<!tpu.dma_semaphore, #tpu.memory_space<semaphore_mem>>) {add = true}
      %dma_wait3A_251 = arith.constant 0 : i32
      %dma_wait3A_252 = arith.constant 0 : i32
      %dma_wait3A_253 = tpu.memref_slice %arg7[%dma_wait3A_251, %dma_wait3A_252] : memref<40x64xi32, #tpu.memory_space<vmem>> -> memref<1x64xi32, #tpu.memory_space<vmem>>
      %dma_wait3A_254 = tpu.memref_squeeze %dma_wait3A_253 : memref<1x64xi32, #tpu.memory_space<vmem>> -> memref<64xi32, #tpu.memory_space<vmem>>
      %dma_wait3A_255 = arith.constant 0 : i32
      %dma_wait3A_256 = arith.constant 0 : i32
      %dma_wait3A_257 = tpu.memref_slice %arg2[%dma_wait3A_255, %dma_wait3A_256] : memref<10000x128xf32, #tpu.memory_space<hbm>> -> memref<10000x128xf32, #tpu.memory_space<hbm>>
      tpu.wait_indirect_dma semaphore(%arg17 : memref<!tpu.dma_semaphore, #tpu.memory_space<semaphore_mem>>) src(%dma_wait3A_257 : memref<10000x128xf32, #tpu.memory_space<hbm>>) dst(%arg12 : memref<64x128xf32, #tpu.memory_space<vmem>>)
      %dma_start3A_258 = arith.constant 39 : i32
      %dma_start3A_259 = arith.constant 0 : i32
      %dma_start3A_260 = tpu.memref_slice %arg8[%dma_start3A_258, %dma_start3A_259] : memref<40x64xi32, #tpu.memory_space<vmem>> -> memref<1x64xi32, #tpu.memory_space<vmem>>
      %dma_start3A_261 = tpu.memref_squeeze %dma_start3A_260 : memref<1x64xi32, #tpu.memory_space<vmem>> -> memref<64xi32, #tpu.memory_space<vmem>>
      %dma_start3A_262 = arith.constant 0 : i32
      %dma_start3A_263 = arith.constant 0 : i32
      %dma_start3A_264 = tpu.memref_slice %arg6[%dma_start3A_262, %dma_start3A_263] : memref<10240x128xf32, #tpu.memory_space<vmem_shared>> -> memref<10240x128xf32, #tpu.memory_space<vmem_shared>>
      tpu.enqueue_indirect_dma source(%arg12 : memref<64x128xf32, #tpu.memory_space<vmem>>) target(%dma_start3A_264 : memref<10240x128xf32, #tpu.memory_space<vmem_shared>>) offsets(%dma_start3A_261 : memref<64xi32, #tpu.memory_space<vmem>>) semaphore(%arg21 : memref<!tpu.dma_semaphore, #tpu.memory_space<semaphore_mem>>) {add = true}
      %scan3A_265 = arith.constant 0 : i32
      scf.yield %scan3A_265 : i32
    }
    %scan3A_110 = arith.constant 3 : i32
    %dma_wait3A_111 = arith.constant 0 : i32
    %dma_wait3A_112 = arith.constant 0 : i32
    %dma_wait3A_113 = tpu.memref_slice %arg8[%dma_wait3A_111, %dma_wait3A_112] : memref<40x64xi32, #tpu.memory_space<vmem>> -> memref<1x64xi32, #tpu.memory_space<vmem>>
    %dma_wait3A_114 = tpu.memref_squeeze %dma_wait3A_113 : memref<1x64xi32, #tpu.memory_space<vmem>> -> memref<64xi32, #tpu.memory_space<vmem>>
    %dma_wait3A_115 = arith.constant 0 : i32
    %dma_wait3A_116 = arith.constant 0 : i32
    %dma_wait3A_117 = tpu.memref_slice %arg6[%dma_wait3A_115, %dma_wait3A_116] : memref<10240x128xf32, #tpu.memory_space<vmem_shared>> -> memref<10240x128xf32, #tpu.memory_space<vmem_shared>>
    tpu.wait_indirect_dma semaphore(%arg18 : memref<!tpu.dma_semaphore, #tpu.memory_space<semaphore_mem>>) src(%arg9 : memref<64x128xf32, #tpu.memory_space<vmem>>) dst(%dma_wait3A_117 : memref<10240x128xf32, #tpu.memory_space<vmem_shared>>)
    %dma_wait3A_118 = arith.constant 0 : i32
    %dma_wait3A_119 = arith.constant 0 : i32
    %dma_wait3A_120 = tpu.memref_slice %arg8[%dma_wait3A_118, %dma_wait3A_119] : memref<40x64xi32, #tpu.memory_space<vmem>> -> memref<1x64xi32, #tpu.memory_space<vmem>>
    %dma_wait3A_121 = tpu.memref_squeeze %dma_wait3A_120 : memref<1x64xi32, #tpu.memory_space<vmem>> -> memref<64xi32, #tpu.memory_space<vmem>>
    %dma_wait3A_122 = arith.constant 0 : i32
    %dma_wait3A_123 = arith.constant 0 : i32
    %dma_wait3A_124 = tpu.memref_slice %arg6[%dma_wait3A_122, %dma_wait3A_123] : memref<10240x128xf32, #tpu.memory_space<vmem_shared>> -> memref<10240x128xf32, #tpu.memory_space<vmem_shared>>
    tpu.wait_indirect_dma semaphore(%arg19 : memref<!tpu.dma_semaphore, #tpu.memory_space<semaphore_mem>>) src(%arg10 : memref<64x128xf32, #tpu.memory_space<vmem>>) dst(%dma_wait3A_124 : memref<10240x128xf32, #tpu.memory_space<vmem_shared>>)
    %dma_wait3A_125 = arith.constant 0 : i32
    %dma_wait3A_126 = arith.constant 0 : i32
    %dma_wait3A_127 = tpu.memref_slice %arg8[%dma_wait3A_125, %dma_wait3A_126] : memref<40x64xi32, #tpu.memory_space<vmem>> -> memref<1x64xi32, #tpu.memory_space<vmem>>
    %dma_wait3A_128 = tpu.memref_squeeze %dma_wait3A_127 : memref<1x64xi32, #tpu.memory_space<vmem>> -> memref<64xi32, #tpu.memory_space<vmem>>
    %dma_wait3A_129 = arith.constant 0 : i32
    %dma_wait3A_130 = arith.constant 0 : i32
    %dma_wait3A_131 = tpu.memref_slice %arg6[%dma_wait3A_129, %dma_wait3A_130] : memref<10240x128xf32, #tpu.memory_space<vmem_shared>> -> memref<10240x128xf32, #tpu.memory_space<vmem_shared>>
    tpu.wait_indirect_dma semaphore(%arg20 : memref<!tpu.dma_semaphore, #tpu.memory_space<semaphore_mem>>) src(%arg11 : memref<64x128xf32, #tpu.memory_space<vmem>>) dst(%dma_wait3A_131 : memref<10240x128xf32, #tpu.memory_space<vmem_shared>>)
    %dma_wait3A_132 = arith.constant 0 : i32
    %dma_wait3A_133 = arith.constant 0 : i32
    %dma_wait3A_134 = tpu.memref_slice %arg8[%dma_wait3A_132, %dma_wait3A_133] : memref<40x64xi32, #tpu.memory_space<vmem>> -> memref<1x64xi32, #tpu.memory_space<vmem>>
    %dma_wait3A_135 = tpu.memref_squeeze %dma_wait3A_134 : memref<1x64xi32, #tpu.memory_space<vmem>> -> memref<64xi32, #tpu.memory_space<vmem>>
    %dma_wait3A_136 = arith.constant 0 : i32
    %dma_wait3A_137 = arith.constant 0 : i32
    %dma_wait3A_138 = tpu.memref_slice %arg6[%dma_wait3A_136, %dma_wait3A_137] : memref<10240x128xf32, #tpu.memory_space<vmem_shared>> -> memref<10240x128xf32, #tpu.memory_space<vmem_shared>>
    tpu.wait_indirect_dma semaphore(%arg21 : memref<!tpu.dma_semaphore, #tpu.memory_space<semaphore_mem>>) src(%arg12 : memref<64x128xf32, #tpu.memory_space<vmem>>) dst(%dma_wait3A_138 : memref<10240x128xf32, #tpu.memory_space<vmem_shared>>)
    %barrier3A_139 = arith.constant 0 : index
    tpu.barrier barrier_id(%barrier3A_139)
    %mul3A_140 = arith.constant 640 : i32
    %mul3A_141 = arith.muli %arg1, %mul3A_140 : i32
    %mul3A_142 = arith.constant 640 : i32
    %mul3A_143 = arith.muli %arg1, %mul3A_142 : i32
    "tpu.region"() ({
      %run_scoped3A_144 = tpu.sem_alloc : memref<!tpu.dma_semaphore, #tpu.memory_space<semaphore_mem>>
      %dma_start3A_145 = arith.constant 0 : i32
      %dma_start3A_146 = tpu.memref_slice %arg5[%arg0, %mul3A_143, %dma_start3A_145] : memref<2x10240x128xf32, #tpu.memory_space<hbm>> -> memref<1x640x128xf32, #tpu.memory_space<hbm>>
      %dma_start3A_147 = tpu.memref_squeeze %dma_start3A_146 : memref<1x640x128xf32, #tpu.memory_space<hbm>> -> memref<640x128xf32, #tpu.memory_space<hbm>>
      %dma_start3A_148 = arith.constant 0 : i32
      %dma_start3A_149 = tpu.memref_slice %arg6[%mul3A_141, %dma_start3A_148] : memref<10240x128xf32, #tpu.memory_space<vmem_shared>> -> memref<640x128xf32, #tpu.memory_space<vmem_shared>>
      tpu.enqueue_dma source(%dma_start3A_149 : memref<640x128xf32, #tpu.memory_space<vmem_shared>>) target(%dma_start3A_147 : memref<640x128xf32, #tpu.memory_space<hbm>>) target_semaphore(%run_scoped3A_144 : memref<!tpu.dma_semaphore, #tpu.memory_space<semaphore_mem>>)
      %dma_wait3A_150 = arith.constant 0 : i32
      %dma_wait3A_151 = tpu.memref_slice %arg5[%arg0, %mul3A_143, %dma_wait3A_150] : memref<2x10240x128xf32, #tpu.memory_space<hbm>> -> memref<1x640x128xf32, #tpu.memory_space<hbm>>
      %dma_wait3A_152 = tpu.memref_squeeze %dma_wait3A_151 : memref<1x640x128xf32, #tpu.memory_space<hbm>> -> memref<640x128xf32, #tpu.memory_space<hbm>>
      %dma_wait3A_153 = arith.constant 0 : i32
      %dma_wait3A_154 = tpu.memref_slice %arg6[%mul3A_141, %dma_wait3A_153] : memref<10240x128xf32, #tpu.memory_space<vmem_shared>> -> memref<640x128xf32, #tpu.memory_space<vmem_shared>>
      tpu.wait_dma2 semaphore(%run_scoped3A_144 : memref<!tpu.dma_semaphore, #tpu.memory_space<semaphore_mem>>) src(%dma_wait3A_154 : memref<640x128xf32, #tpu.memory_space<vmem_shared>>) dst(%dma_wait3A_152 : memref<640x128xf32, #tpu.memory_space<hbm>>)
      tpu.yield
    }) : () -> ()
    return
  }
}

module attributes {stable_mosaic.version = 14 : i64} {
  func.func @_tc_prep1_body(%arg0: i32, %arg1: memref<2000x128xf32, #tpu.memory_space<vmem>>, %arg2: memref<128x128xf32, #tpu.memory_space<vmem>>, %arg3: memref<1x2000x1xf32, #tpu.memory_space<vmem>>, %arg4: memref<1x2000x1xf32, #tpu.memory_space<vmem>>, %arg5: memref<2000x128xf32, #tpu.memory_space<vmem>>, %arg6: memref<2000x1xf32, #tpu.memory_space<vmem>>) attributes {dimension_semantics = [#tpu.dimension_semantics<arbitrary>], iteration_bounds = array<i64: 5>, scalar_prefetch = 0 : i64, scratch_operands = 0 : i64, tpu.core_type = #tpu.core_type<tc>, window_params = [{transform_indices = @transform_0, window_bounds = array<i64: 2000, 128>}, {pipeline_mode = #tpu.pipeline_mode<synchronous>, transform_indices = @transform_1, window_bounds = array<i64: 128, 128>}, {transform_indices = @transform_2, window_bounds = array<i64: 1, 2000, 1>}, {transform_indices = @transform_3, window_bounds = array<i64: 1, 2000, 1>}, {transform_indices = @transform_4, window_bounds = array<i64: 2000, 128>}, {transform_indices = @transform_5, window_bounds = array<i64: 2000, 1>}]} {
    %get3A = arith.constant 0 : index
    %get3A_0 = arith.constant 0 : index
    %get3A_1 = arith.constant 0 : index
    %get3A_2 = vector.load %arg3[%get3A, %get3A_0, %get3A_1] : memref<1x2000x1xf32, #tpu.memory_space<vmem>>, vector<1x2000x1xf32>
    %get3A_3 = vector.shape_cast %get3A_2 : vector<1x2000x1xf32> to vector<2000x1xf32>
    %get3A_4 = arith.constant 0 : index
    %get3A_5 = arith.constant 0 : index
    %get3A_6 = arith.constant 0 : index
    %get3A_7 = vector.load %arg4[%get3A_4, %get3A_5, %get3A_6] : memref<1x2000x1xf32, #tpu.memory_space<vmem>>, vector<1x2000x1xf32>
    %get3A_8 = vector.shape_cast %get3A_7 : vector<1x2000x1xf32> to vector<2000x1xf32>
    %add3A = arith.addf %get3A_3, %get3A_8 : vector<2000x1xf32>
    %add3A_9 = arith.constant 1.000000e+00 : f32
    %add3A_10 = vector.broadcast %add3A_9 : f32 to vector<2000x1xf32>
    %add3A_11 = arith.addf %add3A, %add3A_10 : vector<2000x1xf32>
    %rsqrt3A = math.rsqrt %add3A_11 : vector<2000x1xf32>
    %get3A_12 = arith.constant 0 : index
    %get3A_13 = arith.constant 0 : index
    %get3A_14 = vector.load %arg1[%get3A_12, %get3A_13] : memref<2000x128xf32, #tpu.memory_space<vmem>>, vector<2000x128xf32>
    %get3A_15 = arith.constant 0 : index
    %get3A_16 = arith.constant 0 : index
    %get3A_17 = vector.load %arg2[%get3A_15, %get3A_16] : memref<128x128xf32, #tpu.memory_space<vmem>>, vector<128x128xf32>
    %dot_general3A = arith.constant dense<0.000000e+00> : vector<2000x128xf32>
    %dot_general3A_18 = tpu.matmul %get3A_14, %get3A_17, %dot_general3A {dimension_numbers = #tpu.dot_dimension_numbers<[1], [0], [0], [1], [0, 0, 1, 1], [], []>, transpose_lhs_hint = false} : vector<2000x128xf32>, vector<128x128xf32>, vector<2000x128xf32> -> vector<2000x128xf32>
    %mul3A = vector.broadcast %rsqrt3A : vector<2000x1xf32> to vector<2000x128xf32>
    %mul3A_19 = arith.mulf %dot_general3A_18, %mul3A : vector<2000x128xf32>
    %swap3A = arith.constant 0 : index
    %swap3A_20 = arith.constant 0 : index
    %swap3A_21 = vector.load %arg5[%swap3A, %swap3A_20] : memref<2000x128xf32, #tpu.memory_space<vmem>>, vector<2000x128xf32>
    tpu.vector_store %arg5[%swap3A, %swap3A_20], %mul3A_19 {strides = array<i32>} : memref<2000x128xf32, #tpu.memory_space<vmem>>, vector<2000x128xf32>,
    %swap3A_22 = arith.constant 0 : index
    %swap3A_23 = arith.constant 0 : index
    %swap3A_24 = vector.load %arg6[%swap3A_22, %swap3A_23] : memref<2000x1xf32, #tpu.memory_space<vmem>>, vector<2000x1xf32>
    tpu.vector_store %arg6[%swap3A_22, %swap3A_23], %rsqrt3A {strides = array<i32>} : memref<2000x1xf32, #tpu.memory_space<vmem>>, vector<2000x1xf32>,
    return
  }
  func.func @transform_0(%arg0: i32) -> (i32, i32) {
    %c0_i32 = arith.constant 0 : i32
    %c0_i32_0 = arith.constant 0 : i32
    return %arg0, %c0_i32 : i32, i32
  }
  func.func @transform_1(%arg0: i32) -> (i32, i32) {
    %c0_i32 = arith.constant 0 : i32
    %c0_i32_0 = arith.constant 0 : i32
    %c0_i32_1 = arith.constant 0 : i32
    return %c0_i32, %c0_i32_0 : i32, i32
  }
  func.func @transform_2(%arg0: i32) -> (i32, i32, i32) {
    %c0_i32 = arith.constant 0 : i32
    %c0_i32_0 = arith.constant 0 : i32
    %c0_i32_1 = arith.constant 0 : i32
    return %c0_i32, %arg0, %c0_i32_0 : i32, i32, i32
  }
  func.func @transform_3(%arg0: i32) -> (i32, i32, i32) {
    %c1_i32 = arith.constant 1 : i32
    %c0_i32 = arith.constant 0 : i32
    %c0_i32_0 = arith.constant 0 : i32
    return %c1_i32, %arg0, %c0_i32 : i32, i32, i32
  }
  func.func @transform_4(%arg0: i32) -> (i32, i32) {
    %c0_i32 = arith.constant 0 : i32
    %c0_i32_0 = arith.constant 0 : i32
    return %arg0, %c0_i32 : i32, i32
  }
  func.func @transform_5(%arg0: i32) -> (i32, i32) {
    %c0_i32 = arith.constant 0 : i32
    %c0_i32_0 = arith.constant 0 : i32
    return %arg0, %c0_i32 : i32, i32
  }
}

module attributes {stable_mosaic.version = 14 : i64} {
  func.func @_tc_mid_body(%arg0: i32, %arg1: memref<1x2000x128xf32, #tpu.memory_space<vmem>>, %arg2: memref<1x2000x128xf32, #tpu.memory_space<vmem>>, %arg3: memref<2000x128xf32, #tpu.memory_space<vmem>>, %arg4: memref<2000x1xf32, #tpu.memory_space<vmem>>, %arg5: memref<1x128xf32, #tpu.memory_space<vmem>>, %arg6: memref<128x128xf32, #tpu.memory_space<vmem>>, %arg7: memref<2000x128xf32, #tpu.memory_space<vmem>>) attributes {dimension_semantics = [#tpu.dimension_semantics<arbitrary>], iteration_bounds = array<i64: 5>, scalar_prefetch = 0 : i64, scratch_operands = 0 : i64, tpu.core_type = #tpu.core_type<tc>, window_params = [{transform_indices = @transform_0, window_bounds = array<i64: 1, 2000, 128>}, {transform_indices = @transform_1, window_bounds = array<i64: 1, 2000, 128>}, {transform_indices = @transform_2, window_bounds = array<i64: 2000, 128>}, {transform_indices = @transform_3, window_bounds = array<i64: 2000, 1>}, {pipeline_mode = #tpu.pipeline_mode<synchronous>, transform_indices = @transform_4, window_bounds = array<i64: 1, 128>}, {pipeline_mode = #tpu.pipeline_mode<synchronous>, transform_indices = @transform_5, window_bounds = array<i64: 128, 128>}, {transform_indices = @transform_6, window_bounds = array<i64: 2000, 128>}]} {
    %get3A = arith.constant 0 : index
    %get3A_0 = arith.constant 0 : index
    %get3A_1 = vector.load %arg4[%get3A, %get3A_0] : memref<2000x1xf32, #tpu.memory_space<vmem>>, vector<2000x1xf32>
    %get3A_2 = arith.constant 0 : index
    %get3A_3 = arith.constant 0 : index
    %get3A_4 = arith.constant 0 : index
    %get3A_5 = vector.load %arg1[%get3A_2, %get3A_3, %get3A_4] : memref<1x2000x128xf32, #tpu.memory_space<vmem>>, vector<1x2000x128xf32>
    %get3A_6 = vector.shape_cast %get3A_5 : vector<1x2000x128xf32> to vector<2000x128xf32>
    %get3A_7 = arith.constant 0 : index
    %get3A_8 = arith.constant 0 : index
    %get3A_9 = arith.constant 0 : index
    %get3A_10 = vector.load %arg2[%get3A_7, %get3A_8, %get3A_9] : memref<1x2000x128xf32, #tpu.memory_space<vmem>>, vector<1x2000x128xf32>
    %get3A_11 = vector.shape_cast %get3A_10 : vector<1x2000x128xf32> to vector<2000x128xf32>
    %add3A = arith.addf %get3A_6, %get3A_11 : vector<2000x128xf32>
    %get3A_12 = arith.constant 0 : index
    %get3A_13 = arith.constant 0 : index
    %get3A_14 = vector.load %arg3[%get3A_12, %get3A_13] : memref<2000x128xf32, #tpu.memory_space<vmem>>, vector<2000x128xf32>
    %add3A_15 = arith.addf %add3A, %get3A_14 : vector<2000x128xf32>
    %mul3A = vector.broadcast %get3A_1 : vector<2000x1xf32> to vector<2000x128xf32>
    %mul3A_16 = arith.mulf %mul3A, %add3A_15 : vector<2000x128xf32>
    %get3A_17 = arith.constant 0 : index
    %get3A_18 = arith.constant 0 : index
    %get3A_19 = vector.load %arg5[%get3A_17, %get3A_18] : memref<1x128xf32, #tpu.memory_space<vmem>>, vector<1x128xf32>
    %add3A_20 = vector.broadcast %get3A_19 : vector<1x128xf32> to vector<2000x128xf32>
    %add3A_21 = arith.addf %mul3A_16, %add3A_20 : vector<2000x128xf32>
    %max3A = arith.constant 0.000000e+00 : f32
    %max3A_22 = vector.broadcast %max3A : f32 to vector<2000x128xf32>
    %max3A_23 = arith.maximumf %add3A_21, %max3A_22 : vector<2000x128xf32>
    %get3A_24 = arith.constant 0 : index
    %get3A_25 = arith.constant 0 : index
    %get3A_26 = vector.load %arg6[%get3A_24, %get3A_25] : memref<128x128xf32, #tpu.memory_space<vmem>>, vector<128x128xf32>
    %dot_general3A = arith.constant dense<0.000000e+00> : vector<2000x128xf32>
    %dot_general3A_27 = tpu.matmul %max3A_23, %get3A_26, %dot_general3A {dimension_numbers = #tpu.dot_dimension_numbers<[1], [0], [0], [1], [0, 0, 1, 1], [], []>, transpose_lhs_hint = false} : vector<2000x128xf32>, vector<128x128xf32>, vector<2000x128xf32> -> vector<2000x128xf32>
    %mul3A_28 = vector.broadcast %get3A_1 : vector<2000x1xf32> to vector<2000x128xf32>
    %mul3A_29 = arith.mulf %dot_general3A_27, %mul3A_28 : vector<2000x128xf32>
    %swap3A = arith.constant 0 : index
    %swap3A_30 = arith.constant 0 : index
    %swap3A_31 = vector.load %arg7[%swap3A, %swap3A_30] : memref<2000x128xf32, #tpu.memory_space<vmem>>, vector<2000x128xf32>
    tpu.vector_store %arg7[%swap3A, %swap3A_30], %mul3A_29 {strides = array<i32>} : memref<2000x128xf32, #tpu.memory_space<vmem>>, vector<2000x128xf32>,
    return
  }
  func.func @transform_0(%arg0: i32) -> (i32, i32, i32) {
    %c0_i32 = arith.constant 0 : i32
    %c0_i32_0 = arith.constant 0 : i32
    %c0_i32_1 = arith.constant 0 : i32
    return %c0_i32, %arg0, %c0_i32_0 : i32, i32, i32
  }
  func.func @transform_1(%arg0: i32) -> (i32, i32, i32) {
    %c1_i32 = arith.constant 1 : i32
    %c0_i32 = arith.constant 0 : i32
    %c0_i32_0 = arith.constant 0 : i32
    return %c1_i32, %arg0, %c0_i32 : i32, i32, i32
  }
  func.func @transform_2(%arg0: i32) -> (i32, i32) {
    %c0_i32 = arith.constant 0 : i32
    %c0_i32_0 = arith.constant 0 : i32
    return %arg0, %c0_i32 : i32, i32
  }
  func.func @transform_3(%arg0: i32) -> (i32, i32) {
    %c0_i32 = arith.constant 0 : i32
    %c0_i32_0 = arith.constant 0 : i32
    return %arg0, %c0_i32 : i32, i32
  }
  func.func @transform_4(%arg0: i32) -> (i32, i32) {
    %c0_i32 = arith.constant 0 : i32
    %c0_i32_0 = arith.constant 0 : i32
    %c0_i32_1 = arith.constant 0 : i32
    return %c0_i32, %c0_i32_0 : i32, i32
  }
  func.func @transform_5(%arg0: i32) -> (i32, i32) {
    %c0_i32 = arith.constant 0 : i32
    %c0_i32_0 = arith.constant 0 : i32
    %c0_i32_1 = arith.constant 0 : i32
    return %c0_i32, %c0_i32_0 : i32, i32
  }
  func.func @transform_6(%arg0: i32) -> (i32, i32) {
    %c0_i32 = arith.constant 0 : i32
    %c0_i32_0 = arith.constant 0 : i32
    return %arg0, %c0_i32 : i32, i32
  }
}

module attributes {stable_mosaic.version = 14 : i64} {
  func.func @_tc_final_body(%arg0: i32, %arg1: memref<1x2000x128xf32, #tpu.memory_space<vmem>>, %arg2: memref<1x2000x128xf32, #tpu.memory_space<vmem>>, %arg3: memref<2000x128xf32, #tpu.memory_space<vmem>>, %arg4: memref<2000x1xf32, #tpu.memory_space<vmem>>, %arg5: memref<1x128xf32, #tpu.memory_space<vmem>>, %arg6: memref<2000x128xf32, #tpu.memory_space<vmem>>) attributes {dimension_semantics = [#tpu.dimension_semantics<arbitrary>], iteration_bounds = array<i64: 5>, scalar_prefetch = 0 : i64, scratch_operands = 0 : i64, tpu.core_type = #tpu.core_type<tc>, window_params = [{transform_indices = @transform_0, window_bounds = array<i64: 1, 2000, 128>}, {transform_indices = @transform_1, window_bounds = array<i64: 1, 2000, 128>}, {transform_indices = @transform_2, window_bounds = array<i64: 2000, 128>}, {transform_indices = @transform_3, window_bounds = array<i64: 2000, 1>}, {pipeline_mode = #tpu.pipeline_mode<synchronous>, transform_indices = @transform_4, window_bounds = array<i64: 1, 128>}, {transform_indices = @transform_5, window_bounds = array<i64: 2000, 128>}]} {
    %get3A = arith.constant 0 : index
    %get3A_0 = arith.constant 0 : index
    %get3A_1 = vector.load %arg4[%get3A, %get3A_0] : memref<2000x1xf32, #tpu.memory_space<vmem>>, vector<2000x1xf32>
    %get3A_2 = arith.constant 0 : index
    %get3A_3 = arith.constant 0 : index
    %get3A_4 = arith.constant 0 : index
    %get3A_5 = vector.load %arg1[%get3A_2, %get3A_3, %get3A_4] : memref<1x2000x128xf32, #tpu.memory_space<vmem>>, vector<1x2000x128xf32>
    %get3A_6 = vector.shape_cast %get3A_5 : vector<1x2000x128xf32> to vector<2000x128xf32>
    %get3A_7 = arith.constant 0 : index
    %get3A_8 = arith.constant 0 : index
    %get3A_9 = arith.constant 0 : index
    %get3A_10 = vector.load %arg2[%get3A_7, %get3A_8, %get3A_9] : memref<1x2000x128xf32, #tpu.memory_space<vmem>>, vector<1x2000x128xf32>
    %get3A_11 = vector.shape_cast %get3A_10 : vector<1x2000x128xf32> to vector<2000x128xf32>
    %add3A = arith.addf %get3A_6, %get3A_11 : vector<2000x128xf32>
    %get3A_12 = arith.constant 0 : index
    %get3A_13 = arith.constant 0 : index
    %get3A_14 = vector.load %arg3[%get3A_12, %get3A_13] : memref<2000x128xf32, #tpu.memory_space<vmem>>, vector<2000x128xf32>
    %add3A_15 = arith.addf %add3A, %get3A_14 : vector<2000x128xf32>
    %mul3A = vector.broadcast %get3A_1 : vector<2000x1xf32> to vector<2000x128xf32>
    %mul3A_16 = arith.mulf %mul3A, %add3A_15 : vector<2000x128xf32>
    %get3A_17 = arith.constant 0 : index
    %get3A_18 = arith.constant 0 : index
    %get3A_19 = vector.load %arg5[%get3A_17, %get3A_18] : memref<1x128xf32, #tpu.memory_space<vmem>>, vector<1x128xf32>
    %add3A_20 = vector.broadcast %get3A_19 : vector<1x128xf32> to vector<2000x128xf32>
    %add3A_21 = arith.addf %mul3A_16, %add3A_20 : vector<2000x128xf32>
    %swap3A = arith.constant 0 : index
    %swap3A_22 = arith.constant 0 : index
    %swap3A_23 = vector.load %arg6[%swap3A, %swap3A_22] : memref<2000x128xf32, #tpu.memory_space<vmem>>, vector<2000x128xf32>
    tpu.vector_store %arg6[%swap3A, %swap3A_22], %add3A_21 {strides = array<i32>} : memref<2000x128xf32, #tpu.memory_space<vmem>>, vector<2000x128xf32>,
    return
  }
  func.func @transform_0(%arg0: i32) -> (i32, i32, i32) {
    %c0_i32 = arith.constant 0 : i32
    %c0_i32_0 = arith.constant 0 : i32
    %c0_i32_1 = arith.constant 0 : i32
    return %c0_i32, %arg0, %c0_i32_0 : i32, i32, i32
  }
  func.func @transform_1(%arg0: i32) -> (i32, i32, i32) {
    %c1_i32 = arith.constant 1 : i32
    %c0_i32 = arith.constant 0 : i32
    %c0_i32_0 = arith.constant 0 : i32
    return %c1_i32, %arg0, %c0_i32 : i32, i32, i32
  }
  func.func @transform_2(%arg0: i32) -> (i32, i32) {
    %c0_i32 = arith.constant 0 : i32
    %c0_i32_0 = arith.constant 0 : i32
    return %arg0, %c0_i32 : i32, i32
  }
  func.func @transform_3(%arg0: i32) -> (i32, i32) {
    %c0_i32 = arith.constant 0 : i32
    %c0_i32_0 = arith.constant 0 : i32
    return %arg0, %c0_i32 : i32, i32
  }
  func.func @transform_4(%arg0: i32) -> (i32, i32) {
    %c0_i32 = arith.constant 0 : i32
    %c0_i32_0 = arith.constant 0 : i32
    %c0_i32_1 = arith.constant 0 : i32
    return %c0_i32, %c0_i32_0 : i32, i32
  }
  func.func @transform_5(%arg0: i32) -> (i32, i32) {
    %c0_i32 = arith.constant 0 : i32
    %c0_i32_0 = arith.constant 0 : i32
    return %arg0, %c0_i32 : i32, i32
  }
}

</mosaic_0001>

<sc_bundles>
// kernel: kernel.11.cloned.1.call-start
scs
__scs_entry_jumppad:
0x0: {  	(pc) =	sbr.rel $0x88, $3  }
0x1: {  	(tag) =	ssettag $0x0;
	lr =	simm.s32 $0x1  }
0x2: {  	[smem:$0x3F9B] =	sst lr;
	_ =	strace $0xD0000000  }
0x3: {  	_ = 	snop  }
0x4: {  	_ = 	snop  }
0x5: {  	_ = 	snop  }
0x6: {  	_ = 	snop  }
0x7: {  	_ = 	snop  }
__scs_overlays_trampoline_lowered:
0x8: {  	[smem:$0x3FAA] =	sst s0  }
0x9: {  	[smem:$0x3FAB] =	sst s1  }
0xa: {  	[smem:$0x3FAC] =	sst s2  }
0xb: {  	[smem:$0x3FAD] =	sst s3  }
0xc: {  	[smem:$0x3FAE] =	sst s4  }
0xd: {  	[smem:$0x3FAF] =	sst s5  }
0xe: {  	[smem:$0x3FB0] =	sst s6  }
0xf: {  	[smem:$0x3FB1] =	sst s7  }
0x10: {  	[smem:$0x3FB2] =	sst s8  }
0x11: {  	[smem:$0x3FB3] =	sst s9;
	s0 =	simm.s32 @!p0 $0x0  }
0x12: {  	s1 =	sld [smem:$0x3F99];
	s0 =	simm.s32 @p0 $0x1  }
0x13: {  	[smem:$0x3FB4] =	sst s0;
	s0 =	simm.s32 @!p1 $0x0  }
0x14: {  	s2 =	sld [smem:$0x3F98];
	s0 =	simm.s32 @p1 $0x1  }
0x15: {  	[smem:$0x3FB5] =	sst s0;
	s0 =	simm.s32 @!p2 $0x0  }
0x16: {  	s3 =	sld [smem:$0x3FDB];
	s0 =	simm.s32 @p2 $0x1  }
0x17: {  	s4 =	simm.s32 $0x1BF5;
	[smem:$0x3FB7] =	sst s0  }
0x18: {  	s0 =	sld [smem:$0x3F9A];
	_ =	swait.ge [sflag:s4], $0x0  }
0x19: {  	s7 =	sld [smem:$0x3F9B]  }
0x1a: {  	s8 =	sadd.s32 $0xFFFFE003, lr  }
0x1b: {  	s9 =	sadd.s32 $0xFFFFFEF7, lr;
	s5 =	simm.s32 $0xFFFFFFFF;
	p2 =	slt.u32 s8, $0xFFFFF086  }
0x1c: {  	p1 =	slt.u32 s9, $0xF7A;
	s5 =	simm.s32 @!p2 $0x0  }
0x1d: {  	s5 =	simm.s32 @p1 $0x1;
	p0 =	seq.s32 s7, s2  }
0x1e: {  	s7 =	smul.u32 @!p0 $0xF7A, s2;
	p2 =	seq.s32 @!p0 s5, $0x0  }
0x1f: {  	s9 =	smul.u32 $0xF7A, s1;
	s8 =	simm.s32 @!p0 $0x1BF5;
	p2 =	por !p2, p0  }
0x20: {  	[sflag:s8] =	ssyncset.s32 @!p0 $0xFFFFF086;
	s6 =	sadd.s32 @!p0 s3, s7;
	s7 =	simm.s32 @!p0 $0x108  }
0x21: {  	s3 =	sadd.s32 s3, s9;
	s6 =	sadd.s32 @!p0 $0x88, s6;
	s7 =	simm.s32 @p2 $0x1082  }
0x22: {  	[simem:s7], [sflag:s8] =	dma.local @!p0 [hbm:s6], $0xF7A  }
0x23: {  	s9 =	sor.u32 $0xD0000000, s2;
	s6 =	simm.s32 $0x108;
	_ =	swait.ge @!p0 [sflag:s8], $0x0  }
0x24: {  	s3 =	sadd.s32 $0x88, s3;
	s6 =	simm.s32 @!p1 $0x1082;
	[sflag:s4] =	ssyncset.s32 $0xFFFFF086  }
0x25: {  	[simem:s6], [sflag:s4] =	dma.local [hbm:s3], $0xF7A  }
0x26: {  	[smem:$0x3F9B] =	sst s1;
	(tag) =	ssettag s2;
	_ =	strace s9  }
0x27: {  	s1 =	sld [smem:$0x3FAB]  }
0x28: {  	s2 =	sld [smem:$0x3FAC]  }
0x29: {  	s4 =	sld [smem:$0x3FAE]  }
0x2a: {  	p0 =	seq.s32 s5, $0x0;
	s5 =	sld [smem:$0x3FAF]  }
0x2b: {  	s6 =	sld [smem:$0x3FB0]  }
0x2c: {  	s7 =	sld [smem:$0x3FB1]  }
0x2d: {  	s3 =	simm.s32 $0x108;
	s8 =	sld [smem:$0x3FB2]  }
0x2e: {  	s3 =	simm.s32 @!p0 $0x1082;
	s9 =	sld [smem:$0x3FB3]  }
0x2f: {  	lr =	sadd.s32 s0, s3;
	s0 =	sld [smem:$0x3FAA]  }
0x30: {  	s3 =	sld [smem:$0x3FAD]  }
0x31: {  	[smem:$0x3FB6] =	sst s10  }
0x32: {  	s10 =	sld [smem:$0x3FB4];
	_ =	sdelay $0x3  }
0x33: {  	p0 =	seq.s32 s10, $0x1;
	s10 =	sld [smem:$0x3FB6];
	_ =	sdelay $0x3  }
0x34: {  	[smem:$0x3FB6] =	sst s10  }
0x35: {  	s10 =	sld [smem:$0x3FB5];
	_ =	sdelay $0x3  }
0x36: {  	p1 =	seq.s32 s10, $0x1;
	s10 =	sld [smem:$0x3FB6];
	_ =	sdelay $0x3  }
0x37: {  	[smem:$0x3FB6] =	sst s10  }
0x38: {  	s10 =	sld [smem:$0x3FB7]  }
0x39: {  	_ = 	snop;
	(pc) =	sbr.ind lr, $3  }
0x3a: {  	_ = 	snop  }
0x3b: {  	_ = 	snop  }
0x3c: {  	p2 =	seq.s32 s10, $0x1;
	s10 =	sld [smem:$0x3FB6]  }
0x3d: {  	_ =	shalt  }
0x3e: {  	_ =	shalt  }
0x3f: {  	_ =	shalt  }
0x40: {  	_ =	shalt  }
0x41: {  	_ =	shalt  }
0x42: {  	_ =	shalt  }
0x43: {  	_ =	shalt  }
0x44: {  	_ =	shalt  }
0x45: {  	_ =	shalt  }
0x46: {  	_ =	shalt  }
0x47: {  	_ =	shalt  }
0x48: {  	_ =	shalt  }
0x49: {  	_ =	shalt  }
0x4a: {  	_ =	shalt  }
0x4b: {  	_ =	shalt  }
0x4c: {  	_ =	shalt  }
0x4d: {  	_ =	shalt  }
0x4e: {  	_ =	shalt  }
0x4f: {  	_ =	shalt  }
0x50: {  	_ =	shalt  }
0x51: {  	_ =	shalt  }
0x52: {  	_ =	shalt  }
0x53: {  	_ =	shalt  }
0x54: {  	_ =	shalt  }
0x55: {  	_ =	shalt  }
0x56: {  	_ =	shalt  }
0x57: {  	_ =	shalt  }
0x58: {  	_ =	shalt  }
0x59: {  	_ =	shalt  }
0x5a: {  	_ =	shalt  }
0x5b: {  	_ =	shalt  }
0x5c: {  	_ =	shalt  }
0x5d: {  	_ =	shalt  }
0x5e: {  	_ =	shalt  }
0x5f: {  	_ =	shalt  }
0x60: {  	_ =	shalt  }
0x61: {  	_ =	shalt  }
0x62: {  	_ =	shalt  }
0x63: {  	_ =	shalt  }
0x64: {  	_ =	shalt  }
0x65: {  	_ =	shalt  }
0x66: {  	_ =	shalt  }
0x67: {  	_ =	shalt  }
0x68: {  	_ =	shalt  }
0x69: {  	_ =	shalt  }
0x6a: {  	_ =	shalt  }
0x6b: {  	_ =	shalt  }
0x6c: {  	_ =	shalt  }
0x6d: {  	_ =	shalt  }
0x6e: {  	_ =	shalt  }
0x6f: {  	_ =	shalt  }
0x70: {  	_ =	shalt  }
0x71: {  	_ =	shalt  }
0x72: {  	_ =	shalt  }
0x73: {  	_ =	shalt  }
0x74: {  	_ =	shalt  }
0x75: {  	_ =	shalt  }
0x76: {  	_ =	shalt  }
0x77: {  	_ =	shalt  }
0x78: {  	_ =	shalt  }
0x79: {  	_ =	shalt  }
0x7a: {  	_ =	shalt  }
0x7b: {  	_ =	shalt  }
0x7c: {  	_ =	shalt  }
0x7d: {  	_ =	shalt  }
0x7e: {  	_ =	shalt  }
0x7f: {  	_ =	shalt  }
0x80: {  	_ =	shalt  }
0x81: {  	_ =	shalt  }
0x82: {  	_ =	shalt  }
0x83: {  	_ =	shalt  }
0x84: {  	_ =	shalt  }
0x85: {  	_ =	shalt  }
0x86: {  	_ =	shalt  }
0x87: {  	_ =	shalt  }
.Lfunc_end0:
.L_simem_size_0:
called_computation.1_lowered:
.L_overlay_start_0:
0x88: {  	s2 =	sld [smem:$0x3FD9]  }
0x89: {  	s3 =	sld [smem:$0x3FFE];
	_ =	sdelay $0x1  }
0x8a: {  	s1 =	srdreg.scid  }
0x8b: {  	s0 =	sand.u32 $0x1, s1  }
0x8c: {  	s17 =	sshll.u32 s0, $0xA;
	s2 =	sadd.s32 s3, s2  }
0x8d: {  	s2 =	sadd.s32 s2, s17  }
0x8e: {  	[smem:$0x3FC2] =	sst s2  }
0x8f: {  	_ = 	snop  }
0x90: {  	s2 =	sld [smem:$0x3FD0];
	(tm) =	ssettm $0x1  }
0x91: {  	s18 =	sld [smem:$0x3FFB];
	_ =	sdelay $0x3  }
0x92: {  	_ =	strace s18  }
0x93: {  	s3 =	sld [smem:$0x3FFC];
	_ =	sdelay $0x3  }
0x94: {  	_ =	strace s3  }
0x95: {  	s3 =	sld [smem:$0x3FFD];
	_ =	sdelay $0x3  }
0x96: {  	_ =	strace s3  }
0x97: {  	_ =	strace $0x8FFFFFFF  }
0x98: {  	s19 =	sld [smem:$0x3FDB];
	_ =	sdelay $0x1  }
0x99: {  	s4 =	simm.s32 $_scs_section_size  }
0x9a: {  	s5 =	simm.s32 $_size__tile_overlayer_lowered;
	s6 =	simm.s32 $_tile_overlayer_lowered  }
0x9b: {  	s22 =	simm.s32 $0x1BFF;
	s21 =	sshll.u32 s6, $0x1;
	s3 =	sadd.s32 s4, s19  }
0x9c: {  	s7 =	simm.s32 $0x0;
	s20 =	sshll.u32 s5, $0x1;
	s5 =	sadd.s32 s21, s3  }
0x9d: {  	[timem:s7], [sflag:s22] =	dma.local [hbm:s5], s20  }
0x9e: {  	_ =	swait.ge [sflag:s22], s20  }
0x9f: {  	s4 =	ssub.s32 $0x0, s20;
	[sflag:s22] =	ssyncset.done $0x0  }
0xa0: {  	[sflag:s22] =	ssyncadd.s32 s4;
	_ =	sdelay $0x1  }
0xa1: {  	s23 =	simm.s32 $0x1B8B  }
0xa2: {  	_ =	swait.ge [sflag:s23], $0x1  }
0xa3: {  	[sflag:s23] =	ssyncset.done $0x0  }
0xa4: {  	s25 =	simm.s32 $0x1B8E;
	s24 =	sld [smem:$0x3FFE];
	[sflag:s23] =	ssyncadd.s32 $0xFFFFFFFF  }
0xa5: {  	s26 =	simm.s32 $execute0_lowered;
	[smem:$0x3FD2] =	sst s25  }
0xa6: {  	s5 =	sshll.u32 s26, $0x1;
	_ =	strace $0x80000049;
	[dreg:$0x1] =	wrdreg $0xFFFFFFFF  }
0xa7: {  	s28 =	simm.s32 $_size_execute0_lowered;
	s3 =	sadd.s32 s3, s5;
	[dreg:$0x0] =	wrdreg $0x0  }
0xa8: {  	s5 =	sshll.u32 s28, $0x1;
	[dreg:$0x2] =	wrdreg s3  }
0xa9: {  	[dreg:$0x3] =	wrdreg s5  }
0xaa: {  	[dreg:$0x4] =	wrdreg $0xC0  }
0xab: {  	_ =	task [dreg:s7], $0x5FFFF  }
0xac: {  	[dreg:$0x1] =	wrdreg $0xFFFFFFFF  }
0xad: {  	[dreg:$0x0] =	wrdreg $0x60  }
0xae: {  	[dreg:$0x2] =	wrdreg s2  }
0xaf: {  	[dreg:$0x3] =	wrdreg s24  }
0xb0: {  	[dreg:$0x4] =	wrdreg $0x0  }
0xb1: {  	[dreg:$0x5] =	wrdreg $0x9  }
0xb2: {  	_ =	task.clear_ibuf [dreg:s7], $0x6FFFF;
	_ =	strace $0x90000049  }
0xb3: {  	s29 =	simm.s32 $0x9;
	_ =	strace $0x8000004B  }
0xb4: {  	_ =	swait.ge [sflag:s29], $0x1  }
0xb5: {  	[sflag:s29] =	ssyncadd.s32 $0xFFFFFFFF  }
0xb6: {  	_ =	strace $0x9000004B  }
0xb7: {  	_ =	sfence  }
0xb8: {  	s30 =	sld [smem:$0x0];
	_ =	sdelay $0x2  }
0xb9: {  	s31 =	sshll.u32 s1, $0xD;
	s1 =	sshrl.u32 s1, $0x2  }
0xba: {  	s3 =	sand.u32 $0x4000, s31;
	s1 =	sadd.s32 s1, s30  }
0xbb: {  	s0 =	sor.u32 s3, s0;
	s1 =	sshll.u32 s1, $0x11  }
0xbc: {  	s0 =	sor.u32 s1, s0  }
0xbd: {  	s0 =	sadd.s32 $0x8F2B, s0  }
0xbe: {  	[sflag:s0] =	ssyncadd.remote.s32 $0x1  }
0xbf: {  	_ =	sfence.sel $0xFFFF  }
0xc0: {  	[dreg:$0x0] =	wrdreg $0xFFFFFFFF;
	(pc) =	sbr.abs _section_cstart, $3  }
0xc1: {  	[dreg:$0x1] =	wrdreg $0xFFFFFFFF  }
0xc2: {  	_ =	task.clear_ibuf [dreg:s7], $0x2FFFF;
	_ =	strace $0x9FFFFFFF  }
0xc3: {  	(tm) =	ssettm $0x7FFFFFFF  }
tec
execute0_lowered:
.L_overlay_start_1:
0x0: {  	(tag) =	ssettag $0x1  }
0x1: {  	s1 =	rddreg [dreg:$0x0]  }
0x2: {  	s0 =	rddreg [dreg:$0x1]  }
0x3: {  	s2 =	rddreg [dreg:$0x2];
	s3 =	srdreg.scid;
	s5 =	simm.s32 $0x0  }
0x4: {  	s8 =	stileid.u32;
	s13 =	simm.s32 $0x14000;
	s14 =	simm.s32 $0x9  }
0x5: {  	s16 =	simm.s32 $0x40;
	s17 =	simm.s32 $0x16800;
	s19 =	simm.s32 $0x18800  }
0x6: {  	s21 =	simm.s32 $0x1A800;
	s22 =	simm.s32 $0x14180;
	s28 =	simm.s32 $0x3  }
0x7: {  	s29 =	simm.s32 $0x4;
	s30 =	simm.s32 $0x5;
	s31 =	simm.s32 $0x6  }
0x8: {  	s11 =	simm.s32 $0x16780;
	s15 =	simm.s32 $0x0;
	s3 =	sand.u32 $0x1, s3  }
0x9: {  	[smem:$0x7FF] =	sst s5;
	s6 =	smul.u32 $0x14000, s8;
	s5 =	sadd.s32 $0x17600, s0  }
0xa: {  	s4 =	smul.u32 $0x140000, s3;
	s23 =	sshll.u32 s3, $0x4;
	_ =	strace $0x8000004A  }
0xb: {  	s3 =	ssub.s32 $0x2, s3;
	s7 =	sor.u32 s8, s23;
	s8 =	smul.u32 $0x50000, s8  }
0xc: {  	s24 =	sshrl.u32 s3, $0x1;
	s23 =	simm.s32 $0x1C800;
	s4 =	sadd.s32 s6, s4  }
0xd: {  	s6 =	smul.u32 $0x5000, s7;
	s7 =	sadd.s32 $0x3600, s0;
	s3 =	ssub.s32 s3, s24  }
0xe: {  	s24 =	simm.s32 $0x1E800;
	s4 =	sshrl.u32 s4, $0x3;
	s8 =	sshrl.u32 s8, $0x2  }
0xf: {  	s26 =	smax.u32 s3, $0x1;
	s3 =	simm.s32 $0x8;
	s25 =	sshrl.u32 s6, $0x3  }
0x10: {  	s0 =	sadd.s32 s4, s0;
	[dreg:$0x7] =	wrdreg s26;
	s9 =	sadd.s32 s5, s25  }
0x11: {  	s10 =	sadd.s32 s8, s2;
	s4 =	sadd.s32 s7, s25;
	[dreg:$0x4] =	wrdreg s9  }
0x12: {  	s26 =	simm.s32 $0x2;
	s0 =	sadd.s32 $0x2B600, s0;
	[dreg:$0x5] =	wrdreg s4  }
0x13: {  	s8 =	simm.s32 $0x16680;
	s25 =	simm.s32 $0x1;
	[dreg:$0x6] =	wrdreg s0  }
0x14: {  	v0 =	vimm.f32 $0.0e+00;
	s0 =	simm.s32 $0x7;
	s4 =	simm.s32 $0x16600;
	s9 =	simm.s32 $0x16700  }
.LBB2_1:
0x15: {  	[dreg:$0x8] =	wrdreg s15  }
0x16: {  	s12 =	simm.s32 $0x0;
	s18 =	rddreg [dreg:$0x4]  }
0x17: {  	[tilespmem:s13], [sflag:$0x9] =	stream.linear.gather [hbm4b:s18+s12], $0x1400, $0x38;
	[tilespmem:$0x1F000] =	vst v63  }
0x18: {  	_ =	swait.ge [sflag:s14], $0x1400  }
0x19: {  	[sflag:s14] =	ssyncset.done $0x0  }
0x1a: {  	s18 =	simm.s32 $0x15400;
	s20 =	rddreg [dreg:$0x5];
	[sflag:s14] =	ssyncadd.s32 $0xFFFFEC00  }
0x1b: {  	[tilespmem:s18], [sflag:$0x9] =	stream.linear.gather [hbm4b:s20+s12], $0x1400, $0x38;
	[tilespmem:$0x1F000] =	vst v63  }
0x1c: {  	_ =	swait.ge [sflag:s14], $0x1400  }
0x1d: {  	[sflag:s14] =	ssyncset.done $0x0  }
0x1e: {  	[sflag:s14] =	ssyncadd.s32 $0xFFFFEC00  }
0x1f: {  	[tilespmem:s17], [sflag:$0x1] =	stream.indirect.gather [hbm4b:s1+s16], $0x80, s13, s16, $0xb8;
	[tilespmem:$0x1F000] =	vst v63  }
0x20: {  	s18 =	simm.s32 $0x14080  }
0x21: {  	[tilespmem:s19], [sflag:$0x2] =	stream.indirect.gather [hbm4b:s1+s16], $0x80, s18, s16, $0xb8;
	[tilespmem:$0x1F000] =	vst v63  }
0x22: {  	s20 =	simm.s32 $0x14100  }
0x23: {  	[tilespmem:s21], [sflag:$0x3] =	stream.indirect.gather [hbm4b:s1+s16], $0x80, s20, s16, $0xb8;
	[tilespmem:$0x1F000] =	vst v63  }
0x24: {  	s15 =	simm.s32 $0x0;
	s12 =	simm.s32 $0x0  }
0x25: {  	[tilespmem:s23], [sflag:$0x4] =	stream.indirect.gather [hbm4b:s1+s16], $0x80, s22, s16, $0xb8;
	[tilespmem:$0x1F000] =	vst v63  }
.LBB2_2:
0x26: {  	p0 =	sne.s32 s15, $0x1FC0  }
.Ltmp0:
0x27: {  	_ = 	snop;
	(pc) =	sbr.rel @p0 .LBB2_2-.Ltmp0, $4  }
0x28: {  	s18 =	sand.u32 $0x1E00, s15  }
0x29: {  	s20 =	sand.u32 $0x70, s12;
	s18 =	sshrl.u32 s18, $0x2  }
0x2a: {  	s18 =	sor.u32 s20, s18  }
0x2b: {  	s12 =	sadd.s32 $0x10, s12;
	s15 =	sadd.s32 $0x40, s15;
	[tilespmem:s18+$0x1E800] =	vst v0  }
0x2c: {  	s12 =	sadd.s32 $0x0, s10  }
0x2d: {  	[spmem:s12] =	stream.linear.scatter [tilespmem:s24], [sflag:$0x9], $0x800, $0x38;
	[tilespmem:$0x1F000] =	vst v63  }
0x2e: {  	s12 =	simm.s32 $0x2000;
	_ =	swait.ge [sflag:s14], $0x800  }
.LBB2_4:
0x2f: {  	s15 =	sshra.s32 s12, $0x2;
	[sflag:s14] =	ssyncset.done $0x0;
	p0 =	sne.s32 s12, $0x4E000  }
.Ltmp1:
0x30: {  	s15 =	sadd.s32 s15, s10;
	[sflag:s14] =	ssyncadd.s32 $0xFFFFF800;
	(pc) =	sbr.rel @p0 .LBB2_4-.Ltmp1, $3  }
0x31: {  	[spmem:s15] =	stream.linear.scatter [tilespmem:s24], [sflag:$0x9], $0x800, $0x38;
	[tilespmem:$0x1F000] =	vst v63  }
0x32: {  	s12 =	sadd.s32 $0x2000, s12;
	_ =	sdelay $0x1  }
0x33: {  	_ =	swait.ge [sflag:s14], $0x800  }
0x34: {  	[sflag:s14] =	ssyncset.done $0x0  }
0x35: {  	[sflag:s14] =	ssyncadd.s32 $0xFFFFF800  }
0x36: {  	[bflag:$0x0] =	sbarrier.arrive $0xFFFF  }
0x37: {  	_ =	swait.ge [sflag:s25], $0x2000  }
0x38: {  	[sflag:s25] =	ssyncset.done $0x0  }
0x39: {  	s12 =	simm.s32 $0x15400;
	[sflag:s25] =	ssyncadd.s32 $0xFFFFE000  }
0x3a: {  	[spmem:s2] =	stream.indirect.scatter.add.f32 [tilespmem:s17], [sflag:$0x5], $0x80, s12, s16, $0xb8;
	[tilespmem:$0x1F000] =	vst v63  }
0x3b: {  	_ =	swait.ge [sflag:s26], $0x2000  }
0x3c: {  	[sflag:s26] =	ssyncset.done $0x0  }
0x3d: {  	s15 =	simm.s32 $0x15480;
	[sflag:s26] =	ssyncadd.s32 $0xFFFFE000  }
0x3e: {  	[spmem:s2] =	stream.indirect.scatter.add.f32 [tilespmem:s19], [sflag:$0x6], $0x80, s15, s16, $0xb8;
	[tilespmem:$0x1F000] =	vst v63  }
0x3f: {  	_ =	swait.ge [sflag:s28], $0x2000  }
0x40: {  	[sflag:s28] =	ssyncset.done $0x0  }
0x41: {  	s18 =	simm.s32 $0x15500;
	[sflag:s28] =	ssyncadd.s32 $0xFFFFE000  }
0x42: {  	[spmem:s2] =	stream.indirect.scatter.add.f32 [tilespmem:s21], [sflag:$0x7], $0x80, s18, s16, $0xb8;
	[tilespmem:$0x1F000] =	vst v63  }
0x43: {  	_ =	swait.ge [sflag:s29], $0x2000  }
0x44: {  	[sflag:s29] =	ssyncset.done $0x0  }
0x45: {  	s20 =	simm.s32 $0x15580;
	[sflag:s29] =	ssyncadd.s32 $0xFFFFE000  }
0x46: {  	[spmem:s2] =	stream.indirect.scatter.add.f32 [tilespmem:s23], [sflag:$0x8], $0x80, s20, s16, $0xb8;
	[tilespmem:$0x1F000] =	vst v63  }
0x47: {  	_ =	swait.ge [sflag:s30], $0x2000  }
0x48: {  	[sflag:s30] =	ssyncset.done $0x0  }
0x49: {  	s15 =	simm.s32 $0x14200;
	[sflag:s30] =	ssyncadd.s32 $0xFFFFE000  }
0x4a: {  	[tilespmem:s17], [sflag:$0x1] =	stream.indirect.gather [hbm4b:s1+s16], $0x80, s15, s16, $0xb8;
	[tilespmem:$0x1F000] =	vst v63  }
0x4b: {  	_ =	swait.ge [sflag:s31], $0x2000  }
0x4c: {  	[sflag:s31] =	ssyncset.done $0x0  }
0x4d: {  	s18 =	simm.s32 $0x14280;
	[sflag:s31] =	ssyncadd.s32 $0xFFFFE000  }
0x4e: {  	[tilespmem:s19], [sflag:$0x2] =	stream.indirect.gather [hbm4b:s1+s16], $0x80, s18, s16, $0xb8;
	[tilespmem:$0x1F000] =	vst v63  }
0x4f: {  	_ =	swait.ge [sflag:s0], $0x2000  }
0x50: {  	[sflag:s0] =	ssyncset.done $0x0  }
0x51: {  	s20 =	simm.s32 $0x14300;
	[sflag:s0] =	ssyncadd.s32 $0xFFFFE000  }
0x52: {  	[tilespmem:s21], [sflag:$0x3] =	stream.indirect.gather [hbm4b:s1+s16], $0x80, s20, s16, $0xb8;
	[tilespmem:$0x1F000] =	vst v63  }
0x53: {  	_ =	swait.ge [sflag:s3], $0x2000  }
0x54: {  	[sflag:s3] =	ssyncset.done $0x0  }
0x55: {  	s12 =	simm.s32 $0x800;
	s15 =	simm.s32 $0x14380;
	[sflag:s3] =	ssyncadd.s32 $0xFFFFE000  }
.LBB2_6:
0x56: {  	[tilespmem:s23], [sflag:$0x4] =	stream.indirect.gather [hbm4b:s1+s16], $0x80, s15, s16, $0xb8;
	[tilespmem:$0x1F000] =	vst v63  }
0x57: {  	s15 =	smov.u32 s12  }
0x58: {  	p0 =	sne.s32 s12, $0x4000;
	s12 =	sadd.s32 $0x800, s12;
	_ =	swait.ge [sflag:s25], $0x2000  }
0x59: {  	s15 =	sshra.s32 s15, $0x2;
	[sflag:s25] =	ssyncset.done $0x0  }
0x5a: {  	s18 =	sadd.s32 $0x15400, s15;
	[sflag:s25] =	ssyncadd.s32 $0xFFFFE000  }
0x5b: {  	[spmem:s2] =	stream.indirect.scatter.add.f32 [tilespmem:s17], [sflag:$0x5], $0x80, s18, s16, $0xb8;
	[tilespmem:$0x1F000] =	vst v63  }
0x5c: {  	_ =	swait.ge [sflag:s26], $0x2000  }
0x5d: {  	[sflag:s26] =	ssyncset.done $0x0  }
0x5e: {  	s18 =	sadd.s32 $0x15480, s15;
	[sflag:s26] =	ssyncadd.s32 $0xFFFFE000  }
0x5f: {  	[spmem:s2] =	stream.indirect.scatter.add.f32 [tilespmem:s19], [sflag:$0x6], $0x80, s18, s16, $0xb8;
	[tilespmem:$0x1F000] =	vst v63  }
0x60: {  	_ =	swait.ge [sflag:s28], $0x2000  }
0x61: {  	[sflag:s28] =	ssyncset.done $0x0  }
0x62: {  	s18 =	sadd.s32 $0x15500, s15;
	[sflag:s28] =	ssyncadd.s32 $0xFFFFE000  }
0x63: {  	[spmem:s2] =	stream.indirect.scatter.add.f32 [tilespmem:s21], [sflag:$0x7], $0x80, s18, s16, $0xb8;
	[tilespmem:$0x1F000] =	vst v63  }
0x64: {  	_ =	swait.ge [sflag:s29], $0x2000  }
0x65: {  	[sflag:s29] =	ssyncset.done $0x0  }
0x66: {  	s18 =	sadd.s32 $0x15580, s15;
	[sflag:s29] =	ssyncadd.s32 $0xFFFFE000  }
0x67: {  	[spmem:s2] =	stream.indirect.scatter.add.f32 [tilespmem:s23], [sflag:$0x8], $0x80, s18, s16, $0xb8;
	[tilespmem:$0x1F000] =	vst v63  }
0x68: {  	_ =	swait.ge [sflag:s30], $0x2000  }
0x69: {  	[sflag:s30] =	ssyncset.done $0x0  }
0x6a: {  	s18 =	sadd.s32 $0x14200, s15;
	[sflag:s30] =	ssyncadd.s32 $0xFFFFE000  }
0x6b: {  	[tilespmem:s17], [sflag:$0x1] =	stream.indirect.gather [hbm4b:s1+s16], $0x80, s18, s16, $0xb8;
	[tilespmem:$0x1F000] =	vst v63  }
0x6c: {  	_ =	swait.ge [sflag:s31], $0x2000  }
0x6d: {  	[sflag:s31] =	ssyncset.done $0x0  }
0x6e: {  	s18 =	sadd.s32 $0x14280, s15;
	[sflag:s31] =	ssyncadd.s32 $0xFFFFE000  }
0x6f: {  	[tilespmem:s19], [sflag:$0x2] =	stream.indirect.gather [hbm4b:s1+s16], $0x80, s18, s16, $0xb8;
	[tilespmem:$0x1F000] =	vst v63  }
0x70: {  	_ =	swait.ge [sflag:s0], $0x2000  }
0x71: {  	[sflag:s0] =	ssyncset.done $0x0  }
.Ltmp2:
0x72: {  	s18 =	sadd.s32 $0x14300, s15;
	[sflag:s0] =	ssyncadd.s32 $0xFFFFE000;
	(pc) =	sbr.rel @p0 .LBB2_6-.Ltmp2, $4  }
0x73: {  	[tilespmem:s21], [sflag:$0x3] =	stream.indirect.gather [hbm4b:s1+s16], $0x80, s18, s16, $0xb8;
	[tilespmem:$0x1F000] =	vst v63  }
0x74: {  	_ =	swait.ge [sflag:s3], $0x2000  }
0x75: {  	[sflag:s3] =	ssyncset.done $0x0  }
0x76: {  	s15 =	sadd.s32 $0x14380, s15;
	[sflag:s3] =	ssyncadd.s32 $0xFFFFE000  }
0x77: {  	[tilespmem:s23], [sflag:$0x4] =	stream.indirect.gather [hbm4b:s1+s16], $0x80, s15, s16, $0xb8;
	[tilespmem:$0x1F000] =	vst v63  }
0x78: {  	s12 =	simm.s32 $0x1  }
0x79: {  	_ =	swait.ge [sflag:s12], $0x2000  }
0x7a: {  	[sflag:s12] =	ssyncset.done $0x0  }
0x7b: {  	[sflag:s12] =	ssyncadd.s32 $0xFFFFE000  }
0x7c: {  	[spmem:s2] =	stream.indirect.scatter.add.f32 [tilespmem:s17], [sflag:$0x5], $0x80, s4, s16, $0xb8;
	[tilespmem:$0x1F000] =	vst v63  }
0x7d: {  	_ =	swait.ge [sflag:s26], $0x2000  }
0x7e: {  	[sflag:s26] =	ssyncset.done $0x0  }
0x7f: {  	[sflag:s26] =	ssyncadd.s32 $0xFFFFE000  }
0x80: {  	[spmem:s2] =	stream.indirect.scatter.add.f32 [tilespmem:s19], [sflag:$0x6], $0x80, s8, s16, $0xb8;
	[tilespmem:$0x1F000] =	vst v63  }
0x81: {  	_ =	swait.ge [sflag:s28], $0x2000  }
0x82: {  	[sflag:s28] =	ssyncset.done $0x0  }
0x83: {  	[sflag:s28] =	ssyncadd.s32 $0xFFFFE000  }
0x84: {  	[spmem:s2] =	stream.indirect.scatter.add.f32 [tilespmem:s21], [sflag:$0x7], $0x80, s9, s16, $0xb8;
	[tilespmem:$0x1F000] =	vst v63  }
0x85: {  	_ =	swait.ge [sflag:s29], $0x2000  }
0x86: {  	[sflag:s29] =	ssyncset.done $0x0  }
0x87: {  	[sflag:s29] =	ssyncadd.s32 $0xFFFFE000  }
0x88: {  	[spmem:s2] =	stream.indirect.scatter.add.f32 [tilespmem:s23], [sflag:$0x8], $0x80, s11, s16, $0xb8;
	[tilespmem:$0x1F000] =	vst v63  }
.LBB2_8:
0x89: {  	s15 =	smul.u32 $0x1400, s12;
	_ =	sdelay $0x1  }
0x8a: {  	s15 =	sadd.s32 s6, s15  }
0x8b: {  	s15 =	sshrl.u32 s15, $0x3  }
0x8c: {  	s20 =	simm.s32 $0x0;
	s18 =	sadd.s32 s5, s15  }
0x8d: {  	[tilespmem:s13], [sflag:$0x9] =	stream.linear.gather [hbm4b:s18+s20], $0x1400, $0x38;
	[tilespmem:$0x1F000] =	vst v63  }
0x8e: {  	_ =	swait.ge [sflag:s14], $0x1400  }
0x8f: {  	[sflag:s14] =	ssyncset.done $0x0  }
0x90: {  	s15 =	sadd.s32 s7, s15;
	s18 =	simm.s32 $0x15400;
	[sflag:s14] =	ssyncadd.s32 $0xFFFFEC00  }
0x91: {  	[tilespmem:s18], [sflag:$0x9] =	stream.linear.gather [hbm4b:s15+s20], $0x1400, $0x38;
	[tilespmem:$0x1F000] =	vst v63  }
0x92: {  	_ =	swait.ge [sflag:s14], $0x1400  }
0x93: {  	[sflag:s14] =	ssyncset.done $0x0  }
0x94: {  	[sflag:s14] =	ssyncadd.s32 $0xFFFFEC00  }
0x95: {  	_ =	swait.ge [sflag:s30], $0x2000  }
0x96: {  	[sflag:s30] =	ssyncset.done $0x0  }
0x97: {  	[sflag:s30] =	ssyncadd.s32 $0xFFFFE000  }
0x98: {  	[tilespmem:s17], [sflag:$0x1] =	stream.indirect.gather [hbm4b:s1+s16], $0x80, s13, s16, $0xb8;
	[tilespmem:$0x1F000] =	vst v63  }
0x99: {  	_ =	swait.ge [sflag:s31], $0x2000  }
0x9a: {  	[sflag:s31] =	ssyncset.done $0x0  }
0x9b: {  	s20 =	simm.s32 $0x14080;
	[sflag:s31] =	ssyncadd.s32 $0xFFFFE000  }
0x9c: {  	[tilespmem:s19], [sflag:$0x2] =	stream.indirect.gather [hbm4b:s1+s16], $0x80, s20, s16, $0xb8;
	[tilespmem:$0x1F000] =	vst v63  }
0x9d: {  	_ =	swait.ge [sflag:s0], $0x2000  }
0x9e: {  	[sflag:s0] =	ssyncset.done $0x0  }
0x9f: {  	s18 =	simm.s32 $0x14100;
	[sflag:s0] =	ssyncadd.s32 $0xFFFFE000  }
0xa0: {  	[tilespmem:s21], [sflag:$0x3] =	stream.indirect.gather [hbm4b:s1+s16], $0x80, s18, s16, $0xb8;
	[tilespmem:$0x1F000] =	vst v63  }
0xa1: {  	_ =	swait.ge [sflag:s3], $0x2000  }
0xa2: {  	[sflag:s3] =	ssyncset.done $0x0  }
0xa3: {  	[sflag:s3] =	ssyncadd.s32 $0xFFFFE000  }
0xa4: {  	[tilespmem:s23], [sflag:$0x4] =	stream.indirect.gather [hbm4b:s1+s16], $0x80, s22, s16, $0xb8;
	[tilespmem:$0x1F000] =	vst v63  }
0xa5: {  	_ =	swait.ge [sflag:s25], $0x2000  }
0xa6: {  	[sflag:s25] =	ssyncset.done $0x0  }
0xa7: {  	s20 =	simm.s32 $0x15400;
	[sflag:s25] =	ssyncadd.s32 $0xFFFFE000  }
0xa8: {  	[spmem:s2] =	stream.indirect.scatter.add.f32 [tilespmem:s17], [sflag:$0x5], $0x80, s20, s16, $0xb8;
	[tilespmem:$0x1F000] =	vst v63  }
0xa9: {  	_ =	swait.ge [sflag:s26], $0x2000  }
0xaa: {  	[sflag:s26] =	ssyncset.done $0x0  }
0xab: {  	s18 =	simm.s32 $0x15480;
	[sflag:s26] =	ssyncadd.s32 $0xFFFFE000  }
0xac: {  	[spmem:s2] =	stream.indirect.scatter.add.f32 [tilespmem:s19], [sflag:$0x6], $0x80, s18, s16, $0xb8;
	[tilespmem:$0x1F000] =	vst v63  }
0xad: {  	_ =	swait.ge [sflag:s28], $0x2000  }
0xae: {  	[sflag:s28] =	ssyncset.done $0x0  }
0xaf: {  	s20 =	simm.s32 $0x15500;
	[sflag:s28] =	ssyncadd.s32 $0xFFFFE000  }
0xb0: {  	[spmem:s2] =	stream.indirect.scatter.add.f32 [tilespmem:s21], [sflag:$0x7], $0x80, s20, s16, $0xb8;
	[tilespmem:$0x1F000] =	vst v63  }
0xb1: {  	_ =	swait.ge [sflag:s29], $0x2000  }
0xb2: {  	[sflag:s29] =	ssyncset.done $0x0  }
0xb3: {  	s18 =	simm.s32 $0x15580;
	[sflag:s29] =	ssyncadd.s32 $0xFFFFE000  }
0xb4: {  	[spmem:s2] =	stream.indirect.scatter.add.f32 [tilespmem:s23], [sflag:$0x8], $0x80, s18, s16, $0xb8;
	[tilespmem:$0x1F000] =	vst v63  }
0xb5: {  	_ =	swait.ge [sflag:s30], $0x2000  }
0xb6: {  	[sflag:s30] =	ssyncset.done $0x0  }
0xb7: {  	s20 =	simm.s32 $0x14200;
	[sflag:s30] =	ssyncadd.s32 $0xFFFFE000  }
0xb8: {  	[tilespmem:s17], [sflag:$0x1] =	stream.indirect.gather [hbm4b:s1+s16], $0x80, s20, s16, $0xb8;
	[tilespmem:$0x1F000] =	vst v63  }
0xb9: {  	_ =	swait.ge [sflag:s31], $0x2000  }
0xba: {  	[sflag:s31] =	ssyncset.done $0x0  }
0xbb: {  	s18 =	simm.s32 $0x14280;
	[sflag:s31] =	ssyncadd.s32 $0xFFFFE000  }
0xbc: {  	[tilespmem:s19], [sflag:$0x2] =	stream.indirect.gather [hbm4b:s1+s16], $0x80, s18, s16, $0xb8;
	[tilespmem:$0x1F000] =	vst v63  }
0xbd: {  	_ =	swait.ge [sflag:s0], $0x2000  }
0xbe: {  	[sflag:s0] =	ssyncset.done $0x0  }
0xbf: {  	s20 =	simm.s32 $0x14300;
	[sflag:s0] =	ssyncadd.s32 $0xFFFFE000  }
0xc0: {  	[tilespmem:s21], [sflag:$0x3] =	stream.indirect.gather [hbm4b:s1+s16], $0x80, s20, s16, $0xb8;
	[tilespmem:$0x1F000] =	vst v63  }
0xc1: {  	_ =	swait.ge [sflag:s3], $0x2000  }
0xc2: {  	[sflag:s3] =	ssyncset.done $0x0  }
0xc3: {  	s15 =	simm.s32 $0x800;
	s18 =	simm.s32 $0x14380;
	[sflag:s3] =	ssyncadd.s32 $0xFFFFE000  }
.LBB2_9:
0xc4: {  	[tilespmem:s23], [sflag:$0x4] =	stream.indirect.gather [hbm4b:s1+s16], $0x80, s18, s16, $0xb8;
	[tilespmem:$0x1F000] =	vst v63  }
0xc5: {  	s18 =	smov.u32 s15  }
0xc6: {  	p0 =	sne.s32 s15, $0x4000;
	s15 =	sadd.s32 $0x800, s15;
	_ =	swait.ge [sflag:s25], $0x2000  }
0xc7: {  	s18 =	sshra.s32 s18, $0x2;
	[sflag:s25] =	ssyncset.done $0x0  }
0xc8: {  	s20 =	sadd.s32 $0x15400, s18;
	[sflag:s25] =	ssyncadd.s32 $0xFFFFE000  }
0xc9: {  	[spmem:s2] =	stream.indirect.scatter.add.f32 [tilespmem:s17], [sflag:$0x5], $0x80, s20, s16, $0xb8;
	[tilespmem:$0x1F000] =	vst v63  }
0xca: {  	_ =	swait.ge [sflag:s26], $0x2000  }
0xcb: {  	[sflag:s26] =	ssyncset.done $0x0  }
0xcc: {  	s20 =	sadd.s32 $0x15480, s18;
	[sflag:s26] =	ssyncadd.s32 $0xFFFFE000  }
0xcd: {  	[spmem:s2] =	stream.indirect.scatter.add.f32 [tilespmem:s19], [sflag:$0x6], $0x80, s20, s16, $0xb8;
	[tilespmem:$0x1F000] =	vst v63  }
0xce: {  	_ =	swait.ge [sflag:s28], $0x2000  }
0xcf: {  	[sflag:s28] =	ssyncset.done $0x0  }
0xd0: {  	s20 =	sadd.s32 $0x15500, s18;
	[sflag:s28] =	ssyncadd.s32 $0xFFFFE000  }
0xd1: {  	[spmem:s2] =	stream.indirect.scatter.add.f32 [tilespmem:s21], [sflag:$0x7], $0x80, s20, s16, $0xb8;
	[tilespmem:$0x1F000] =	vst v63  }
0xd2: {  	_ =	swait.ge [sflag:s29], $0x2000  }
0xd3: {  	[sflag:s29] =	ssyncset.done $0x0  }
0xd4: {  	s20 =	sadd.s32 $0x15580, s18;
	[sflag:s29] =	ssyncadd.s32 $0xFFFFE000  }
0xd5: {  	[spmem:s2] =	stream.indirect.scatter.add.f32 [tilespmem:s23], [sflag:$0x8], $0x80, s20, s16, $0xb8;
	[tilespmem:$0x1F000] =	vst v63  }
0xd6: {  	_ =	swait.ge [sflag:s30], $0x2000  }
0xd7: {  	[sflag:s30] =	ssyncset.done $0x0  }
0xd8: {  	s20 =	sadd.s32 $0x14200, s18;
	[sflag:s30] =	ssyncadd.s32 $0xFFFFE000  }
0xd9: {  	[tilespmem:s17], [sflag:$0x1] =	stream.indirect.gather [hbm4b:s1+s16], $0x80, s20, s16, $0xb8;
	[tilespmem:$0x1F000] =	vst v63  }
0xda: {  	_ =	swait.ge [sflag:s31], $0x2000  }
0xdb: {  	[sflag:s31] =	ssyncset.done $0x0  }
0xdc: {  	s20 =	sadd.s32 $0x14280, s18;
	[sflag:s31] =	ssyncadd.s32 $0xFFFFE000  }
0xdd: {  	[tilespmem:s19], [sflag:$0x2] =	stream.indirect.gather [hbm4b:s1+s16], $0x80, s20, s16, $0xb8;
	[tilespmem:$0x1F000] =	vst v63  }
0xde: {  	_ =	swait.ge [sflag:s0], $0x2000  }
0xdf: {  	[sflag:s0] =	ssyncset.done $0x0  }
.Ltmp3:
0xe0: {  	s20 =	sadd.s32 $0x14300, s18;
	[sflag:s0] =	ssyncadd.s32 $0xFFFFE000;
	(pc) =	sbr.rel @p0 .LBB2_9-.Ltmp3, $4  }
0xe1: {  	[tilespmem:s21], [sflag:$0x3] =	stream.indirect.gather [hbm4b:s1+s16], $0x80, s20, s16, $0xb8;
	[tilespmem:$0x1F000] =	vst v63  }
0xe2: {  	_ =	swait.ge [sflag:s3], $0x2000  }
0xe3: {  	[sflag:s3] =	ssyncset.done $0x0  }
0xe4: {  	s18 =	sadd.s32 $0x14380, s18;
	[sflag:s3] =	ssyncadd.s32 $0xFFFFE000  }
0xe5: {  	[tilespmem:s23], [sflag:$0x4] =	stream.indirect.gather [hbm4b:s1+s16], $0x80, s18, s16, $0xb8;
	[tilespmem:$0x1F000] =	vst v63  }
0xe6: {  	_ =	swait.ge [sflag:s25], $0x2000  }
0xe7: {  	[sflag:s25] =	ssyncset.done $0x0  }
0xe8: {  	[sflag:s25] =	ssyncadd.s32 $0xFFFFE000  }
0xe9: {  	[spmem:s2] =	stream.indirect.scatter.add.f32 [tilespmem:s17], [sflag:$0x5], $0x80, s4, s16, $0xb8;
	[tilespmem:$0x1F000] =	vst v63  }
0xea: {  	_ =	swait.ge [sflag:s26], $0x2000  }
0xeb: {  	[sflag:s26] =	ssyncset.done $0x0  }
0xec: {  	[sflag:s26] =	ssyncadd.s32 $0xFFFFE000  }
0xed: {  	[spmem:s2] =	stream.indirect.scatter.add.f32 [tilespmem:s19], [sflag:$0x6], $0x80, s8, s16, $0xb8;
	[tilespmem:$0x1F000] =	vst v63  }
0xee: {  	_ =	swait.ge [sflag:s28], $0x2000  }
0xef: {  	s12 =	sadd.s32 $0x1, s12;
	[sflag:s28] =	ssyncset.done $0x0  }
0xf0: {  	p0 =	sne.s32 s12, $0x4;
	[sflag:s28] =	ssyncadd.s32 $0xFFFFE000  }
0xf1: {  	[spmem:s2] =	stream.indirect.scatter.add.f32 [tilespmem:s21], [sflag:$0x7], $0x80, s9, s16, $0xb8;
	[tilespmem:$0x1F000] =	vst v63  }
.Ltmp4:
0xf2: {  	_ = 	snop;
	(pc) =	sbr.rel @p0 .LBB2_8-.Ltmp4, $4  }
0xf3: {  	_ =	swait.ge [sflag:s29], $0x2000  }
0xf4: {  	[sflag:s29] =	ssyncset.done $0x0  }
0xf5: {  	[sflag:s29] =	ssyncadd.s32 $0xFFFFE000  }
0xf6: {  	[spmem:s2] =	stream.indirect.scatter.add.f32 [tilespmem:s23], [sflag:$0x8], $0x80, s11, s16, $0xb8;
	[tilespmem:$0x1F000] =	vst v63  }
0xf7: {  	_ =	swait.ge [sflag:s30], $0x2000  }
0xf8: {  	[sflag:s30] =	ssyncset.done $0x0  }
0xf9: {  	[sflag:s30] =	ssyncadd.s32 $0xFFFFE000  }
0xfa: {  	_ =	swait.ge [sflag:s31], $0x2000  }
0xfb: {  	[sflag:s31] =	ssyncset.done $0x0  }
0xfc: {  	[sflag:s31] =	ssyncadd.s32 $0xFFFFE000  }
0xfd: {  	_ =	swait.ge [sflag:s0], $0x2000  }
0xfe: {  	[sflag:s0] =	ssyncset.done $0x0  }
0xff: {  	[sflag:s0] =	ssyncadd.s32 $0xFFFFE000  }
0x100: {  	_ =	swait.ge [sflag:s3], $0x2000  }
0x101: {  	[sflag:s3] =	ssyncset.done $0x0  }
0x102: {  	s12 =	stileid.u32;
	[sflag:s3] =	ssyncadd.s32 $0xFFFFE000  }
0x103: {  	s12 =	sshll.u32 s12, $0x6;
	[bflag:$0x0] =	sbarrier.arrive $0xFFFF  }
0x104: {  	s15 =	sshrl.u32 s10, $0x3;
	s12 =	sor.u32 $0x1C09, s12;
	s18 =	rddreg [dreg:$0x6]  }
0x105: {  	[hbm:s18], [sflag:s12] =	dma.local [spmem:s15], $0x2800  }
0x106: {  	_ =	swait.ge [sflag:s14], $0x2800  }
0x107: {  	s18 =	rddreg [dreg:$0x8]  }
0x108: {  	s20 =	rddreg [dreg:$0x7];
	s15 =	sadd.s32 $0x1, s18  }
0x109: {  	p0 =	sne.s32 s15, s20  }
.Ltmp5:
0x10a: {  	_ = 	snop;
	(pc) =	sbr.rel @p0 .LBB2_1-.Ltmp5, $3  }
0x10b: {  	_ =	sdelay $0x1  }
0x10c: {  	[sflag:s14] =	ssyncset.done $0x0  }
0x10d: {  	[sflag:s14] =	ssyncadd.s32 $0xFFFFD800  }
0x10e: {  	_ =	sfence.sel $0x180000  }
0x10f: {  	[bflag:$0x0] =	sbarrier.arrive $0xFFFF  }
0x110: {  	_ =	strace $0x9000004A  }
0x111: {  	s0 =	stileid.u32;
	[bflag:$0x2] =	sbarrier.arrive $0xFFFF  }
0x112: {  	p0 =	sne.s32 s0, $0x0;
	s0 =	rddreg [dreg:$0x3]  }
0x113: {  	s0 =	sadd.s32 @!p0 $0x100000, s0  }
0x114: {  	[sflag:s0] =	ssyncadd.tile.s32 @!p0 $0x1;
	_ =	shalt  }
.Lfunc_end2:
_tile_overlayer_lowered:
.L_overlay_start_2:
0x115: {  	(tag) =	ssettag $0x2  }
0x116: {  	s0 =	rddreg [dreg:$0x0];
	s2 =	stileid.u32  }
0x117: {  	s1 =	rddreg [dreg:$0x1];
	p0 =	sne.s32 s2, $0x0  }
0x118: {  	s3 =	rddreg [dreg:$0x2];
	[bflag:$0x3] =	sbarrier.arrive $0xFFFF;
	s2 =	simm.s32 @!p0 $0x1C09  }
0x119: {  	[timem:s3], [sflag:s2] =	dma.local @!p0 [hbm:s0], s1  }
0x11a: {  	s0 =	simm.s32 @!p0 $0x9  }
0x11b: {  	_ =	swait.ge @!p0 [sflag:s0], s1  }
0x11c: {  	s1 =	ssub.s32 @!p0 $0x0, s1;
	[sflag:s0] =	ssyncset.done @!p0 $0x0  }
0x11d: {  	[sflag:s0] =	ssyncadd.s32 @!p0 s1  }
0x11e: {  	[bflag:$0x3] =	sbarrier.arrive $0xFFFF  }
0x11f: {  	_ =	shalt  }

// kernel: kernel.14.cloned.1.call-start
scs
__scs_entry_jumppad:
0x0: {  	(pc) =	sbr.rel $0x88, $3  }
0x1: {  	(tag) =	ssettag $0x0;
	lr =	simm.s32 $0x1  }
0x2: {  	[smem:$0x3F9B] =	sst lr;
	_ =	strace $0xD0000000  }
0x3: {  	_ = 	snop  }
0x4: {  	_ = 	snop  }
0x5: {  	_ = 	snop  }
0x6: {  	_ = 	snop  }
0x7: {  	_ = 	snop  }
__scs_overlays_trampoline_lowered:
0x8: {  	[smem:$0x3FAA] =	sst s0  }
0x9: {  	[smem:$0x3FAB] =	sst s1  }
0xa: {  	[smem:$0x3FAC] =	sst s2  }
0xb: {  	[smem:$0x3FAD] =	sst s3  }
0xc: {  	[smem:$0x3FAE] =	sst s4  }
0xd: {  	[smem:$0x3FAF] =	sst s5  }
0xe: {  	[smem:$0x3FB0] =	sst s6  }
0xf: {  	[smem:$0x3FB1] =	sst s7  }
0x10: {  	[smem:$0x3FB2] =	sst s8  }
0x11: {  	[smem:$0x3FB3] =	sst s9;
	s0 =	simm.s32 @!p0 $0x0  }
0x12: {  	s1 =	sld [smem:$0x3F99];
	s0 =	simm.s32 @p0 $0x1  }
0x13: {  	[smem:$0x3FB4] =	sst s0;
	s0 =	simm.s32 @!p1 $0x0  }
0x14: {  	s2 =	sld [smem:$0x3F98];
	s0 =	simm.s32 @p1 $0x1  }
0x15: {  	[smem:$0x3FB5] =	sst s0;
	s0 =	simm.s32 @!p2 $0x0  }
0x16: {  	s3 =	sld [smem:$0x3FDB];
	s0 =	simm.s32 @p2 $0x1  }
0x17: {  	s4 =	simm.s32 $0x1BF5;
	[smem:$0x3FB7] =	sst s0  }
0x18: {  	s0 =	sld [smem:$0x3F9A];
	_ =	swait.ge [sflag:s4], $0x0  }
0x19: {  	s7 =	sld [smem:$0x3F9B]  }
0x1a: {  	s8 =	sadd.s32 $0xFFFFE003, lr  }
0x1b: {  	s9 =	sadd.s32 $0xFFFFFEF7, lr;
	s5 =	simm.s32 $0xFFFFFFFF;
	p2 =	slt.u32 s8, $0xFFFFF086  }
0x1c: {  	p1 =	slt.u32 s9, $0xF7A;
	s5 =	simm.s32 @!p2 $0x0  }
0x1d: {  	s5 =	simm.s32 @p1 $0x1;
	p0 =	seq.s32 s7, s2  }
0x1e: {  	s7 =	smul.u32 @!p0 $0xF7A, s2;
	p2 =	seq.s32 @!p0 s5, $0x0  }
0x1f: {  	s9 =	smul.u32 $0xF7A, s1;
	s8 =	simm.s32 @!p0 $0x1BF5;
	p2 =	por !p2, p0  }
0x20: {  	[sflag:s8] =	ssyncset.s32 @!p0 $0xFFFFF086;
	s6 =	sadd.s32 @!p0 s3, s7;
	s7 =	simm.s32 @!p0 $0x108  }
0x21: {  	s3 =	sadd.s32 s3, s9;
	s6 =	sadd.s32 @!p0 $0x88, s6;
	s7 =	simm.s32 @p2 $0x1082  }
0x22: {  	[simem:s7], [sflag:s8] =	dma.local @!p0 [hbm:s6], $0xF7A  }
0x23: {  	s9 =	sor.u32 $0xD0000000, s2;
	s6 =	simm.s32 $0x108;
	_ =	swait.ge @!p0 [sflag:s8], $0x0  }
0x24: {  	s3 =	sadd.s32 $0x88, s3;
	s6 =	simm.s32 @!p1 $0x1082;
	[sflag:s4] =	ssyncset.s32 $0xFFFFF086  }
0x25: {  	[simem:s6], [sflag:s4] =	dma.local [hbm:s3], $0xF7A  }
0x26: {  	[smem:$0x3F9B] =	sst s1;
	(tag) =	ssettag s2;
	_ =	strace s9  }
0x27: {  	s1 =	sld [smem:$0x3FAB]  }
0x28: {  	s2 =	sld [smem:$0x3FAC]  }
0x29: {  	s4 =	sld [smem:$0x3FAE]  }
0x2a: {  	p0 =	seq.s32 s5, $0x0;
	s5 =	sld [smem:$0x3FAF]  }
0x2b: {  	s6 =	sld [smem:$0x3FB0]  }
0x2c: {  	s7 =	sld [smem:$0x3FB1]  }
0x2d: {  	s3 =	simm.s32 $0x108;
	s8 =	sld [smem:$0x3FB2]  }
0x2e: {  	s3 =	simm.s32 @!p0 $0x1082;
	s9 =	sld [smem:$0x3FB3]  }
0x2f: {  	lr =	sadd.s32 s0, s3;
	s0 =	sld [smem:$0x3FAA]  }
0x30: {  	s3 =	sld [smem:$0x3FAD]  }
0x31: {  	[smem:$0x3FB6] =	sst s10  }
0x32: {  	s10 =	sld [smem:$0x3FB4];
	_ =	sdelay $0x3  }
0x33: {  	p0 =	seq.s32 s10, $0x1;
	s10 =	sld [smem:$0x3FB6];
	_ =	sdelay $0x3  }
0x34: {  	[smem:$0x3FB6] =	sst s10  }
0x35: {  	s10 =	sld [smem:$0x3FB5];
	_ =	sdelay $0x3  }
0x36: {  	p1 =	seq.s32 s10, $0x1;
	s10 =	sld [smem:$0x3FB6];
	_ =	sdelay $0x3  }
0x37: {  	[smem:$0x3FB6] =	sst s10  }
0x38: {  	s10 =	sld [smem:$0x3FB7]  }
0x39: {  	_ = 	snop;
	(pc) =	sbr.ind lr, $3  }
0x3a: {  	_ = 	snop  }
0x3b: {  	_ = 	snop  }
0x3c: {  	p2 =	seq.s32 s10, $0x1;
	s10 =	sld [smem:$0x3FB6]  }
0x3d: {  	_ =	shalt  }
0x3e: {  	_ =	shalt  }
0x3f: {  	_ =	shalt  }
0x40: {  	_ =	shalt  }
0x41: {  	_ =	shalt  }
0x42: {  	_ =	shalt  }
0x43: {  	_ =	shalt  }
0x44: {  	_ =	shalt  }
0x45: {  	_ =	shalt  }
0x46: {  	_ =	shalt  }
0x47: {  	_ =	shalt  }
0x48: {  	_ =	shalt  }
0x49: {  	_ =	shalt  }
0x4a: {  	_ =	shalt  }
0x4b: {  	_ =	shalt  }
0x4c: {  	_ =	shalt  }
0x4d: {  	_ =	shalt  }
0x4e: {  	_ =	shalt  }
0x4f: {  	_ =	shalt  }
0x50: {  	_ =	shalt  }
0x51: {  	_ =	shalt  }
0x52: {  	_ =	shalt  }
0x53: {  	_ =	shalt  }
0x54: {  	_ =	shalt  }
0x55: {  	_ =	shalt  }
0x56: {  	_ =	shalt  }
0x57: {  	_ =	shalt  }
0x58: {  	_ =	shalt  }
0x59: {  	_ =	shalt  }
0x5a: {  	_ =	shalt  }
0x5b: {  	_ =	shalt  }
0x5c: {  	_ =	shalt  }
0x5d: {  	_ =	shalt  }
0x5e: {  	_ =	shalt  }
0x5f: {  	_ =	shalt  }
0x60: {  	_ =	shalt  }
0x61: {  	_ =	shalt  }
0x62: {  	_ =	shalt  }
0x63: {  	_ =	shalt  }
0x64: {  	_ =	shalt  }
0x65: {  	_ =	shalt  }
0x66: {  	_ =	shalt  }
0x67: {  	_ =	shalt  }
0x68: {  	_ =	shalt  }
0x69: {  	_ =	shalt  }
0x6a: {  	_ =	shalt  }
0x6b: {  	_ =	shalt  }
0x6c: {  	_ =	shalt  }
0x6d: {  	_ =	shalt  }
0x6e: {  	_ =	shalt  }
0x6f: {  	_ =	shalt  }
0x70: {  	_ =	shalt  }
0x71: {  	_ =	shalt  }
0x72: {  	_ =	shalt  }
0x73: {  	_ =	shalt  }
0x74: {  	_ =	shalt  }
0x75: {  	_ =	shalt  }
0x76: {  	_ =	shalt  }
0x77: {  	_ =	shalt  }
0x78: {  	_ =	shalt  }
0x79: {  	_ =	shalt  }
0x7a: {  	_ =	shalt  }
0x7b: {  	_ =	shalt  }
0x7c: {  	_ =	shalt  }
0x7d: {  	_ =	shalt  }
0x7e: {  	_ =	shalt  }
0x7f: {  	_ =	shalt  }
0x80: {  	_ =	shalt  }
0x81: {  	_ =	shalt  }
0x82: {  	_ =	shalt  }
0x83: {  	_ =	shalt  }
0x84: {  	_ =	shalt  }
0x85: {  	_ =	shalt  }
0x86: {  	_ =	shalt  }
0x87: {  	_ =	shalt  }
.Lfunc_end0:
.L_simem_size_0:
called_computation.2_lowered:
.L_overlay_start_0:
0x88: {  	s2 =	sld [smem:$0x3FD9]  }
0x89: {  	s3 =	sld [smem:$0x3FFE];
	_ =	sdelay $0x1  }
0x8a: {  	s1 =	srdreg.scid  }
0x8b: {  	s0 =	sand.u32 $0x1, s1  }
0x8c: {  	s17 =	sshll.u32 s0, $0xA;
	s2 =	sadd.s32 s3, s2  }
0x8d: {  	s2 =	sadd.s32 s2, s17  }
0x8e: {  	[smem:$0x3FC2] =	sst s2  }
0x8f: {  	_ = 	snop  }
0x90: {  	s2 =	sld [smem:$0x3FD0];
	(tm) =	ssettm $0x1  }
0x91: {  	s18 =	sld [smem:$0x3FFB];
	_ =	sdelay $0x3  }
0x92: {  	_ =	strace s18  }
0x93: {  	s3 =	sld [smem:$0x3FFC];
	_ =	sdelay $0x3  }
0x94: {  	_ =	strace s3  }
0x95: {  	s3 =	sld [smem:$0x3FFD];
	_ =	sdelay $0x3  }
0x96: {  	_ =	strace s3  }
0x97: {  	_ =	strace $0x8FFFFFFF  }
0x98: {  	s19 =	sld [smem:$0x3FDB];
	_ =	sdelay $0x1  }
0x99: {  	s4 =	simm.s32 $_scs_section_size  }
0x9a: {  	s5 =	simm.s32 $_size__tile_overlayer_lowered;
	s6 =	simm.s32 $_tile_overlayer_lowered  }
0x9b: {  	s22 =	simm.s32 $0x1BFF;
	s21 =	sshll.u32 s6, $0x1;
	s3 =	sadd.s32 s4, s19  }
0x9c: {  	s7 =	simm.s32 $0x0;
	s20 =	sshll.u32 s5, $0x1;
	s5 =	sadd.s32 s21, s3  }
0x9d: {  	[timem:s7], [sflag:s22] =	dma.local [hbm:s5], s20  }
0x9e: {  	_ =	swait.ge [sflag:s22], s20  }
0x9f: {  	s4 =	ssub.s32 $0x0, s20;
	[sflag:s22] =	ssyncset.done $0x0  }
0xa0: {  	[sflag:s22] =	ssyncadd.s32 s4;
	_ =	sdelay $0x1  }
0xa1: {  	s23 =	simm.s32 $0x1B8B  }
0xa2: {  	_ =	swait.ge [sflag:s23], $0x1  }
0xa3: {  	[sflag:s23] =	ssyncset.done $0x0  }
0xa4: {  	s25 =	simm.s32 $0x1B8E;
	s24 =	sld [smem:$0x3FFE];
	[sflag:s23] =	ssyncadd.s32 $0xFFFFFFFF  }
0xa5: {  	s26 =	simm.s32 $execute0_lowered;
	[smem:$0x3FD2] =	sst s25  }
0xa6: {  	s5 =	sshll.u32 s26, $0x1;
	_ =	strace $0x8000004C;
	[dreg:$0x1] =	wrdreg $0xFFFFFFFF  }
0xa7: {  	s28 =	simm.s32 $_size_execute0_lowered;
	s3 =	sadd.s32 s3, s5;
	[dreg:$0x0] =	wrdreg $0x0  }
0xa8: {  	s5 =	sshll.u32 s28, $0x1;
	[dreg:$0x2] =	wrdreg s3  }
0xa9: {  	[dreg:$0x3] =	wrdreg s5  }
0xaa: {  	[dreg:$0x4] =	wrdreg $0xC0  }
0xab: {  	_ =	task [dreg:s7], $0x5FFFF  }
0xac: {  	[dreg:$0x1] =	wrdreg $0xFFFFFFFF  }
0xad: {  	[dreg:$0x0] =	wrdreg $0x60  }
0xae: {  	[dreg:$0x2] =	wrdreg s2  }
0xaf: {  	[dreg:$0x3] =	wrdreg s24  }
0xb0: {  	[dreg:$0x4] =	wrdreg $0x0  }
0xb1: {  	[dreg:$0x5] =	wrdreg $0x9  }
0xb2: {  	_ =	task.clear_ibuf [dreg:s7], $0x6FFFF;
	_ =	strace $0x9000004C  }
0xb3: {  	s29 =	simm.s32 $0x9;
	_ =	strace $0x8000004E  }
0xb4: {  	_ =	swait.ge [sflag:s29], $0x1  }
0xb5: {  	[sflag:s29] =	ssyncadd.s32 $0xFFFFFFFF  }
0xb6: {  	_ =	strace $0x9000004E  }
0xb7: {  	_ =	sfence  }
0xb8: {  	s30 =	sld [smem:$0x0];
	_ =	sdelay $0x2  }
0xb9: {  	s31 =	sshll.u32 s1, $0xD;
	s1 =	sshrl.u32 s1, $0x2  }
0xba: {  	s3 =	sand.u32 $0x4000, s31;
	s1 =	sadd.s32 s1, s30  }
0xbb: {  	s0 =	sor.u32 s3, s0;
	s1 =	sshll.u32 s1, $0x11  }
0xbc: {  	s0 =	sor.u32 s1, s0  }
0xbd: {  	s0 =	sadd.s32 $0x8F2B, s0  }
0xbe: {  	[sflag:s0] =	ssyncadd.remote.s32 $0x1  }
0xbf: {  	_ =	sfence.sel $0xFFFF  }
0xc0: {  	[dreg:$0x0] =	wrdreg $0xFFFFFFFF;
	(pc) =	sbr.abs _section_cstart, $3  }
0xc1: {  	[dreg:$0x1] =	wrdreg $0xFFFFFFFF  }
0xc2: {  	_ =	task.clear_ibuf [dreg:s7], $0x2FFFF;
	_ =	strace $0x9FFFFFFF  }
0xc3: {  	(tm) =	ssettm $0x7FFFFFFF  }
tec
execute0_lowered:
.L_overlay_start_1:
0x0: {  	(tag) =	ssettag $0x1  }
0x1: {  	s1 =	rddreg [dreg:$0x0]  }
0x2: {  	s0 =	rddreg [dreg:$0x1]  }
0x3: {  	s2 =	rddreg [dreg:$0x2];
	s3 =	srdreg.scid;
	s5 =	simm.s32 $0x0  }
0x4: {  	s8 =	stileid.u32;
	s13 =	simm.s32 $0x14000;
	s14 =	simm.s32 $0x9  }
0x5: {  	s16 =	simm.s32 $0x40;
	s17 =	simm.s32 $0x16800;
	s19 =	simm.s32 $0x18800  }
0x6: {  	s21 =	simm.s32 $0x1A800;
	s22 =	simm.s32 $0x14180;
	s28 =	simm.s32 $0x3  }
0x7: {  	s29 =	simm.s32 $0x4;
	s30 =	simm.s32 $0x5;
	s31 =	simm.s32 $0x6  }
0x8: {  	s11 =	simm.s32 $0x16780;
	s15 =	simm.s32 $0x0;
	s3 =	sand.u32 $0x1, s3  }
0x9: {  	[smem:$0x7FF] =	sst s5;
	s6 =	smul.u32 $0x14000, s8;
	s5 =	sadd.s32 $0x17600, s0  }
0xa: {  	s4 =	smul.u32 $0x140000, s3;
	s23 =	sshll.u32 s3, $0x4;
	_ =	strace $0x8000004D  }
0xb: {  	s3 =	ssub.s32 $0x2, s3;
	s7 =	sor.u32 s8, s23;
	s8 =	smul.u32 $0x50000, s8  }
0xc: {  	s24 =	sshrl.u32 s3, $0x1;
	s23 =	simm.s32 $0x1C800;
	s4 =	sadd.s32 s6, s4  }
0xd: {  	s6 =	smul.u32 $0x5000, s7;
	s7 =	sadd.s32 $0x3600, s0;
	s3 =	ssub.s32 s3, s24  }
0xe: {  	s24 =	simm.s32 $0x1E800;
	s4 =	sshrl.u32 s4, $0x3;
	s8 =	sshrl.u32 s8, $0x2  }
0xf: {  	s26 =	smax.u32 s3, $0x1;
	s3 =	simm.s32 $0x8;
	s25 =	sshrl.u32 s6, $0x3  }
0x10: {  	s0 =	sadd.s32 s4, s0;
	[dreg:$0x7] =	wrdreg s26;
	s9 =	sadd.s32 s5, s25  }
0x11: {  	s10 =	sadd.s32 s8, s2;
	s4 =	sadd.s32 s7, s25;
	[dreg:$0x4] =	wrdreg s9  }
0x12: {  	s26 =	simm.s32 $0x2;
	s0 =	sadd.s32 $0x2B600, s0;
	[dreg:$0x5] =	wrdreg s4  }
0x13: {  	s8 =	simm.s32 $0x16680;
	s25 =	simm.s32 $0x1;
	[dreg:$0x6] =	wrdreg s0  }
0x14: {  	v0 =	vimm.f32 $0.0e+00;
	s0 =	simm.s32 $0x7;
	s4 =	simm.s32 $0x16600;
	s9 =	simm.s32 $0x16700  }
.LBB2_1:
0x15: {  	[dreg:$0x8] =	wrdreg s15  }
0x16: {  	s12 =	simm.s32 $0x0;
	s18 =	rddreg [dreg:$0x4]  }
0x17: {  	[tilespmem:s13], [sflag:$0x9] =	stream.linear.gather [hbm4b:s18+s12], $0x1400, $0x38;
	[tilespmem:$0x1F000] =	vst v63  }
0x18: {  	_ =	swait.ge [sflag:s14], $0x1400  }
0x19: {  	[sflag:s14] =	ssyncset.done $0x0  }
0x1a: {  	s18 =	simm.s32 $0x15400;
	s20 =	rddreg [dreg:$0x5];
	[sflag:s14] =	ssyncadd.s32 $0xFFFFEC00  }
0x1b: {  	[tilespmem:s18], [sflag:$0x9] =	stream.linear.gather [hbm4b:s20+s12], $0x1400, $0x38;
	[tilespmem:$0x1F000] =	vst v63  }
0x1c: {  	_ =	swait.ge [sflag:s14], $0x1400  }
0x1d: {  	[sflag:s14] =	ssyncset.done $0x0  }
0x1e: {  	[sflag:s14] =	ssyncadd.s32 $0xFFFFEC00  }
0x1f: {  	[tilespmem:s17], [sflag:$0x1] =	stream.indirect.gather [hbm4b:s1+s16], $0x80, s13, s16, $0xb8;
	[tilespmem:$0x1F000] =	vst v63  }
0x20: {  	s18 =	simm.s32 $0x14080  }
0x21: {  	[tilespmem:s19], [sflag:$0x2] =	stream.indirect.gather [hbm4b:s1+s16], $0x80, s18, s16, $0xb8;
	[tilespmem:$0x1F000] =	vst v63  }
0x22: {  	s20 =	simm.s32 $0x14100  }
0x23: {  	[tilespmem:s21], [sflag:$0x3] =	stream.indirect.gather [hbm4b:s1+s16], $0x80, s20, s16, $0xb8;
	[tilespmem:$0x1F000] =	vst v63  }
0x24: {  	s15 =	simm.s32 $0x0;
	s12 =	simm.s32 $0x0  }
0x25: {  	[tilespmem:s23], [sflag:$0x4] =	stream.indirect.gather [hbm4b:s1+s16], $0x80, s22, s16, $0xb8;
	[tilespmem:$0x1F000] =	vst v63  }
.LBB2_2:
0x26: {  	p0 =	sne.s32 s15, $0x1FC0  }
.Ltmp0:
0x27: {  	_ = 	snop;
	(pc) =	sbr.rel @p0 .LBB2_2-.Ltmp0, $4  }
0x28: {  	s18 =	sand.u32 $0x1E00, s15  }
0x29: {  	s20 =	sand.u32 $0x70, s12;
	s18 =	sshrl.u32 s18, $0x2  }
0x2a: {  	s18 =	sor.u32 s20, s18  }
0x2b: {  	s12 =	sadd.s32 $0x10, s12;
	s15 =	sadd.s32 $0x40, s15;
	[tilespmem:s18+$0x1E800] =	vst v0  }
0x2c: {  	s12 =	sadd.s32 $0x0, s10  }
0x2d: {  	[spmem:s12] =	stream.linear.scatter [tilespmem:s24], [sflag:$0x9], $0x800, $0x38;
	[tilespmem:$0x1F000] =	vst v63  }
0x2e: {  	s12 =	simm.s32 $0x2000;
	_ =	swait.ge [sflag:s14], $0x800  }
.LBB2_4:
0x2f: {  	s15 =	sshra.s32 s12, $0x2;
	[sflag:s14] =	ssyncset.done $0x0;
	p0 =	sne.s32 s12, $0x4E000  }
.Ltmp1:
0x30: {  	s15 =	sadd.s32 s15, s10;
	[sflag:s14] =	ssyncadd.s32 $0xFFFFF800;
	(pc) =	sbr.rel @p0 .LBB2_4-.Ltmp1, $3  }
0x31: {  	[spmem:s15] =	stream.linear.scatter [tilespmem:s24], [sflag:$0x9], $0x800, $0x38;
	[tilespmem:$0x1F000] =	vst v63  }
0x32: {  	s12 =	sadd.s32 $0x2000, s12;
	_ =	sdelay $0x1  }
0x33: {  	_ =	swait.ge [sflag:s14], $0x800  }
0x34: {  	[sflag:s14] =	ssyncset.done $0x0  }
0x35: {  	[sflag:s14] =	ssyncadd.s32 $0xFFFFF800  }
0x36: {  	[bflag:$0x0] =	sbarrier.arrive $0xFFFF  }
0x37: {  	_ =	swait.ge [sflag:s25], $0x2000  }
0x38: {  	[sflag:s25] =	ssyncset.done $0x0  }
0x39: {  	s12 =	simm.s32 $0x15400;
	[sflag:s25] =	ssyncadd.s32 $0xFFFFE000  }
0x3a: {  	[spmem:s2] =	stream.indirect.scatter.add.f32 [tilespmem:s17], [sflag:$0x5], $0x80, s12, s16, $0xb8;
	[tilespmem:$0x1F000] =	vst v63  }
0x3b: {  	_ =	swait.ge [sflag:s26], $0x2000  }
0x3c: {  	[sflag:s26] =	ssyncset.done $0x0  }
0x3d: {  	s15 =	simm.s32 $0x15480;
	[sflag:s26] =	ssyncadd.s32 $0xFFFFE000  }
0x3e: {  	[spmem:s2] =	stream.indirect.scatter.add.f32 [tilespmem:s19], [sflag:$0x6], $0x80, s15, s16, $0xb8;
	[tilespmem:$0x1F000] =	vst v63  }
0x3f: {  	_ =	swait.ge [sflag:s28], $0x2000  }
0x40: {  	[sflag:s28] =	ssyncset.done $0x0  }
0x41: {  	s18 =	simm.s32 $0x15500;
	[sflag:s28] =	ssyncadd.s32 $0xFFFFE000  }
0x42: {  	[spmem:s2] =	stream.indirect.scatter.add.f32 [tilespmem:s21], [sflag:$0x7], $0x80, s18, s16, $0xb8;
	[tilespmem:$0x1F000] =	vst v63  }
0x43: {  	_ =	swait.ge [sflag:s29], $0x2000  }
0x44: {  	[sflag:s29] =	ssyncset.done $0x0  }
0x45: {  	s20 =	simm.s32 $0x15580;
	[sflag:s29] =	ssyncadd.s32 $0xFFFFE000  }
0x46: {  	[spmem:s2] =	stream.indirect.scatter.add.f32 [tilespmem:s23], [sflag:$0x8], $0x80, s20, s16, $0xb8;
	[tilespmem:$0x1F000] =	vst v63  }
0x47: {  	_ =	swait.ge [sflag:s30], $0x2000  }
0x48: {  	[sflag:s30] =	ssyncset.done $0x0  }
0x49: {  	s15 =	simm.s32 $0x14200;
	[sflag:s30] =	ssyncadd.s32 $0xFFFFE000  }
0x4a: {  	[tilespmem:s17], [sflag:$0x1] =	stream.indirect.gather [hbm4b:s1+s16], $0x80, s15, s16, $0xb8;
	[tilespmem:$0x1F000] =	vst v63  }
0x4b: {  	_ =	swait.ge [sflag:s31], $0x2000  }
0x4c: {  	[sflag:s31] =	ssyncset.done $0x0  }
0x4d: {  	s18 =	simm.s32 $0x14280;
	[sflag:s31] =	ssyncadd.s32 $0xFFFFE000  }
0x4e: {  	[tilespmem:s19], [sflag:$0x2] =	stream.indirect.gather [hbm4b:s1+s16], $0x80, s18, s16, $0xb8;
	[tilespmem:$0x1F000] =	vst v63  }
0x4f: {  	_ =	swait.ge [sflag:s0], $0x2000  }
0x50: {  	[sflag:s0] =	ssyncset.done $0x0  }
0x51: {  	s20 =	simm.s32 $0x14300;
	[sflag:s0] =	ssyncadd.s32 $0xFFFFE000  }
0x52: {  	[tilespmem:s21], [sflag:$0x3] =	stream.indirect.gather [hbm4b:s1+s16], $0x80, s20, s16, $0xb8;
	[tilespmem:$0x1F000] =	vst v63  }
0x53: {  	_ =	swait.ge [sflag:s3], $0x2000  }
0x54: {  	[sflag:s3] =	ssyncset.done $0x0  }
0x55: {  	s12 =	simm.s32 $0x800;
	s15 =	simm.s32 $0x14380;
	[sflag:s3] =	ssyncadd.s32 $0xFFFFE000  }
.LBB2_6:
0x56: {  	[tilespmem:s23], [sflag:$0x4] =	stream.indirect.gather [hbm4b:s1+s16], $0x80, s15, s16, $0xb8;
	[tilespmem:$0x1F000] =	vst v63  }
0x57: {  	s15 =	smov.u32 s12  }
0x58: {  	p0 =	sne.s32 s12, $0x4000;
	s12 =	sadd.s32 $0x800, s12;
	_ =	swait.ge [sflag:s25], $0x2000  }
0x59: {  	s15 =	sshra.s32 s15, $0x2;
	[sflag:s25] =	ssyncset.done $0x0  }
0x5a: {  	s18 =	sadd.s32 $0x15400, s15;
	[sflag:s25] =	ssyncadd.s32 $0xFFFFE000  }
0x5b: {  	[spmem:s2] =	stream.indirect.scatter.add.f32 [tilespmem:s17], [sflag:$0x5], $0x80, s18, s16, $0xb8;
	[tilespmem:$0x1F000] =	vst v63  }
0x5c: {  	_ =	swait.ge [sflag:s26], $0x2000  }
0x5d: {  	[sflag:s26] =	ssyncset.done $0x0  }
0x5e: {  	s18 =	sadd.s32 $0x15480, s15;
	[sflag:s26] =	ssyncadd.s32 $0xFFFFE000  }
0x5f: {  	[spmem:s2] =	stream.indirect.scatter.add.f32 [tilespmem:s19], [sflag:$0x6], $0x80, s18, s16, $0xb8;
	[tilespmem:$0x1F000] =	vst v63  }
0x60: {  	_ =	swait.ge [sflag:s28], $0x2000  }
0x61: {  	[sflag:s28] =	ssyncset.done $0x0  }
0x62: {  	s18 =	sadd.s32 $0x15500, s15;
	[sflag:s28] =	ssyncadd.s32 $0xFFFFE000  }
0x63: {  	[spmem:s2] =	stream.indirect.scatter.add.f32 [tilespmem:s21], [sflag:$0x7], $0x80, s18, s16, $0xb8;
	[tilespmem:$0x1F000] =	vst v63  }
0x64: {  	_ =	swait.ge [sflag:s29], $0x2000  }
0x65: {  	[sflag:s29] =	ssyncset.done $0x0  }
0x66: {  	s18 =	sadd.s32 $0x15580, s15;
	[sflag:s29] =	ssyncadd.s32 $0xFFFFE000  }
0x67: {  	[spmem:s2] =	stream.indirect.scatter.add.f32 [tilespmem:s23], [sflag:$0x8], $0x80, s18, s16, $0xb8;
	[tilespmem:$0x1F000] =	vst v63  }
0x68: {  	_ =	swait.ge [sflag:s30], $0x2000  }
0x69: {  	[sflag:s30] =	ssyncset.done $0x0  }
0x6a: {  	s18 =	sadd.s32 $0x14200, s15;
	[sflag:s30] =	ssyncadd.s32 $0xFFFFE000  }
0x6b: {  	[tilespmem:s17], [sflag:$0x1] =	stream.indirect.gather [hbm4b:s1+s16], $0x80, s18, s16, $0xb8;
	[tilespmem:$0x1F000] =	vst v63  }
0x6c: {  	_ =	swait.ge [sflag:s31], $0x2000  }
0x6d: {  	[sflag:s31] =	ssyncset.done $0x0  }
0x6e: {  	s18 =	sadd.s32 $0x14280, s15;
	[sflag:s31] =	ssyncadd.s32 $0xFFFFE000  }
0x6f: {  	[tilespmem:s19], [sflag:$0x2] =	stream.indirect.gather [hbm4b:s1+s16], $0x80, s18, s16, $0xb8;
	[tilespmem:$0x1F000] =	vst v63  }
0x70: {  	_ =	swait.ge [sflag:s0], $0x2000  }
0x71: {  	[sflag:s0] =	ssyncset.done $0x0  }
.Ltmp2:
0x72: {  	s18 =	sadd.s32 $0x14300, s15;
	[sflag:s0] =	ssyncadd.s32 $0xFFFFE000;
	(pc) =	sbr.rel @p0 .LBB2_6-.Ltmp2, $4  }
0x73: {  	[tilespmem:s21], [sflag:$0x3] =	stream.indirect.gather [hbm4b:s1+s16], $0x80, s18, s16, $0xb8;
	[tilespmem:$0x1F000] =	vst v63  }
0x74: {  	_ =	swait.ge [sflag:s3], $0x2000  }
0x75: {  	[sflag:s3] =	ssyncset.done $0x0  }
0x76: {  	s15 =	sadd.s32 $0x14380, s15;
	[sflag:s3] =	ssyncadd.s32 $0xFFFFE000  }
0x77: {  	[tilespmem:s23], [sflag:$0x4] =	stream.indirect.gather [hbm4b:s1+s16], $0x80, s15, s16, $0xb8;
	[tilespmem:$0x1F000] =	vst v63  }
0x78: {  	s12 =	simm.s32 $0x1  }
0x79: {  	_ =	swait.ge [sflag:s12], $0x2000  }
0x7a: {  	[sflag:s12] =	ssyncset.done $0x0  }
0x7b: {  	[sflag:s12] =	ssyncadd.s32 $0xFFFFE000  }
0x7c: {  	[spmem:s2] =	stream.indirect.scatter.add.f32 [tilespmem:s17], [sflag:$0x5], $0x80, s4, s16, $0xb8;
	[tilespmem:$0x1F000] =	vst v63  }
0x7d: {  	_ =	swait.ge [sflag:s26], $0x2000  }
0x7e: {  	[sflag:s26] =	ssyncset.done $0x0  }
0x7f: {  	[sflag:s26] =	ssyncadd.s32 $0xFFFFE000  }
0x80: {  	[spmem:s2] =	stream.indirect.scatter.add.f32 [tilespmem:s19], [sflag:$0x6], $0x80, s8, s16, $0xb8;
	[tilespmem:$0x1F000] =	vst v63  }
0x81: {  	_ =	swait.ge [sflag:s28], $0x2000  }
0x82: {  	[sflag:s28] =	ssyncset.done $0x0  }
0x83: {  	[sflag:s28] =	ssyncadd.s32 $0xFFFFE000  }
0x84: {  	[spmem:s2] =	stream.indirect.scatter.add.f32 [tilespmem:s21], [sflag:$0x7], $0x80, s9, s16, $0xb8;
	[tilespmem:$0x1F000] =	vst v63  }
0x85: {  	_ =	swait.ge [sflag:s29], $0x2000  }
0x86: {  	[sflag:s29] =	ssyncset.done $0x0  }
0x87: {  	[sflag:s29] =	ssyncadd.s32 $0xFFFFE000  }
0x88: {  	[spmem:s2] =	stream.indirect.scatter.add.f32 [tilespmem:s23], [sflag:$0x8], $0x80, s11, s16, $0xb8;
	[tilespmem:$0x1F000] =	vst v63  }
.LBB2_8:
0x89: {  	s15 =	smul.u32 $0x1400, s12;
	_ =	sdelay $0x1  }
0x8a: {  	s15 =	sadd.s32 s6, s15  }
0x8b: {  	s15 =	sshrl.u32 s15, $0x3  }
0x8c: {  	s20 =	simm.s32 $0x0;
	s18 =	sadd.s32 s5, s15  }
0x8d: {  	[tilespmem:s13], [sflag:$0x9] =	stream.linear.gather [hbm4b:s18+s20], $0x1400, $0x38;
	[tilespmem:$0x1F000] =	vst v63  }
0x8e: {  	_ =	swait.ge [sflag:s14], $0x1400  }
0x8f: {  	[sflag:s14] =	ssyncset.done $0x0  }
0x90: {  	s15 =	sadd.s32 s7, s15;
	s18 =	simm.s32 $0x15400;
	[sflag:s14] =	ssyncadd.s32 $0xFFFFEC00  }
0x91: {  	[tilespmem:s18], [sflag:$0x9] =	stream.linear.gather [hbm4b:s15+s20], $0x1400, $0x38;
	[tilespmem:$0x1F000] =	vst v63  }
0x92: {  	_ =	swait.ge [sflag:s14], $0x1400  }
0x93: {  	[sflag:s14] =	ssyncset.done $0x0  }
0x94: {  	[sflag:s14] =	ssyncadd.s32 $0xFFFFEC00  }
0x95: {  	_ =	swait.ge [sflag:s30], $0x2000  }
0x96: {  	[sflag:s30] =	ssyncset.done $0x0  }
0x97: {  	[sflag:s30] =	ssyncadd.s32 $0xFFFFE000  }
0x98: {  	[tilespmem:s17], [sflag:$0x1] =	stream.indirect.gather [hbm4b:s1+s16], $0x80, s13, s16, $0xb8;
	[tilespmem:$0x1F000] =	vst v63  }
0x99: {  	_ =	swait.ge [sflag:s31], $0x2000  }
0x9a: {  	[sflag:s31] =	ssyncset.done $0x0  }
0x9b: {  	s20 =	simm.s32 $0x14080;
	[sflag:s31] =	ssyncadd.s32 $0xFFFFE000  }
0x9c: {  	[tilespmem:s19], [sflag:$0x2] =	stream.indirect.gather [hbm4b:s1+s16], $0x80, s20, s16, $0xb8;
	[tilespmem:$0x1F000] =	vst v63  }
0x9d: {  	_ =	swait.ge [sflag:s0], $0x2000  }
0x9e: {  	[sflag:s0] =	ssyncset.done $0x0  }
0x9f: {  	s18 =	simm.s32 $0x14100;
	[sflag:s0] =	ssyncadd.s32 $0xFFFFE000  }
0xa0: {  	[tilespmem:s21], [sflag:$0x3] =	stream.indirect.gather [hbm4b:s1+s16], $0x80, s18, s16, $0xb8;
	[tilespmem:$0x1F000] =	vst v63  }
0xa1: {  	_ =	swait.ge [sflag:s3], $0x2000  }
0xa2: {  	[sflag:s3] =	ssyncset.done $0x0  }
0xa3: {  	[sflag:s3] =	ssyncadd.s32 $0xFFFFE000  }
0xa4: {  	[tilespmem:s23], [sflag:$0x4] =	stream.indirect.gather [hbm4b:s1+s16], $0x80, s22, s16, $0xb8;
	[tilespmem:$0x1F000] =	vst v63  }
0xa5: {  	_ =	swait.ge [sflag:s25], $0x2000  }
0xa6: {  	[sflag:s25] =	ssyncset.done $0x0  }
0xa7: {  	s20 =	simm.s32 $0x15400;
	[sflag:s25] =	ssyncadd.s32 $0xFFFFE000  }
0xa8: {  	[spmem:s2] =	stream.indirect.scatter.add.f32 [tilespmem:s17], [sflag:$0x5], $0x80, s20, s16, $0xb8;
	[tilespmem:$0x1F000] =	vst v63  }
0xa9: {  	_ =	swait.ge [sflag:s26], $0x2000  }
0xaa: {  	[sflag:s26] =	ssyncset.done $0x0  }
0xab: {  	s18 =	simm.s32 $0x15480;
	[sflag:s26] =	ssyncadd.s32 $0xFFFFE000  }
0xac: {  	[spmem:s2] =	stream.indirect.scatter.add.f32 [tilespmem:s19], [sflag:$0x6], $0x80, s18, s16, $0xb8;
	[tilespmem:$0x1F000] =	vst v63  }
0xad: {  	_ =	swait.ge [sflag:s28], $0x2000  }
0xae: {  	[sflag:s28] =	ssyncset.done $0x0  }
0xaf: {  	s20 =	simm.s32 $0x15500;
	[sflag:s28] =	ssyncadd.s32 $0xFFFFE000  }
0xb0: {  	[spmem:s2] =	stream.indirect.scatter.add.f32 [tilespmem:s21], [sflag:$0x7], $0x80, s20, s16, $0xb8;
	[tilespmem:$0x1F000] =	vst v63  }
0xb1: {  	_ =	swait.ge [sflag:s29], $0x2000  }
0xb2: {  	[sflag:s29] =	ssyncset.done $0x0  }
0xb3: {  	s18 =	simm.s32 $0x15580;
	[sflag:s29] =	ssyncadd.s32 $0xFFFFE000  }
0xb4: {  	[spmem:s2] =	stream.indirect.scatter.add.f32 [tilespmem:s23], [sflag:$0x8], $0x80, s18, s16, $0xb8;
	[tilespmem:$0x1F000] =	vst v63  }
0xb5: {  	_ =	swait.ge [sflag:s30], $0x2000  }
0xb6: {  	[sflag:s30] =	ssyncset.done $0x0  }
0xb7: {  	s20 =	simm.s32 $0x14200;
	[sflag:s30] =	ssyncadd.s32 $0xFFFFE000  }
0xb8: {  	[tilespmem:s17], [sflag:$0x1] =	stream.indirect.gather [hbm4b:s1+s16], $0x80, s20, s16, $0xb8;
	[tilespmem:$0x1F000] =	vst v63  }
0xb9: {  	_ =	swait.ge [sflag:s31], $0x2000  }
0xba: {  	[sflag:s31] =	ssyncset.done $0x0  }
0xbb: {  	s18 =	simm.s32 $0x14280;
	[sflag:s31] =	ssyncadd.s32 $0xFFFFE000  }
0xbc: {  	[tilespmem:s19], [sflag:$0x2] =	stream.indirect.gather [hbm4b:s1+s16], $0x80, s18, s16, $0xb8;
	[tilespmem:$0x1F000] =	vst v63  }
0xbd: {  	_ =	swait.ge [sflag:s0], $0x2000  }
0xbe: {  	[sflag:s0] =	ssyncset.done $0x0  }
0xbf: {  	s20 =	simm.s32 $0x14300;
	[sflag:s0] =	ssyncadd.s32 $0xFFFFE000  }
0xc0: {  	[tilespmem:s21], [sflag:$0x3] =	stream.indirect.gather [hbm4b:s1+s16], $0x80, s20, s16, $0xb8;
	[tilespmem:$0x1F000] =	vst v63  }
0xc1: {  	_ =	swait.ge [sflag:s3], $0x2000  }
0xc2: {  	[sflag:s3] =	ssyncset.done $0x0  }
0xc3: {  	s15 =	simm.s32 $0x800;
	s18 =	simm.s32 $0x14380;
	[sflag:s3] =	ssyncadd.s32 $0xFFFFE000  }
.LBB2_9:
0xc4: {  	[tilespmem:s23], [sflag:$0x4] =	stream.indirect.gather [hbm4b:s1+s16], $0x80, s18, s16, $0xb8;
	[tilespmem:$0x1F000] =	vst v63  }
0xc5: {  	s18 =	smov.u32 s15  }
0xc6: {  	p0 =	sne.s32 s15, $0x4000;
	s15 =	sadd.s32 $0x800, s15;
	_ =	swait.ge [sflag:s25], $0x2000  }
0xc7: {  	s18 =	sshra.s32 s18, $0x2;
	[sflag:s25] =	ssyncset.done $0x0  }
0xc8: {  	s20 =	sadd.s32 $0x15400, s18;
	[sflag:s25] =	ssyncadd.s32 $0xFFFFE000  }
0xc9: {  	[spmem:s2] =	stream.indirect.scatter.add.f32 [tilespmem:s17], [sflag:$0x5], $0x80, s20, s16, $0xb8;
	[tilespmem:$0x1F000] =	vst v63  }
0xca: {  	_ =	swait.ge [sflag:s26], $0x2000  }
0xcb: {  	[sflag:s26] =	ssyncset.done $0x0  }
0xcc: {  	s20 =	sadd.s32 $0x15480, s18;
	[sflag:s26] =	ssyncadd.s32 $0xFFFFE000  }
0xcd: {  	[spmem:s2] =	stream.indirect.scatter.add.f32 [tilespmem:s19], [sflag:$0x6], $0x80, s20, s16, $0xb8;
	[tilespmem:$0x1F000] =	vst v63  }
0xce: {  	_ =	swait.ge [sflag:s28], $0x2000  }
0xcf: {  	[sflag:s28] =	ssyncset.done $0x0  }
0xd0: {  	s20 =	sadd.s32 $0x15500, s18;
	[sflag:s28] =	ssyncadd.s32 $0xFFFFE000  }
0xd1: {  	[spmem:s2] =	stream.indirect.scatter.add.f32 [tilespmem:s21], [sflag:$0x7], $0x80, s20, s16, $0xb8;
	[tilespmem:$0x1F000] =	vst v63  }
0xd2: {  	_ =	swait.ge [sflag:s29], $0x2000  }
0xd3: {  	[sflag:s29] =	ssyncset.done $0x0  }
0xd4: {  	s20 =	sadd.s32 $0x15580, s18;
	[sflag:s29] =	ssyncadd.s32 $0xFFFFE000  }
0xd5: {  	[spmem:s2] =	stream.indirect.scatter.add.f32 [tilespmem:s23], [sflag:$0x8], $0x80, s20, s16, $0xb8;
	[tilespmem:$0x1F000] =	vst v63  }
0xd6: {  	_ =	swait.ge [sflag:s30], $0x2000  }
0xd7: {  	[sflag:s30] =	ssyncset.done $0x0  }
0xd8: {  	s20 =	sadd.s32 $0x14200, s18;
	[sflag:s30] =	ssyncadd.s32 $0xFFFFE000  }
0xd9: {  	[tilespmem:s17], [sflag:$0x1] =	stream.indirect.gather [hbm4b:s1+s16], $0x80, s20, s16, $0xb8;
	[tilespmem:$0x1F000] =	vst v63  }
0xda: {  	_ =	swait.ge [sflag:s31], $0x2000  }
0xdb: {  	[sflag:s31] =	ssyncset.done $0x0  }
0xdc: {  	s20 =	sadd.s32 $0x14280, s18;
	[sflag:s31] =	ssyncadd.s32 $0xFFFFE000  }
0xdd: {  	[tilespmem:s19], [sflag:$0x2] =	stream.indirect.gather [hbm4b:s1+s16], $0x80, s20, s16, $0xb8;
	[tilespmem:$0x1F000] =	vst v63  }
0xde: {  	_ =	swait.ge [sflag:s0], $0x2000  }
0xdf: {  	[sflag:s0] =	ssyncset.done $0x0  }
.Ltmp3:
0xe0: {  	s20 =	sadd.s32 $0x14300, s18;
	[sflag:s0] =	ssyncadd.s32 $0xFFFFE000;
	(pc) =	sbr.rel @p0 .LBB2_9-.Ltmp3, $4  }
0xe1: {  	[tilespmem:s21], [sflag:$0x3] =	stream.indirect.gather [hbm4b:s1+s16], $0x80, s20, s16, $0xb8;
	[tilespmem:$0x1F000] =	vst v63  }
0xe2: {  	_ =	swait.ge [sflag:s3], $0x2000  }
0xe3: {  	[sflag:s3] =	ssyncset.done $0x0  }
0xe4: {  	s18 =	sadd.s32 $0x14380, s18;
	[sflag:s3] =	ssyncadd.s32 $0xFFFFE000  }
0xe5: {  	[tilespmem:s23], [sflag:$0x4] =	stream.indirect.gather [hbm4b:s1+s16], $0x80, s18, s16, $0xb8;
	[tilespmem:$0x1F000] =	vst v63  }
0xe6: {  	_ =	swait.ge [sflag:s25], $0x2000  }
0xe7: {  	[sflag:s25] =	ssyncset.done $0x0  }
0xe8: {  	[sflag:s25] =	ssyncadd.s32 $0xFFFFE000  }
0xe9: {  	[spmem:s2] =	stream.indirect.scatter.add.f32 [tilespmem:s17], [sflag:$0x5], $0x80, s4, s16, $0xb8;
	[tilespmem:$0x1F000] =	vst v63  }
0xea: {  	_ =	swait.ge [sflag:s26], $0x2000  }
0xeb: {  	[sflag:s26] =	ssyncset.done $0x0  }
0xec: {  	[sflag:s26] =	ssyncadd.s32 $0xFFFFE000  }
0xed: {  	[spmem:s2] =	stream.indirect.scatter.add.f32 [tilespmem:s19], [sflag:$0x6], $0x80, s8, s16, $0xb8;
	[tilespmem:$0x1F000] =	vst v63  }
0xee: {  	_ =	swait.ge [sflag:s28], $0x2000  }
0xef: {  	s12 =	sadd.s32 $0x1, s12;
	[sflag:s28] =	ssyncset.done $0x0  }
0xf0: {  	p0 =	sne.s32 s12, $0x4;
	[sflag:s28] =	ssyncadd.s32 $0xFFFFE000  }
0xf1: {  	[spmem:s2] =	stream.indirect.scatter.add.f32 [tilespmem:s21], [sflag:$0x7], $0x80, s9, s16, $0xb8;
	[tilespmem:$0x1F000] =	vst v63  }
.Ltmp4:
0xf2: {  	_ = 	snop;
	(pc) =	sbr.rel @p0 .LBB2_8-.Ltmp4, $4  }
0xf3: {  	_ =	swait.ge [sflag:s29], $0x2000  }
0xf4: {  	[sflag:s29] =	ssyncset.done $0x0  }
0xf5: {  	[sflag:s29] =	ssyncadd.s32 $0xFFFFE000  }
0xf6: {  	[spmem:s2] =	stream.indirect.scatter.add.f32 [tilespmem:s23], [sflag:$0x8], $0x80, s11, s16, $0xb8;
	[tilespmem:$0x1F000] =	vst v63  }
0xf7: {  	_ =	swait.ge [sflag:s30], $0x2000  }
0xf8: {  	[sflag:s30] =	ssyncset.done $0x0  }
0xf9: {  	[sflag:s30] =	ssyncadd.s32 $0xFFFFE000  }
0xfa: {  	_ =	swait.ge [sflag:s31], $0x2000  }
0xfb: {  	[sflag:s31] =	ssyncset.done $0x0  }
0xfc: {  	[sflag:s31] =	ssyncadd.s32 $0xFFFFE000  }
0xfd: {  	_ =	swait.ge [sflag:s0], $0x2000  }
0xfe: {  	[sflag:s0] =	ssyncset.done $0x0  }
0xff: {  	[sflag:s0] =	ssyncadd.s32 $0xFFFFE000  }
0x100: {  	_ =	swait.ge [sflag:s3], $0x2000  }
0x101: {  	[sflag:s3] =	ssyncset.done $0x0  }
0x102: {  	s12 =	stileid.u32;
	[sflag:s3] =	ssyncadd.s32 $0xFFFFE000  }
0x103: {  	s12 =	sshll.u32 s12, $0x6;
	[bflag:$0x0] =	sbarrier.arrive $0xFFFF  }
0x104: {  	s15 =	sshrl.u32 s10, $0x3;
	s12 =	sor.u32 $0x1C09, s12;
	s18 =	rddreg [dreg:$0x6]  }
0x105: {  	[hbm:s18], [sflag:s12] =	dma.local [spmem:s15], $0x2800  }
0x106: {  	_ =	swait.ge [sflag:s14], $0x2800  }
0x107: {  	s18 =	rddreg [dreg:$0x8]  }
0x108: {  	s20 =	rddreg [dreg:$0x7];
	s15 =	sadd.s32 $0x1, s18  }
0x109: {  	p0 =	sne.s32 s15, s20  }
.Ltmp5:
0x10a: {  	_ = 	snop;
	(pc) =	sbr.rel @p0 .LBB2_1-.Ltmp5, $3  }
0x10b: {  	_ =	sdelay $0x1  }
0x10c: {  	[sflag:s14] =	ssyncset.done $0x0  }
0x10d: {  	[sflag:s14] =	ssyncadd.s32 $0xFFFFD800  }
0x10e: {  	_ =	sfence.sel $0x180000  }
0x10f: {  	[bflag:$0x0] =	sbarrier.arrive $0xFFFF  }
0x110: {  	_ =	strace $0x9000004D  }
0x111: {  	s0 =	stileid.u32;
	[bflag:$0x2] =	sbarrier.arrive $0xFFFF  }
0x112: {  	p0 =	sne.s32 s0, $0x0;
	s0 =	rddreg [dreg:$0x3]  }
0x113: {  	s0 =	sadd.s32 @!p0 $0x100000, s0  }
0x114: {  	[sflag:s0] =	ssyncadd.tile.s32 @!p0 $0x1;
	_ =	shalt  }
.Lfunc_end2:
_tile_overlayer_lowered:
.L_overlay_start_2:
0x115: {  	(tag) =	ssettag $0x2  }
0x116: {  	s0 =	rddreg [dreg:$0x0];
	s2 =	stileid.u32  }
0x117: {  	s1 =	rddreg [dreg:$0x1];
	p0 =	sne.s32 s2, $0x0  }
0x118: {  	s3 =	rddreg [dreg:$0x2];
	[bflag:$0x3] =	sbarrier.arrive $0xFFFF;
	s2 =	simm.s32 @!p0 $0x1C09  }
0x119: {  	[timem:s3], [sflag:s2] =	dma.local @!p0 [hbm:s0], s1  }
0x11a: {  	s0 =	simm.s32 @!p0 $0x9  }
0x11b: {  	_ =	swait.ge @!p0 [sflag:s0], s1  }
0x11c: {  	s1 =	ssub.s32 @!p0 $0x0, s1;
	[sflag:s0] =	ssyncset.done @!p0 $0x0  }
0x11d: {  	[sflag:s0] =	ssyncadd.s32 @!p0 s1  }
0x11e: {  	[bflag:$0x3] =	sbarrier.arrive $0xFFFF  }
0x11f: {  	_ =	shalt  }

// kernel: kernel.8.cloned.1.call-start
scs
__scs_entry_jumppad:
0x0: {  	(pc) =	sbr.rel $0x88, $3  }
0x1: {  	(tag) =	ssettag $0x0;
	lr =	simm.s32 $0x1  }
0x2: {  	[smem:$0x3F9B] =	sst lr;
	_ =	strace $0xD0000000  }
0x3: {  	_ = 	snop  }
0x4: {  	_ = 	snop  }
0x5: {  	_ = 	snop  }
0x6: {  	_ = 	snop  }
0x7: {  	_ = 	snop  }
__scs_overlays_trampoline_lowered:
0x8: {  	[smem:$0x3FAA] =	sst s0  }
0x9: {  	[smem:$0x3FAB] =	sst s1  }
0xa: {  	[smem:$0x3FAC] =	sst s2  }
0xb: {  	[smem:$0x3FAD] =	sst s3  }
0xc: {  	[smem:$0x3FAE] =	sst s4  }
0xd: {  	[smem:$0x3FAF] =	sst s5  }
0xe: {  	[smem:$0x3FB0] =	sst s6  }
0xf: {  	[smem:$0x3FB1] =	sst s7  }
0x10: {  	[smem:$0x3FB2] =	sst s8  }
0x11: {  	[smem:$0x3FB3] =	sst s9;
	s0 =	simm.s32 @!p0 $0x0  }
0x12: {  	s1 =	sld [smem:$0x3F99];
	s0 =	simm.s32 @p0 $0x1  }
0x13: {  	[smem:$0x3FB4] =	sst s0;
	s0 =	simm.s32 @!p1 $0x0  }
0x14: {  	s2 =	sld [smem:$0x3F98];
	s0 =	simm.s32 @p1 $0x1  }
0x15: {  	[smem:$0x3FB5] =	sst s0;
	s0 =	simm.s32 @!p2 $0x0  }
0x16: {  	s3 =	sld [smem:$0x3FDB];
	s0 =	simm.s32 @p2 $0x1  }
0x17: {  	s4 =	simm.s32 $0x1BF5;
	[smem:$0x3FB7] =	sst s0  }
0x18: {  	s0 =	sld [smem:$0x3F9A];
	_ =	swait.ge [sflag:s4], $0x0  }
0x19: {  	s7 =	sld [smem:$0x3F9B]  }
0x1a: {  	s8 =	sadd.s32 $0xFFFFE003, lr  }
0x1b: {  	s9 =	sadd.s32 $0xFFFFFEF7, lr;
	s5 =	simm.s32 $0xFFFFFFFF;
	p2 =	slt.u32 s8, $0xFFFFF086  }
0x1c: {  	p1 =	slt.u32 s9, $0xF7A;
	s5 =	simm.s32 @!p2 $0x0  }
0x1d: {  	s5 =	simm.s32 @p1 $0x1;
	p0 =	seq.s32 s7, s2  }
0x1e: {  	s7 =	smul.u32 @!p0 $0xF7A, s2;
	p2 =	seq.s32 @!p0 s5, $0x0  }
0x1f: {  	s9 =	smul.u32 $0xF7A, s1;
	s8 =	simm.s32 @!p0 $0x1BF5;
	p2 =	por !p2, p0  }
0x20: {  	[sflag:s8] =	ssyncset.s32 @!p0 $0xFFFFF086;
	s6 =	sadd.s32 @!p0 s3, s7;
	s7 =	simm.s32 @!p0 $0x108  }
0x21: {  	s3 =	sadd.s32 s3, s9;
	s6 =	sadd.s32 @!p0 $0x88, s6;
	s7 =	simm.s32 @p2 $0x1082  }
0x22: {  	[simem:s7], [sflag:s8] =	dma.local @!p0 [hbm:s6], $0xF7A  }
0x23: {  	s9 =	sor.u32 $0xD0000000, s2;
	s6 =	simm.s32 $0x108;
	_ =	swait.ge @!p0 [sflag:s8], $0x0  }
0x24: {  	s3 =	sadd.s32 $0x88, s3;
	s6 =	simm.s32 @!p1 $0x1082;
	[sflag:s4] =	ssyncset.s32 $0xFFFFF086  }
0x25: {  	[simem:s6], [sflag:s4] =	dma.local [hbm:s3], $0xF7A  }
0x26: {  	[smem:$0x3F9B] =	sst s1;
	(tag) =	ssettag s2;
	_ =	strace s9  }
0x27: {  	s1 =	sld [smem:$0x3FAB]  }
0x28: {  	s2 =	sld [smem:$0x3FAC]  }
0x29: {  	s4 =	sld [smem:$0x3FAE]  }
0x2a: {  	p0 =	seq.s32 s5, $0x0;
	s5 =	sld [smem:$0x3FAF]  }
0x2b: {  	s6 =	sld [smem:$0x3FB0]  }
0x2c: {  	s7 =	sld [smem:$0x3FB1]  }
0x2d: {  	s3 =	simm.s32 $0x108;
	s8 =	sld [smem:$0x3FB2]  }
0x2e: {  	s3 =	simm.s32 @!p0 $0x1082;
	s9 =	sld [smem:$0x3FB3]  }
0x2f: {  	lr =	sadd.s32 s0, s3;
	s0 =	sld [smem:$0x3FAA]  }
0x30: {  	s3 =	sld [smem:$0x3FAD]  }
0x31: {  	[smem:$0x3FB6] =	sst s10  }
0x32: {  	s10 =	sld [smem:$0x3FB4];
	_ =	sdelay $0x3  }
0x33: {  	p0 =	seq.s32 s10, $0x1;
	s10 =	sld [smem:$0x3FB6];
	_ =	sdelay $0x3  }
0x34: {  	[smem:$0x3FB6] =	sst s10  }
0x35: {  	s10 =	sld [smem:$0x3FB5];
	_ =	sdelay $0x3  }
0x36: {  	p1 =	seq.s32 s10, $0x1;
	s10 =	sld [smem:$0x3FB6];
	_ =	sdelay $0x3  }
0x37: {  	[smem:$0x3FB6] =	sst s10  }
0x38: {  	s10 =	sld [smem:$0x3FB7]  }
0x39: {  	_ = 	snop;
	(pc) =	sbr.ind lr, $3  }
0x3a: {  	_ = 	snop  }
0x3b: {  	_ = 	snop  }
0x3c: {  	p2 =	seq.s32 s10, $0x1;
	s10 =	sld [smem:$0x3FB6]  }
0x3d: {  	_ =	shalt  }
0x3e: {  	_ =	shalt  }
0x3f: {  	_ =	shalt  }
0x40: {  	_ =	shalt  }
0x41: {  	_ =	shalt  }
0x42: {  	_ =	shalt  }
0x43: {  	_ =	shalt  }
0x44: {  	_ =	shalt  }
0x45: {  	_ =	shalt  }
0x46: {  	_ =	shalt  }
0x47: {  	_ =	shalt  }
0x48: {  	_ =	shalt  }
0x49: {  	_ =	shalt  }
0x4a: {  	_ =	shalt  }
0x4b: {  	_ =	shalt  }
0x4c: {  	_ =	shalt  }
0x4d: {  	_ =	shalt  }
0x4e: {  	_ =	shalt  }
0x4f: {  	_ =	shalt  }
0x50: {  	_ =	shalt  }
0x51: {  	_ =	shalt  }
0x52: {  	_ =	shalt  }
0x53: {  	_ =	shalt  }
0x54: {  	_ =	shalt  }
0x55: {  	_ =	shalt  }
0x56: {  	_ =	shalt  }
0x57: {  	_ =	shalt  }
0x58: {  	_ =	shalt  }
0x59: {  	_ =	shalt  }
0x5a: {  	_ =	shalt  }
0x5b: {  	_ =	shalt  }
0x5c: {  	_ =	shalt  }
0x5d: {  	_ =	shalt  }
0x5e: {  	_ =	shalt  }
0x5f: {  	_ =	shalt  }
0x60: {  	_ =	shalt  }
0x61: {  	_ =	shalt  }
0x62: {  	_ =	shalt  }
0x63: {  	_ =	shalt  }
0x64: {  	_ =	shalt  }
0x65: {  	_ =	shalt  }
0x66: {  	_ =	shalt  }
0x67: {  	_ =	shalt  }
0x68: {  	_ =	shalt  }
0x69: {  	_ =	shalt  }
0x6a: {  	_ =	shalt  }
0x6b: {  	_ =	shalt  }
0x6c: {  	_ =	shalt  }
0x6d: {  	_ =	shalt  }
0x6e: {  	_ =	shalt  }
0x6f: {  	_ =	shalt  }
0x70: {  	_ =	shalt  }
0x71: {  	_ =	shalt  }
0x72: {  	_ =	shalt  }
0x73: {  	_ =	shalt  }
0x74: {  	_ =	shalt  }
0x75: {  	_ =	shalt  }
0x76: {  	_ =	shalt  }
0x77: {  	_ =	shalt  }
0x78: {  	_ =	shalt  }
0x79: {  	_ =	shalt  }
0x7a: {  	_ =	shalt  }
0x7b: {  	_ =	shalt  }
0x7c: {  	_ =	shalt  }
0x7d: {  	_ =	shalt  }
0x7e: {  	_ =	shalt  }
0x7f: {  	_ =	shalt  }
0x80: {  	_ =	shalt  }
0x81: {  	_ =	shalt  }
0x82: {  	_ =	shalt  }
0x83: {  	_ =	shalt  }
0x84: {  	_ =	shalt  }
0x85: {  	_ =	shalt  }
0x86: {  	_ =	shalt  }
0x87: {  	_ =	shalt  }
.Lfunc_end0:
.L_simem_size_0:
called_computation_lowered:
.L_overlay_start_0:
0x88: {  	s2 =	sld [smem:$0x3FD9]  }
0x89: {  	s3 =	sld [smem:$0x3FFE];
	_ =	sdelay $0x1  }
0x8a: {  	s1 =	srdreg.scid  }
0x8b: {  	s0 =	sand.u32 $0x1, s1  }
0x8c: {  	s17 =	sshll.u32 s0, $0xA;
	s2 =	sadd.s32 s3, s2  }
0x8d: {  	s2 =	sadd.s32 s2, s17  }
0x8e: {  	[smem:$0x3FC2] =	sst s2  }
0x8f: {  	_ = 	snop  }
0x90: {  	s2 =	sld [smem:$0x3FD0];
	(tm) =	ssettm $0x1  }
0x91: {  	s18 =	sld [smem:$0x3FFB];
	_ =	sdelay $0x3  }
0x92: {  	_ =	strace s18  }
0x93: {  	s3 =	sld [smem:$0x3FFC];
	_ =	sdelay $0x3  }
0x94: {  	_ =	strace s3  }
0x95: {  	s3 =	sld [smem:$0x3FFD];
	_ =	sdelay $0x3  }
0x96: {  	_ =	strace s3  }
0x97: {  	_ =	strace $0x8FFFFFFF  }
0x98: {  	s19 =	sld [smem:$0x3FDB];
	_ =	sdelay $0x1  }
0x99: {  	s4 =	simm.s32 $_scs_section_size  }
0x9a: {  	s5 =	simm.s32 $_size__tile_overlayer_lowered;
	s6 =	simm.s32 $_tile_overlayer_lowered  }
0x9b: {  	s22 =	simm.s32 $0x1BFF;
	s21 =	sshll.u32 s6, $0x1;
	s3 =	sadd.s32 s4, s19  }
0x9c: {  	s7 =	simm.s32 $0x0;
	s20 =	sshll.u32 s5, $0x1;
	s5 =	sadd.s32 s21, s3  }
0x9d: {  	[timem:s7], [sflag:s22] =	dma.local [hbm:s5], s20  }
0x9e: {  	_ =	swait.ge [sflag:s22], s20  }
0x9f: {  	s4 =	ssub.s32 $0x0, s20;
	[sflag:s22] =	ssyncset.done $0x0  }
0xa0: {  	[sflag:s22] =	ssyncadd.s32 s4;
	_ =	sdelay $0x1  }
0xa1: {  	s23 =	simm.s32 $0x1B8B  }
0xa2: {  	_ =	swait.ge [sflag:s23], $0x1  }
0xa3: {  	[sflag:s23] =	ssyncset.done $0x0  }
0xa4: {  	s25 =	simm.s32 $0x1B8E;
	s24 =	sld [smem:$0x3FFE];
	[sflag:s23] =	ssyncadd.s32 $0xFFFFFFFF  }
0xa5: {  	s26 =	simm.s32 $execute0_lowered;
	[smem:$0x3FD2] =	sst s25  }
0xa6: {  	s5 =	sshll.u32 s26, $0x1;
	_ =	strace $0x80000046;
	[dreg:$0x1] =	wrdreg $0xFFFFFFFF  }
0xa7: {  	s28 =	simm.s32 $_size_execute0_lowered;
	s3 =	sadd.s32 s3, s5;
	[dreg:$0x0] =	wrdreg $0x0  }
0xa8: {  	s5 =	sshll.u32 s28, $0x1;
	[dreg:$0x2] =	wrdreg s3  }
0xa9: {  	[dreg:$0x3] =	wrdreg s5  }
0xaa: {  	[dreg:$0x4] =	wrdreg $0xC0  }
0xab: {  	_ =	task [dreg:s7], $0x5FFFF  }
0xac: {  	[dreg:$0x1] =	wrdreg $0xFFFFFFFF  }
0xad: {  	[dreg:$0x0] =	wrdreg $0x60  }
0xae: {  	[dreg:$0x2] =	wrdreg s2  }
0xaf: {  	[dreg:$0x3] =	wrdreg s24  }
0xb0: {  	[dreg:$0x4] =	wrdreg $0x0  }
0xb1: {  	[dreg:$0x5] =	wrdreg $0x9  }
0xb2: {  	_ =	task.clear_ibuf [dreg:s7], $0x6FFFF;
	_ =	strace $0x90000046  }
0xb3: {  	s29 =	simm.s32 $0x9;
	_ =	strace $0x80000048  }
0xb4: {  	_ =	swait.ge [sflag:s29], $0x1  }
0xb5: {  	[sflag:s29] =	ssyncadd.s32 $0xFFFFFFFF  }
0xb6: {  	_ =	strace $0x90000048  }
0xb7: {  	_ =	sfence  }
0xb8: {  	s30 =	sld [smem:$0x0];
	_ =	sdelay $0x2  }
0xb9: {  	s31 =	sshll.u32 s1, $0xD;
	s1 =	sshrl.u32 s1, $0x2  }
0xba: {  	s3 =	sand.u32 $0x4000, s31;
	s1 =	sadd.s32 s1, s30  }
0xbb: {  	s0 =	sor.u32 s3, s0;
	s1 =	sshll.u32 s1, $0x11  }
0xbc: {  	s0 =	sor.u32 s1, s0  }
0xbd: {  	s0 =	sadd.s32 $0x8F2B, s0  }
0xbe: {  	[sflag:s0] =	ssyncadd.remote.s32 $0x1  }
0xbf: {  	_ =	sfence.sel $0xFFFF  }
0xc0: {  	[dreg:$0x0] =	wrdreg $0xFFFFFFFF;
	(pc) =	sbr.abs _section_cstart, $3  }
0xc1: {  	[dreg:$0x1] =	wrdreg $0xFFFFFFFF  }
0xc2: {  	_ =	task.clear_ibuf [dreg:s7], $0x2FFFF;
	_ =	strace $0x9FFFFFFF  }
0xc3: {  	(tm) =	ssettm $0x7FFFFFFF  }
tec
execute0_lowered:
.L_overlay_start_1:
0x0: {  	(tag) =	ssettag $0x1  }
0x1: {  	s0 =	rddreg [dreg:$0x0]  }
0x2: {  	s1 =	rddreg [dreg:$0x1];
	s3 =	srdreg.scid  }
0x3: {  	s8 =	stileid.u32;
	s2 =	rddreg [dreg:$0x2]  }
0x4: {  	s9 =	simm.s32 $0x1;
	s10 =	simm.s32 $0x280;
	s11 =	simm.s32 $0x80  }
0x5: {  	s12 =	simm.s32 $0xE80;
	s13 =	simm.s32 $0x300;
	s14 =	simm.s32 $0x380  }
0x6: {  	s15 =	simm.s32 $0x400;
	s16 =	simm.s32 $0x480;
	s17 =	simm.s32 $0x500  }
0x7: {  	s18 =	simm.s32 $0x580;
	s19 =	simm.s32 $0x600;
	s20 =	simm.s32 $0x680  }
0x8: {  	s21 =	simm.s32 $0x700;
	s22 =	simm.s32 $0x780;
	s28 =	simm.s32 $0xA00  }
0x9: {  	s29 =	simm.s32 $0xA80;
	s30 =	simm.s32 $0xB00;
	s5 =	smul.u32 $0x500, s8  }
0xa: {  	s31 =	simm.s32 $0xB80;
	s4 =	sand.u32 $0x1, s3;
	s7 =	smul.u32 $0xA00, s8  }
0xb: {  	s3 =	simm.s32 $0x0;
	s8 =	smul.u32 $0x3000, s8;
	s6 =	sshll.u32 s4, $0x7  }
0xc: {  	s23 =	smul.u32 $0x30000, s4;
	[smem:$0x7FF] =	sst s3;
	s4 =	ssub.s32 $0x2, s4  }
0xd: {  	s5 =	sor.u32 s6, s5;
	_ =	strace $0x80000047;
	s24 =	sshrl.u32 s4, $0x1  }
0xe: {  	s7 =	sshrl.u32 s7, $0x2;
	s5 =	sshrl.u32 s5, $0x3;
	s6 =	sadd.s32 s8, s23  }
0xf: {  	s25 =	sadd.s32 s7, s2;
	s23 =	simm.s32 $0x800;
	s8 =	simm.s32 $0x20  }
0x10: {  	s1 =	sadd.s32 s5, s1;
	s5 =	ssub.s32 s4, s24;
	s6 =	sshrl.u32 s6, $0x3  }
0x11: {  	s24 =	simm.s32 $0x880;
	s4 =	simm.s32 $0x0;
	s1 =	sadd.s32 $0x2C00, s1  }
0x12: {  	s26 =	smax.u32 s5, $0x1;
	s5 =	smov.u32 s25;
	[dreg:$0x5] =	wrdreg s1  }
0x13: {  	s7 =	sadd.s32 s6, s0;
	s25 =	simm.s32 $0x900;
	[dreg:$0x6] =	wrdreg s26  }
0x14: {  	v0 =	vimm.f32 $1.000000000e+00;
	v1 =	vimm.f32 $0.0e+00;
	s26 =	simm.s32 $0x980;
	s1 =	simm.s32 $0xC00;
	[dreg:$0x4] =	wrdreg s5  }
.LBB2_1:
0x15: {  	[tilespmem:$0xE80] =	vst v0  }
0x16: {  	[tilespmem:$0xE90] =	vst v0  }
0x17: {  	[tilespmem:$0xEA0] =	vst v0  }
0x18: {  	[tilespmem:$0xEB0] =	vst v0  }
0x19: {  	[tilespmem:$0xEC0] =	vst v0  }
0x1a: {  	[tilespmem:$0xED0] =	vst v0  }
0x1b: {  	[tilespmem:$0xEE0] =	vst v0  }
0x1c: {  	[tilespmem:$0xEF0] =	vst v0  }
0x1d: {  	[tilespmem:$0xF00] =	vst v1  }
0x1e: {  	[tilespmem:$0xF10] =	vst v1  }
0x1f: {  	[tilespmem:$0xF20] =	vst v1  }
0x20: {  	[tilespmem:$0xF30] =	vst v1  }
0x21: {  	[tilespmem:$0xF40] =	vst v1  }
0x22: {  	[tilespmem:$0xF50] =	vst v1  }
0x23: {  	[tilespmem:$0xF60] =	vst v1  }
0x24: {  	[tilespmem:$0xF70] =	vst v1  }
0x25: {  	[tilespmem:$0xF80] =	vst v1  }
0x26: {  	[tilespmem:$0xF90] =	vst v1  }
0x27: {  	[tilespmem:$0xFA0] =	vst v1  }
0x28: {  	[tilespmem:$0xFB0] =	vst v1  }
0x29: {  	[tilespmem:$0xFC0] =	vst v1  }
0x2a: {  	[tilespmem:$0xFD0] =	vst v1  }
0x2b: {  	[tilespmem:$0xFE0] =	vst v1  }
0x2c: {  	[tilespmem:$0xFF0] =	vst v1  }
0x2d: {  	[tilespmem:$0x1000] =	vst v1  }
0x2e: {  	[tilespmem:$0x1010] =	vst v1  }
0x2f: {  	[tilespmem:$0x1020] =	vst v1  }
0x30: {  	[tilespmem:$0x1030] =	vst v1  }
0x31: {  	[tilespmem:$0x1040] =	vst v1  }
0x32: {  	[tilespmem:$0x1050] =	vst v1  }
0x33: {  	[tilespmem:$0x1060] =	vst v1  }
0x34: {  	[tilespmem:$0x1070] =	vst v1  }
0x35: {  	[tilespmem:$0x1080] =	vst v1  }
0x36: {  	[tilespmem:$0x1090] =	vst v1  }
0x37: {  	[tilespmem:$0x10A0] =	vst v1  }
0x38: {  	[tilespmem:$0x10B0] =	vst v1  }
0x39: {  	[tilespmem:$0x10C0] =	vst v1  }
0x3a: {  	[tilespmem:$0x10D0] =	vst v1  }
0x3b: {  	[tilespmem:$0x10E0] =	vst v1  }
0x3c: {  	[tilespmem:$0x10F0] =	vst v1  }
0x3d: {  	[tilespmem:$0x1100] =	vst v1  }
0x3e: {  	[tilespmem:$0x1110] =	vst v1  }
0x3f: {  	[tilespmem:$0x1120] =	vst v1  }
0x40: {  	[tilespmem:$0x1130] =	vst v1  }
0x41: {  	[tilespmem:$0x1140] =	vst v1  }
0x42: {  	[tilespmem:$0x1150] =	vst v1  }
0x43: {  	[tilespmem:$0x1160] =	vst v1  }
0x44: {  	[dreg:$0x7] =	wrdreg s4;
	[tilespmem:$0x1170] =	vst v1;
	s0 =	simm.s32 $0xF00  }
0x45: {  	[spmem:s5] =	stream.linear.scatter [tilespmem:s0], [sflag:$0x1], $0x280, $0x38;
	[tilespmem:$0x1180] =	vst v63  }
0x46: {  	_ =	swait.ge [sflag:s9], $0x280  }
0x47: {  	[sflag:s9] =	ssyncset.done $0x0  }
0x48: {  	[sflag:s9] =	ssyncadd.s32 $0xFFFFFD80  }
0x49: {  	s6 =	sadd.s32 $0x0, s7;
	[bflag:$0x0] =	sbarrier.arrive $0xFFFF  }
0x4a: {  	[tilespmem:s10], [sflag:$0x1] =	stream.linear.gather [hbm4b:s6+s3], $0xA00, $0x38;
	[tilespmem:$0x1180] =	vst v63  }
0x4b: {  	_ =	swait.ge [sflag:s9], $0xA00  }
0x4c: {  	[sflag:s9] =	ssyncset.done $0x0  }
0x4d: {  	[sflag:s9] =	ssyncadd.s32 $0xFFFFF600  }
0x4e: {  	[spmem:s2] =	stream.indirect.scatter.add.f32 [tilespmem:s12], [sflag:$0x1], $0x1, s10, s11, $0xb8;
	[tilespmem:$0x1180] =	vst v63  }
0x4f: {  	_ =	swait.ge [sflag:s9], $0x80  }
0x50: {  	[sflag:s9] =	ssyncset.done $0x0  }
0x51: {  	[sflag:s9] =	ssyncadd.s32 $0xFFFFFF80  }
0x52: {  	[spmem:s2] =	stream.indirect.scatter.add.f32 [tilespmem:s12], [sflag:$0x1], $0x1, s13, s11, $0xb8;
	[tilespmem:$0x1180] =	vst v63  }
0x53: {  	_ =	swait.ge [sflag:s9], $0x80  }
0x54: {  	[sflag:s9] =	ssyncset.done $0x0  }
0x55: {  	[sflag:s9] =	ssyncadd.s32 $0xFFFFFF80  }
0x56: {  	[spmem:s2] =	stream.indirect.scatter.add.f32 [tilespmem:s12], [sflag:$0x1], $0x1, s14, s11, $0xb8;
	[tilespmem:$0x1180] =	vst v63  }
0x57: {  	_ =	swait.ge [sflag:s9], $0x80  }
0x58: {  	[sflag:s9] =	ssyncset.done $0x0  }
0x59: {  	[sflag:s9] =	ssyncadd.s32 $0xFFFFFF80  }
0x5a: {  	[spmem:s2] =	stream.indirect.scatter.add.f32 [tilespmem:s12], [sflag:$0x1], $0x1, s15, s11, $0xb8;
	[tilespmem:$0x1180] =	vst v63  }
0x5b: {  	_ =	swait.ge [sflag:s9], $0x80  }
0x5c: {  	[sflag:s9] =	ssyncset.done $0x0  }
0x5d: {  	[sflag:s9] =	ssyncadd.s32 $0xFFFFFF80  }
0x5e: {  	[spmem:s2] =	stream.indirect.scatter.add.f32 [tilespmem:s12], [sflag:$0x1], $0x1, s16, s11, $0xb8;
	[tilespmem:$0x1180] =	vst v63  }
0x5f: {  	_ =	swait.ge [sflag:s9], $0x80  }
0x60: {  	[sflag:s9] =	ssyncset.done $0x0  }
0x61: {  	[sflag:s9] =	ssyncadd.s32 $0xFFFFFF80  }
0x62: {  	[spmem:s2] =	stream.indirect.scatter.add.f32 [tilespmem:s12], [sflag:$0x1], $0x1, s17, s11, $0xb8;
	[tilespmem:$0x1180] =	vst v63  }
0x63: {  	_ =	swait.ge [sflag:s9], $0x80  }
0x64: {  	[sflag:s9] =	ssyncset.done $0x0  }
0x65: {  	[sflag:s9] =	ssyncadd.s32 $0xFFFFFF80  }
0x66: {  	[spmem:s2] =	stream.indirect.scatter.add.f32 [tilespmem:s12], [sflag:$0x1], $0x1, s18, s11, $0xb8;
	[tilespmem:$0x1180] =	vst v63  }
0x67: {  	_ =	swait.ge [sflag:s9], $0x80  }
0x68: {  	[sflag:s9] =	ssyncset.done $0x0  }
0x69: {  	[sflag:s9] =	ssyncadd.s32 $0xFFFFFF80  }
0x6a: {  	[spmem:s2] =	stream.indirect.scatter.add.f32 [tilespmem:s12], [sflag:$0x1], $0x1, s19, s11, $0xb8;
	[tilespmem:$0x1180] =	vst v63  }
0x6b: {  	_ =	swait.ge [sflag:s9], $0x80  }
0x6c: {  	[sflag:s9] =	ssyncset.done $0x0  }
0x6d: {  	[sflag:s9] =	ssyncadd.s32 $0xFFFFFF80  }
0x6e: {  	[spmem:s2] =	stream.indirect.scatter.add.f32 [tilespmem:s12], [sflag:$0x1], $0x1, s20, s11, $0xb8;
	[tilespmem:$0x1180] =	vst v63  }
0x6f: {  	_ =	swait.ge [sflag:s9], $0x80  }
0x70: {  	[sflag:s9] =	ssyncset.done $0x0  }
0x71: {  	[sflag:s9] =	ssyncadd.s32 $0xFFFFFF80  }
0x72: {  	[spmem:s2] =	stream.indirect.scatter.add.f32 [tilespmem:s12], [sflag:$0x1], $0x1, s21, s11, $0xb8;
	[tilespmem:$0x1180] =	vst v63  }
0x73: {  	_ =	swait.ge [sflag:s9], $0x80  }
0x74: {  	[sflag:s9] =	ssyncset.done $0x0  }
0x75: {  	[sflag:s9] =	ssyncadd.s32 $0xFFFFFF80  }
0x76: {  	[spmem:s2] =	stream.indirect.scatter.add.f32 [tilespmem:s12], [sflag:$0x1], $0x1, s22, s11, $0xb8;
	[tilespmem:$0x1180] =	vst v63  }
0x77: {  	_ =	swait.ge [sflag:s9], $0x80  }
0x78: {  	[sflag:s9] =	ssyncset.done $0x0  }
0x79: {  	[sflag:s9] =	ssyncadd.s32 $0xFFFFFF80  }
0x7a: {  	[spmem:s2] =	stream.indirect.scatter.add.f32 [tilespmem:s12], [sflag:$0x1], $0x1, s23, s11, $0xb8;
	[tilespmem:$0x1180] =	vst v63  }
0x7b: {  	_ =	swait.ge [sflag:s9], $0x80  }
0x7c: {  	[sflag:s9] =	ssyncset.done $0x0  }
0x7d: {  	[sflag:s9] =	ssyncadd.s32 $0xFFFFFF80  }
0x7e: {  	[spmem:s2] =	stream.indirect.scatter.add.f32 [tilespmem:s12], [sflag:$0x1], $0x1, s24, s11, $0xb8;
	[tilespmem:$0x1180] =	vst v63  }
0x7f: {  	_ =	swait.ge [sflag:s9], $0x80  }
0x80: {  	[sflag:s9] =	ssyncset.done $0x0  }
0x81: {  	[sflag:s9] =	ssyncadd.s32 $0xFFFFFF80  }
0x82: {  	[spmem:s2] =	stream.indirect.scatter.add.f32 [tilespmem:s12], [sflag:$0x1], $0x1, s25, s11, $0xb8;
	[tilespmem:$0x1180] =	vst v63  }
0x83: {  	_ =	swait.ge [sflag:s9], $0x80  }
0x84: {  	[sflag:s9] =	ssyncset.done $0x0  }
0x85: {  	[sflag:s9] =	ssyncadd.s32 $0xFFFFFF80  }
0x86: {  	[spmem:s2] =	stream.indirect.scatter.add.f32 [tilespmem:s12], [sflag:$0x1], $0x1, s26, s11, $0xb8;
	[tilespmem:$0x1180] =	vst v63  }
0x87: {  	_ =	swait.ge [sflag:s9], $0x80  }
0x88: {  	[sflag:s9] =	ssyncset.done $0x0  }
0x89: {  	[sflag:s9] =	ssyncadd.s32 $0xFFFFFF80  }
0x8a: {  	[spmem:s2] =	stream.indirect.scatter.add.f32 [tilespmem:s12], [sflag:$0x1], $0x1, s28, s11, $0xb8;
	[tilespmem:$0x1180] =	vst v63  }
0x8b: {  	_ =	swait.ge [sflag:s9], $0x80  }
0x8c: {  	[sflag:s9] =	ssyncset.done $0x0  }
0x8d: {  	[sflag:s9] =	ssyncadd.s32 $0xFFFFFF80  }
0x8e: {  	[spmem:s2] =	stream.indirect.scatter.add.f32 [tilespmem:s12], [sflag:$0x1], $0x1, s29, s11, $0xb8;
	[tilespmem:$0x1180] =	vst v63  }
0x8f: {  	_ =	swait.ge [sflag:s9], $0x80  }
0x90: {  	[sflag:s9] =	ssyncset.done $0x0  }
0x91: {  	[sflag:s9] =	ssyncadd.s32 $0xFFFFFF80  }
0x92: {  	[spmem:s2] =	stream.indirect.scatter.add.f32 [tilespmem:s12], [sflag:$0x1], $0x1, s30, s11, $0xb8;
	[tilespmem:$0x1180] =	vst v63  }
0x93: {  	_ =	swait.ge [sflag:s9], $0x80  }
0x94: {  	[sflag:s9] =	ssyncset.done $0x0  }
0x95: {  	[sflag:s9] =	ssyncadd.s32 $0xFFFFFF80  }
0x96: {  	[spmem:s2] =	stream.indirect.scatter.add.f32 [tilespmem:s12], [sflag:$0x1], $0x1, s31, s11, $0xb8;
	[tilespmem:$0x1180] =	vst v63  }
0x97: {  	_ =	swait.ge [sflag:s9], $0x80  }
0x98: {  	[sflag:s9] =	ssyncset.done $0x0  }
0x99: {  	[sflag:s9] =	ssyncadd.s32 $0xFFFFFF80  }
0x9a: {  	[spmem:s2] =	stream.indirect.scatter.add.f32 [tilespmem:s12], [sflag:$0x1], $0x1, s1, s11, $0xb8;
	[tilespmem:$0x1180] =	vst v63  }
0x9b: {  	_ =	swait.ge [sflag:s9], $0x80  }
0x9c: {  	s0 =	simm.s32 $0x180;
	s5 =	simm.s32 $0x300;
	[sflag:s9] =	ssyncset.done $0x0  }
.LBB2_2:
0x9d: {  	s4 =	sadd.s32 s0, s7  }
0x9e: {  	[sflag:s9] =	ssyncadd.s32 $0xFFFFFF80;
	s0 =	smov.u32 s5;
	s6 =	sadd.s32 $0x180, s5  }
0x9f: {  	[tilespmem:s10], [sflag:$0x1] =	stream.linear.gather [hbm4b:s4+s3], $0xA00, $0x38;
	[tilespmem:$0x1180] =	vst v63  }
0xa0: {  	p0 =	sne.s32 s5, $0x480;
	_ =	swait.ge [sflag:s9], $0xA00  }
0xa1: {  	[sflag:s9] =	ssyncset.done $0x0  }
0xa2: {  	[sflag:s9] =	ssyncadd.s32 $0xFFFFF600  }
0xa3: {  	[spmem:s2] =	stream.indirect.scatter.add.f32 [tilespmem:s12], [sflag:$0x1], $0x1, s10, s11, $0xb8;
	[tilespmem:$0x1180] =	vst v63  }
0xa4: {  	_ =	swait.ge [sflag:s9], $0x80  }
0xa5: {  	[sflag:s9] =	ssyncset.done $0x0  }
0xa6: {  	[sflag:s9] =	ssyncadd.s32 $0xFFFFFF80  }
0xa7: {  	[spmem:s2] =	stream.indirect.scatter.add.f32 [tilespmem:s12], [sflag:$0x1], $0x1, s13, s11, $0xb8;
	[tilespmem:$0x1180] =	vst v63  }
0xa8: {  	_ =	swait.ge [sflag:s9], $0x80  }
0xa9: {  	[sflag:s9] =	ssyncset.done $0x0  }
0xaa: {  	[sflag:s9] =	ssyncadd.s32 $0xFFFFFF80  }
0xab: {  	[spmem:s2] =	stream.indirect.scatter.add.f32 [tilespmem:s12], [sflag:$0x1], $0x1, s14, s11, $0xb8;
	[tilespmem:$0x1180] =	vst v63  }
0xac: {  	_ =	swait.ge [sflag:s9], $0x80  }
0xad: {  	[sflag:s9] =	ssyncset.done $0x0  }
0xae: {  	[sflag:s9] =	ssyncadd.s32 $0xFFFFFF80  }
0xaf: {  	[spmem:s2] =	stream.indirect.scatter.add.f32 [tilespmem:s12], [sflag:$0x1], $0x1, s15, s11, $0xb8;
	[tilespmem:$0x1180] =	vst v63  }
0xb0: {  	_ =	swait.ge [sflag:s9], $0x80  }
0xb1: {  	[sflag:s9] =	ssyncset.done $0x0  }
0xb2: {  	[sflag:s9] =	ssyncadd.s32 $0xFFFFFF80  }
0xb3: {  	[spmem:s2] =	stream.indirect.scatter.add.f32 [tilespmem:s12], [sflag:$0x1], $0x1, s16, s11, $0xb8;
	[tilespmem:$0x1180] =	vst v63  }
0xb4: {  	_ =	swait.ge [sflag:s9], $0x80  }
0xb5: {  	[sflag:s9] =	ssyncset.done $0x0  }
0xb6: {  	[sflag:s9] =	ssyncadd.s32 $0xFFFFFF80  }
0xb7: {  	[spmem:s2] =	stream.indirect.scatter.add.f32 [tilespmem:s12], [sflag:$0x1], $0x1, s17, s11, $0xb8;
	[tilespmem:$0x1180] =	vst v63  }
0xb8: {  	_ =	swait.ge [sflag:s9], $0x80  }
0xb9: {  	[sflag:s9] =	ssyncset.done $0x0  }
0xba: {  	[sflag:s9] =	ssyncadd.s32 $0xFFFFFF80  }
0xbb: {  	[spmem:s2] =	stream.indirect.scatter.add.f32 [tilespmem:s12], [sflag:$0x1], $0x1, s18, s11, $0xb8;
	[tilespmem:$0x1180] =	vst v63  }
0xbc: {  	_ =	swait.ge [sflag:s9], $0x80  }
0xbd: {  	[sflag:s9] =	ssyncset.done $0x0  }
0xbe: {  	[sflag:s9] =	ssyncadd.s32 $0xFFFFFF80  }
0xbf: {  	[spmem:s2] =	stream.indirect.scatter.add.f32 [tilespmem:s12], [sflag:$0x1], $0x1, s19, s11, $0xb8;
	[tilespmem:$0x1180] =	vst v63  }
0xc0: {  	_ =	swait.ge [sflag:s9], $0x80  }
0xc1: {  	[sflag:s9] =	ssyncset.done $0x0  }
0xc2: {  	[sflag:s9] =	ssyncadd.s32 $0xFFFFFF80  }
0xc3: {  	[spmem:s2] =	stream.indirect.scatter.add.f32 [tilespmem:s12], [sflag:$0x1], $0x1, s20, s11, $0xb8;
	[tilespmem:$0x1180] =	vst v63  }
0xc4: {  	_ =	swait.ge [sflag:s9], $0x80  }
0xc5: {  	[sflag:s9] =	ssyncset.done $0x0  }
0xc6: {  	[sflag:s9] =	ssyncadd.s32 $0xFFFFFF80  }
0xc7: {  	[spmem:s2] =	stream.indirect.scatter.add.f32 [tilespmem:s12], [sflag:$0x1], $0x1, s21, s11, $0xb8;
	[tilespmem:$0x1180] =	vst v63  }
0xc8: {  	_ =	swait.ge [sflag:s9], $0x80  }
0xc9: {  	[sflag:s9] =	ssyncset.done $0x0  }
0xca: {  	[sflag:s9] =	ssyncadd.s32 $0xFFFFFF80  }
0xcb: {  	[spmem:s2] =	stream.indirect.scatter.add.f32 [tilespmem:s12], [sflag:$0x1], $0x1, s22, s11, $0xb8;
	[tilespmem:$0x1180] =	vst v63  }
0xcc: {  	_ =	swait.ge [sflag:s9], $0x80  }
0xcd: {  	[sflag:s9] =	ssyncset.done $0x0  }
0xce: {  	[sflag:s9] =	ssyncadd.s32 $0xFFFFFF80  }
0xcf: {  	[spmem:s2] =	stream.indirect.scatter.add.f32 [tilespmem:s12], [sflag:$0x1], $0x1, s23, s11, $0xb8;
	[tilespmem:$0x1180] =	vst v63  }
0xd0: {  	_ =	swait.ge [sflag:s9], $0x80  }
0xd1: {  	[sflag:s9] =	ssyncset.done $0x0  }
0xd2: {  	[sflag:s9] =	ssyncadd.s32 $0xFFFFFF80  }
0xd3: {  	[spmem:s2] =	stream.indirect.scatter.add.f32 [tilespmem:s12], [sflag:$0x1], $0x1, s24, s11, $0xb8;
	[tilespmem:$0x1180] =	vst v63  }
0xd4: {  	_ =	swait.ge [sflag:s9], $0x80  }
0xd5: {  	[sflag:s9] =	ssyncset.done $0x0  }
0xd6: {  	[sflag:s9] =	ssyncadd.s32 $0xFFFFFF80  }
0xd7: {  	[spmem:s2] =	stream.indirect.scatter.add.f32 [tilespmem:s12], [sflag:$0x1], $0x1, s25, s11, $0xb8;
	[tilespmem:$0x1180] =	vst v63  }
0xd8: {  	_ =	swait.ge [sflag:s9], $0x80  }
0xd9: {  	[sflag:s9] =	ssyncset.done $0x0  }
0xda: {  	[sflag:s9] =	ssyncadd.s32 $0xFFFFFF80  }
0xdb: {  	[spmem:s2] =	stream.indirect.scatter.add.f32 [tilespmem:s12], [sflag:$0x1], $0x1, s26, s11, $0xb8;
	[tilespmem:$0x1180] =	vst v63  }
0xdc: {  	_ =	swait.ge [sflag:s9], $0x80  }
0xdd: {  	[sflag:s9] =	ssyncset.done $0x0  }
0xde: {  	[sflag:s9] =	ssyncadd.s32 $0xFFFFFF80  }
0xdf: {  	[spmem:s2] =	stream.indirect.scatter.add.f32 [tilespmem:s12], [sflag:$0x1], $0x1, s28, s11, $0xb8;
	[tilespmem:$0x1180] =	vst v63  }
0xe0: {  	_ =	swait.ge [sflag:s9], $0x80  }
0xe1: {  	[sflag:s9] =	ssyncset.done $0x0  }
0xe2: {  	[sflag:s9] =	ssyncadd.s32 $0xFFFFFF80  }
0xe3: {  	[spmem:s2] =	stream.indirect.scatter.add.f32 [tilespmem:s12], [sflag:$0x1], $0x1, s29, s11, $0xb8;
	[tilespmem:$0x1180] =	vst v63  }
0xe4: {  	_ =	swait.ge [sflag:s9], $0x80  }
0xe5: {  	[sflag:s9] =	ssyncset.done $0x0  }
0xe6: {  	[sflag:s9] =	ssyncadd.s32 $0xFFFFFF80  }
0xe7: {  	[spmem:s2] =	stream.indirect.scatter.add.f32 [tilespmem:s12], [sflag:$0x1], $0x1, s30, s11, $0xb8;
	[tilespmem:$0x1180] =	vst v63  }
0xe8: {  	_ =	swait.ge [sflag:s9], $0x80  }
0xe9: {  	[sflag:s9] =	ssyncset.done $0x0  }
0xea: {  	[sflag:s9] =	ssyncadd.s32 $0xFFFFFF80  }
0xeb: {  	[spmem:s2] =	stream.indirect.scatter.add.f32 [tilespmem:s12], [sflag:$0x1], $0x1, s31, s11, $0xb8;
	[tilespmem:$0x1180] =	vst v63  }
0xec: {  	_ =	swait.ge [sflag:s9], $0x80  }
.Ltmp0:
0xed: {  	[sflag:s9] =	ssyncset.done $0x0;
	(pc) =	sbr.rel @p0 .LBB2_2-.Ltmp0, $4  }
0xee: {  	[sflag:s9] =	ssyncadd.s32 $0xFFFFFF80  }
0xef: {  	[spmem:s2] =	stream.indirect.scatter.add.f32 [tilespmem:s12], [sflag:$0x1], $0x1, s1, s11, $0xb8;
	[tilespmem:$0x1180] =	vst v63  }
0xf0: {  	_ =	swait.ge [sflag:s9], $0x80  }
0xf1: {  	s5 =	smov.u32 s6;
	[sflag:s9] =	ssyncset.done $0x0  }
0xf2: {  	s0 =	sadd.s32 s0, s7;
	[sflag:s9] =	ssyncadd.s32 $0xFFFFFF80  }
0xf3: {  	[tilespmem:s10], [sflag:$0x1] =	stream.linear.gather [hbm4b:s0+s3], $0xA00, $0x38;
	[tilespmem:$0x1180] =	vst v63  }
0xf4: {  	_ =	swait.ge [sflag:s9], $0xA00  }
0xf5: {  	[sflag:s9] =	ssyncset.done $0x0  }
0xf6: {  	[sflag:s9] =	ssyncadd.s32 $0xFFFFF600  }
0xf7: {  	[spmem:s2] =	stream.indirect.scatter.add.f32 [tilespmem:s12], [sflag:$0x1], $0x1, s10, s11, $0xb8;
	[tilespmem:$0x1180] =	vst v63  }
0xf8: {  	_ =	swait.ge [sflag:s9], $0x80  }
0xf9: {  	[sflag:s9] =	ssyncset.done $0x0  }
0xfa: {  	[sflag:s9] =	ssyncadd.s32 $0xFFFFFF80  }
0xfb: {  	[spmem:s2] =	stream.indirect.scatter.add.f32 [tilespmem:s12], [sflag:$0x1], $0x1, s13, s11, $0xb8;
	[tilespmem:$0x1180] =	vst v63  }
0xfc: {  	_ =	swait.ge [sflag:s9], $0x80  }
0xfd: {  	[sflag:s9] =	ssyncset.done $0x0  }
0xfe: {  	[sflag:s9] =	ssyncadd.s32 $0xFFFFFF80  }
0xff: {  	[spmem:s2] =	stream.indirect.scatter.add.f32 [tilespmem:s12], [sflag:$0x1], $0x1, s14, s11, $0xb8;
	[tilespmem:$0x1180] =	vst v63  }
0x100: {  	_ =	swait.ge [sflag:s9], $0x80  }
0x101: {  	[sflag:s9] =	ssyncset.done $0x0  }
0x102: {  	[sflag:s9] =	ssyncadd.s32 $0xFFFFFF80  }
0x103: {  	[spmem:s2] =	stream.indirect.scatter.add.f32 [tilespmem:s12], [sflag:$0x1], $0x1, s15, s11, $0xb8;
	[tilespmem:$0x1180] =	vst v63  }
0x104: {  	_ =	swait.ge [sflag:s9], $0x80  }
0x105: {  	[sflag:s9] =	ssyncset.done $0x0  }
0x106: {  	[sflag:s9] =	ssyncadd.s32 $0xFFFFFF80  }
0x107: {  	[spmem:s2] =	stream.indirect.scatter.add.f32 [tilespmem:s12], [sflag:$0x1], $0x1, s16, s11, $0xb8;
	[tilespmem:$0x1180] =	vst v63  }
0x108: {  	_ =	swait.ge [sflag:s9], $0x80  }
0x109: {  	[sflag:s9] =	ssyncset.done $0x0  }
0x10a: {  	[sflag:s9] =	ssyncadd.s32 $0xFFFFFF80  }
0x10b: {  	[spmem:s2] =	stream.indirect.scatter.add.f32 [tilespmem:s12], [sflag:$0x1], $0x1, s17, s11, $0xb8;
	[tilespmem:$0x1180] =	vst v63  }
0x10c: {  	_ =	swait.ge [sflag:s9], $0x80  }
0x10d: {  	[sflag:s9] =	ssyncset.done $0x0  }
0x10e: {  	[sflag:s9] =	ssyncadd.s32 $0xFFFFFF80  }
0x10f: {  	[spmem:s2] =	stream.indirect.scatter.add.f32 [tilespmem:s12], [sflag:$0x1], $0x1, s18, s11, $0xb8;
	[tilespmem:$0x1180] =	vst v63  }
0x110: {  	_ =	swait.ge [sflag:s9], $0x80  }
0x111: {  	[sflag:s9] =	ssyncset.done $0x0  }
0x112: {  	[sflag:s9] =	ssyncadd.s32 $0xFFFFFF80  }
0x113: {  	[spmem:s2] =	stream.indirect.scatter.add.f32 [tilespmem:s12], [sflag:$0x1], $0x1, s19, s11, $0xb8;
	[tilespmem:$0x1180] =	vst v63  }
0x114: {  	_ =	swait.ge [sflag:s9], $0x80  }
0x115: {  	[sflag:s9] =	ssyncset.done $0x0  }
0x116: {  	[sflag:s9] =	ssyncadd.s32 $0xFFFFFF80  }
0x117: {  	[spmem:s2] =	stream.indirect.scatter.add.f32 [tilespmem:s12], [sflag:$0x1], $0x1, s20, s11, $0xb8;
	[tilespmem:$0x1180] =	vst v63  }
0x118: {  	_ =	swait.ge [sflag:s9], $0x80  }
0x119: {  	[sflag:s9] =	ssyncset.done $0x0  }
0x11a: {  	[sflag:s9] =	ssyncadd.s32 $0xFFFFFF80  }
0x11b: {  	[spmem:s2] =	stream.indirect.scatter.add.f32 [tilespmem:s12], [sflag:$0x1], $0x1, s21, s11, $0xb8;
	[tilespmem:$0x1180] =	vst v63  }
0x11c: {  	_ =	swait.ge [sflag:s9], $0x80  }
0x11d: {  	[sflag:s9] =	ssyncset.done $0x0  }
0x11e: {  	[sflag:s9] =	ssyncadd.s32 $0xFFFFFF80  }
0x11f: {  	[spmem:s2] =	stream.indirect.scatter.add.f32 [tilespmem:s12], [sflag:$0x1], $0x1, s22, s11, $0xb8;
	[tilespmem:$0x1180] =	vst v63  }
0x120: {  	_ =	swait.ge [sflag:s9], $0x80  }
0x121: {  	[sflag:s9] =	ssyncset.done $0x0  }
0x122: {  	[sflag:s9] =	ssyncadd.s32 $0xFFFFFF80  }
0x123: {  	[spmem:s2] =	stream.indirect.scatter.add.f32 [tilespmem:s12], [sflag:$0x1], $0x1, s23, s11, $0xb8;
	[tilespmem:$0x1180] =	vst v63  }
0x124: {  	_ =	swait.ge [sflag:s9], $0x80  }
0x125: {  	[sflag:s9] =	ssyncset.done $0x0  }
0x126: {  	[sflag:s9] =	ssyncadd.s32 $0xFFFFFF80  }
0x127: {  	[spmem:s2] =	stream.indirect.scatter.add.f32 [tilespmem:s12], [sflag:$0x1], $0x1, s24, s11, $0xb8;
	[tilespmem:$0x1180] =	vst v63  }
0x128: {  	_ =	swait.ge [sflag:s9], $0x80  }
0x129: {  	[sflag:s9] =	ssyncset.done $0x0  }
0x12a: {  	[sflag:s9] =	ssyncadd.s32 $0xFFFFFF80  }
0x12b: {  	[spmem:s2] =	stream.indirect.scatter.add.f32 [tilespmem:s12], [sflag:$0x1], $0x1, s25, s11, $0xb8;
	[tilespmem:$0x1180] =	vst v63  }
0x12c: {  	_ =	swait.ge [sflag:s9], $0x80  }
0x12d: {  	[sflag:s9] =	ssyncset.done $0x0  }
0x12e: {  	[sflag:s9] =	ssyncadd.s32 $0xFFFFFF80  }
0x12f: {  	[spmem:s2] =	stream.indirect.scatter.add.f32 [tilespmem:s12], [sflag:$0x1], $0x1, s26, s11, $0xb8;
	[tilespmem:$0x1180] =	vst v63  }
0x130: {  	_ =	swait.ge [sflag:s9], $0x80  }
0x131: {  	[sflag:s9] =	ssyncset.done $0x0  }
0x132: {  	[sflag:s9] =	ssyncadd.s32 $0xFFFFFF80  }
0x133: {  	[spmem:s2] =	stream.indirect.scatter.add.f32 [tilespmem:s12], [sflag:$0x1], $0x1, s28, s11, $0xb8;
	[tilespmem:$0x1180] =	vst v63  }
0x134: {  	_ =	swait.ge [sflag:s9], $0x80  }
0x135: {  	[sflag:s9] =	ssyncset.done $0x0  }
0x136: {  	[sflag:s9] =	ssyncadd.s32 $0xFFFFFF80  }
0x137: {  	[spmem:s2] =	stream.indirect.scatter.add.f32 [tilespmem:s12], [sflag:$0x1], $0x1, s29, s11, $0xb8;
	[tilespmem:$0x1180] =	vst v63  }
0x138: {  	_ =	swait.ge [sflag:s9], $0x80  }
0x139: {  	[sflag:s9] =	ssyncset.done $0x0  }
0x13a: {  	[sflag:s9] =	ssyncadd.s32 $0xFFFFFF80  }
0x13b: {  	[spmem:s2] =	stream.indirect.scatter.add.f32 [tilespmem:s12], [sflag:$0x1], $0x1, s30, s11, $0xb8;
	[tilespmem:$0x1180] =	vst v63  }
0x13c: {  	_ =	swait.ge [sflag:s9], $0x80  }
0x13d: {  	[sflag:s9] =	ssyncset.done $0x0  }
0x13e: {  	[sflag:s9] =	ssyncadd.s32 $0xFFFFFF80  }
0x13f: {  	[spmem:s2] =	stream.indirect.scatter.add.f32 [tilespmem:s12], [sflag:$0x1], $0x1, s31, s11, $0xb8;
	[tilespmem:$0x1180] =	vst v63  }
0x140: {  	_ =	swait.ge [sflag:s9], $0x80  }
0x141: {  	[sflag:s9] =	ssyncset.done $0x0  }
0x142: {  	[sflag:s9] =	ssyncadd.s32 $0xFFFFFF80  }
0x143: {  	[spmem:s2] =	stream.indirect.scatter.add.f32 [tilespmem:s12], [sflag:$0x1], $0x1, s1, s11, $0xb8;
	[tilespmem:$0x1180] =	vst v63  }
0x144: {  	_ =	swait.ge [sflag:s9], $0x80  }
0x145: {  	s5 =	stileid.u32;
	[sflag:s9] =	ssyncset.done $0x0  }
0x146: {  	s0 =	sshll.u32 s5, $0x6;
	[sflag:s9] =	ssyncadd.s32 $0xFFFFFF80  }
0x147: {  	s0 =	sor.u32 $0x1C01, s0;
	[bflag:$0x0] =	sbarrier.arrive $0xFFFF  }
0x148: {  	[dreg:$0x8] =	wrdreg s0  }
0x149: {  	s6 =	rddreg [dreg:$0x4]  }
0x14a: {  	s4 =	sshrl.u32 s6, $0x3;
	s6 =	rddreg [dreg:$0x5]  }
0x14b: {  	s5 =	simm.s32 $0x10;
	s0 =	rddreg [dreg:$0x8]  }
0x14c: {  	[hbm:s6@s8], [sflag:s0] =	dma.strided [spmem:s4@s5], $0x50, s9, $0x10   }
0x14d: {  	s5 =	rddreg [dreg:$0x4];
	_ =	swait.ge [sflag:s9], $0x50  }
0x14e: {  	s0 =	rddreg [dreg:$0x7]  }
0x14f: {  	s6 =	rddreg [dreg:$0x6];
	s4 =	sadd.s32 $0x1, s0  }
0x150: {  	p0 =	sne.s32 s4, s6  }
.Ltmp1:
0x151: {  	_ = 	snop;
	(pc) =	sbr.rel @p0 .LBB2_1-.Ltmp1, $3  }
0x152: {  	_ =	sdelay $0x1  }
0x153: {  	[sflag:s9] =	ssyncset.done $0x0  }
0x154: {  	[sflag:s9] =	ssyncadd.s32 $0xFFFFFFB0  }
0x155: {  	_ =	sfence.sel $0x180000  }
0x156: {  	[bflag:$0x0] =	sbarrier.arrive $0xFFFF  }
0x157: {  	_ =	strace $0x90000047  }
0x158: {  	s0 =	stileid.u32;
	[bflag:$0x2] =	sbarrier.arrive $0xFFFF  }
0x159: {  	p0 =	sne.s32 s0, $0x0;
	s0 =	rddreg [dreg:$0x3]  }
0x15a: {  	s0 =	sadd.s32 @!p0 $0x100000, s0  }
0x15b: {  	[sflag:s0] =	ssyncadd.tile.s32 @!p0 $0x1;
	_ =	shalt  }
.Lfunc_end2:
_tile_overlayer_lowered:
.L_overlay_start_2:
0x15c: {  	(tag) =	ssettag $0x2  }
0x15d: {  	s0 =	rddreg [dreg:$0x0];
	s2 =	stileid.u32  }
0x15e: {  	s1 =	rddreg [dreg:$0x1];
	p0 =	sne.s32 s2, $0x0  }
0x15f: {  	s3 =	rddreg [dreg:$0x2];
	[bflag:$0x3] =	sbarrier.arrive $0xFFFF;
	s2 =	simm.s32 @!p0 $0x1C01  }
0x160: {  	[timem:s3], [sflag:s2] =	dma.local @!p0 [hbm:s0], s1  }
0x161: {  	s0 =	simm.s32 @!p0 $0x1  }
0x162: {  	_ =	swait.ge @!p0 [sflag:s0], s1  }
0x163: {  	s1 =	ssub.s32 @!p0 $0x0, s1;
	[sflag:s0] =	ssyncset.done @!p0 $0x0  }
0x164: {  	[sflag:s0] =	ssyncadd.s32 @!p0 s1  }
0x165: {  	[bflag:$0x3] =	sbarrier.arrive $0xFFFF  }
0x166: {  	_ =	shalt  }

</sc_bundles>
